<compile_context>
chip_gen: v7x
topology: tpu7x:2x2x1
jax: 0.10.2.dev20260603
libtpu: 0.0.44.dev20260713+nightly
codegen_flags: <defaults>
</compile_context>

<pallas_src>
import functools

import jax
import jax.numpy as jnp
from jax import lax
from jax.experimental import pallas as pl
from jax.experimental.pallas import tpu as pltpu
from jax.experimental.pallas import tpu_sc as plsc

N = 10000
D = 128
E = 320000

NC = 2
NS = 16
NW = NC * NS

P = 10112
EPAD = 327680
CHUNK = 128
NCHUNK = EPAD // NW // CHUNK
NBUF = 2
RPT = P // NS

_mesh = plsc.VectorSubcoreMesh(core_axis_name="c", subcore_axis_name="s")


@functools.partial(
    pl.kernel,
    mesh=_mesh,
    out_type=[
        jax.ShapeDtypeStruct((P,), jnp.float32),
        jax.ShapeDtypeStruct((P,), jnp.float32),
    ],
    scratch_types=[
        pltpu.VMEM((NCHUNK, CHUNK), jnp.int32),
        pltpu.VMEM((CHUNK,), jnp.float32),
        pltpu.VMEM((CHUNK,), jnp.float32),
        pltpu.VMEM_SHARED((P,), jnp.float32),
        pltpu.SemaphoreType.DMA,
    ],
)
def _deg_kernel(dst_hbm, deg0_out, deg1_out, dstv, onesv, zv, deg_sp, dsem):
    c = lax.axis_index("c")
    s = lax.axis_index("s")
    w = s * NC + c

    def fill(i, carry):
        onesv[pl.ds(i * 16, 16)] = jnp.ones((16,), jnp.float32)
        zv[pl.ds(i * 16, 16)] = jnp.zeros((16,), jnp.float32)
        return carry

    lax.fori_loop(0, CHUNK // 16, fill, 0)
    pltpu.sync_copy(dst_hbm.at[w], dstv)

    nz = P // CHUNK
    k_lo = s * 5
    k_hi = jnp.minimum(nz, k_lo + 5)

    def zbody(k, carry):
        pltpu.sync_copy(zv, deg_sp.at[pl.ds(k * CHUNK, CHUNK)])
        return carry

    lax.fori_loop(k_lo, k_hi, zbody, 0)
    plsc.subcore_barrier()

    def body(j, carry):
        pltpu.async_copy(onesv, deg_sp.at[dstv.at[j]], dsem, add=True)
        return carry

    lax.fori_loop(0, NCHUNK, body, 0)

    def drain(j, carry):
        pltpu.make_async_copy(onesv, deg_sp.at[dstv.at[j]], dsem).wait()
        return carry

    lax.fori_loop(0, NCHUNK, drain, 0)
    plsc.subcore_barrier()

    def obody0(k, carry):
        pltpu.sync_copy(deg_sp.at[pl.ds(k * CHUNK, CHUNK)], deg0_out.at[pl.ds(k * CHUNK, CHUNK)])
        return carry

    def obody1(k, carry):
        pltpu.sync_copy(deg_sp.at[pl.ds(k * CHUNK, CHUNK)], deg1_out.at[pl.ds(k * CHUNK, CHUNK)])
        return carry

    @pl.when(c == 0)
    def _():
        lax.fori_loop(k_lo, k_hi, obody0, 0)

    @pl.when(c == 1)
    def _():
        lax.fori_loop(k_lo, k_hi, obody1, 0)


@functools.partial(
    pl.kernel,
    mesh=_mesh,
    out_type=jax.ShapeDtypeStruct((NC, P, D), jnp.float32),
    scratch_types=[
        pltpu.VMEM((NCHUNK, CHUNK), jnp.int32),
        pltpu.VMEM((NBUF, CHUNK), jnp.int32),
        pltpu.VMEM((NBUF, CHUNK), jnp.int32),
        pltpu.VMEM((NBUF, CHUNK, D), jnp.float32),
        pltpu.VMEM_SHARED((P, D), jnp.float32),
        [pltpu.SemaphoreType.DMA] * NBUF,
        [pltpu.SemaphoreType.DMA] * NBUF,
    ],
)
def _agg_kernel(hs_hbm, pk_hbm, zeros_hbm, acc_out, pkv, sidx, didx, rowbuf, acc_sp, gsem, ssem):
    c = lax.axis_index("c")
    s = lax.axis_index("s")
    w = s * NC + c
    rows0 = s * RPT
    pltpu.sync_copy(pk_hbm.at[w], pkv)
    pltpu.sync_copy(zeros_hbm, acc_sp.at[pl.ds(rows0, RPT)])

    def unpack(jj, b):
        for i in range(CHUNK // 16):
            pk = pkv[jj, pl.ds(i * 16, 16)]
            sidx[b, pl.ds(i * 16, 16)] = pk >> 16
            didx[b, pl.ds(i * 16, 16)] = pk & 0xFFFF

    plsc.subcore_barrier()

    for b in range(NBUF):
        unpack(b, b)
        pltpu.async_copy(hs_hbm.at[sidx.at[b]], rowbuf.at[b], gsem[b])

    def body(j4, carry):
        for b in range(NBUF):
            j = NBUF * j4 + b
            pltpu.make_async_copy(hs_hbm.at[sidx.at[b]], rowbuf.at[b], gsem[b]).wait()
            pltpu.async_copy(rowbuf.at[b], acc_sp.at[didx.at[b]], ssem[b], add=True)

            @pl.when(j4 < NCHUNK // NBUF - 1)
            def _():
                pltpu.make_async_copy(rowbuf.at[b], acc_sp.at[didx.at[b]], ssem[b]).wait()
                unpack(j + NBUF, b)
                pltpu.async_copy(hs_hbm.at[sidx.at[b]], rowbuf.at[b], gsem[b])

        return carry

    lax.fori_loop(0, NCHUNK // NBUF, body, 0)
    for b in range(NBUF):
        pltpu.make_async_copy(rowbuf.at[b], acc_sp.at[didx.at[b]], ssem[b]).wait()
    plsc.subcore_barrier()
    pltpu.sync_copy(acc_sp.at[pl.ds(rows0, RPT)], acc_out.at[c, pl.ds(rows0, RPT)])


BLK = 5056


def _row_mask(shape):
    i = pl.program_id(0)
    ridx = jax.lax.broadcasted_iota(jnp.int32, shape, 0) + i * BLK
    return ridx < N


def _pre_body(x_ref, w_ref, dp_ref, dis_ref, hw_ref, hs_ref):
    dp = dp_ref[...]
    deg = dp[:, 0] + dp[:, 1] + 1.0
    mask = _row_mask((BLK, 1))
    dis = jnp.where(mask, lax.rsqrt(deg)[:, None], 0.0)
    hw = jnp.dot(x_ref[...], w_ref[...], preferred_element_type=jnp.float32)
    hw_ref[...] = hw
    hs_ref[...] = jnp.where(mask, hw * dis, 0.0)
    dis_ref[...] = dis


def _mid_body(acc_ref, hw_ref, dis_ref, b_ref, wn_ref, hwn_ref, hsn_ref):
    agg = acc_ref[0] + acc_ref[1]
    dis = dis_ref[...]
    mask = _row_mask((BLK, 1))
    o = jnp.where(mask, jnp.maximum(dis * (agg + dis * hw_ref[...]) + b_ref[...], 0.0), 0.0)
    hwn = jnp.dot(o, wn_ref[...], preferred_element_type=jnp.float32)
    hwn_ref[...] = hwn
    hsn_ref[...] = jnp.where(mask, hwn * dis, 0.0)


def _post_body(acc_ref, hw_ref, dis_ref, b_ref, out_ref):
    agg = acc_ref[0] + acc_ref[1]
    dis = dis_ref[...]
    out_ref[...] = dis * (agg + dis * hw_ref[...]) + b_ref[...]


_pre = pl.pallas_call(
    _pre_body,
    grid=(P // BLK,),
    in_specs=[
        pl.BlockSpec((BLK, D), lambda i: (i, 0)),
        pl.BlockSpec((D, D), lambda i: (0, 0)),
        pl.BlockSpec((BLK, 2), lambda i: (i, 0)),
    ],
    name="gcn_pre",
    out_specs=[
        pl.BlockSpec((BLK, 1), lambda i: (i, 0)),
        pl.BlockSpec((BLK, D), lambda i: (i, 0)),
        pl.BlockSpec((BLK, D), lambda i: (i, 0)),
    ],
    out_shape=[
        jax.ShapeDtypeStruct((P, 1), jnp.float32),
        jax.ShapeDtypeStruct((P, D), jnp.float32),
        jax.ShapeDtypeStruct((P, D), jnp.float32),
    ],
)

_mid = pl.pallas_call(
    _mid_body,
    grid=(P // BLK,),
    in_specs=[
        pl.BlockSpec((2, BLK, D), lambda i: (0, i, 0)),
        pl.BlockSpec((BLK, D), lambda i: (i, 0)),
        pl.BlockSpec((BLK, 1), lambda i: (i, 0)),
        pl.BlockSpec((1, D), lambda i: (0, 0)),
        pl.BlockSpec((D, D), lambda i: (0, 0)),
    ],
    out_specs=[
        pl.BlockSpec((BLK, D), lambda i: (i, 0)),
        pl.BlockSpec((BLK, D), lambda i: (i, 0)),
    ],
    out_shape=[
        jax.ShapeDtypeStruct((P, D), jnp.float32),
        jax.ShapeDtypeStruct((P, D), jnp.float32),
    ],
)

_post = pl.pallas_call(
    _post_body,
    grid=(P // BLK,),
    in_specs=[
        pl.BlockSpec((2, BLK, D), lambda i: (0, i, 0)),
        pl.BlockSpec((BLK, D), lambda i: (i, 0)),
        pl.BlockSpec((BLK, 1), lambda i: (i, 0)),
        pl.BlockSpec((1, D), lambda i: (0, 0)),
    ],
    out_specs=pl.BlockSpec((BLK, D), lambda i: (i, 0)),
    out_shape=jax.ShapeDtypeStruct((N, D), jnp.float32),
)


def kernel(x, edge_index, W1, b1, W2, b2, W3, b3):
    xp = x
    src = edge_index[0]
    dst = edge_index[1]
    npad = EPAD - E
    padv = N + (jnp.arange(npad, dtype=jnp.int32) % (P - N))
    srcp = jnp.concatenate([src, padv])
    dstp_flat = jnp.concatenate([dst, padv])
    pk = ((srcp << 16) | dstp_flat).reshape(NW, NCHUNK, CHUNK)
    dstp = dstp_flat.reshape(NW, NCHUNK, CHUNK)
    zerosD = jnp.zeros((RPT, D), jnp.float32)

    deg0, deg1 = _deg_kernel(dstp)
    dis, hw, hs = _pre(xp, W1, jnp.stack([deg0, deg1], axis=-1))
    acc = _agg_kernel(hs, pk, zerosD)
    hw, hs = _mid(acc, hw, dis, b1.reshape(1, D), W2)
    acc = _agg_kernel(hs, pk, zerosD)
    hw, hs = _mid(acc, hw, dis, b2.reshape(1, D), W3)
    acc = _agg_kernel(hs, pk, zerosD)
    return _post(acc, hw, dis, b3.reshape(1, D))

# --- scband reference (transcript-rebuilt; emitter-appended) ---
"""Pipeline reference for scband-gcn-66194035966386 (READ-ONLY COPY).

The authoritative reference and input builder live on the scoring server;
editing this copy changes nothing except your own understanding.
"""

import jax, jax.numpy as jnp
import numpy as np

N_NODES = 10000
N_EDGES = 320000
D_IN = 128
HIDDEN = 128
D_OUT = 128


def _gcn_conv(x, src, dst, norm, W, b, n_nodes):
    # GCNConv: linear transform, normalized message passing, bias
    h = x @ W
    msg = h[src] * norm[:, None]
    out = jax.ops.segment_sum(msg, dst, num_segments=n_nodes)
    return out + b


def setup_inputs(seed: int = 0) -> dict:
    key = jax.random.key(seed)
    ks = jax.random.split(key, 8)
    x = jax.random.normal(ks[0], (N_NODES, D_IN), dtype=jnp.float32)
    edge_index = jax.random.randint(ks[1], (2, N_EDGES), 0, N_NODES, dtype=jnp.int32)
    W1 = jax.random.normal(ks[2], (D_IN, HIDDEN), dtype=jnp.float32) * (1.0 / np.sqrt(D_IN))
    b1 = jnp.zeros((HIDDEN,), dtype=jnp.float32)
    W2 = jax.random.normal(ks[3], (HIDDEN, HIDDEN), dtype=jnp.float32) * (1.0 / np.sqrt(HIDDEN))
    b2 = jnp.zeros((HIDDEN,), dtype=jnp.float32)
    W3 = jax.random.normal(ks[4], (HIDDEN, D_OUT), dtype=jnp.float32) * (1.0 / np.sqrt(HIDDEN))
    b3 = jnp.zeros((D_OUT,), dtype=jnp.float32)
    return {"x": x, "edge_index": edge_index, "W1": W1, "b1": b1, "W2": W2, "b2": b2, "W3": W3, "b3": b3}


def reference(x, edge_index, W1, b1, W2, b2, W3, b3):
    # gcn_norm with added self-loops (symmetric normalization), cached across layers
    src0 = edge_index[0]
    dst0 = edge_index[1]
    loop = jnp.arange(N_NODES, dtype=src0.dtype)
    src = jnp.concatenate([src0, loop])
    dst = jnp.concatenate([dst0, loop])
    ew = jnp.ones(src.shape[0], dtype=jnp.float32)
    deg = jax.ops.segment_sum(ew, dst, num_segments=N_NODES)
    dis = jnp.where(deg > 0, jax.lax.rsqrt(jnp.maximum(deg, 1e-12)), 0.0)
    norm = dis[src] * ew * dis[dst]

    h = _gcn_conv(x, src, dst, norm, W1, b1, N_NODES)
    h = jax.nn.relu(h)
    # dropout is identity in eval mode
    h = _gcn_conv(h, src, dst, norm, W2, b2, N_NODES)
    h = jax.nn.relu(h)
    h = _gcn_conv(h, src, dst, norm, W3, b3, N_NODES)
    return h

if __name__ == "__main__":
    import jax
    _d = setup_inputs()
    print(jax.jit(kernel)(*tuple(_d.values())))

</pallas_src>

<mosaic_0001>
#map = affine_map<(d0, d1) -> (0, 0)>
#map1 = affine_map<(d0, d1) -> (0, 0, 0)>
module attributes {stable_mosaic.version = 14 : i64} {
  func.func @_agg_kernel(%arg0: i32, %arg1: i32, %arg2: memref<10112x128xf32, #tpu.memory_space<hbm>>, %arg3: memref<32x80x128xi32, #tpu.memory_space<hbm>>, %arg4: memref<632x128xf32, #tpu.memory_space<hbm>>, %arg5: memref<2x10112x128xf32, #tpu.memory_space<hbm>>, %arg6: memref<80x128xi32, #tpu.memory_space<vmem>>, %arg7: memref<2x128xi32, #tpu.memory_space<vmem>>, %arg8: memref<2x128xi32, #tpu.memory_space<vmem>>, %arg9: memref<2x128x128xf32, #tpu.memory_space<vmem>>, %arg10: memref<10112x128xf32, #tpu.memory_space<vmem_shared>>, %arg11: memref<!tpu.dma_semaphore, #tpu.memory_space<semaphore_mem>>, %arg12: memref<!tpu.dma_semaphore, #tpu.memory_space<semaphore_mem>>, %arg13: memref<!tpu.dma_semaphore, #tpu.memory_space<semaphore_mem>>, %arg14: memref<!tpu.dma_semaphore, #tpu.memory_space<semaphore_mem>>) attributes {dimension_semantics = [#tpu.dimension_semantics<core_parallel>, #tpu.dimension_semantics<subcore_parallel>], iteration_bounds = array<i64: 2, 16>, scalar_prefetch = 0 : i64, scratch_operands = 9 : i64, tpu.core_type = #tpu.core_type<sc_vector_subcore>, window_params = [{transform_indices = #map}, {transform_indices = #map1}, {transform_indices = #map}, {transform_indices = #map1}]} {
    %mul3A = arith.constant 2 : i32
    %mul3A_0 = arith.muli %arg1, %mul3A : i32
    %add3A = arith.addi %mul3A_0, %arg0 : i32
    %mul3A_1 = arith.constant 632 : i32
    %mul3A_2 = arith.muli %arg1, %mul3A_1 : i32
    "tpu.region"() ({
      %run_scoped3A = tpu.sem_alloc : memref<!tpu.dma_semaphore, #tpu.memory_space<semaphore_mem>>
      %dma_start3A_419 = arith.constant 0 : i32
      %dma_start3A_420 = arith.constant 0 : i32
      %dma_start3A_421 = tpu.memref_slice %arg3[%add3A, %dma_start3A_419, %dma_start3A_420] : memref<32x80x128xi32, #tpu.memory_space<hbm>> -> memref<1x80x128xi32, #tpu.memory_space<hbm>>
      %dma_start3A_422 = tpu.memref_squeeze %dma_start3A_421 : memref<1x80x128xi32, #tpu.memory_space<hbm>> -> memref<80x128xi32, #tpu.memory_space<hbm>>
      %dma_start3A_423 = arith.constant 0 : i32
      %dma_start3A_424 = arith.constant 0 : i32
      %dma_start3A_425 = tpu.memref_slice %arg3[%add3A, %dma_start3A_423, %dma_start3A_424] : memref<32x80x128xi32, #tpu.memory_space<hbm>> -> memref<1x80x128xi32, #tpu.memory_space<hbm>>
      %dma_start3A_426 = tpu.memref_squeeze %dma_start3A_425 : memref<1x80x128xi32, #tpu.memory_space<hbm>> -> memref<80x128xi32, #tpu.memory_space<hbm>>
      tpu.enqueue_dma source(%dma_start3A_426 : memref<80x128xi32, #tpu.memory_space<hbm>>) target(%arg6 : memref<80x128xi32, #tpu.memory_space<vmem>>) target_semaphore(%run_scoped3A : memref<!tpu.dma_semaphore, #tpu.memory_space<semaphore_mem>>)
      %dma_wait3A_427 = arith.constant 0 : i32
      %dma_wait3A_428 = arith.constant 0 : i32
      %dma_wait3A_429 = tpu.memref_slice %arg3[%add3A, %dma_wait3A_427, %dma_wait3A_428] : memref<32x80x128xi32, #tpu.memory_space<hbm>> -> memref<1x80x128xi32, #tpu.memory_space<hbm>>
      %dma_wait3A_430 = tpu.memref_squeeze %dma_wait3A_429 : memref<1x80x128xi32, #tpu.memory_space<hbm>> -> memref<80x128xi32, #tpu.memory_space<hbm>>
      %dma_wait3A_431 = arith.constant 0 : i32
      %dma_wait3A_432 = arith.constant 0 : i32
      %dma_wait3A_433 = tpu.memref_slice %arg3[%add3A, %dma_wait3A_431, %dma_wait3A_432] : memref<32x80x128xi32, #tpu.memory_space<hbm>> -> memref<1x80x128xi32, #tpu.memory_space<hbm>>
      %dma_wait3A_434 = tpu.memref_squeeze %dma_wait3A_433 : memref<1x80x128xi32, #tpu.memory_space<hbm>> -> memref<80x128xi32, #tpu.memory_space<hbm>>
      tpu.wait_dma2 semaphore(%run_scoped3A : memref<!tpu.dma_semaphore, #tpu.memory_space<semaphore_mem>>) src(%dma_wait3A_434 : memref<80x128xi32, #tpu.memory_space<hbm>>) dst(%arg6 : memref<80x128xi32, #tpu.memory_space<vmem>>)
      tpu.yield
    }) : () -> ()
    "tpu.region"() ({
      %run_scoped3A = tpu.sem_alloc : memref<!tpu.dma_semaphore, #tpu.memory_space<semaphore_mem>>
      %dma_start3A_419 = arith.constant 0 : i32
      %dma_start3A_420 = tpu.memref_slice %arg10[%mul3A_2, %dma_start3A_419] : memref<10112x128xf32, #tpu.memory_space<vmem_shared>> -> memref<632x128xf32, #tpu.memory_space<vmem_shared>>
      tpu.enqueue_dma source(%arg4 : memref<632x128xf32, #tpu.memory_space<hbm>>) target(%dma_start3A_420 : memref<632x128xf32, #tpu.memory_space<vmem_shared>>) target_semaphore(%run_scoped3A : memref<!tpu.dma_semaphore, #tpu.memory_space<semaphore_mem>>)
      %dma_wait3A_421 = arith.constant 0 : i32
      %dma_wait3A_422 = tpu.memref_slice %arg10[%mul3A_2, %dma_wait3A_421] : memref<10112x128xf32, #tpu.memory_space<vmem_shared>> -> memref<632x128xf32, #tpu.memory_space<vmem_shared>>
      tpu.wait_dma2 semaphore(%run_scoped3A : memref<!tpu.dma_semaphore, #tpu.memory_space<semaphore_mem>>) src(%arg4 : memref<632x128xf32, #tpu.memory_space<hbm>>) dst(%dma_wait3A_422 : memref<632x128xf32, #tpu.memory_space<vmem_shared>>)
      tpu.yield
    }) : () -> ()
    %barrier3A = arith.constant 0 : index
    tpu.barrier barrier_id(%barrier3A)
    %get3A = arith.constant 0 : i32
    %get3A_3 = arith.index_cast %get3A : i32 to index
    %get3A_4 = arith.constant 0 : index
    %get3A_5 = tpu.vector_load %arg6[%get3A_3, %get3A_4] {strides = array<i32>} : memref<80x128xi32, #tpu.memory_space<vmem>>, vector<1x16xi32>,
    %get3A_6 = vector.shape_cast %get3A_5 : vector<1x16xi32> to vector<16xi32>
    %shift_right_arithmetic3A = arith.constant 16 : i32
    %shift_right_arithmetic3A_7 = vector.broadcast %shift_right_arithmetic3A : i32 to vector<16xi32>
    %shift_right_arithmetic3A_8 = arith.shrsi %get3A_6, %shift_right_arithmetic3A_7 : vector<16xi32>
    %swap3A = arith.constant 0 : i32
    %swap3A_9 = arith.index_cast %swap3A : i32 to index
    %swap3A_10 = arith.constant 0 : index
    %swap3A_11 = tpu.vector_load %arg7[%swap3A_9, %swap3A_10] {strides = array<i32>} : memref<2x128xi32, #tpu.memory_space<vmem>>, vector<1x16xi32>,
    %swap3A_12 = vector.shape_cast %swap3A_11 : vector<1x16xi32> to vector<16xi32>
    %swap3A_13 = vector.shape_cast %shift_right_arithmetic3A_8 : vector<16xi32> to vector<1x16xi32>
    tpu.vector_store %arg7[%swap3A_9, %swap3A_10], %swap3A_13 {strides = array<i32>} : memref<2x128xi32, #tpu.memory_space<vmem>>, vector<1x16xi32>,
    %and3A = arith.constant 65535 : i32
    %and3A_14 = vector.broadcast %and3A : i32 to vector<16xi32>
    %and3A_15 = arith.andi %get3A_6, %and3A_14 : vector<16xi32>
    %swap3A_16 = arith.constant 0 : i32
    %swap3A_17 = arith.index_cast %swap3A_16 : i32 to index
    %swap3A_18 = arith.constant 0 : index
    %swap3A_19 = tpu.vector_load %arg8[%swap3A_17, %swap3A_18] {strides = array<i32>} : memref<2x128xi32, #tpu.memory_space<vmem>>, vector<1x16xi32>,
    %swap3A_20 = vector.shape_cast %swap3A_19 : vector<1x16xi32> to vector<16xi32>
    %swap3A_21 = vector.shape_cast %and3A_15 : vector<16xi32> to vector<1x16xi32>
    tpu.vector_store %arg8[%swap3A_17, %swap3A_18], %swap3A_21 {strides = array<i32>} : memref<2x128xi32, #tpu.memory_space<vmem>>, vector<1x16xi32>,
    %get3A_22 = arith.constant 0 : i32
    %get3A_23 = arith.index_cast %get3A_22 : i32 to index
    %get3A_24 = arith.constant 16 : index
    %get3A_25 = tpu.vector_load %arg6[%get3A_23, %get3A_24] {strides = array<i32>} : memref<80x128xi32, #tpu.memory_space<vmem>>, vector<1x16xi32>,
    %get3A_26 = vector.shape_cast %get3A_25 : vector<1x16xi32> to vector<16xi32>
    %shift_right_arithmetic3A_27 = arith.constant 16 : i32
    %shift_right_arithmetic3A_28 = vector.broadcast %shift_right_arithmetic3A_27 : i32 to vector<16xi32>
    %shift_right_arithmetic3A_29 = arith.shrsi %get3A_26, %shift_right_arithmetic3A_28 : vector<16xi32>
    %swap3A_30 = arith.constant 0 : i32
    %swap3A_31 = arith.index_cast %swap3A_30 : i32 to index
    %swap3A_32 = arith.constant 16 : index
    %swap3A_33 = tpu.vector_load %arg7[%swap3A_31, %swap3A_32] {strides = array<i32>} : memref<2x128xi32, #tpu.memory_space<vmem>>, vector<1x16xi32>,
    %swap3A_34 = vector.shape_cast %swap3A_33 : vector<1x16xi32> to vector<16xi32>
    %swap3A_35 = vector.shape_cast %shift_right_arithmetic3A_29 : vector<16xi32> to vector<1x16xi32>
    tpu.vector_store %arg7[%swap3A_31, %swap3A_32], %swap3A_35 {strides = array<i32>} : memref<2x128xi32, #tpu.memory_space<vmem>>, vector<1x16xi32>,
    %and3A_36 = arith.constant 65535 : i32
    %and3A_37 = vector.broadcast %and3A_36 : i32 to vector<16xi32>
    %and3A_38 = arith.andi %get3A_26, %and3A_37 : vector<16xi32>
    %swap3A_39 = arith.constant 0 : i32
    %swap3A_40 = arith.index_cast %swap3A_39 : i32 to index
    %swap3A_41 = arith.constant 16 : index
    %swap3A_42 = tpu.vector_load %arg8[%swap3A_40, %swap3A_41] {strides = array<i32>} : memref<2x128xi32, #tpu.memory_space<vmem>>, vector<1x16xi32>,
    %swap3A_43 = vector.shape_cast %swap3A_42 : vector<1x16xi32> to vector<16xi32>
    %swap3A_44 = vector.shape_cast %and3A_38 : vector<16xi32> to vector<1x16xi32>
    tpu.vector_store %arg8[%swap3A_40, %swap3A_41], %swap3A_44 {strides = array<i32>} : memref<2x128xi32, #tpu.memory_space<vmem>>, vector<1x16xi32>,
    %get3A_45 = arith.constant 0 : i32
    %get3A_46 = arith.index_cast %get3A_45 : i32 to index
    %get3A_47 = arith.constant 32 : index
    %get3A_48 = tpu.vector_load %arg6[%get3A_46, %get3A_47] {strides = array<i32>} : memref<80x128xi32, #tpu.memory_space<vmem>>, vector<1x16xi32>,
    %get3A_49 = vector.shape_cast %get3A_48 : vector<1x16xi32> to vector<16xi32>
    %shift_right_arithmetic3A_50 = arith.constant 16 : i32
    %shift_right_arithmetic3A_51 = vector.broadcast %shift_right_arithmetic3A_50 : i32 to vector<16xi32>
    %shift_right_arithmetic3A_52 = arith.shrsi %get3A_49, %shift_right_arithmetic3A_51 : vector<16xi32>
    %swap3A_53 = arith.constant 0 : i32
    %swap3A_54 = arith.index_cast %swap3A_53 : i32 to index
    %swap3A_55 = arith.constant 32 : index
    %swap3A_56 = tpu.vector_load %arg7[%swap3A_54, %swap3A_55] {strides = array<i32>} : memref<2x128xi32, #tpu.memory_space<vmem>>, vector<1x16xi32>,
    %swap3A_57 = vector.shape_cast %swap3A_56 : vector<1x16xi32> to vector<16xi32>
    %swap3A_58 = vector.shape_cast %shift_right_arithmetic3A_52 : vector<16xi32> to vector<1x16xi32>
    tpu.vector_store %arg7[%swap3A_54, %swap3A_55], %swap3A_58 {strides = array<i32>} : memref<2x128xi32, #tpu.memory_space<vmem>>, vector<1x16xi32>,
    %and3A_59 = arith.constant 65535 : i32
    %and3A_60 = vector.broadcast %and3A_59 : i32 to vector<16xi32>
    %and3A_61 = arith.andi %get3A_49, %and3A_60 : vector<16xi32>
    %swap3A_62 = arith.constant 0 : i32
    %swap3A_63 = arith.index_cast %swap3A_62 : i32 to index
    %swap3A_64 = arith.constant 32 : index
    %swap3A_65 = tpu.vector_load %arg8[%swap3A_63, %swap3A_64] {strides = array<i32>} : memref<2x128xi32, #tpu.memory_space<vmem>>, vector<1x16xi32>,
    %swap3A_66 = vector.shape_cast %swap3A_65 : vector<1x16xi32> to vector<16xi32>
    %swap3A_67 = vector.shape_cast %and3A_61 : vector<16xi32> to vector<1x16xi32>
    tpu.vector_store %arg8[%swap3A_63, %swap3A_64], %swap3A_67 {strides = array<i32>} : memref<2x128xi32, #tpu.memory_space<vmem>>, vector<1x16xi32>,
    %get3A_68 = arith.constant 0 : i32
    %get3A_69 = arith.index_cast %get3A_68 : i32 to index
    %get3A_70 = arith.constant 48 : index
    %get3A_71 = tpu.vector_load %arg6[%get3A_69, %get3A_70] {strides = array<i32>} : memref<80x128xi32, #tpu.memory_space<vmem>>, vector<1x16xi32>,
    %get3A_72 = vector.shape_cast %get3A_71 : vector<1x16xi32> to vector<16xi32>
    %shift_right_arithmetic3A_73 = arith.constant 16 : i32
    %shift_right_arithmetic3A_74 = vector.broadcast %shift_right_arithmetic3A_73 : i32 to vector<16xi32>
    %shift_right_arithmetic3A_75 = arith.shrsi %get3A_72, %shift_right_arithmetic3A_74 : vector<16xi32>
    %swap3A_76 = arith.constant 0 : i32
    %swap3A_77 = arith.index_cast %swap3A_76 : i32 to index
    %swap3A_78 = arith.constant 48 : index
    %swap3A_79 = tpu.vector_load %arg7[%swap3A_77, %swap3A_78] {strides = array<i32>} : memref<2x128xi32, #tpu.memory_space<vmem>>, vector<1x16xi32>,
    %swap3A_80 = vector.shape_cast %swap3A_79 : vector<1x16xi32> to vector<16xi32>
    %swap3A_81 = vector.shape_cast %shift_right_arithmetic3A_75 : vector<16xi32> to vector<1x16xi32>
    tpu.vector_store %arg7[%swap3A_77, %swap3A_78], %swap3A_81 {strides = array<i32>} : memref<2x128xi32, #tpu.memory_space<vmem>>, vector<1x16xi32>,
    %and3A_82 = arith.constant 65535 : i32
    %and3A_83 = vector.broadcast %and3A_82 : i32 to vector<16xi32>
    %and3A_84 = arith.andi %get3A_72, %and3A_83 : vector<16xi32>
    %swap3A_85 = arith.constant 0 : i32
    %swap3A_86 = arith.index_cast %swap3A_85 : i32 to index
    %swap3A_87 = arith.constant 48 : index
    %swap3A_88 = tpu.vector_load %arg8[%swap3A_86, %swap3A_87] {strides = array<i32>} : memref<2x128xi32, #tpu.memory_space<vmem>>, vector<1x16xi32>,
    %swap3A_89 = vector.shape_cast %swap3A_88 : vector<1x16xi32> to vector<16xi32>
    %swap3A_90 = vector.shape_cast %and3A_84 : vector<16xi32> to vector<1x16xi32>
    tpu.vector_store %arg8[%swap3A_86, %swap3A_87], %swap3A_90 {strides = array<i32>} : memref<2x128xi32, #tpu.memory_space<vmem>>, vector<1x16xi32>,
    %get3A_91 = arith.constant 0 : i32
    %get3A_92 = arith.index_cast %get3A_91 : i32 to index
    %get3A_93 = arith.constant 64 : index
    %get3A_94 = tpu.vector_load %arg6[%get3A_92, %get3A_93] {strides = array<i32>} : memref<80x128xi32, #tpu.memory_space<vmem>>, vector<1x16xi32>,
    %get3A_95 = vector.shape_cast %get3A_94 : vector<1x16xi32> to vector<16xi32>
    %shift_right_arithmetic3A_96 = arith.constant 16 : i32
    %shift_right_arithmetic3A_97 = vector.broadcast %shift_right_arithmetic3A_96 : i32 to vector<16xi32>
    %shift_right_arithmetic3A_98 = arith.shrsi %get3A_95, %shift_right_arithmetic3A_97 : vector<16xi32>
    %swap3A_99 = arith.constant 0 : i32
    %swap3A_100 = arith.index_cast %swap3A_99 : i32 to index
    %swap3A_101 = arith.constant 64 : index
    %swap3A_102 = tpu.vector_load %arg7[%swap3A_100, %swap3A_101] {strides = array<i32>} : memref<2x128xi32, #tpu.memory_space<vmem>>, vector<1x16xi32>,
    %swap3A_103 = vector.shape_cast %swap3A_102 : vector<1x16xi32> to vector<16xi32>
    %swap3A_104 = vector.shape_cast %shift_right_arithmetic3A_98 : vector<16xi32> to vector<1x16xi32>
    tpu.vector_store %arg7[%swap3A_100, %swap3A_101], %swap3A_104 {strides = array<i32>} : memref<2x128xi32, #tpu.memory_space<vmem>>, vector<1x16xi32>,
    %and3A_105 = arith.constant 65535 : i32
    %and3A_106 = vector.broadcast %and3A_105 : i32 to vector<16xi32>
    %and3A_107 = arith.andi %get3A_95, %and3A_106 : vector<16xi32>
    %swap3A_108 = arith.constant 0 : i32
    %swap3A_109 = arith.index_cast %swap3A_108 : i32 to index
    %swap3A_110 = arith.constant 64 : index
    %swap3A_111 = tpu.vector_load %arg8[%swap3A_109, %swap3A_110] {strides = array<i32>} : memref<2x128xi32, #tpu.memory_space<vmem>>, vector<1x16xi32>,
    %swap3A_112 = vector.shape_cast %swap3A_111 : vector<1x16xi32> to vector<16xi32>
    %swap3A_113 = vector.shape_cast %and3A_107 : vector<16xi32> to vector<1x16xi32>
    tpu.vector_store %arg8[%swap3A_109, %swap3A_110], %swap3A_113 {strides = array<i32>} : memref<2x128xi32, #tpu.memory_space<vmem>>, vector<1x16xi32>,
    %get3A_114 = arith.constant 0 : i32
    %get3A_115 = arith.index_cast %get3A_114 : i32 to index
    %get3A_116 = arith.constant 80 : index
    %get3A_117 = tpu.vector_load %arg6[%get3A_115, %get3A_116] {strides = array<i32>} : memref<80x128xi32, #tpu.memory_space<vmem>>, vector<1x16xi32>,
    %get3A_118 = vector.shape_cast %get3A_117 : vector<1x16xi32> to vector<16xi32>
    %shift_right_arithmetic3A_119 = arith.constant 16 : i32
    %shift_right_arithmetic3A_120 = vector.broadcast %shift_right_arithmetic3A_119 : i32 to vector<16xi32>
    %shift_right_arithmetic3A_121 = arith.shrsi %get3A_118, %shift_right_arithmetic3A_120 : vector<16xi32>
    %swap3A_122 = arith.constant 0 : i32
    %swap3A_123 = arith.index_cast %swap3A_122 : i32 to index
    %swap3A_124 = arith.constant 80 : index
    %swap3A_125 = tpu.vector_load %arg7[%swap3A_123, %swap3A_124] {strides = array<i32>} : memref<2x128xi32, #tpu.memory_space<vmem>>, vector<1x16xi32>,
    %swap3A_126 = vector.shape_cast %swap3A_125 : vector<1x16xi32> to vector<16xi32>
    %swap3A_127 = vector.shape_cast %shift_right_arithmetic3A_121 : vector<16xi32> to vector<1x16xi32>
    tpu.vector_store %arg7[%swap3A_123, %swap3A_124], %swap3A_127 {strides = array<i32>} : memref<2x128xi32, #tpu.memory_space<vmem>>, vector<1x16xi32>,
    %and3A_128 = arith.constant 65535 : i32
    %and3A_129 = vector.broadcast %and3A_128 : i32 to vector<16xi32>
    %and3A_130 = arith.andi %get3A_118, %and3A_129 : vector<16xi32>
    %swap3A_131 = arith.constant 0 : i32
    %swap3A_132 = arith.index_cast %swap3A_131 : i32 to index
    %swap3A_133 = arith.constant 80 : index
    %swap3A_134 = tpu.vector_load %arg8[%swap3A_132, %swap3A_133] {strides = array<i32>} : memref<2x128xi32, #tpu.memory_space<vmem>>, vector<1x16xi32>,
    %swap3A_135 = vector.shape_cast %swap3A_134 : vector<1x16xi32> to vector<16xi32>
    %swap3A_136 = vector.shape_cast %and3A_130 : vector<16xi32> to vector<1x16xi32>
    tpu.vector_store %arg8[%swap3A_132, %swap3A_133], %swap3A_136 {strides = array<i32>} : memref<2x128xi32, #tpu.memory_space<vmem>>, vector<1x16xi32>,
    %get3A_137 = arith.constant 0 : i32
    %get3A_138 = arith.index_cast %get3A_137 : i32 to index
    %get3A_139 = arith.constant 96 : index
    %get3A_140 = tpu.vector_load %arg6[%get3A_138, %get3A_139] {strides = array<i32>} : memref<80x128xi32, #tpu.memory_space<vmem>>, vector<1x16xi32>,
    %get3A_141 = vector.shape_cast %get3A_140 : vector<1x16xi32> to vector<16xi32>
    %shift_right_arithmetic3A_142 = arith.constant 16 : i32
    %shift_right_arithmetic3A_143 = vector.broadcast %shift_right_arithmetic3A_142 : i32 to vector<16xi32>
    %shift_right_arithmetic3A_144 = arith.shrsi %get3A_141, %shift_right_arithmetic3A_143 : vector<16xi32>
    %swap3A_145 = arith.constant 0 : i32
    %swap3A_146 = arith.index_cast %swap3A_145 : i32 to index
    %swap3A_147 = arith.constant 96 : index
    %swap3A_148 = tpu.vector_load %arg7[%swap3A_146, %swap3A_147] {strides = array<i32>} : memref<2x128xi32, #tpu.memory_space<vmem>>, vector<1x16xi32>,
    %swap3A_149 = vector.shape_cast %swap3A_148 : vector<1x16xi32> to vector<16xi32>
    %swap3A_150 = vector.shape_cast %shift_right_arithmetic3A_144 : vector<16xi32> to vector<1x16xi32>
    tpu.vector_store %arg7[%swap3A_146, %swap3A_147], %swap3A_150 {strides = array<i32>} : memref<2x128xi32, #tpu.memory_space<vmem>>, vector<1x16xi32>,
    %and3A_151 = arith.constant 65535 : i32
    %and3A_152 = vector.broadcast %and3A_151 : i32 to vector<16xi32>
    %and3A_153 = arith.andi %get3A_141, %and3A_152 : vector<16xi32>
    %swap3A_154 = arith.constant 0 : i32
    %swap3A_155 = arith.index_cast %swap3A_154 : i32 to index
    %swap3A_156 = arith.constant 96 : index
    %swap3A_157 = tpu.vector_load %arg8[%swap3A_155, %swap3A_156] {strides = array<i32>} : memref<2x128xi32, #tpu.memory_space<vmem>>, vector<1x16xi32>,
    %swap3A_158 = vector.shape_cast %swap3A_157 : vector<1x16xi32> to vector<16xi32>
    %swap3A_159 = vector.shape_cast %and3A_153 : vector<16xi32> to vector<1x16xi32>
    tpu.vector_store %arg8[%swap3A_155, %swap3A_156], %swap3A_159 {strides = array<i32>} : memref<2x128xi32, #tpu.memory_space<vmem>>, vector<1x16xi32>,
    %get3A_160 = arith.constant 0 : i32
    %get3A_161 = arith.index_cast %get3A_160 : i32 to index
    %get3A_162 = arith.constant 112 : index
    %get3A_163 = tpu.vector_load %arg6[%get3A_161, %get3A_162] {strides = array<i32>} : memref<80x128xi32, #tpu.memory_space<vmem>>, vector<1x16xi32>,
    %get3A_164 = vector.shape_cast %get3A_163 : vector<1x16xi32> to vector<16xi32>
    %shift_right_arithmetic3A_165 = arith.constant 16 : i32
    %shift_right_arithmetic3A_166 = vector.broadcast %shift_right_arithmetic3A_165 : i32 to vector<16xi32>
    %shift_right_arithmetic3A_167 = arith.shrsi %get3A_164, %shift_right_arithmetic3A_166 : vector<16xi32>
    %swap3A_168 = arith.constant 0 : i32
    %swap3A_169 = arith.index_cast %swap3A_168 : i32 to index
    %swap3A_170 = arith.constant 112 : index
    %swap3A_171 = tpu.vector_load %arg7[%swap3A_169, %swap3A_170] {strides = array<i32>} : memref<2x128xi32, #tpu.memory_space<vmem>>, vector<1x16xi32>,
    %swap3A_172 = vector.shape_cast %swap3A_171 : vector<1x16xi32> to vector<16xi32>
    %swap3A_173 = vector.shape_cast %shift_right_arithmetic3A_167 : vector<16xi32> to vector<1x16xi32>
    tpu.vector_store %arg7[%swap3A_169, %swap3A_170], %swap3A_173 {strides = array<i32>} : memref<2x128xi32, #tpu.memory_space<vmem>>, vector<1x16xi32>,
    %and3A_174 = arith.constant 65535 : i32
    %and3A_175 = vector.broadcast %and3A_174 : i32 to vector<16xi32>
    %and3A_176 = arith.andi %get3A_164, %and3A_175 : vector<16xi32>
    %swap3A_177 = arith.constant 0 : i32
    %swap3A_178 = arith.index_cast %swap3A_177 : i32 to index
    %swap3A_179 = arith.constant 112 : index
    %swap3A_180 = tpu.vector_load %arg8[%swap3A_178, %swap3A_179] {strides = array<i32>} : memref<2x128xi32, #tpu.memory_space<vmem>>, vector<1x16xi32>,
    %swap3A_181 = vector.shape_cast %swap3A_180 : vector<1x16xi32> to vector<16xi32>
    %swap3A_182 = vector.shape_cast %and3A_176 : vector<16xi32> to vector<1x16xi32>
    tpu.vector_store %arg8[%swap3A_178, %swap3A_179], %swap3A_182 {strides = array<i32>} : memref<2x128xi32, #tpu.memory_space<vmem>>, vector<1x16xi32>,
    %dma_start3A = arith.constant 0 : i32
    %dma_start3A_183 = arith.constant 0 : i32
    %dma_start3A_184 = arith.constant 0 : i32
    %dma_start3A_185 = arith.constant 0 : i32
    %dma_start3A_186 = tpu.memref_slice %arg9[%dma_start3A_183, %dma_start3A_184, %dma_start3A_185] : memref<2x128x128xf32, #tpu.memory_space<vmem>> -> memref<1x128x128xf32, #tpu.memory_space<vmem>>
    %dma_start3A_187 = tpu.memref_squeeze %dma_start3A_186 : memref<1x128x128xf32, #tpu.memory_space<vmem>> -> memref<128x128xf32, #tpu.memory_space<vmem>>
    %dma_start3A_188 = arith.constant 0 : i32
    %dma_start3A_189 = tpu.memref_slice %arg7[%dma_start3A, %dma_start3A_188] : memref<2x128xi32, #tpu.memory_space<vmem>> -> memref<1x128xi32, #tpu.memory_space<vmem>>
    %dma_start3A_190 = tpu.memref_squeeze %dma_start3A_189 : memref<1x128xi32, #tpu.memory_space<vmem>> -> memref<128xi32, #tpu.memory_space<vmem>>
    %dma_start3A_191 = arith.constant 0 : i32
    %dma_start3A_192 = arith.constant 0 : i32
    %dma_start3A_193 = tpu.memref_slice %arg2[%dma_start3A_191, %dma_start3A_192] : memref<10112x128xf32, #tpu.memory_space<hbm>> -> memref<10112x128xf32, #tpu.memory_space<hbm>>
    tpu.enqueue_indirect_dma source(%dma_start3A_193 : memref<10112x128xf32, #tpu.memory_space<hbm>>) target(%dma_start3A_187 : memref<128x128xf32, #tpu.memory_space<vmem>>) offsets(%dma_start3A_190 : memref<128xi32, #tpu.memory_space<vmem>>) semaphore(%arg11 : memref<!tpu.dma_semaphore, #tpu.memory_space<semaphore_mem>>)
    %get3A_194 = arith.constant 1 : i32
    %get3A_195 = arith.index_cast %get3A_194 : i32 to index
    %get3A_196 = arith.constant 0 : index
    %get3A_197 = tpu.vector_load %arg6[%get3A_195, %get3A_196] {strides = array<i32>} : memref<80x128xi32, #tpu.memory_space<vmem>>, vector<1x16xi32>,
    %get3A_198 = vector.shape_cast %get3A_197 : vector<1x16xi32> to vector<16xi32>
    %shift_right_arithmetic3A_199 = arith.constant 16 : i32
    %shift_right_arithmetic3A_200 = vector.broadcast %shift_right_arithmetic3A_199 : i32 to vector<16xi32>
    %shift_right_arithmetic3A_201 = arith.shrsi %get3A_198, %shift_right_arithmetic3A_200 : vector<16xi32>
    %swap3A_202 = arith.constant 1 : i32
    %swap3A_203 = arith.index_cast %swap3A_202 : i32 to index
    %swap3A_204 = arith.constant 0 : index
    %swap3A_205 = tpu.vector_load %arg7[%swap3A_203, %swap3A_204] {strides = array<i32>} : memref<2x128xi32, #tpu.memory_space<vmem>>, vector<1x16xi32>,
    %swap3A_206 = vector.shape_cast %swap3A_205 : vector<1x16xi32> to vector<16xi32>
    %swap3A_207 = vector.shape_cast %shift_right_arithmetic3A_201 : vector<16xi32> to vector<1x16xi32>
    tpu.vector_store %arg7[%swap3A_203, %swap3A_204], %swap3A_207 {strides = array<i32>} : memref<2x128xi32, #tpu.memory_space<vmem>>, vector<1x16xi32>,
    %and3A_208 = arith.constant 65535 : i32
    %and3A_209 = vector.broadcast %and3A_208 : i32 to vector<16xi32>
    %and3A_210 = arith.andi %get3A_198, %and3A_209 : vector<16xi32>
    %swap3A_211 = arith.constant 1 : i32
    %swap3A_212 = arith.index_cast %swap3A_211 : i32 to index
    %swap3A_213 = arith.constant 0 : index
    %swap3A_214 = tpu.vector_load %arg8[%swap3A_212, %swap3A_213] {strides = array<i32>} : memref<2x128xi32, #tpu.memory_space<vmem>>, vector<1x16xi32>,
    %swap3A_215 = vector.shape_cast %swap3A_214 : vector<1x16xi32> to vector<16xi32>
    %swap3A_216 = vector.shape_cast %and3A_210 : vector<16xi32> to vector<1x16xi32>
    tpu.vector_store %arg8[%swap3A_212, %swap3A_213], %swap3A_216 {strides = array<i32>} : memref<2x128xi32, #tpu.memory_space<vmem>>, vector<1x16xi32>,
    %get3A_217 = arith.constant 1 : i32
    %get3A_218 = arith.index_cast %get3A_217 : i32 to index
    %get3A_219 = arith.constant 16 : index
    %get3A_220 = tpu.vector_load %arg6[%get3A_218, %get3A_219] {strides = array<i32>} : memref<80x128xi32, #tpu.memory_space<vmem>>, vector<1x16xi32>,
    %get3A_221 = vector.shape_cast %get3A_220 : vector<1x16xi32> to vector<16xi32>
    %shift_right_arithmetic3A_222 = arith.constant 16 : i32
    %shift_right_arithmetic3A_223 = vector.broadcast %shift_right_arithmetic3A_222 : i32 to vector<16xi32>
    %shift_right_arithmetic3A_224 = arith.shrsi %get3A_221, %shift_right_arithmetic3A_223 : vector<16xi32>
    %swap3A_225 = arith.constant 1 : i32
    %swap3A_226 = arith.index_cast %swap3A_225 : i32 to index
    %swap3A_227 = arith.constant 16 : index
    %swap3A_228 = tpu.vector_load %arg7[%swap3A_226, %swap3A_227] {strides = array<i32>} : memref<2x128xi32, #tpu.memory_space<vmem>>, vector<1x16xi32>,
    %swap3A_229 = vector.shape_cast %swap3A_228 : vector<1x16xi32> to vector<16xi32>
    %swap3A_230 = vector.shape_cast %shift_right_arithmetic3A_224 : vector<16xi32> to vector<1x16xi32>
    tpu.vector_store %arg7[%swap3A_226, %swap3A_227], %swap3A_230 {strides = array<i32>} : memref<2x128xi32, #tpu.memory_space<vmem>>, vector<1x16xi32>,
    %and3A_231 = arith.constant 65535 : i32
    %and3A_232 = vector.broadcast %and3A_231 : i32 to vector<16xi32>
    %and3A_233 = arith.andi %get3A_221, %and3A_232 : vector<16xi32>
    %swap3A_234 = arith.constant 1 : i32
    %swap3A_235 = arith.index_cast %swap3A_234 : i32 to index
    %swap3A_236 = arith.constant 16 : index
    %swap3A_237 = tpu.vector_load %arg8[%swap3A_235, %swap3A_236] {strides = array<i32>} : memref<2x128xi32, #tpu.memory_space<vmem>>, vector<1x16xi32>,
    %swap3A_238 = vector.shape_cast %swap3A_237 : vector<1x16xi32> to vector<16xi32>
    %swap3A_239 = vector.shape_cast %and3A_233 : vector<16xi32> to vector<1x16xi32>
    tpu.vector_store %arg8[%swap3A_235, %swap3A_236], %swap3A_239 {strides = array<i32>} : memref<2x128xi32, #tpu.memory_space<vmem>>, vector<1x16xi32>,
    %get3A_240 = arith.constant 1 : i32
    %get3A_241 = arith.index_cast %get3A_240 : i32 to index
    %get3A_242 = arith.constant 32 : index
    %get3A_243 = tpu.vector_load %arg6[%get3A_241, %get3A_242] {strides = array<i32>} : memref<80x128xi32, #tpu.memory_space<vmem>>, vector<1x16xi32>,
    %get3A_244 = vector.shape_cast %get3A_243 : vector<1x16xi32> to vector<16xi32>
    %shift_right_arithmetic3A_245 = arith.constant 16 : i32
    %shift_right_arithmetic3A_246 = vector.broadcast %shift_right_arithmetic3A_245 : i32 to vector<16xi32>
    %shift_right_arithmetic3A_247 = arith.shrsi %get3A_244, %shift_right_arithmetic3A_246 : vector<16xi32>
    %swap3A_248 = arith.constant 1 : i32
    %swap3A_249 = arith.index_cast %swap3A_248 : i32 to index
    %swap3A_250 = arith.constant 32 : index
    %swap3A_251 = tpu.vector_load %arg7[%swap3A_249, %swap3A_250] {strides = array<i32>} : memref<2x128xi32, #tpu.memory_space<vmem>>, vector<1x16xi32>,
    %swap3A_252 = vector.shape_cast %swap3A_251 : vector<1x16xi32> to vector<16xi32>
    %swap3A_253 = vector.shape_cast %shift_right_arithmetic3A_247 : vector<16xi32> to vector<1x16xi32>
    tpu.vector_store %arg7[%swap3A_249, %swap3A_250], %swap3A_253 {strides = array<i32>} : memref<2x128xi32, #tpu.memory_space<vmem>>, vector<1x16xi32>,
    %and3A_254 = arith.constant 65535 : i32
    %and3A_255 = vector.broadcast %and3A_254 : i32 to vector<16xi32>
    %and3A_256 = arith.andi %get3A_244, %and3A_255 : vector<16xi32>
    %swap3A_257 = arith.constant 1 : i32
    %swap3A_258 = arith.index_cast %swap3A_257 : i32 to index
    %swap3A_259 = arith.constant 32 : index
    %swap3A_260 = tpu.vector_load %arg8[%swap3A_258, %swap3A_259] {strides = array<i32>} : memref<2x128xi32, #tpu.memory_space<vmem>>, vector<1x16xi32>,
    %swap3A_261 = vector.shape_cast %swap3A_260 : vector<1x16xi32> to vector<16xi32>
    %swap3A_262 = vector.shape_cast %and3A_256 : vector<16xi32> to vector<1x16xi32>
    tpu.vector_store %arg8[%swap3A_258, %swap3A_259], %swap3A_262 {strides = array<i32>} : memref<2x128xi32, #tpu.memory_space<vmem>>, vector<1x16xi32>,
    %get3A_263 = arith.constant 1 : i32
    %get3A_264 = arith.index_cast %get3A_263 : i32 to index
    %get3A_265 = arith.constant 48 : index
    %get3A_266 = tpu.vector_load %arg6[%get3A_264, %get3A_265] {strides = array<i32>} : memref<80x128xi32, #tpu.memory_space<vmem>>, vector<1x16xi32>,
    %get3A_267 = vector.shape_cast %get3A_266 : vector<1x16xi32> to vector<16xi32>
    %shift_right_arithmetic3A_268 = arith.constant 16 : i32
    %shift_right_arithmetic3A_269 = vector.broadcast %shift_right_arithmetic3A_268 : i32 to vector<16xi32>
    %shift_right_arithmetic3A_270 = arith.shrsi %get3A_267, %shift_right_arithmetic3A_269 : vector<16xi32>
    %swap3A_271 = arith.constant 1 : i32
    %swap3A_272 = arith.index_cast %swap3A_271 : i32 to index
    %swap3A_273 = arith.constant 48 : index
    %swap3A_274 = tpu.vector_load %arg7[%swap3A_272, %swap3A_273] {strides = array<i32>} : memref<2x128xi32, #tpu.memory_space<vmem>>, vector<1x16xi32>,
    %swap3A_275 = vector.shape_cast %swap3A_274 : vector<1x16xi32> to vector<16xi32>
    %swap3A_276 = vector.shape_cast %shift_right_arithmetic3A_270 : vector<16xi32> to vector<1x16xi32>
    tpu.vector_store %arg7[%swap3A_272, %swap3A_273], %swap3A_276 {strides = array<i32>} : memref<2x128xi32, #tpu.memory_space<vmem>>, vector<1x16xi32>,
    %and3A_277 = arith.constant 65535 : i32
    %and3A_278 = vector.broadcast %and3A_277 : i32 to vector<16xi32>
    %and3A_279 = arith.andi %get3A_267, %and3A_278 : vector<16xi32>
    %swap3A_280 = arith.constant 1 : i32
    %swap3A_281 = arith.index_cast %swap3A_280 : i32 to index
    %swap3A_282 = arith.constant 48 : index
    %swap3A_283 = tpu.vector_load %arg8[%swap3A_281, %swap3A_282] {strides = array<i32>} : memref<2x128xi32, #tpu.memory_space<vmem>>, vector<1x16xi32>,
    %swap3A_284 = vector.shape_cast %swap3A_283 : vector<1x16xi32> to vector<16xi32>
    %swap3A_285 = vector.shape_cast %and3A_279 : vector<16xi32> to vector<1x16xi32>
    tpu.vector_store %arg8[%swap3A_281, %swap3A_282], %swap3A_285 {strides = array<i32>} : memref<2x128xi32, #tpu.memory_space<vmem>>, vector<1x16xi32>,
    %get3A_286 = arith.constant 1 : i32
    %get3A_287 = arith.index_cast %get3A_286 : i32 to index
    %get3A_288 = arith.constant 64 : index
    %get3A_289 = tpu.vector_load %arg6[%get3A_287, %get3A_288] {strides = array<i32>} : memref<80x128xi32, #tpu.memory_space<vmem>>, vector<1x16xi32>,
    %get3A_290 = vector.shape_cast %get3A_289 : vector<1x16xi32> to vector<16xi32>
    %shift_right_arithmetic3A_291 = arith.constant 16 : i32
    %shift_right_arithmetic3A_292 = vector.broadcast %shift_right_arithmetic3A_291 : i32 to vector<16xi32>
    %shift_right_arithmetic3A_293 = arith.shrsi %get3A_290, %shift_right_arithmetic3A_292 : vector<16xi32>
    %swap3A_294 = arith.constant 1 : i32
    %swap3A_295 = arith.index_cast %swap3A_294 : i32 to index
    %swap3A_296 = arith.constant 64 : index
    %swap3A_297 = tpu.vector_load %arg7[%swap3A_295, %swap3A_296] {strides = array<i32>} : memref<2x128xi32, #tpu.memory_space<vmem>>, vector<1x16xi32>,
    %swap3A_298 = vector.shape_cast %swap3A_297 : vector<1x16xi32> to vector<16xi32>
    %swap3A_299 = vector.shape_cast %shift_right_arithmetic3A_293 : vector<16xi32> to vector<1x16xi32>
    tpu.vector_store %arg7[%swap3A_295, %swap3A_296], %swap3A_299 {strides = array<i32>} : memref<2x128xi32, #tpu.memory_space<vmem>>, vector<1x16xi32>,
    %and3A_300 = arith.constant 65535 : i32
    %and3A_301 = vector.broadcast %and3A_300 : i32 to vector<16xi32>
    %and3A_302 = arith.andi %get3A_290, %and3A_301 : vector<16xi32>
    %swap3A_303 = arith.constant 1 : i32
    %swap3A_304 = arith.index_cast %swap3A_303 : i32 to index
    %swap3A_305 = arith.constant 64 : index
    %swap3A_306 = tpu.vector_load %arg8[%swap3A_304, %swap3A_305] {strides = array<i32>} : memref<2x128xi32, #tpu.memory_space<vmem>>, vector<1x16xi32>,
    %swap3A_307 = vector.shape_cast %swap3A_306 : vector<1x16xi32> to vector<16xi32>
    %swap3A_308 = vector.shape_cast %and3A_302 : vector<16xi32> to vector<1x16xi32>
    tpu.vector_store %arg8[%swap3A_304, %swap3A_305], %swap3A_308 {strides = array<i32>} : memref<2x128xi32, #tpu.memory_space<vmem>>, vector<1x16xi32>,
    %get3A_309 = arith.constant 1 : i32
    %get3A_310 = arith.index_cast %get3A_309 : i32 to index
    %get3A_311 = arith.constant 80 : index
    %get3A_312 = tpu.vector_load %arg6[%get3A_310, %get3A_311] {strides = array<i32>} : memref<80x128xi32, #tpu.memory_space<vmem>>, vector<1x16xi32>,
    %get3A_313 = vector.shape_cast %get3A_312 : vector<1x16xi32> to vector<16xi32>
    %shift_right_arithmetic3A_314 = arith.constant 16 : i32
    %shift_right_arithmetic3A_315 = vector.broadcast %shift_right_arithmetic3A_314 : i32 to vector<16xi32>
    %shift_right_arithmetic3A_316 = arith.shrsi %get3A_313, %shift_right_arithmetic3A_315 : vector<16xi32>
    %swap3A_317 = arith.constant 1 : i32
    %swap3A_318 = arith.index_cast %swap3A_317 : i32 to index
    %swap3A_319 = arith.constant 80 : index
    %swap3A_320 = tpu.vector_load %arg7[%swap3A_318, %swap3A_319] {strides = array<i32>} : memref<2x128xi32, #tpu.memory_space<vmem>>, vector<1x16xi32>,
    %swap3A_321 = vector.shape_cast %swap3A_320 : vector<1x16xi32> to vector<16xi32>
    %swap3A_322 = vector.shape_cast %shift_right_arithmetic3A_316 : vector<16xi32> to vector<1x16xi32>
    tpu.vector_store %arg7[%swap3A_318, %swap3A_319], %swap3A_322 {strides = array<i32>} : memref<2x128xi32, #tpu.memory_space<vmem>>, vector<1x16xi32>,
    %and3A_323 = arith.constant 65535 : i32
    %and3A_324 = vector.broadcast %and3A_323 : i32 to vector<16xi32>
    %and3A_325 = arith.andi %get3A_313, %and3A_324 : vector<16xi32>
    %swap3A_326 = arith.constant 1 : i32
    %swap3A_327 = arith.index_cast %swap3A_326 : i32 to index
    %swap3A_328 = arith.constant 80 : index
    %swap3A_329 = tpu.vector_load %arg8[%swap3A_327, %swap3A_328] {strides = array<i32>} : memref<2x128xi32, #tpu.memory_space<vmem>>, vector<1x16xi32>,
    %swap3A_330 = vector.shape_cast %swap3A_329 : vector<1x16xi32> to vector<16xi32>
    %swap3A_331 = vector.shape_cast %and3A_325 : vector<16xi32> to vector<1x16xi32>
    tpu.vector_store %arg8[%swap3A_327, %swap3A_328], %swap3A_331 {strides = array<i32>} : memref<2x128xi32, #tpu.memory_space<vmem>>, vector<1x16xi32>,
    %get3A_332 = arith.constant 1 : i32
    %get3A_333 = arith.index_cast %get3A_332 : i32 to index
    %get3A_334 = arith.constant 96 : index
    %get3A_335 = tpu.vector_load %arg6[%get3A_333, %get3A_334] {strides = array<i32>} : memref<80x128xi32, #tpu.memory_space<vmem>>, vector<1x16xi32>,
    %get3A_336 = vector.shape_cast %get3A_335 : vector<1x16xi32> to vector<16xi32>
    %shift_right_arithmetic3A_337 = arith.constant 16 : i32
    %shift_right_arithmetic3A_338 = vector.broadcast %shift_right_arithmetic3A_337 : i32 to vector<16xi32>
    %shift_right_arithmetic3A_339 = arith.shrsi %get3A_336, %shift_right_arithmetic3A_338 : vector<16xi32>
    %swap3A_340 = arith.constant 1 : i32
    %swap3A_341 = arith.index_cast %swap3A_340 : i32 to index
    %swap3A_342 = arith.constant 96 : index
    %swap3A_343 = tpu.vector_load %arg7[%swap3A_341, %swap3A_342] {strides = array<i32>} : memref<2x128xi32, #tpu.memory_space<vmem>>, vector<1x16xi32>,
    %swap3A_344 = vector.shape_cast %swap3A_343 : vector<1x16xi32> to vector<16xi32>
    %swap3A_345 = vector.shape_cast %shift_right_arithmetic3A_339 : vector<16xi32> to vector<1x16xi32>
    tpu.vector_store %arg7[%swap3A_341, %swap3A_342], %swap3A_345 {strides = array<i32>} : memref<2x128xi32, #tpu.memory_space<vmem>>, vector<1x16xi32>,
    %and3A_346 = arith.constant 65535 : i32
    %and3A_347 = vector.broadcast %and3A_346 : i32 to vector<16xi32>
    %and3A_348 = arith.andi %get3A_336, %and3A_347 : vector<16xi32>
    %swap3A_349 = arith.constant 1 : i32
    %swap3A_350 = arith.index_cast %swap3A_349 : i32 to index
    %swap3A_351 = arith.constant 96 : index
    %swap3A_352 = tpu.vector_load %arg8[%swap3A_350, %swap3A_351] {strides = array<i32>} : memref<2x128xi32, #tpu.memory_space<vmem>>, vector<1x16xi32>,
    %swap3A_353 = vector.shape_cast %swap3A_352 : vector<1x16xi32> to vector<16xi32>
    %swap3A_354 = vector.shape_cast %and3A_348 : vector<16xi32> to vector<1x16xi32>
    tpu.vector_store %arg8[%swap3A_350, %swap3A_351], %swap3A_354 {strides = array<i32>} : memref<2x128xi32, #tpu.memory_space<vmem>>, vector<1x16xi32>,
    %get3A_355 = arith.constant 1 : i32
    %get3A_356 = arith.index_cast %get3A_355 : i32 to index
    %get3A_357 = arith.constant 112 : index
    %get3A_358 = tpu.vector_load %arg6[%get3A_356, %get3A_357] {strides = array<i32>} : memref<80x128xi32, #tpu.memory_space<vmem>>, vector<1x16xi32>,
    %get3A_359 = vector.shape_cast %get3A_358 : vector<1x16xi32> to vector<16xi32>
    %shift_right_arithmetic3A_360 = arith.constant 16 : i32
    %shift_right_arithmetic3A_361 = vector.broadcast %shift_right_arithmetic3A_360 : i32 to vector<16xi32>
    %shift_right_arithmetic3A_362 = arith.shrsi %get3A_359, %shift_right_arithmetic3A_361 : vector<16xi32>
    %swap3A_363 = arith.constant 1 : i32
    %swap3A_364 = arith.index_cast %swap3A_363 : i32 to index
    %swap3A_365 = arith.constant 112 : index
    %swap3A_366 = tpu.vector_load %arg7[%swap3A_364, %swap3A_365] {strides = array<i32>} : memref<2x128xi32, #tpu.memory_space<vmem>>, vector<1x16xi32>,
    %swap3A_367 = vector.shape_cast %swap3A_366 : vector<1x16xi32> to vector<16xi32>
    %swap3A_368 = vector.shape_cast %shift_right_arithmetic3A_362 : vector<16xi32> to vector<1x16xi32>
    tpu.vector_store %arg7[%swap3A_364, %swap3A_365], %swap3A_368 {strides = array<i32>} : memref<2x128xi32, #tpu.memory_space<vmem>>, vector<1x16xi32>,
    %and3A_369 = arith.constant 65535 : i32
    %and3A_370 = vector.broadcast %and3A_369 : i32 to vector<16xi32>
    %and3A_371 = arith.andi %get3A_359, %and3A_370 : vector<16xi32>
    %swap3A_372 = arith.constant 1 : i32
    %swap3A_373 = arith.index_cast %swap3A_372 : i32 to index
    %swap3A_374 = arith.constant 112 : index
    %swap3A_375 = tpu.vector_load %arg8[%swap3A_373, %swap3A_374] {strides = array<i32>} : memref<2x128xi32, #tpu.memory_space<vmem>>, vector<1x16xi32>,
    %swap3A_376 = vector.shape_cast %swap3A_375 : vector<1x16xi32> to vector<16xi32>
    %swap3A_377 = vector.shape_cast %and3A_371 : vector<16xi32> to vector<1x16xi32>
    tpu.vector_store %arg8[%swap3A_373, %swap3A_374], %swap3A_377 {strides = array<i32>} : memref<2x128xi32, #tpu.memory_space<vmem>>, vector<1x16xi32>,
    %dma_start3A_378 = arith.constant 1 : i32
    %dma_start3A_379 = arith.constant 1 : i32
    %dma_start3A_380 = arith.constant 0 : i32
    %dma_start3A_381 = arith.constant 0 : i32
    %dma_start3A_382 = tpu.memref_slice %arg9[%dma_start3A_379, %dma_start3A_380, %dma_start3A_381] : memref<2x128x128xf32, #tpu.memory_space<vmem>> -> memref<1x128x128xf32, #tpu.memory_space<vmem>>
    %dma_start3A_383 = tpu.memref_squeeze %dma_start3A_382 : memref<1x128x128xf32, #tpu.memory_space<vmem>> -> memref<128x128xf32, #tpu.memory_space<vmem>>
    %dma_start3A_384 = arith.constant 0 : i32
    %dma_start3A_385 = tpu.memref_slice %arg7[%dma_start3A_378, %dma_start3A_384] : memref<2x128xi32, #tpu.memory_space<vmem>> -> memref<1x128xi32, #tpu.memory_space<vmem>>
    %dma_start3A_386 = tpu.memref_squeeze %dma_start3A_385 : memref<1x128xi32, #tpu.memory_space<vmem>> -> memref<128xi32, #tpu.memory_space<vmem>>
    %dma_start3A_387 = arith.constant 0 : i32
    %dma_start3A_388 = arith.constant 0 : i32
    %dma_start3A_389 = tpu.memref_slice %arg2[%dma_start3A_387, %dma_start3A_388] : memref<10112x128xf32, #tpu.memory_space<hbm>> -> memref<10112x128xf32, #tpu.memory_space<hbm>>
    tpu.enqueue_indirect_dma source(%dma_start3A_389 : memref<10112x128xf32, #tpu.memory_space<hbm>>) target(%dma_start3A_383 : memref<128x128xf32, #tpu.memory_space<vmem>>) offsets(%dma_start3A_386 : memref<128xi32, #tpu.memory_space<vmem>>) semaphore(%arg12 : memref<!tpu.dma_semaphore, #tpu.memory_space<semaphore_mem>>)
    %scan3A = arith.constant 0 : i32
    %scan3A_390 = arith.constant 0 : i32
    %scan3A_391 = arith.constant 40 : i32
    %scan3A_392 = arith.addi %scan3A_390, %scan3A_391 : i32
    %scan3A_393 = arith.constant 1 : i32
    scf.for %scan3A_419 = %scan3A_390 to %scan3A_392 step %scan3A_393  : i32 {
      %mul3A_420 = arith.constant 2 : i32
      %mul3A_421 = arith.muli %mul3A_420, %scan3A_419 : i32
      %add3A_422 = arith.constant 0 : i32
      %add3A_423 = arith.addi %mul3A_421, %add3A_422 : i32
      %dma_wait3A_424 = arith.constant 0 : i32
      %dma_wait3A_425 = arith.constant 0 : i32
      %dma_wait3A_426 = arith.constant 0 : i32
      %dma_wait3A_427 = arith.constant 0 : i32
      %dma_wait3A_428 = tpu.memref_slice %arg9[%dma_wait3A_425, %dma_wait3A_426, %dma_wait3A_427] : memref<2x128x128xf32, #tpu.memory_space<vmem>> -> memref<1x128x128xf32, #tpu.memory_space<vmem>>
      %dma_wait3A_429 = tpu.memref_squeeze %dma_wait3A_428 : memref<1x128x128xf32, #tpu.memory_space<vmem>> -> memref<128x128xf32, #tpu.memory_space<vmem>>
      %dma_wait3A_430 = arith.constant 0 : i32
      %dma_wait3A_431 = tpu.memref_slice %arg7[%dma_wait3A_424, %dma_wait3A_430] : memref<2x128xi32, #tpu.memory_space<vmem>> -> memref<1x128xi32, #tpu.memory_space<vmem>>
      %dma_wait3A_432 = tpu.memref_squeeze %dma_wait3A_431 : memref<1x128xi32, #tpu.memory_space<vmem>> -> memref<128xi32, #tpu.memory_space<vmem>>
      %dma_wait3A_433 = arith.constant 0 : i32
      %dma_wait3A_434 = arith.constant 0 : i32
      %dma_wait3A_435 = tpu.memref_slice %arg2[%dma_wait3A_433, %dma_wait3A_434] : memref<10112x128xf32, #tpu.memory_space<hbm>> -> memref<10112x128xf32, #tpu.memory_space<hbm>>
      tpu.wait_indirect_dma semaphore(%arg11 : memref<!tpu.dma_semaphore, #tpu.memory_space<semaphore_mem>>) src(%dma_wait3A_435 : memref<10112x128xf32, #tpu.memory_space<hbm>>) dst(%dma_wait3A_429 : memref<128x128xf32, #tpu.memory_space<vmem>>)
      %dma_start3A_436 = arith.constant 0 : i32
      %dma_start3A_437 = arith.constant 0 : i32
      %dma_start3A_438 = arith.constant 0 : i32
      %dma_start3A_439 = arith.constant 0 : i32
      %dma_start3A_440 = tpu.memref_slice %arg9[%dma_start3A_436, %dma_start3A_438, %dma_start3A_439] : memref<2x128x128xf32, #tpu.memory_space<vmem>> -> memref<1x128x128xf32, #tpu.memory_space<vmem>>
      %dma_start3A_441 = tpu.memref_squeeze %dma_start3A_440 : memref<1x128x128xf32, #tpu.memory_space<vmem>> -> memref<128x128xf32, #tpu.memory_space<vmem>>
      %dma_start3A_442 = arith.constant 0 : i32
      %dma_start3A_443 = tpu.memref_slice %arg8[%dma_start3A_437, %dma_start3A_442] : memref<2x128xi32, #tpu.memory_space<vmem>> -> memref<1x128xi32, #tpu.memory_space<vmem>>
      %dma_start3A_444 = tpu.memref_squeeze %dma_start3A_443 : memref<1x128xi32, #tpu.memory_space<vmem>> -> memref<128xi32, #tpu.memory_space<vmem>>
      %dma_start3A_445 = arith.constant 0 : i32
      %dma_start3A_446 = arith.constant 0 : i32
      %dma_start3A_447 = tpu.memref_slice %arg10[%dma_start3A_445, %dma_start3A_446] : memref<10112x128xf32, #tpu.memory_space<vmem_shared>> -> memref<10112x128xf32, #tpu.memory_space<vmem_shared>>
      tpu.enqueue_indirect_dma source(%dma_start3A_441 : memref<128x128xf32, #tpu.memory_space<vmem>>) target(%dma_start3A_447 : memref<10112x128xf32, #tpu.memory_space<vmem_shared>>) offsets(%dma_start3A_444 : memref<128xi32, #tpu.memory_space<vmem>>) semaphore(%arg13 : memref<!tpu.dma_semaphore, #tpu.memory_space<semaphore_mem>>) {add = true}
      %lt3A = arith.constant 39 : i32
      %lt3A_448 = arith.cmpi slt, %scan3A_419, %lt3A : i32
      %convert_element_type3A = arith.extui %lt3A_448 : i1 to i32
      %cond3A = arith.constant 0 : i32
      %cond3A_449 = arith.cmpi ne, %convert_element_type3A, %cond3A : i32
      scf.if %cond3A_449 {
        %dma_wait3A_483 = arith.constant 0 : i32
        %dma_wait3A_484 = arith.constant 0 : i32
        %dma_wait3A_485 = arith.constant 0 : i32
        %dma_wait3A_486 = arith.constant 0 : i32
        %dma_wait3A_487 = tpu.memref_slice %arg9[%dma_wait3A_483, %dma_wait3A_485, %dma_wait3A_486] : memref<2x128x128xf32, #tpu.memory_space<vmem>> -> memref<1x128x128xf32, #tpu.memory_space<vmem>>
        %dma_wait3A_488 = tpu.memref_squeeze %dma_wait3A_487 : memref<1x128x128xf32, #tpu.memory_space<vmem>> -> memref<128x128xf32, #tpu.memory_space<vmem>>
        %dma_wait3A_489 = arith.constant 0 : i32
        %dma_wait3A_490 = tpu.memref_slice %arg8[%dma_wait3A_484, %dma_wait3A_489] : memref<2x128xi32, #tpu.memory_space<vmem>> -> memref<1x128xi32, #tpu.memory_space<vmem>>
        %dma_wait3A_491 = tpu.memref_squeeze %dma_wait3A_490 : memref<1x128xi32, #tpu.memory_space<vmem>> -> memref<128xi32, #tpu.memory_space<vmem>>
        %dma_wait3A_492 = arith.constant 0 : i32
        %dma_wait3A_493 = arith.constant 0 : i32
        %dma_wait3A_494 = tpu.memref_slice %arg10[%dma_wait3A_492, %dma_wait3A_493] : memref<10112x128xf32, #tpu.memory_space<vmem_shared>> -> memref<10112x128xf32, #tpu.memory_space<vmem_shared>>
        tpu.wait_indirect_dma semaphore(%arg13 : memref<!tpu.dma_semaphore, #tpu.memory_space<semaphore_mem>>) src(%dma_wait3A_488 : memref<128x128xf32, #tpu.memory_space<vmem>>) dst(%dma_wait3A_494 : memref<10112x128xf32, #tpu.memory_space<vmem_shared>>)
        %add3A_495 = arith.constant 2 : i32
        %add3A_496 = arith.addi %add3A_423, %add3A_495 : i32
        %get3A_497 = arith.index_cast %add3A_496 : i32 to index
        %get3A_498 = arith.constant 0 : index
        %get3A_499 = tpu.vector_load %arg6[%get3A_497, %get3A_498] {strides = array<i32>} : memref<80x128xi32, #tpu.memory_space<vmem>>, vector<1x16xi32>,
        %get3A_500 = vector.shape_cast %get3A_499 : vector<1x16xi32> to vector<16xi32>
        %shift_right_arithmetic3A_501 = arith.constant 16 : i32
        %shift_right_arithmetic3A_502 = vector.broadcast %shift_right_arithmetic3A_501 : i32 to vector<16xi32>
        %shift_right_arithmetic3A_503 = arith.shrsi %get3A_500, %shift_right_arithmetic3A_502 : vector<16xi32>
        %swap3A_504 = arith.constant 0 : i32
        %swap3A_505 = arith.index_cast %swap3A_504 : i32 to index
        %swap3A_506 = arith.constant 0 : index
        %swap3A_507 = tpu.vector_load %arg7[%swap3A_505, %swap3A_506] {strides = array<i32>} : memref<2x128xi32, #tpu.memory_space<vmem>>, vector<1x16xi32>,
        %swap3A_508 = vector.shape_cast %swap3A_507 : vector<1x16xi32> to vector<16xi32>
        %swap3A_509 = vector.shape_cast %shift_right_arithmetic3A_503 : vector<16xi32> to vector<1x16xi32>
        tpu.vector_store %arg7[%swap3A_505, %swap3A_506], %swap3A_509 {strides = array<i32>} : memref<2x128xi32, #tpu.memory_space<vmem>>, vector<1x16xi32>,
        %and3A_510 = arith.constant 65535 : i32
        %and3A_511 = vector.broadcast %and3A_510 : i32 to vector<16xi32>
        %and3A_512 = arith.andi %get3A_500, %and3A_511 : vector<16xi32>
        %swap3A_513 = arith.constant 0 : i32
        %swap3A_514 = arith.index_cast %swap3A_513 : i32 to index
        %swap3A_515 = arith.constant 0 : index
        %swap3A_516 = tpu.vector_load %arg8[%swap3A_514, %swap3A_515] {strides = array<i32>} : memref<2x128xi32, #tpu.memory_space<vmem>>, vector<1x16xi32>,
        %swap3A_517 = vector.shape_cast %swap3A_516 : vector<1x16xi32> to vector<16xi32>
        %swap3A_518 = vector.shape_cast %and3A_512 : vector<16xi32> to vector<1x16xi32>
        tpu.vector_store %arg8[%swap3A_514, %swap3A_515], %swap3A_518 {strides = array<i32>} : memref<2x128xi32, #tpu.memory_space<vmem>>, vector<1x16xi32>,
        %get3A_519 = arith.index_cast %add3A_496 : i32 to index
        %get3A_520 = arith.constant 16 : index
        %get3A_521 = tpu.vector_load %arg6[%get3A_519, %get3A_520] {strides = array<i32>} : memref<80x128xi32, #tpu.memory_space<vmem>>, vector<1x16xi32>,
        %get3A_522 = vector.shape_cast %get3A_521 : vector<1x16xi32> to vector<16xi32>
        %shift_right_arithmetic3A_523 = arith.constant 16 : i32
        %shift_right_arithmetic3A_524 = vector.broadcast %shift_right_arithmetic3A_523 : i32 to vector<16xi32>
        %shift_right_arithmetic3A_525 = arith.shrsi %get3A_522, %shift_right_arithmetic3A_524 : vector<16xi32>
        %swap3A_526 = arith.constant 0 : i32
        %swap3A_527 = arith.index_cast %swap3A_526 : i32 to index
        %swap3A_528 = arith.constant 16 : index
        %swap3A_529 = tpu.vector_load %arg7[%swap3A_527, %swap3A_528] {strides = array<i32>} : memref<2x128xi32, #tpu.memory_space<vmem>>, vector<1x16xi32>,
        %swap3A_530 = vector.shape_cast %swap3A_529 : vector<1x16xi32> to vector<16xi32>
        %swap3A_531 = vector.shape_cast %shift_right_arithmetic3A_525 : vector<16xi32> to vector<1x16xi32>
        tpu.vector_store %arg7[%swap3A_527, %swap3A_528], %swap3A_531 {strides = array<i32>} : memref<2x128xi32, #tpu.memory_space<vmem>>, vector<1x16xi32>,
        %and3A_532 = arith.constant 65535 : i32
        %and3A_533 = vector.broadcast %and3A_532 : i32 to vector<16xi32>
        %and3A_534 = arith.andi %get3A_522, %and3A_533 : vector<16xi32>
        %swap3A_535 = arith.constant 0 : i32
        %swap3A_536 = arith.index_cast %swap3A_535 : i32 to index
        %swap3A_537 = arith.constant 16 : index
        %swap3A_538 = tpu.vector_load %arg8[%swap3A_536, %swap3A_537] {strides = array<i32>} : memref<2x128xi32, #tpu.memory_space<vmem>>, vector<1x16xi32>,
        %swap3A_539 = vector.shape_cast %swap3A_538 : vector<1x16xi32> to vector<16xi32>
        %swap3A_540 = vector.shape_cast %and3A_534 : vector<16xi32> to vector<1x16xi32>
        tpu.vector_store %arg8[%swap3A_536, %swap3A_537], %swap3A_540 {strides = array<i32>} : memref<2x128xi32, #tpu.memory_space<vmem>>, vector<1x16xi32>,
        %get3A_541 = arith.index_cast %add3A_496 : i32 to index
        %get3A_542 = arith.constant 32 : index
        %get3A_543 = tpu.vector_load %arg6[%get3A_541, %get3A_542] {strides = array<i32>} : memref<80x128xi32, #tpu.memory_space<vmem>>, vector<1x16xi32>,
        %get3A_544 = vector.shape_cast %get3A_543 : vector<1x16xi32> to vector<16xi32>
        %shift_right_arithmetic3A_545 = arith.constant 16 : i32
        %shift_right_arithmetic3A_546 = vector.broadcast %shift_right_arithmetic3A_545 : i32 to vector<16xi32>
        %shift_right_arithmetic3A_547 = arith.shrsi %get3A_544, %shift_right_arithmetic3A_546 : vector<16xi32>
        %swap3A_548 = arith.constant 0 : i32
        %swap3A_549 = arith.index_cast %swap3A_548 : i32 to index
        %swap3A_550 = arith.constant 32 : index
        %swap3A_551 = tpu.vector_load %arg7[%swap3A_549, %swap3A_550] {strides = array<i32>} : memref<2x128xi32, #tpu.memory_space<vmem>>, vector<1x16xi32>,
        %swap3A_552 = vector.shape_cast %swap3A_551 : vector<1x16xi32> to vector<16xi32>
        %swap3A_553 = vector.shape_cast %shift_right_arithmetic3A_547 : vector<16xi32> to vector<1x16xi32>
        tpu.vector_store %arg7[%swap3A_549, %swap3A_550], %swap3A_553 {strides = array<i32>} : memref<2x128xi32, #tpu.memory_space<vmem>>, vector<1x16xi32>,
        %and3A_554 = arith.constant 65535 : i32
        %and3A_555 = vector.broadcast %and3A_554 : i32 to vector<16xi32>
        %and3A_556 = arith.andi %get3A_544, %and3A_555 : vector<16xi32>
        %swap3A_557 = arith.constant 0 : i32
        %swap3A_558 = arith.index_cast %swap3A_557 : i32 to index
        %swap3A_559 = arith.constant 32 : index
        %swap3A_560 = tpu.vector_load %arg8[%swap3A_558, %swap3A_559] {strides = array<i32>} : memref<2x128xi32, #tpu.memory_space<vmem>>, vector<1x16xi32>,
        %swap3A_561 = vector.shape_cast %swap3A_560 : vector<1x16xi32> to vector<16xi32>
        %swap3A_562 = vector.shape_cast %and3A_556 : vector<16xi32> to vector<1x16xi32>
        tpu.vector_store %arg8[%swap3A_558, %swap3A_559], %swap3A_562 {strides = array<i32>} : memref<2x128xi32, #tpu.memory_space<vmem>>, vector<1x16xi32>,
        %get3A_563 = arith.index_cast %add3A_496 : i32 to index
        %get3A_564 = arith.constant 48 : index
        %get3A_565 = tpu.vector_load %arg6[%get3A_563, %get3A_564] {strides = array<i32>} : memref<80x128xi32, #tpu.memory_space<vmem>>, vector<1x16xi32>,
        %get3A_566 = vector.shape_cast %get3A_565 : vector<1x16xi32> to vector<16xi32>
        %shift_right_arithmetic3A_567 = arith.constant 16 : i32
        %shift_right_arithmetic3A_568 = vector.broadcast %shift_right_arithmetic3A_567 : i32 to vector<16xi32>
        %shift_right_arithmetic3A_569 = arith.shrsi %get3A_566, %shift_right_arithmetic3A_568 : vector<16xi32>
        %swap3A_570 = arith.constant 0 : i32
        %swap3A_571 = arith.index_cast %swap3A_570 : i32 to index
        %swap3A_572 = arith.constant 48 : index
        %swap3A_573 = tpu.vector_load %arg7[%swap3A_571, %swap3A_572] {strides = array<i32>} : memref<2x128xi32, #tpu.memory_space<vmem>>, vector<1x16xi32>,
        %swap3A_574 = vector.shape_cast %swap3A_573 : vector<1x16xi32> to vector<16xi32>
        %swap3A_575 = vector.shape_cast %shift_right_arithmetic3A_569 : vector<16xi32> to vector<1x16xi32>
        tpu.vector_store %arg7[%swap3A_571, %swap3A_572], %swap3A_575 {strides = array<i32>} : memref<2x128xi32, #tpu.memory_space<vmem>>, vector<1x16xi32>,
        %and3A_576 = arith.constant 65535 : i32
        %and3A_577 = vector.broadcast %and3A_576 : i32 to vector<16xi32>
        %and3A_578 = arith.andi %get3A_566, %and3A_577 : vector<16xi32>
        %swap3A_579 = arith.constant 0 : i32
        %swap3A_580 = arith.index_cast %swap3A_579 : i32 to index
        %swap3A_581 = arith.constant 48 : index
        %swap3A_582 = tpu.vector_load %arg8[%swap3A_580, %swap3A_581] {strides = array<i32>} : memref<2x128xi32, #tpu.memory_space<vmem>>, vector<1x16xi32>,
        %swap3A_583 = vector.shape_cast %swap3A_582 : vector<1x16xi32> to vector<16xi32>
        %swap3A_584 = vector.shape_cast %and3A_578 : vector<16xi32> to vector<1x16xi32>
        tpu.vector_store %arg8[%swap3A_580, %swap3A_581], %swap3A_584 {strides = array<i32>} : memref<2x128xi32, #tpu.memory_space<vmem>>, vector<1x16xi32>,
        %get3A_585 = arith.index_cast %add3A_496 : i32 to index
        %get3A_586 = arith.constant 64 : index
        %get3A_587 = tpu.vector_load %arg6[%get3A_585, %get3A_586] {strides = array<i32>} : memref<80x128xi32, #tpu.memory_space<vmem>>, vector<1x16xi32>,
        %get3A_588 = vector.shape_cast %get3A_587 : vector<1x16xi32> to vector<16xi32>
        %shift_right_arithmetic3A_589 = arith.constant 16 : i32
        %shift_right_arithmetic3A_590 = vector.broadcast %shift_right_arithmetic3A_589 : i32 to vector<16xi32>
        %shift_right_arithmetic3A_591 = arith.shrsi %get3A_588, %shift_right_arithmetic3A_590 : vector<16xi32>
        %swap3A_592 = arith.constant 0 : i32
        %swap3A_593 = arith.index_cast %swap3A_592 : i32 to index
        %swap3A_594 = arith.constant 64 : index
        %swap3A_595 = tpu.vector_load %arg7[%swap3A_593, %swap3A_594] {strides = array<i32>} : memref<2x128xi32, #tpu.memory_space<vmem>>, vector<1x16xi32>,
        %swap3A_596 = vector.shape_cast %swap3A_595 : vector<1x16xi32> to vector<16xi32>
        %swap3A_597 = vector.shape_cast %shift_right_arithmetic3A_591 : vector<16xi32> to vector<1x16xi32>
        tpu.vector_store %arg7[%swap3A_593, %swap3A_594], %swap3A_597 {strides = array<i32>} : memref<2x128xi32, #tpu.memory_space<vmem>>, vector<1x16xi32>,
        %and3A_598 = arith.constant 65535 : i32
        %and3A_599 = vector.broadcast %and3A_598 : i32 to vector<16xi32>
        %and3A_600 = arith.andi %get3A_588, %and3A_599 : vector<16xi32>
        %swap3A_601 = arith.constant 0 : i32
        %swap3A_602 = arith.index_cast %swap3A_601 : i32 to index
        %swap3A_603 = arith.constant 64 : index
        %swap3A_604 = tpu.vector_load %arg8[%swap3A_602, %swap3A_603] {strides = array<i32>} : memref<2x128xi32, #tpu.memory_space<vmem>>, vector<1x16xi32>,
        %swap3A_605 = vector.shape_cast %swap3A_604 : vector<1x16xi32> to vector<16xi32>
        %swap3A_606 = vector.shape_cast %and3A_600 : vector<16xi32> to vector<1x16xi32>
        tpu.vector_store %arg8[%swap3A_602, %swap3A_603], %swap3A_606 {strides = array<i32>} : memref<2x128xi32, #tpu.memory_space<vmem>>, vector<1x16xi32>,
        %get3A_607 = arith.index_cast %add3A_496 : i32 to index
        %get3A_608 = arith.constant 80 : index
        %get3A_609 = tpu.vector_load %arg6[%get3A_607, %get3A_608] {strides = array<i32>} : memref<80x128xi32, #tpu.memory_space<vmem>>, vector<1x16xi32>,
        %get3A_610 = vector.shape_cast %get3A_609 : vector<1x16xi32> to vector<16xi32>
        %shift_right_arithmetic3A_611 = arith.constant 16 : i32
        %shift_right_arithmetic3A_612 = vector.broadcast %shift_right_arithmetic3A_611 : i32 to vector<16xi32>
        %shift_right_arithmetic3A_613 = arith.shrsi %get3A_610, %shift_right_arithmetic3A_612 : vector<16xi32>
        %swap3A_614 = arith.constant 0 : i32
        %swap3A_615 = arith.index_cast %swap3A_614 : i32 to index
        %swap3A_616 = arith.constant 80 : index
        %swap3A_617 = tpu.vector_load %arg7[%swap3A_615, %swap3A_616] {strides = array<i32>} : memref<2x128xi32, #tpu.memory_space<vmem>>, vector<1x16xi32>,
        %swap3A_618 = vector.shape_cast %swap3A_617 : vector<1x16xi32> to vector<16xi32>
        %swap3A_619 = vector.shape_cast %shift_right_arithmetic3A_613 : vector<16xi32> to vector<1x16xi32>
        tpu.vector_store %arg7[%swap3A_615, %swap3A_616], %swap3A_619 {strides = array<i32>} : memref<2x128xi32, #tpu.memory_space<vmem>>, vector<1x16xi32>,
        %and3A_620 = arith.constant 65535 : i32
        %and3A_621 = vector.broadcast %and3A_620 : i32 to vector<16xi32>
        %and3A_622 = arith.andi %get3A_610, %and3A_621 : vector<16xi32>
        %swap3A_623 = arith.constant 0 : i32
        %swap3A_624 = arith.index_cast %swap3A_623 : i32 to index
        %swap3A_625 = arith.constant 80 : index
        %swap3A_626 = tpu.vector_load %arg8[%swap3A_624, %swap3A_625] {strides = array<i32>} : memref<2x128xi32, #tpu.memory_space<vmem>>, vector<1x16xi32>,
        %swap3A_627 = vector.shape_cast %swap3A_626 : vector<1x16xi32> to vector<16xi32>
        %swap3A_628 = vector.shape_cast %and3A_622 : vector<16xi32> to vector<1x16xi32>
        tpu.vector_store %arg8[%swap3A_624, %swap3A_625], %swap3A_628 {strides = array<i32>} : memref<2x128xi32, #tpu.memory_space<vmem>>, vector<1x16xi32>,
        %get3A_629 = arith.index_cast %add3A_496 : i32 to index
        %get3A_630 = arith.constant 96 : index
        %get3A_631 = tpu.vector_load %arg6[%get3A_629, %get3A_630] {strides = array<i32>} : memref<80x128xi32, #tpu.memory_space<vmem>>, vector<1x16xi32>,
        %get3A_632 = vector.shape_cast %get3A_631 : vector<1x16xi32> to vector<16xi32>
        %shift_right_arithmetic3A_633 = arith.constant 16 : i32
        %shift_right_arithmetic3A_634 = vector.broadcast %shift_right_arithmetic3A_633 : i32 to vector<16xi32>
        %shift_right_arithmetic3A_635 = arith.shrsi %get3A_632, %shift_right_arithmetic3A_634 : vector<16xi32>
        %swap3A_636 = arith.constant 0 : i32
        %swap3A_637 = arith.index_cast %swap3A_636 : i32 to index
        %swap3A_638 = arith.constant 96 : index
        %swap3A_639 = tpu.vector_load %arg7[%swap3A_637, %swap3A_638] {strides = array<i32>} : memref<2x128xi32, #tpu.memory_space<vmem>>, vector<1x16xi32>,
        %swap3A_640 = vector.shape_cast %swap3A_639 : vector<1x16xi32> to vector<16xi32>
        %swap3A_641 = vector.shape_cast %shift_right_arithmetic3A_635 : vector<16xi32> to vector<1x16xi32>
        tpu.vector_store %arg7[%swap3A_637, %swap3A_638], %swap3A_641 {strides = array<i32>} : memref<2x128xi32, #tpu.memory_space<vmem>>, vector<1x16xi32>,
        %and3A_642 = arith.constant 65535 : i32
        %and3A_643 = vector.broadcast %and3A_642 : i32 to vector<16xi32>
        %and3A_644 = arith.andi %get3A_632, %and3A_643 : vector<16xi32>
        %swap3A_645 = arith.constant 0 : i32
        %swap3A_646 = arith.index_cast %swap3A_645 : i32 to index
        %swap3A_647 = arith.constant 96 : index
        %swap3A_648 = tpu.vector_load %arg8[%swap3A_646, %swap3A_647] {strides = array<i32>} : memref<2x128xi32, #tpu.memory_space<vmem>>, vector<1x16xi32>,
        %swap3A_649 = vector.shape_cast %swap3A_648 : vector<1x16xi32> to vector<16xi32>
        %swap3A_650 = vector.shape_cast %and3A_644 : vector<16xi32> to vector<1x16xi32>
        tpu.vector_store %arg8[%swap3A_646, %swap3A_647], %swap3A_650 {strides = array<i32>} : memref<2x128xi32, #tpu.memory_space<vmem>>, vector<1x16xi32>,
        %get3A_651 = arith.index_cast %add3A_496 : i32 to index
        %get3A_652 = arith.constant 112 : index
        %get3A_653 = tpu.vector_load %arg6[%get3A_651, %get3A_652] {strides = array<i32>} : memref<80x128xi32, #tpu.memory_space<vmem>>, vector<1x16xi32>,
        %get3A_654 = vector.shape_cast %get3A_653 : vector<1x16xi32> to vector<16xi32>
        %shift_right_arithmetic3A_655 = arith.constant 16 : i32
        %shift_right_arithmetic3A_656 = vector.broadcast %shift_right_arithmetic3A_655 : i32 to vector<16xi32>
        %shift_right_arithmetic3A_657 = arith.shrsi %get3A_654, %shift_right_arithmetic3A_656 : vector<16xi32>
        %swap3A_658 = arith.constant 0 : i32
        %swap3A_659 = arith.index_cast %swap3A_658 : i32 to index
        %swap3A_660 = arith.constant 112 : index
        %swap3A_661 = tpu.vector_load %arg7[%swap3A_659, %swap3A_660] {strides = array<i32>} : memref<2x128xi32, #tpu.memory_space<vmem>>, vector<1x16xi32>,
        %swap3A_662 = vector.shape_cast %swap3A_661 : vector<1x16xi32> to vector<16xi32>
        %swap3A_663 = vector.shape_cast %shift_right_arithmetic3A_657 : vector<16xi32> to vector<1x16xi32>
        tpu.vector_store %arg7[%swap3A_659, %swap3A_660], %swap3A_663 {strides = array<i32>} : memref<2x128xi32, #tpu.memory_space<vmem>>, vector<1x16xi32>,
        %and3A_664 = arith.constant 65535 : i32
        %and3A_665 = vector.broadcast %and3A_664 : i32 to vector<16xi32>
        %and3A_666 = arith.andi %get3A_654, %and3A_665 : vector<16xi32>
        %swap3A_667 = arith.constant 0 : i32
        %swap3A_668 = arith.index_cast %swap3A_667 : i32 to index
        %swap3A_669 = arith.constant 112 : index
        %swap3A_670 = tpu.vector_load %arg8[%swap3A_668, %swap3A_669] {strides = array<i32>} : memref<2x128xi32, #tpu.memory_space<vmem>>, vector<1x16xi32>,
        %swap3A_671 = vector.shape_cast %swap3A_670 : vector<1x16xi32> to vector<16xi32>
        %swap3A_672 = vector.shape_cast %and3A_666 : vector<16xi32> to vector<1x16xi32>
        tpu.vector_store %arg8[%swap3A_668, %swap3A_669], %swap3A_672 {strides = array<i32>} : memref<2x128xi32, #tpu.memory_space<vmem>>, vector<1x16xi32>,
        %dma_start3A_673 = arith.constant 0 : i32
        %dma_start3A_674 = arith.constant 0 : i32
        %dma_start3A_675 = arith.constant 0 : i32
        %dma_start3A_676 = arith.constant 0 : i32
        %dma_start3A_677 = tpu.memref_slice %arg9[%dma_start3A_674, %dma_start3A_675, %dma_start3A_676] : memref<2x128x128xf32, #tpu.memory_space<vmem>> -> memref<1x128x128xf32, #tpu.memory_space<vmem>>
        %dma_start3A_678 = tpu.memref_squeeze %dma_start3A_677 : memref<1x128x128xf32, #tpu.memory_space<vmem>> -> memref<128x128xf32, #tpu.memory_space<vmem>>
        %dma_start3A_679 = arith.constant 0 : i32
        %dma_start3A_680 = tpu.memref_slice %arg7[%dma_start3A_673, %dma_start3A_679] : memref<2x128xi32, #tpu.memory_space<vmem>> -> memref<1x128xi32, #tpu.memory_space<vmem>>
        %dma_start3A_681 = tpu.memref_squeeze %dma_start3A_680 : memref<1x128xi32, #tpu.memory_space<vmem>> -> memref<128xi32, #tpu.memory_space<vmem>>
        %dma_start3A_682 = arith.constant 0 : i32
        %dma_start3A_683 = arith.constant 0 : i32
        %dma_start3A_684 = tpu.memref_slice %arg2[%dma_start3A_682, %dma_start3A_683] : memref<10112x128xf32, #tpu.memory_space<hbm>> -> memref<10112x128xf32, #tpu.memory_space<hbm>>
        tpu.enqueue_indirect_dma source(%dma_start3A_684 : memref<10112x128xf32, #tpu.memory_space<hbm>>) target(%dma_start3A_678 : memref<128x128xf32, #tpu.memory_space<vmem>>) offsets(%dma_start3A_681 : memref<128xi32, #tpu.memory_space<vmem>>) semaphore(%arg11 : memref<!tpu.dma_semaphore, #tpu.memory_space<semaphore_mem>>)
      } else {
      }
      %mul3A_450 = arith.constant 2 : i32
      %mul3A_451 = arith.muli %mul3A_450, %scan3A_419 : i32
      %add3A_452 = arith.constant 1 : i32
      %add3A_453 = arith.addi %mul3A_451, %add3A_452 : i32
      %dma_wait3A_454 = arith.constant 1 : i32
      %dma_wait3A_455 = arith.constant 1 : i32
      %dma_wait3A_456 = arith.constant 0 : i32
      %dma_wait3A_457 = arith.constant 0 : i32
      %dma_wait3A_458 = tpu.memref_slice %arg9[%dma_wait3A_455, %dma_wait3A_456, %dma_wait3A_457] : memref<2x128x128xf32, #tpu.memory_space<vmem>> -> memref<1x128x128xf32, #tpu.memory_space<vmem>>
      %dma_wait3A_459 = tpu.memref_squeeze %dma_wait3A_458 : memref<1x128x128xf32, #tpu.memory_space<vmem>> -> memref<128x128xf32, #tpu.memory_space<vmem>>
      %dma_wait3A_460 = arith.constant 0 : i32
      %dma_wait3A_461 = tpu.memref_slice %arg7[%dma_wait3A_454, %dma_wait3A_460] : memref<2x128xi32, #tpu.memory_space<vmem>> -> memref<1x128xi32, #tpu.memory_space<vmem>>
      %dma_wait3A_462 = tpu.memref_squeeze %dma_wait3A_461 : memref<1x128xi32, #tpu.memory_space<vmem>> -> memref<128xi32, #tpu.memory_space<vmem>>
      %dma_wait3A_463 = arith.constant 0 : i32
      %dma_wait3A_464 = arith.constant 0 : i32
      %dma_wait3A_465 = tpu.memref_slice %arg2[%dma_wait3A_463, %dma_wait3A_464] : memref<10112x128xf32, #tpu.memory_space<hbm>> -> memref<10112x128xf32, #tpu.memory_space<hbm>>
      tpu.wait_indirect_dma semaphore(%arg12 : memref<!tpu.dma_semaphore, #tpu.memory_space<semaphore_mem>>) src(%dma_wait3A_465 : memref<10112x128xf32, #tpu.memory_space<hbm>>) dst(%dma_wait3A_459 : memref<128x128xf32, #tpu.memory_space<vmem>>)
      %dma_start3A_466 = arith.constant 1 : i32
      %dma_start3A_467 = arith.constant 1 : i32
      %dma_start3A_468 = arith.constant 0 : i32
      %dma_start3A_469 = arith.constant 0 : i32
      %dma_start3A_470 = tpu.memref_slice %arg9[%dma_start3A_466, %dma_start3A_468, %dma_start3A_469] : memref<2x128x128xf32, #tpu.memory_space<vmem>> -> memref<1x128x128xf32, #tpu.memory_space<vmem>>
      %dma_start3A_471 = tpu.memref_squeeze %dma_start3A_470 : memref<1x128x128xf32, #tpu.memory_space<vmem>> -> memref<128x128xf32, #tpu.memory_space<vmem>>
      %dma_start3A_472 = arith.constant 0 : i32
      %dma_start3A_473 = tpu.memref_slice %arg8[%dma_start3A_467, %dma_start3A_472] : memref<2x128xi32, #tpu.memory_space<vmem>> -> memref<1x128xi32, #tpu.memory_space<vmem>>
      %dma_start3A_474 = tpu.memref_squeeze %dma_start3A_473 : memref<1x128xi32, #tpu.memory_space<vmem>> -> memref<128xi32, #tpu.memory_space<vmem>>
      %dma_start3A_475 = arith.constant 0 : i32
      %dma_start3A_476 = arith.constant 0 : i32
      %dma_start3A_477 = tpu.memref_slice %arg10[%dma_start3A_475, %dma_start3A_476] : memref<10112x128xf32, #tpu.memory_space<vmem_shared>> -> memref<10112x128xf32, #tpu.memory_space<vmem_shared>>
      tpu.enqueue_indirect_dma source(%dma_start3A_471 : memref<128x128xf32, #tpu.memory_space<vmem>>) target(%dma_start3A_477 : memref<10112x128xf32, #tpu.memory_space<vmem_shared>>) offsets(%dma_start3A_474 : memref<128xi32, #tpu.memory_space<vmem>>) semaphore(%arg14 : memref<!tpu.dma_semaphore, #tpu.memory_space<semaphore_mem>>) {add = true}
      %lt3A_478 = arith.constant 39 : i32
      %lt3A_479 = arith.cmpi slt, %scan3A_419, %lt3A_478 : i32
      %convert_element_type3A_480 = arith.extui %lt3A_479 : i1 to i32
      %cond3A_481 = arith.constant 0 : i32
      %cond3A_482 = arith.cmpi ne, %convert_element_type3A_480, %cond3A_481 : i32
      scf.if %cond3A_482 {
        %dma_wait3A_483 = arith.constant 1 : i32
        %dma_wait3A_484 = arith.constant 1 : i32
        %dma_wait3A_485 = arith.constant 0 : i32
        %dma_wait3A_486 = arith.constant 0 : i32
        %dma_wait3A_487 = tpu.memref_slice %arg9[%dma_wait3A_483, %dma_wait3A_485, %dma_wait3A_486] : memref<2x128x128xf32, #tpu.memory_space<vmem>> -> memref<1x128x128xf32, #tpu.memory_space<vmem>>
        %dma_wait3A_488 = tpu.memref_squeeze %dma_wait3A_487 : memref<1x128x128xf32, #tpu.memory_space<vmem>> -> memref<128x128xf32, #tpu.memory_space<vmem>>
        %dma_wait3A_489 = arith.constant 0 : i32
        %dma_wait3A_490 = tpu.memref_slice %arg8[%dma_wait3A_484, %dma_wait3A_489] : memref<2x128xi32, #tpu.memory_space<vmem>> -> memref<1x128xi32, #tpu.memory_space<vmem>>
        %dma_wait3A_491 = tpu.memref_squeeze %dma_wait3A_490 : memref<1x128xi32, #tpu.memory_space<vmem>> -> memref<128xi32, #tpu.memory_space<vmem>>
        %dma_wait3A_492 = arith.constant 0 : i32
        %dma_wait3A_493 = arith.constant 0 : i32
        %dma_wait3A_494 = tpu.memref_slice %arg10[%dma_wait3A_492, %dma_wait3A_493] : memref<10112x128xf32, #tpu.memory_space<vmem_shared>> -> memref<10112x128xf32, #tpu.memory_space<vmem_shared>>
        tpu.wait_indirect_dma semaphore(%arg14 : memref<!tpu.dma_semaphore, #tpu.memory_space<semaphore_mem>>) src(%dma_wait3A_488 : memref<128x128xf32, #tpu.memory_space<vmem>>) dst(%dma_wait3A_494 : memref<10112x128xf32, #tpu.memory_space<vmem_shared>>)
        %add3A_495 = arith.constant 2 : i32
        %add3A_496 = arith.addi %add3A_453, %add3A_495 : i32
        %get3A_497 = arith.index_cast %add3A_496 : i32 to index
        %get3A_498 = arith.constant 0 : index
        %get3A_499 = tpu.vector_load %arg6[%get3A_497, %get3A_498] {strides = array<i32>} : memref<80x128xi32, #tpu.memory_space<vmem>>, vector<1x16xi32>,
        %get3A_500 = vector.shape_cast %get3A_499 : vector<1x16xi32> to vector<16xi32>
        %shift_right_arithmetic3A_501 = arith.constant 16 : i32
        %shift_right_arithmetic3A_502 = vector.broadcast %shift_right_arithmetic3A_501 : i32 to vector<16xi32>
        %shift_right_arithmetic3A_503 = arith.shrsi %get3A_500, %shift_right_arithmetic3A_502 : vector<16xi32>
        %swap3A_504 = arith.constant 1 : i32
        %swap3A_505 = arith.index_cast %swap3A_504 : i32 to index
        %swap3A_506 = arith.constant 0 : index
        %swap3A_507 = tpu.vector_load %arg7[%swap3A_505, %swap3A_506] {strides = array<i32>} : memref<2x128xi32, #tpu.memory_space<vmem>>, vector<1x16xi32>,
        %swap3A_508 = vector.shape_cast %swap3A_507 : vector<1x16xi32> to vector<16xi32>
        %swap3A_509 = vector.shape_cast %shift_right_arithmetic3A_503 : vector<16xi32> to vector<1x16xi32>
        tpu.vector_store %arg7[%swap3A_505, %swap3A_506], %swap3A_509 {strides = array<i32>} : memref<2x128xi32, #tpu.memory_space<vmem>>, vector<1x16xi32>,
        %and3A_510 = arith.constant 65535 : i32
        %and3A_511 = vector.broadcast %and3A_510 : i32 to vector<16xi32>
        %and3A_512 = arith.andi %get3A_500, %and3A_511 : vector<16xi32>
        %swap3A_513 = arith.constant 1 : i32
        %swap3A_514 = arith.index_cast %swap3A_513 : i32 to index
        %swap3A_515 = arith.constant 0 : index
        %swap3A_516 = tpu.vector_load %arg8[%swap3A_514, %swap3A_515] {strides = array<i32>} : memref<2x128xi32, #tpu.memory_space<vmem>>, vector<1x16xi32>,
        %swap3A_517 = vector.shape_cast %swap3A_516 : vector<1x16xi32> to vector<16xi32>
        %swap3A_518 = vector.shape_cast %and3A_512 : vector<16xi32> to vector<1x16xi32>
        tpu.vector_store %arg8[%swap3A_514, %swap3A_515], %swap3A_518 {strides = array<i32>} : memref<2x128xi32, #tpu.memory_space<vmem>>, vector<1x16xi32>,
        %get3A_519 = arith.index_cast %add3A_496 : i32 to index
        %get3A_520 = arith.constant 16 : index
        %get3A_521 = tpu.vector_load %arg6[%get3A_519, %get3A_520] {strides = array<i32>} : memref<80x128xi32, #tpu.memory_space<vmem>>, vector<1x16xi32>,
        %get3A_522 = vector.shape_cast %get3A_521 : vector<1x16xi32> to vector<16xi32>
        %shift_right_arithmetic3A_523 = arith.constant 16 : i32
        %shift_right_arithmetic3A_524 = vector.broadcast %shift_right_arithmetic3A_523 : i32 to vector<16xi32>
        %shift_right_arithmetic3A_525 = arith.shrsi %get3A_522, %shift_right_arithmetic3A_524 : vector<16xi32>
        %swap3A_526 = arith.constant 1 : i32
        %swap3A_527 = arith.index_cast %swap3A_526 : i32 to index
        %swap3A_528 = arith.constant 16 : index
        %swap3A_529 = tpu.vector_load %arg7[%swap3A_527, %swap3A_528] {strides = array<i32>} : memref<2x128xi32, #tpu.memory_space<vmem>>, vector<1x16xi32>,
        %swap3A_530 = vector.shape_cast %swap3A_529 : vector<1x16xi32> to vector<16xi32>
        %swap3A_531 = vector.shape_cast %shift_right_arithmetic3A_525 : vector<16xi32> to vector<1x16xi32>
        tpu.vector_store %arg7[%swap3A_527, %swap3A_528], %swap3A_531 {strides = array<i32>} : memref<2x128xi32, #tpu.memory_space<vmem>>, vector<1x16xi32>,
        %and3A_532 = arith.constant 65535 : i32
        %and3A_533 = vector.broadcast %and3A_532 : i32 to vector<16xi32>
        %and3A_534 = arith.andi %get3A_522, %and3A_533 : vector<16xi32>
        %swap3A_535 = arith.constant 1 : i32
        %swap3A_536 = arith.index_cast %swap3A_535 : i32 to index
        %swap3A_537 = arith.constant 16 : index
        %swap3A_538 = tpu.vector_load %arg8[%swap3A_536, %swap3A_537] {strides = array<i32>} : memref<2x128xi32, #tpu.memory_space<vmem>>, vector<1x16xi32>,
        %swap3A_539 = vector.shape_cast %swap3A_538 : vector<1x16xi32> to vector<16xi32>
        %swap3A_540 = vector.shape_cast %and3A_534 : vector<16xi32> to vector<1x16xi32>
        tpu.vector_store %arg8[%swap3A_536, %swap3A_537], %swap3A_540 {strides = array<i32>} : memref<2x128xi32, #tpu.memory_space<vmem>>, vector<1x16xi32>,
        %get3A_541 = arith.index_cast %add3A_496 : i32 to index
        %get3A_542 = arith.constant 32 : index
        %get3A_543 = tpu.vector_load %arg6[%get3A_541, %get3A_542] {strides = array<i32>} : memref<80x128xi32, #tpu.memory_space<vmem>>, vector<1x16xi32>,
        %get3A_544 = vector.shape_cast %get3A_543 : vector<1x16xi32> to vector<16xi32>
        %shift_right_arithmetic3A_545 = arith.constant 16 : i32
        %shift_right_arithmetic3A_546 = vector.broadcast %shift_right_arithmetic3A_545 : i32 to vector<16xi32>
        %shift_right_arithmetic3A_547 = arith.shrsi %get3A_544, %shift_right_arithmetic3A_546 : vector<16xi32>
        %swap3A_548 = arith.constant 1 : i32
        %swap3A_549 = arith.index_cast %swap3A_548 : i32 to index
        %swap3A_550 = arith.constant 32 : index
        %swap3A_551 = tpu.vector_load %arg7[%swap3A_549, %swap3A_550] {strides = array<i32>} : memref<2x128xi32, #tpu.memory_space<vmem>>, vector<1x16xi32>,
        %swap3A_552 = vector.shape_cast %swap3A_551 : vector<1x16xi32> to vector<16xi32>
        %swap3A_553 = vector.shape_cast %shift_right_arithmetic3A_547 : vector<16xi32> to vector<1x16xi32>
        tpu.vector_store %arg7[%swap3A_549, %swap3A_550], %swap3A_553 {strides = array<i32>} : memref<2x128xi32, #tpu.memory_space<vmem>>, vector<1x16xi32>,
        %and3A_554 = arith.constant 65535 : i32
        %and3A_555 = vector.broadcast %and3A_554 : i32 to vector<16xi32>
        %and3A_556 = arith.andi %get3A_544, %and3A_555 : vector<16xi32>
        %swap3A_557 = arith.constant 1 : i32
        %swap3A_558 = arith.index_cast %swap3A_557 : i32 to index
        %swap3A_559 = arith.constant 32 : index
        %swap3A_560 = tpu.vector_load %arg8[%swap3A_558, %swap3A_559] {strides = array<i32>} : memref<2x128xi32, #tpu.memory_space<vmem>>, vector<1x16xi32>,
        %swap3A_561 = vector.shape_cast %swap3A_560 : vector<1x16xi32> to vector<16xi32>
        %swap3A_562 = vector.shape_cast %and3A_556 : vector<16xi32> to vector<1x16xi32>
        tpu.vector_store %arg8[%swap3A_558, %swap3A_559], %swap3A_562 {strides = array<i32>} : memref<2x128xi32, #tpu.memory_space<vmem>>, vector<1x16xi32>,
        %get3A_563 = arith.index_cast %add3A_496 : i32 to index
        %get3A_564 = arith.constant 48 : index
        %get3A_565 = tpu.vector_load %arg6[%get3A_563, %get3A_564] {strides = array<i32>} : memref<80x128xi32, #tpu.memory_space<vmem>>, vector<1x16xi32>,
        %get3A_566 = vector.shape_cast %get3A_565 : vector<1x16xi32> to vector<16xi32>
        %shift_right_arithmetic3A_567 = arith.constant 16 : i32
        %shift_right_arithmetic3A_568 = vector.broadcast %shift_right_arithmetic3A_567 : i32 to vector<16xi32>
        %shift_right_arithmetic3A_569 = arith.shrsi %get3A_566, %shift_right_arithmetic3A_568 : vector<16xi32>
        %swap3A_570 = arith.constant 1 : i32
        %swap3A_571 = arith.index_cast %swap3A_570 : i32 to index
        %swap3A_572 = arith.constant 48 : index
        %swap3A_573 = tpu.vector_load %arg7[%swap3A_571, %swap3A_572] {strides = array<i32>} : memref<2x128xi32, #tpu.memory_space<vmem>>, vector<1x16xi32>,
        %swap3A_574 = vector.shape_cast %swap3A_573 : vector<1x16xi32> to vector<16xi32>
        %swap3A_575 = vector.shape_cast %shift_right_arithmetic3A_569 : vector<16xi32> to vector<1x16xi32>
        tpu.vector_store %arg7[%swap3A_571, %swap3A_572], %swap3A_575 {strides = array<i32>} : memref<2x128xi32, #tpu.memory_space<vmem>>, vector<1x16xi32>,
        %and3A_576 = arith.constant 65535 : i32
        %and3A_577 = vector.broadcast %and3A_576 : i32 to vector<16xi32>
        %and3A_578 = arith.andi %get3A_566, %and3A_577 : vector<16xi32>
        %swap3A_579 = arith.constant 1 : i32
        %swap3A_580 = arith.index_cast %swap3A_579 : i32 to index
        %swap3A_581 = arith.constant 48 : index
        %swap3A_582 = tpu.vector_load %arg8[%swap3A_580, %swap3A_581] {strides = array<i32>} : memref<2x128xi32, #tpu.memory_space<vmem>>, vector<1x16xi32>,
        %swap3A_583 = vector.shape_cast %swap3A_582 : vector<1x16xi32> to vector<16xi32>
        %swap3A_584 = vector.shape_cast %and3A_578 : vector<16xi32> to vector<1x16xi32>
        tpu.vector_store %arg8[%swap3A_580, %swap3A_581], %swap3A_584 {strides = array<i32>} : memref<2x128xi32, #tpu.memory_space<vmem>>, vector<1x16xi32>,
        %get3A_585 = arith.index_cast %add3A_496 : i32 to index
        %get3A_586 = arith.constant 64 : index
        %get3A_587 = tpu.vector_load %arg6[%get3A_585, %get3A_586] {strides = array<i32>} : memref<80x128xi32, #tpu.memory_space<vmem>>, vector<1x16xi32>,
        %get3A_588 = vector.shape_cast %get3A_587 : vector<1x16xi32> to vector<16xi32>
        %shift_right_arithmetic3A_589 = arith.constant 16 : i32
        %shift_right_arithmetic3A_590 = vector.broadcast %shift_right_arithmetic3A_589 : i32 to vector<16xi32>
        %shift_right_arithmetic3A_591 = arith.shrsi %get3A_588, %shift_right_arithmetic3A_590 : vector<16xi32>
        %swap3A_592 = arith.constant 1 : i32
        %swap3A_593 = arith.index_cast %swap3A_592 : i32 to index
        %swap3A_594 = arith.constant 64 : index
        %swap3A_595 = tpu.vector_load %arg7[%swap3A_593, %swap3A_594] {strides = array<i32>} : memref<2x128xi32, #tpu.memory_space<vmem>>, vector<1x16xi32>,
        %swap3A_596 = vector.shape_cast %swap3A_595 : vector<1x16xi32> to vector<16xi32>
        %swap3A_597 = vector.shape_cast %shift_right_arithmetic3A_591 : vector<16xi32> to vector<1x16xi32>
        tpu.vector_store %arg7[%swap3A_593, %swap3A_594], %swap3A_597 {strides = array<i32>} : memref<2x128xi32, #tpu.memory_space<vmem>>, vector<1x16xi32>,
        %and3A_598 = arith.constant 65535 : i32
        %and3A_599 = vector.broadcast %and3A_598 : i32 to vector<16xi32>
        %and3A_600 = arith.andi %get3A_588, %and3A_599 : vector<16xi32>
        %swap3A_601 = arith.constant 1 : i32
        %swap3A_602 = arith.index_cast %swap3A_601 : i32 to index
        %swap3A_603 = arith.constant 64 : index
        %swap3A_604 = tpu.vector_load %arg8[%swap3A_602, %swap3A_603] {strides = array<i32>} : memref<2x128xi32, #tpu.memory_space<vmem>>, vector<1x16xi32>,
        %swap3A_605 = vector.shape_cast %swap3A_604 : vector<1x16xi32> to vector<16xi32>
        %swap3A_606 = vector.shape_cast %and3A_600 : vector<16xi32> to vector<1x16xi32>
        tpu.vector_store %arg8[%swap3A_602, %swap3A_603], %swap3A_606 {strides = array<i32>} : memref<2x128xi32, #tpu.memory_space<vmem>>, vector<1x16xi32>,
        %get3A_607 = arith.index_cast %add3A_496 : i32 to index
        %get3A_608 = arith.constant 80 : index
        %get3A_609 = tpu.vector_load %arg6[%get3A_607, %get3A_608] {strides = array<i32>} : memref<80x128xi32, #tpu.memory_space<vmem>>, vector<1x16xi32>,
        %get3A_610 = vector.shape_cast %get3A_609 : vector<1x16xi32> to vector<16xi32>
        %shift_right_arithmetic3A_611 = arith.constant 16 : i32
        %shift_right_arithmetic3A_612 = vector.broadcast %shift_right_arithmetic3A_611 : i32 to vector<16xi32>
        %shift_right_arithmetic3A_613 = arith.shrsi %get3A_610, %shift_right_arithmetic3A_612 : vector<16xi32>
        %swap3A_614 = arith.constant 1 : i32
        %swap3A_615 = arith.index_cast %swap3A_614 : i32 to index
        %swap3A_616 = arith.constant 80 : index
        %swap3A_617 = tpu.vector_load %arg7[%swap3A_615, %swap3A_616] {strides = array<i32>} : memref<2x128xi32, #tpu.memory_space<vmem>>, vector<1x16xi32>,
        %swap3A_618 = vector.shape_cast %swap3A_617 : vector<1x16xi32> to vector<16xi32>
        %swap3A_619 = vector.shape_cast %shift_right_arithmetic3A_613 : vector<16xi32> to vector<1x16xi32>
        tpu.vector_store %arg7[%swap3A_615, %swap3A_616], %swap3A_619 {strides = array<i32>} : memref<2x128xi32, #tpu.memory_space<vmem>>, vector<1x16xi32>,
        %and3A_620 = arith.constant 65535 : i32
        %and3A_621 = vector.broadcast %and3A_620 : i32 to vector<16xi32>
        %and3A_622 = arith.andi %get3A_610, %and3A_621 : vector<16xi32>
        %swap3A_623 = arith.constant 1 : i32
        %swap3A_624 = arith.index_cast %swap3A_623 : i32 to index
        %swap3A_625 = arith.constant 80 : index
        %swap3A_626 = tpu.vector_load %arg8[%swap3A_624, %swap3A_625] {strides = array<i32>} : memref<2x128xi32, #tpu.memory_space<vmem>>, vector<1x16xi32>,
        %swap3A_627 = vector.shape_cast %swap3A_626 : vector<1x16xi32> to vector<16xi32>
        %swap3A_628 = vector.shape_cast %and3A_622 : vector<16xi32> to vector<1x16xi32>
        tpu.vector_store %arg8[%swap3A_624, %swap3A_625], %swap3A_628 {strides = array<i32>} : memref<2x128xi32, #tpu.memory_space<vmem>>, vector<1x16xi32>,
        %get3A_629 = arith.index_cast %add3A_496 : i32 to index
        %get3A_630 = arith.constant 96 : index
        %get3A_631 = tpu.vector_load %arg6[%get3A_629, %get3A_630] {strides = array<i32>} : memref<80x128xi32, #tpu.memory_space<vmem>>, vector<1x16xi32>,
        %get3A_632 = vector.shape_cast %get3A_631 : vector<1x16xi32> to vector<16xi32>
        %shift_right_arithmetic3A_633 = arith.constant 16 : i32
        %shift_right_arithmetic3A_634 = vector.broadcast %shift_right_arithmetic3A_633 : i32 to vector<16xi32>
        %shift_right_arithmetic3A_635 = arith.shrsi %get3A_632, %shift_right_arithmetic3A_634 : vector<16xi32>
        %swap3A_636 = arith.constant 1 : i32
        %swap3A_637 = arith.index_cast %swap3A_636 : i32 to index
        %swap3A_638 = arith.constant 96 : index
        %swap3A_639 = tpu.vector_load %arg7[%swap3A_637, %swap3A_638] {strides = array<i32>} : memref<2x128xi32, #tpu.memory_space<vmem>>, vector<1x16xi32>,
        %swap3A_640 = vector.shape_cast %swap3A_639 : vector<1x16xi32> to vector<16xi32>
        %swap3A_641 = vector.shape_cast %shift_right_arithmetic3A_635 : vector<16xi32> to vector<1x16xi32>
        tpu.vector_store %arg7[%swap3A_637, %swap3A_638], %swap3A_641 {strides = array<i32>} : memref<2x128xi32, #tpu.memory_space<vmem>>, vector<1x16xi32>,
        %and3A_642 = arith.constant 65535 : i32
        %and3A_643 = vector.broadcast %and3A_642 : i32 to vector<16xi32>
        %and3A_644 = arith.andi %get3A_632, %and3A_643 : vector<16xi32>
        %swap3A_645 = arith.constant 1 : i32
        %swap3A_646 = arith.index_cast %swap3A_645 : i32 to index
        %swap3A_647 = arith.constant 96 : index
        %swap3A_648 = tpu.vector_load %arg8[%swap3A_646, %swap3A_647] {strides = array<i32>} : memref<2x128xi32, #tpu.memory_space<vmem>>, vector<1x16xi32>,
        %swap3A_649 = vector.shape_cast %swap3A_648 : vector<1x16xi32> to vector<16xi32>
        %swap3A_650 = vector.shape_cast %and3A_644 : vector<16xi32> to vector<1x16xi32>
        tpu.vector_store %arg8[%swap3A_646, %swap3A_647], %swap3A_650 {strides = array<i32>} : memref<2x128xi32, #tpu.memory_space<vmem>>, vector<1x16xi32>,
        %get3A_651 = arith.index_cast %add3A_496 : i32 to index
        %get3A_652 = arith.constant 112 : index
        %get3A_653 = tpu.vector_load %arg6[%get3A_651, %get3A_652] {strides = array<i32>} : memref<80x128xi32, #tpu.memory_space<vmem>>, vector<1x16xi32>,
        %get3A_654 = vector.shape_cast %get3A_653 : vector<1x16xi32> to vector<16xi32>
        %shift_right_arithmetic3A_655 = arith.constant 16 : i32
        %shift_right_arithmetic3A_656 = vector.broadcast %shift_right_arithmetic3A_655 : i32 to vector<16xi32>
        %shift_right_arithmetic3A_657 = arith.shrsi %get3A_654, %shift_right_arithmetic3A_656 : vector<16xi32>
        %swap3A_658 = arith.constant 1 : i32
        %swap3A_659 = arith.index_cast %swap3A_658 : i32 to index
        %swap3A_660 = arith.constant 112 : index
        %swap3A_661 = tpu.vector_load %arg7[%swap3A_659, %swap3A_660] {strides = array<i32>} : memref<2x128xi32, #tpu.memory_space<vmem>>, vector<1x16xi32>,
        %swap3A_662 = vector.shape_cast %swap3A_661 : vector<1x16xi32> to vector<16xi32>
        %swap3A_663 = vector.shape_cast %shift_right_arithmetic3A_657 : vector<16xi32> to vector<1x16xi32>
        tpu.vector_store %arg7[%swap3A_659, %swap3A_660], %swap3A_663 {strides = array<i32>} : memref<2x128xi32, #tpu.memory_space<vmem>>, vector<1x16xi32>,
        %and3A_664 = arith.constant 65535 : i32
        %and3A_665 = vector.broadcast %and3A_664 : i32 to vector<16xi32>
        %and3A_666 = arith.andi %get3A_654, %and3A_665 : vector<16xi32>
        %swap3A_667 = arith.constant 1 : i32
        %swap3A_668 = arith.index_cast %swap3A_667 : i32 to index
        %swap3A_669 = arith.constant 112 : index
        %swap3A_670 = tpu.vector_load %arg8[%swap3A_668, %swap3A_669] {strides = array<i32>} : memref<2x128xi32, #tpu.memory_space<vmem>>, vector<1x16xi32>,
        %swap3A_671 = vector.shape_cast %swap3A_670 : vector<1x16xi32> to vector<16xi32>
        %swap3A_672 = vector.shape_cast %and3A_666 : vector<16xi32> to vector<1x16xi32>
        tpu.vector_store %arg8[%swap3A_668, %swap3A_669], %swap3A_672 {strides = array<i32>} : memref<2x128xi32, #tpu.memory_space<vmem>>, vector<1x16xi32>,
        %dma_start3A_673 = arith.constant 1 : i32
        %dma_start3A_674 = arith.constant 1 : i32
        %dma_start3A_675 = arith.constant 0 : i32
        %dma_start3A_676 = arith.constant 0 : i32
        %dma_start3A_677 = tpu.memref_slice %arg9[%dma_start3A_674, %dma_start3A_675, %dma_start3A_676] : memref<2x128x128xf32, #tpu.memory_space<vmem>> -> memref<1x128x128xf32, #tpu.memory_space<vmem>>
        %dma_start3A_678 = tpu.memref_squeeze %dma_start3A_677 : memref<1x128x128xf32, #tpu.memory_space<vmem>> -> memref<128x128xf32, #tpu.memory_space<vmem>>
        %dma_start3A_679 = arith.constant 0 : i32
        %dma_start3A_680 = tpu.memref_slice %arg7[%dma_start3A_673, %dma_start3A_679] : memref<2x128xi32, #tpu.memory_space<vmem>> -> memref<1x128xi32, #tpu.memory_space<vmem>>
        %dma_start3A_681 = tpu.memref_squeeze %dma_start3A_680 : memref<1x128xi32, #tpu.memory_space<vmem>> -> memref<128xi32, #tpu.memory_space<vmem>>
        %dma_start3A_682 = arith.constant 0 : i32
        %dma_start3A_683 = arith.constant 0 : i32
        %dma_start3A_684 = tpu.memref_slice %arg2[%dma_start3A_682, %dma_start3A_683] : memref<10112x128xf32, #tpu.memory_space<hbm>> -> memref<10112x128xf32, #tpu.memory_space<hbm>>
        tpu.enqueue_indirect_dma source(%dma_start3A_684 : memref<10112x128xf32, #tpu.memory_space<hbm>>) target(%dma_start3A_678 : memref<128x128xf32, #tpu.memory_space<vmem>>) offsets(%dma_start3A_681 : memref<128xi32, #tpu.memory_space<vmem>>) semaphore(%arg12 : memref<!tpu.dma_semaphore, #tpu.memory_space<semaphore_mem>>)
      } else {
      }
    }
    %scan3A_394 = arith.constant 40 : i32
    %dma_wait3A = arith.constant 0 : i32
    %dma_wait3A_395 = arith.constant 0 : i32
    %dma_wait3A_396 = arith.constant 0 : i32
    %dma_wait3A_397 = arith.constant 0 : i32
    %dma_wait3A_398 = tpu.memref_slice %arg9[%dma_wait3A, %dma_wait3A_396, %dma_wait3A_397] : memref<2x128x128xf32, #tpu.memory_space<vmem>> -> memref<1x128x128xf32, #tpu.memory_space<vmem>>
    %dma_wait3A_399 = tpu.memref_squeeze %dma_wait3A_398 : memref<1x128x128xf32, #tpu.memory_space<vmem>> -> memref<128x128xf32, #tpu.memory_space<vmem>>
    %dma_wait3A_400 = arith.constant 0 : i32
    %dma_wait3A_401 = tpu.memref_slice %arg8[%dma_wait3A_395, %dma_wait3A_400] : memref<2x128xi32, #tpu.memory_space<vmem>> -> memref<1x128xi32, #tpu.memory_space<vmem>>
    %dma_wait3A_402 = tpu.memref_squeeze %dma_wait3A_401 : memref<1x128xi32, #tpu.memory_space<vmem>> -> memref<128xi32, #tpu.memory_space<vmem>>
    %dma_wait3A_403 = arith.constant 0 : i32
    %dma_wait3A_404 = arith.constant 0 : i32
    %dma_wait3A_405 = tpu.memref_slice %arg10[%dma_wait3A_403, %dma_wait3A_404] : memref<10112x128xf32, #tpu.memory_space<vmem_shared>> -> memref<10112x128xf32, #tpu.memory_space<vmem_shared>>
    tpu.wait_indirect_dma semaphore(%arg13 : memref<!tpu.dma_semaphore, #tpu.memory_space<semaphore_mem>>) src(%dma_wait3A_399 : memref<128x128xf32, #tpu.memory_space<vmem>>) dst(%dma_wait3A_405 : memref<10112x128xf32, #tpu.memory_space<vmem_shared>>)
    %dma_wait3A_406 = arith.constant 1 : i32
    %dma_wait3A_407 = arith.constant 1 : i32
    %dma_wait3A_408 = arith.constant 0 : i32
    %dma_wait3A_409 = arith.constant 0 : i32
    %dma_wait3A_410 = tpu.memref_slice %arg9[%dma_wait3A_406, %dma_wait3A_408, %dma_wait3A_409] : memref<2x128x128xf32, #tpu.memory_space<vmem>> -> memref<1x128x128xf32, #tpu.memory_space<vmem>>
    %dma_wait3A_411 = tpu.memref_squeeze %dma_wait3A_410 : memref<1x128x128xf32, #tpu.memory_space<vmem>> -> memref<128x128xf32, #tpu.memory_space<vmem>>
    %dma_wait3A_412 = arith.constant 0 : i32
    %dma_wait3A_413 = tpu.memref_slice %arg8[%dma_wait3A_407, %dma_wait3A_412] : memref<2x128xi32, #tpu.memory_space<vmem>> -> memref<1x128xi32, #tpu.memory_space<vmem>>
    %dma_wait3A_414 = tpu.memref_squeeze %dma_wait3A_413 : memref<1x128xi32, #tpu.memory_space<vmem>> -> memref<128xi32, #tpu.memory_space<vmem>>
    %dma_wait3A_415 = arith.constant 0 : i32
    %dma_wait3A_416 = arith.constant 0 : i32
    %dma_wait3A_417 = tpu.memref_slice %arg10[%dma_wait3A_415, %dma_wait3A_416] : memref<10112x128xf32, #tpu.memory_space<vmem_shared>> -> memref<10112x128xf32, #tpu.memory_space<vmem_shared>>
    tpu.wait_indirect_dma semaphore(%arg14 : memref<!tpu.dma_semaphore, #tpu.memory_space<semaphore_mem>>) src(%dma_wait3A_411 : memref<128x128xf32, #tpu.memory_space<vmem>>) dst(%dma_wait3A_417 : memref<10112x128xf32, #tpu.memory_space<vmem_shared>>)
    %barrier3A_418 = arith.constant 0 : index
    tpu.barrier barrier_id(%barrier3A_418)
    "tpu.region"() ({
      %run_scoped3A = tpu.sem_alloc : memref<!tpu.dma_semaphore, #tpu.memory_space<semaphore_mem>>
      %dma_start3A_419 = arith.constant 0 : i32
      %dma_start3A_420 = tpu.memref_slice %arg5[%arg0, %mul3A_2, %dma_start3A_419] : memref<2x10112x128xf32, #tpu.memory_space<hbm>> -> memref<1x632x128xf32, #tpu.memory_space<hbm>>
      %dma_start3A_421 = tpu.memref_squeeze %dma_start3A_420 : memref<1x632x128xf32, #tpu.memory_space<hbm>> -> memref<632x128xf32, #tpu.memory_space<hbm>>
      %dma_start3A_422 = arith.constant 0 : i32
      %dma_start3A_423 = tpu.memref_slice %arg10[%mul3A_2, %dma_start3A_422] : memref<10112x128xf32, #tpu.memory_space<vmem_shared>> -> memref<632x128xf32, #tpu.memory_space<vmem_shared>>
      tpu.enqueue_dma source(%dma_start3A_423 : memref<632x128xf32, #tpu.memory_space<vmem_shared>>) target(%dma_start3A_421 : memref<632x128xf32, #tpu.memory_space<hbm>>) target_semaphore(%run_scoped3A : memref<!tpu.dma_semaphore, #tpu.memory_space<semaphore_mem>>)
      %dma_wait3A_424 = arith.constant 0 : i32
      %dma_wait3A_425 = tpu.memref_slice %arg5[%arg0, %mul3A_2, %dma_wait3A_424] : memref<2x10112x128xf32, #tpu.memory_space<hbm>> -> memref<1x632x128xf32, #tpu.memory_space<hbm>>
      %dma_wait3A_426 = tpu.memref_squeeze %dma_wait3A_425 : memref<1x632x128xf32, #tpu.memory_space<hbm>> -> memref<632x128xf32, #tpu.memory_space<hbm>>
      %dma_wait3A_427 = arith.constant 0 : i32
      %dma_wait3A_428 = tpu.memref_slice %arg10[%mul3A_2, %dma_wait3A_427] : memref<10112x128xf32, #tpu.memory_space<vmem_shared>> -> memref<632x128xf32, #tpu.memory_space<vmem_shared>>
      tpu.wait_dma2 semaphore(%run_scoped3A : memref<!tpu.dma_semaphore, #tpu.memory_space<semaphore_mem>>) src(%dma_wait3A_428 : memref<632x128xf32, #tpu.memory_space<vmem_shared>>) dst(%dma_wait3A_426 : memref<632x128xf32, #tpu.memory_space<hbm>>)
      tpu.yield
    }) : () -> ()
    return
  }
}

#map = affine_map<(d0, d1) -> (0, 0, 0)>
#map1 = affine_map<(d0, d1) -> (0)>
module attributes {stable_mosaic.version = 14 : i64} {
  func.func @_deg_kernel(%arg0: i32, %arg1: i32, %arg2: memref<32x80x128xi32, #tpu.memory_space<hbm>>, %arg3: memref<10112xf32, #tpu.memory_space<hbm>>, %arg4: memref<10112xf32, #tpu.memory_space<hbm>>, %arg5: memref<80x128xi32, #tpu.memory_space<vmem>>, %arg6: memref<128xf32, #tpu.memory_space<vmem>>, %arg7: memref<128xf32, #tpu.memory_space<vmem>>, %arg8: memref<10112xf32, #tpu.memory_space<vmem_shared>>, %arg9: memref<!tpu.dma_semaphore, #tpu.memory_space<semaphore_mem>>) attributes {dimension_semantics = [#tpu.dimension_semantics<core_parallel>, #tpu.dimension_semantics<subcore_parallel>], iteration_bounds = array<i64: 2, 16>, scalar_prefetch = 0 : i64, scratch_operands = 5 : i64, tpu.core_type = #tpu.core_type<sc_vector_subcore>, window_params = [{transform_indices = #map}, {transform_indices = #map1}, {transform_indices = #map1}]} {
    %mul3A = arith.constant 2 : i32
    %mul3A_0 = arith.muli %arg1, %mul3A : i32
    %add3A = arith.addi %mul3A_0, %arg0 : i32
    %scan3A = arith.constant 0 : i32
    %scan3A_1 = arith.constant 0 : i32
    %scan3A_2 = arith.constant 8 : i32
    %scan3A_3 = arith.addi %scan3A_1, %scan3A_2 : i32
    %scan3A_4 = arith.constant 1 : i32
    scf.for %scan3A_39 = %scan3A_1 to %scan3A_3 step %scan3A_4  : i32 {
      %broadcast_in_dim3A = arith.constant 1.000000e+00 : f32
      %broadcast_in_dim3A_40 = vector.broadcast %broadcast_in_dim3A : f32 to vector<16xf32>
      %mul3A_41 = arith.constant 16 : i32
      %mul3A_42 = arith.muli %scan3A_39, %mul3A_41 : i32
      %swap3A = arith.index_cast %mul3A_42 : i32 to index
      %swap3A_43 = tpu.vector_load %arg6[%swap3A] {strides = array<i32>} : memref<128xf32, #tpu.memory_space<vmem>>, vector<16xf32>,
      %swap3A_44 = vector.shape_cast %swap3A_43 : vector<16xf32> to vector<16xf32>
      %swap3A_45 = vector.shape_cast %broadcast_in_dim3A_40 : vector<16xf32> to vector<16xf32>
      tpu.vector_store %arg6[%swap3A], %swap3A_45 {strides = array<i32>} : memref<128xf32, #tpu.memory_space<vmem>>, vector<16xf32>,
      %broadcast_in_dim3A_46 = arith.constant 0.000000e+00 : f32
      %broadcast_in_dim3A_47 = vector.broadcast %broadcast_in_dim3A_46 : f32 to vector<16xf32>
      %mul3A_48 = arith.constant 16 : i32
      %mul3A_49 = arith.muli %scan3A_39, %mul3A_48 : i32
      %swap3A_50 = arith.index_cast %mul3A_49 : i32 to index
      %swap3A_51 = tpu.vector_load %arg7[%swap3A_50] {strides = array<i32>} : memref<128xf32, #tpu.memory_space<vmem>>, vector<16xf32>,
      %swap3A_52 = vector.shape_cast %swap3A_51 : vector<16xf32> to vector<16xf32>
      %swap3A_53 = vector.shape_cast %broadcast_in_dim3A_47 : vector<16xf32> to vector<16xf32>
      tpu.vector_store %arg7[%swap3A_50], %swap3A_53 {strides = array<i32>} : memref<128xf32, #tpu.memory_space<vmem>>, vector<16xf32>,
    }
    %scan3A_5 = arith.constant 8 : i32
    "tpu.region"() ({
      %run_scoped3A = tpu.sem_alloc : memref<!tpu.dma_semaphore, #tpu.memory_space<semaphore_mem>>
      %dma_start3A = arith.constant 0 : i32
      %dma_start3A_39 = arith.constant 0 : i32
      %dma_start3A_40 = tpu.memref_slice %arg2[%add3A, %dma_start3A, %dma_start3A_39] : memref<32x80x128xi32, #tpu.memory_space<hbm>> -> memref<1x80x128xi32, #tpu.memory_space<hbm>>
      %dma_start3A_41 = tpu.memref_squeeze %dma_start3A_40 : memref<1x80x128xi32, #tpu.memory_space<hbm>> -> memref<80x128xi32, #tpu.memory_space<hbm>>
      %dma_start3A_42 = arith.constant 0 : i32
      %dma_start3A_43 = arith.constant 0 : i32
      %dma_start3A_44 = tpu.memref_slice %arg2[%add3A, %dma_start3A_42, %dma_start3A_43] : memref<32x80x128xi32, #tpu.memory_space<hbm>> -> memref<1x80x128xi32, #tpu.memory_space<hbm>>
      %dma_start3A_45 = tpu.memref_squeeze %dma_start3A_44 : memref<1x80x128xi32, #tpu.memory_space<hbm>> -> memref<80x128xi32, #tpu.memory_space<hbm>>
      tpu.enqueue_dma source(%dma_start3A_45 : memref<80x128xi32, #tpu.memory_space<hbm>>) target(%arg5 : memref<80x128xi32, #tpu.memory_space<vmem>>) target_semaphore(%run_scoped3A : memref<!tpu.dma_semaphore, #tpu.memory_space<semaphore_mem>>)
      %dma_wait3A = arith.constant 0 : i32
      %dma_wait3A_46 = arith.constant 0 : i32
      %dma_wait3A_47 = tpu.memref_slice %arg2[%add3A, %dma_wait3A, %dma_wait3A_46] : memref<32x80x128xi32, #tpu.memory_space<hbm>> -> memref<1x80x128xi32, #tpu.memory_space<hbm>>
      %dma_wait3A_48 = tpu.memref_squeeze %dma_wait3A_47 : memref<1x80x128xi32, #tpu.memory_space<hbm>> -> memref<80x128xi32, #tpu.memory_space<hbm>>
      %dma_wait3A_49 = arith.constant 0 : i32
      %dma_wait3A_50 = arith.constant 0 : i32
      %dma_wait3A_51 = tpu.memref_slice %arg2[%add3A, %dma_wait3A_49, %dma_wait3A_50] : memref<32x80x128xi32, #tpu.memory_space<hbm>> -> memref<1x80x128xi32, #tpu.memory_space<hbm>>
      %dma_wait3A_52 = tpu.memref_squeeze %dma_wait3A_51 : memref<1x80x128xi32, #tpu.memory_space<hbm>> -> memref<80x128xi32, #tpu.memory_space<hbm>>
      tpu.wait_dma2 semaphore(%run_scoped3A : memref<!tpu.dma_semaphore, #tpu.memory_space<semaphore_mem>>) src(%dma_wait3A_52 : memref<80x128xi32, #tpu.memory_space<hbm>>) dst(%arg5 : memref<80x128xi32, #tpu.memory_space<vmem>>)
      tpu.yield
    }) : () -> ()
    %mul3A_6 = arith.constant 5 : i32
    %mul3A_7 = arith.muli %arg1, %mul3A_6 : i32
    %add3A_8 = arith.constant 5 : i32
    %add3A_9 = arith.addi %mul3A_7, %add3A_8 : i32
    %min3A = arith.constant 79 : i32
    %min3A_10 = arith.minsi %min3A, %add3A_9 : i32
    %while3A = arith.constant 0 : i32
    %while3A_11 = arith.subi %min3A_10, %mul3A_7 : i32
    %while3A_12 = arith.addi %mul3A_7, %while3A_11 : i32
    %while3A_13 = arith.constant 1 : i32
    %while3A_14 = arith.divsi %while3A_11, %while3A_13 : i32
    %while3A_15 = arith.muli %while3A_14, %while3A_13 : i32
    %while3A_16 = arith.addi %mul3A_7, %while3A_15 : i32
    %while3A_17 = arith.constant 1 : i32
    scf.for %while3A_39 = %mul3A_7 to %while3A_16 step %while3A_17  : i32 {
      %mul3A_40 = arith.constant 128 : i32
      %mul3A_41 = arith.muli %while3A_39, %mul3A_40 : i32
      "tpu.region"() ({
        %run_scoped3A = tpu.sem_alloc : memref<!tpu.dma_semaphore, #tpu.memory_space<semaphore_mem>>
        %dma_start3A = tpu.memref_slice %arg8[%mul3A_41] : memref<10112xf32, #tpu.memory_space<vmem_shared>> -> memref<128xf32, #tpu.memory_space<vmem_shared>>
        %dma_start3A_42 = tpu.memref_slice %arg8[%mul3A_41] : memref<10112xf32, #tpu.memory_space<vmem_shared>> -> memref<128xf32, #tpu.memory_space<vmem_shared>>
        tpu.enqueue_dma source(%arg7 : memref<128xf32, #tpu.memory_space<vmem>>) target(%dma_start3A_42 : memref<128xf32, #tpu.memory_space<vmem_shared>>) target_semaphore(%run_scoped3A : memref<!tpu.dma_semaphore, #tpu.memory_space<semaphore_mem>>)
        %dma_wait3A = tpu.memref_slice %arg8[%mul3A_41] : memref<10112xf32, #tpu.memory_space<vmem_shared>> -> memref<128xf32, #tpu.memory_space<vmem_shared>>
        %dma_wait3A_43 = tpu.memref_slice %arg8[%mul3A_41] : memref<10112xf32, #tpu.memory_space<vmem_shared>> -> memref<128xf32, #tpu.memory_space<vmem_shared>>
        tpu.wait_dma2 semaphore(%run_scoped3A : memref<!tpu.dma_semaphore, #tpu.memory_space<semaphore_mem>>) src(%arg7 : memref<128xf32, #tpu.memory_space<vmem>>) dst(%dma_wait3A_43 : memref<128xf32, #tpu.memory_space<vmem_shared>>)
        tpu.yield
      }) : () -> ()
    }
    %while3A_18 = arith.constant 1 : i32
    scf.for %while3A_39 = %while3A_16 to %while3A_12 step %while3A_18  : i32 {
      %mul3A_40 = arith.constant 128 : i32
      %mul3A_41 = arith.muli %while3A_39, %mul3A_40 : i32
      "tpu.region"() ({
        %run_scoped3A = tpu.sem_alloc : memref<!tpu.dma_semaphore, #tpu.memory_space<semaphore_mem>>
        %dma_start3A = tpu.memref_slice %arg8[%mul3A_41] : memref<10112xf32, #tpu.memory_space<vmem_shared>> -> memref<128xf32, #tpu.memory_space<vmem_shared>>
        %dma_start3A_42 = tpu.memref_slice %arg8[%mul3A_41] : memref<10112xf32, #tpu.memory_space<vmem_shared>> -> memref<128xf32, #tpu.memory_space<vmem_shared>>
        tpu.enqueue_dma source(%arg7 : memref<128xf32, #tpu.memory_space<vmem>>) target(%dma_start3A_42 : memref<128xf32, #tpu.memory_space<vmem_shared>>) target_semaphore(%run_scoped3A : memref<!tpu.dma_semaphore, #tpu.memory_space<semaphore_mem>>)
        %dma_wait3A = tpu.memref_slice %arg8[%mul3A_41] : memref<10112xf32, #tpu.memory_space<vmem_shared>> -> memref<128xf32, #tpu.memory_space<vmem_shared>>
        %dma_wait3A_43 = tpu.memref_slice %arg8[%mul3A_41] : memref<10112xf32, #tpu.memory_space<vmem_shared>> -> memref<128xf32, #tpu.memory_space<vmem_shared>>
        tpu.wait_dma2 semaphore(%run_scoped3A : memref<!tpu.dma_semaphore, #tpu.memory_space<semaphore_mem>>) src(%arg7 : memref<128xf32, #tpu.memory_space<vmem>>) dst(%dma_wait3A_43 : memref<128xf32, #tpu.memory_space<vmem_shared>>)
        tpu.yield
      }) : () -> ()
    }
    %barrier3A = arith.constant 0 : index
    tpu.barrier barrier_id(%barrier3A)
    %scan3A_19 = arith.constant 0 : i32
    %scan3A_20 = arith.constant 0 : i32
    %scan3A_21 = arith.constant 80 : i32
    %scan3A_22 = arith.addi %scan3A_20, %scan3A_21 : i32
    %scan3A_23 = arith.constant 1 : i32
    scf.for %scan3A_39 = %scan3A_20 to %scan3A_22 step %scan3A_23  : i32 {
      %dma_start3A = arith.constant 0 : i32
      %dma_start3A_40 = tpu.memref_slice %arg5[%scan3A_39, %dma_start3A] : memref<80x128xi32, #tpu.memory_space<vmem>> -> memref<1x128xi32, #tpu.memory_space<vmem>>
      %dma_start3A_41 = tpu.memref_squeeze %dma_start3A_40 : memref<1x128xi32, #tpu.memory_space<vmem>> -> memref<128xi32, #tpu.memory_space<vmem>>
      %dma_start3A_42 = arith.constant 0 : i32
      %dma_start3A_43 = tpu.memref_slice %arg8[%dma_start3A_42] : memref<10112xf32, #tpu.memory_space<vmem_shared>> -> memref<10112xf32, #tpu.memory_space<vmem_shared>>
      tpu.enqueue_indirect_dma source(%arg6 : memref<128xf32, #tpu.memory_space<vmem>>) target(%dma_start3A_43 : memref<10112xf32, #tpu.memory_space<vmem_shared>>) offsets(%dma_start3A_41 : memref<128xi32, #tpu.memory_space<vmem>>) semaphore(%arg9 : memref<!tpu.dma_semaphore, #tpu.memory_space<semaphore_mem>>) {add = true}
    }
    %scan3A_24 = arith.constant 80 : i32
    %scan3A_25 = arith.constant 0 : i32
    %scan3A_26 = arith.constant 0 : i32
    %scan3A_27 = arith.constant 80 : i32
    %scan3A_28 = arith.addi %scan3A_26, %scan3A_27 : i32
    %scan3A_29 = arith.constant 1 : i32
    scf.for %scan3A_39 = %scan3A_26 to %scan3A_28 step %scan3A_29  : i32 {
      %dma_wait3A = arith.constant 0 : i32
      %dma_wait3A_40 = tpu.memref_slice %arg5[%scan3A_39, %dma_wait3A] : memref<80x128xi32, #tpu.memory_space<vmem>> -> memref<1x128xi32, #tpu.memory_space<vmem>>
      %dma_wait3A_41 = tpu.memref_squeeze %dma_wait3A_40 : memref<1x128xi32, #tpu.memory_space<vmem>> -> memref<128xi32, #tpu.memory_space<vmem>>
      %dma_wait3A_42 = arith.constant 0 : i32
      %dma_wait3A_43 = tpu.memref_slice %arg8[%dma_wait3A_42] : memref<10112xf32, #tpu.memory_space<vmem_shared>> -> memref<10112xf32, #tpu.memory_space<vmem_shared>>
      tpu.wait_indirect_dma semaphore(%arg9 : memref<!tpu.dma_semaphore, #tpu.memory_space<semaphore_mem>>) src(%arg6 : memref<128xf32, #tpu.memory_space<vmem>>) dst(%dma_wait3A_43 : memref<10112xf32, #tpu.memory_space<vmem_shared>>)
    }
    %scan3A_30 = arith.constant 80 : i32
    %barrier3A_31 = arith.constant 0 : index
    tpu.barrier barrier_id(%barrier3A_31)
    %eq3A = arith.constant 0 : i32
    %eq3A_32 = arith.cmpi eq, %arg0, %eq3A : i32
    %convert_element_type3A = arith.extui %eq3A_32 : i1 to i32
    %cond3A = arith.constant 0 : i32
    %cond3A_33 = arith.cmpi ne, %convert_element_type3A, %cond3A : i32
    scf.if %cond3A_33 {
      %while3A_39 = arith.constant 0 : i32
      %while3A_40 = arith.subi %min3A_10, %mul3A_7 : i32
      %while3A_41 = arith.addi %mul3A_7, %while3A_40 : i32
      %while3A_42 = arith.constant 1 : i32
      %while3A_43 = arith.divsi %while3A_40, %while3A_42 : i32
      %while3A_44 = arith.muli %while3A_43, %while3A_42 : i32
      %while3A_45 = arith.addi %mul3A_7, %while3A_44 : i32
      %while3A_46 = arith.constant 1 : i32
      scf.for %while3A_48 = %mul3A_7 to %while3A_45 step %while3A_46  : i32 {
        %mul3A_49 = arith.constant 128 : i32
        %mul3A_50 = arith.muli %while3A_48, %mul3A_49 : i32
        %mul3A_51 = arith.constant 128 : i32
        %mul3A_52 = arith.muli %while3A_48, %mul3A_51 : i32
        "tpu.region"() ({
          %run_scoped3A = tpu.sem_alloc : memref<!tpu.dma_semaphore, #tpu.memory_space<semaphore_mem>>
          %dma_start3A = tpu.memref_slice %arg3[%mul3A_52] : memref<10112xf32, #tpu.memory_space<hbm>> -> memref<128xf32, #tpu.memory_space<hbm>>
          %dma_start3A_53 = tpu.memref_slice %arg8[%mul3A_50] : memref<10112xf32, #tpu.memory_space<vmem_shared>> -> memref<128xf32, #tpu.memory_space<vmem_shared>>
          tpu.enqueue_dma source(%dma_start3A_53 : memref<128xf32, #tpu.memory_space<vmem_shared>>) target(%dma_start3A : memref<128xf32, #tpu.memory_space<hbm>>) target_semaphore(%run_scoped3A : memref<!tpu.dma_semaphore, #tpu.memory_space<semaphore_mem>>)
          %dma_wait3A = tpu.memref_slice %arg3[%mul3A_52] : memref<10112xf32, #tpu.memory_space<hbm>> -> memref<128xf32, #tpu.memory_space<hbm>>
          %dma_wait3A_54 = tpu.memref_slice %arg8[%mul3A_50] : memref<10112xf32, #tpu.memory_space<vmem_shared>> -> memref<128xf32, #tpu.memory_space<vmem_shared>>
          tpu.wait_dma2 semaphore(%run_scoped3A : memref<!tpu.dma_semaphore, #tpu.memory_space<semaphore_mem>>) src(%dma_wait3A_54 : memref<128xf32, #tpu.memory_space<vmem_shared>>) dst(%dma_wait3A : memref<128xf32, #tpu.memory_space<hbm>>)
          tpu.yield
        }) : () -> ()
      }
      %while3A_47 = arith.constant 1 : i32
      scf.for %while3A_48 = %while3A_45 to %while3A_41 step %while3A_47  : i32 {
        %mul3A_49 = arith.constant 128 : i32
        %mul3A_50 = arith.muli %while3A_48, %mul3A_49 : i32
        %mul3A_51 = arith.constant 128 : i32
        %mul3A_52 = arith.muli %while3A_48, %mul3A_51 : i32
        "tpu.region"() ({
          %run_scoped3A = tpu.sem_alloc : memref<!tpu.dma_semaphore, #tpu.memory_space<semaphore_mem>>
          %dma_start3A = tpu.memref_slice %arg3[%mul3A_52] : memref<10112xf32, #tpu.memory_space<hbm>> -> memref<128xf32, #tpu.memory_space<hbm>>
          %dma_start3A_53 = tpu.memref_slice %arg8[%mul3A_50] : memref<10112xf32, #tpu.memory_space<vmem_shared>> -> memref<128xf32, #tpu.memory_space<vmem_shared>>
          tpu.enqueue_dma source(%dma_start3A_53 : memref<128xf32, #tpu.memory_space<vmem_shared>>) target(%dma_start3A : memref<128xf32, #tpu.memory_space<hbm>>) target_semaphore(%run_scoped3A : memref<!tpu.dma_semaphore, #tpu.memory_space<semaphore_mem>>)
          %dma_wait3A = tpu.memref_slice %arg3[%mul3A_52] : memref<10112xf32, #tpu.memory_space<hbm>> -> memref<128xf32, #tpu.memory_space<hbm>>
          %dma_wait3A_54 = tpu.memref_slice %arg8[%mul3A_50] : memref<10112xf32, #tpu.memory_space<vmem_shared>> -> memref<128xf32, #tpu.memory_space<vmem_shared>>
          tpu.wait_dma2 semaphore(%run_scoped3A : memref<!tpu.dma_semaphore, #tpu.memory_space<semaphore_mem>>) src(%dma_wait3A_54 : memref<128xf32, #tpu.memory_space<vmem_shared>>) dst(%dma_wait3A : memref<128xf32, #tpu.memory_space<hbm>>)
          tpu.yield
        }) : () -> ()
      }
    } else {
    }
    %eq3A_34 = arith.constant 1 : i32
    %eq3A_35 = arith.cmpi eq, %arg0, %eq3A_34 : i32
    %convert_element_type3A_36 = arith.extui %eq3A_35 : i1 to i32
    %cond3A_37 = arith.constant 0 : i32
    %cond3A_38 = arith.cmpi ne, %convert_element_type3A_36, %cond3A_37 : i32
    scf.if %cond3A_38 {
      %while3A_39 = arith.constant 0 : i32
      %while3A_40 = arith.subi %min3A_10, %mul3A_7 : i32
      %while3A_41 = arith.addi %mul3A_7, %while3A_40 : i32
      %while3A_42 = arith.constant 1 : i32
      %while3A_43 = arith.divsi %while3A_40, %while3A_42 : i32
      %while3A_44 = arith.muli %while3A_43, %while3A_42 : i32
      %while3A_45 = arith.addi %mul3A_7, %while3A_44 : i32
      %while3A_46 = arith.constant 1 : i32
      scf.for %while3A_48 = %mul3A_7 to %while3A_45 step %while3A_46  : i32 {
        %mul3A_49 = arith.constant 128 : i32
        %mul3A_50 = arith.muli %while3A_48, %mul3A_49 : i32
        %mul3A_51 = arith.constant 128 : i32
        %mul3A_52 = arith.muli %while3A_48, %mul3A_51 : i32
        "tpu.region"() ({
          %run_scoped3A = tpu.sem_alloc : memref<!tpu.dma_semaphore, #tpu.memory_space<semaphore_mem>>
          %dma_start3A = tpu.memref_slice %arg4[%mul3A_52] : memref<10112xf32, #tpu.memory_space<hbm>> -> memref<128xf32, #tpu.memory_space<hbm>>
          %dma_start3A_53 = tpu.memref_slice %arg8[%mul3A_50] : memref<10112xf32, #tpu.memory_space<vmem_shared>> -> memref<128xf32, #tpu.memory_space<vmem_shared>>
          tpu.enqueue_dma source(%dma_start3A_53 : memref<128xf32, #tpu.memory_space<vmem_shared>>) target(%dma_start3A : memref<128xf32, #tpu.memory_space<hbm>>) target_semaphore(%run_scoped3A : memref<!tpu.dma_semaphore, #tpu.memory_space<semaphore_mem>>)
          %dma_wait3A = tpu.memref_slice %arg4[%mul3A_52] : memref<10112xf32, #tpu.memory_space<hbm>> -> memref<128xf32, #tpu.memory_space<hbm>>
          %dma_wait3A_54 = tpu.memref_slice %arg8[%mul3A_50] : memref<10112xf32, #tpu.memory_space<vmem_shared>> -> memref<128xf32, #tpu.memory_space<vmem_shared>>
          tpu.wait_dma2 semaphore(%run_scoped3A : memref<!tpu.dma_semaphore, #tpu.memory_space<semaphore_mem>>) src(%dma_wait3A_54 : memref<128xf32, #tpu.memory_space<vmem_shared>>) dst(%dma_wait3A : memref<128xf32, #tpu.memory_space<hbm>>)
          tpu.yield
        }) : () -> ()
      }
      %while3A_47 = arith.constant 1 : i32
      scf.for %while3A_48 = %while3A_45 to %while3A_41 step %while3A_47  : i32 {
        %mul3A_49 = arith.constant 128 : i32
        %mul3A_50 = arith.muli %while3A_48, %mul3A_49 : i32
        %mul3A_51 = arith.constant 128 : i32
        %mul3A_52 = arith.muli %while3A_48, %mul3A_51 : i32
        "tpu.region"() ({
          %run_scoped3A = tpu.sem_alloc : memref<!tpu.dma_semaphore, #tpu.memory_space<semaphore_mem>>
          %dma_start3A = tpu.memref_slice %arg4[%mul3A_52] : memref<10112xf32, #tpu.memory_space<hbm>> -> memref<128xf32, #tpu.memory_space<hbm>>
          %dma_start3A_53 = tpu.memref_slice %arg8[%mul3A_50] : memref<10112xf32, #tpu.memory_space<vmem_shared>> -> memref<128xf32, #tpu.memory_space<vmem_shared>>
          tpu.enqueue_dma source(%dma_start3A_53 : memref<128xf32, #tpu.memory_space<vmem_shared>>) target(%dma_start3A : memref<128xf32, #tpu.memory_space<hbm>>) target_semaphore(%run_scoped3A : memref<!tpu.dma_semaphore, #tpu.memory_space<semaphore_mem>>)
          %dma_wait3A = tpu.memref_slice %arg4[%mul3A_52] : memref<10112xf32, #tpu.memory_space<hbm>> -> memref<128xf32, #tpu.memory_space<hbm>>
          %dma_wait3A_54 = tpu.memref_slice %arg8[%mul3A_50] : memref<10112xf32, #tpu.memory_space<vmem_shared>> -> memref<128xf32, #tpu.memory_space<vmem_shared>>
          tpu.wait_dma2 semaphore(%run_scoped3A : memref<!tpu.dma_semaphore, #tpu.memory_space<semaphore_mem>>) src(%dma_wait3A_54 : memref<128xf32, #tpu.memory_space<vmem_shared>>) dst(%dma_wait3A : memref<128xf32, #tpu.memory_space<hbm>>)
          tpu.yield
        }) : () -> ()
      }
    } else {
    }
    return
  }
}

#map = affine_map<(d0, d1) -> (0, 0)>
#map1 = affine_map<(d0, d1) -> (0, 0, 0)>
module attributes {stable_mosaic.version = 14 : i64} {
  func.func @_agg_kernel(%arg0: i32, %arg1: i32, %arg2: memref<10112x128xf32, #tpu.memory_space<hbm>>, %arg3: memref<32x80x128xi32, #tpu.memory_space<hbm>>, %arg4: memref<632x128xf32, #tpu.memory_space<hbm>>, %arg5: memref<2x10112x128xf32, #tpu.memory_space<hbm>>, %arg6: memref<80x128xi32, #tpu.memory_space<vmem>>, %arg7: memref<2x128xi32, #tpu.memory_space<vmem>>, %arg8: memref<2x128xi32, #tpu.memory_space<vmem>>, %arg9: memref<2x128x128xf32, #tpu.memory_space<vmem>>, %arg10: memref<10112x128xf32, #tpu.memory_space<vmem_shared>>, %arg11: memref<!tpu.dma_semaphore, #tpu.memory_space<semaphore_mem>>, %arg12: memref<!tpu.dma_semaphore, #tpu.memory_space<semaphore_mem>>, %arg13: memref<!tpu.dma_semaphore, #tpu.memory_space<semaphore_mem>>, %arg14: memref<!tpu.dma_semaphore, #tpu.memory_space<semaphore_mem>>) attributes {dimension_semantics = [#tpu.dimension_semantics<core_parallel>, #tpu.dimension_semantics<subcore_parallel>], iteration_bounds = array<i64: 2, 16>, scalar_prefetch = 0 : i64, scratch_operands = 9 : i64, tpu.core_type = #tpu.core_type<sc_vector_subcore>, window_params = [{transform_indices = #map}, {transform_indices = #map1}, {transform_indices = #map}, {transform_indices = #map1}]} {
    %mul3A = arith.constant 2 : i32
    %mul3A_0 = arith.muli %arg1, %mul3A : i32
    %add3A = arith.addi %mul3A_0, %arg0 : i32
    %mul3A_1 = arith.constant 632 : i32
    %mul3A_2 = arith.muli %arg1, %mul3A_1 : i32
    "tpu.region"() ({
      %run_scoped3A = tpu.sem_alloc : memref<!tpu.dma_semaphore, #tpu.memory_space<semaphore_mem>>
      %dma_start3A_419 = arith.constant 0 : i32
      %dma_start3A_420 = arith.constant 0 : i32
      %dma_start3A_421 = tpu.memref_slice %arg3[%add3A, %dma_start3A_419, %dma_start3A_420] : memref<32x80x128xi32, #tpu.memory_space<hbm>> -> memref<1x80x128xi32, #tpu.memory_space<hbm>>
      %dma_start3A_422 = tpu.memref_squeeze %dma_start3A_421 : memref<1x80x128xi32, #tpu.memory_space<hbm>> -> memref<80x128xi32, #tpu.memory_space<hbm>>
      %dma_start3A_423 = arith.constant 0 : i32
      %dma_start3A_424 = arith.constant 0 : i32
      %dma_start3A_425 = tpu.memref_slice %arg3[%add3A, %dma_start3A_423, %dma_start3A_424] : memref<32x80x128xi32, #tpu.memory_space<hbm>> -> memref<1x80x128xi32, #tpu.memory_space<hbm>>
      %dma_start3A_426 = tpu.memref_squeeze %dma_start3A_425 : memref<1x80x128xi32, #tpu.memory_space<hbm>> -> memref<80x128xi32, #tpu.memory_space<hbm>>
      tpu.enqueue_dma source(%dma_start3A_426 : memref<80x128xi32, #tpu.memory_space<hbm>>) target(%arg6 : memref<80x128xi32, #tpu.memory_space<vmem>>) target_semaphore(%run_scoped3A : memref<!tpu.dma_semaphore, #tpu.memory_space<semaphore_mem>>)
      %dma_wait3A_427 = arith.constant 0 : i32
      %dma_wait3A_428 = arith.constant 0 : i32
      %dma_wait3A_429 = tpu.memref_slice %arg3[%add3A, %dma_wait3A_427, %dma_wait3A_428] : memref<32x80x128xi32, #tpu.memory_space<hbm>> -> memref<1x80x128xi32, #tpu.memory_space<hbm>>
      %dma_wait3A_430 = tpu.memref_squeeze %dma_wait3A_429 : memref<1x80x128xi32, #tpu.memory_space<hbm>> -> memref<80x128xi32, #tpu.memory_space<hbm>>
      %dma_wait3A_431 = arith.constant 0 : i32
      %dma_wait3A_432 = arith.constant 0 : i32
      %dma_wait3A_433 = tpu.memref_slice %arg3[%add3A, %dma_wait3A_431, %dma_wait3A_432] : memref<32x80x128xi32, #tpu.memory_space<hbm>> -> memref<1x80x128xi32, #tpu.memory_space<hbm>>
      %dma_wait3A_434 = tpu.memref_squeeze %dma_wait3A_433 : memref<1x80x128xi32, #tpu.memory_space<hbm>> -> memref<80x128xi32, #tpu.memory_space<hbm>>
      tpu.wait_dma2 semaphore(%run_scoped3A : memref<!tpu.dma_semaphore, #tpu.memory_space<semaphore_mem>>) src(%dma_wait3A_434 : memref<80x128xi32, #tpu.memory_space<hbm>>) dst(%arg6 : memref<80x128xi32, #tpu.memory_space<vmem>>)
      tpu.yield
    }) : () -> ()
    "tpu.region"() ({
      %run_scoped3A = tpu.sem_alloc : memref<!tpu.dma_semaphore, #tpu.memory_space<semaphore_mem>>
      %dma_start3A_419 = arith.constant 0 : i32
      %dma_start3A_420 = tpu.memref_slice %arg10[%mul3A_2, %dma_start3A_419] : memref<10112x128xf32, #tpu.memory_space<vmem_shared>> -> memref<632x128xf32, #tpu.memory_space<vmem_shared>>
      tpu.enqueue_dma source(%arg4 : memref<632x128xf32, #tpu.memory_space<hbm>>) target(%dma_start3A_420 : memref<632x128xf32, #tpu.memory_space<vmem_shared>>) target_semaphore(%run_scoped3A : memref<!tpu.dma_semaphore, #tpu.memory_space<semaphore_mem>>)
      %dma_wait3A_421 = arith.constant 0 : i32
      %dma_wait3A_422 = tpu.memref_slice %arg10[%mul3A_2, %dma_wait3A_421] : memref<10112x128xf32, #tpu.memory_space<vmem_shared>> -> memref<632x128xf32, #tpu.memory_space<vmem_shared>>
      tpu.wait_dma2 semaphore(%run_scoped3A : memref<!tpu.dma_semaphore, #tpu.memory_space<semaphore_mem>>) src(%arg4 : memref<632x128xf32, #tpu.memory_space<hbm>>) dst(%dma_wait3A_422 : memref<632x128xf32, #tpu.memory_space<vmem_shared>>)
      tpu.yield
    }) : () -> ()
    %barrier3A = arith.constant 0 : index
    tpu.barrier barrier_id(%barrier3A)
    %get3A = arith.constant 0 : i32
    %get3A_3 = arith.index_cast %get3A : i32 to index
    %get3A_4 = arith.constant 0 : index
    %get3A_5 = tpu.vector_load %arg6[%get3A_3, %get3A_4] {strides = array<i32>} : memref<80x128xi32, #tpu.memory_space<vmem>>, vector<1x16xi32>,
    %get3A_6 = vector.shape_cast %get3A_5 : vector<1x16xi32> to vector<16xi32>
    %shift_right_arithmetic3A = arith.constant 16 : i32
    %shift_right_arithmetic3A_7 = vector.broadcast %shift_right_arithmetic3A : i32 to vector<16xi32>
    %shift_right_arithmetic3A_8 = arith.shrsi %get3A_6, %shift_right_arithmetic3A_7 : vector<16xi32>
    %swap3A = arith.constant 0 : i32
    %swap3A_9 = arith.index_cast %swap3A : i32 to index
    %swap3A_10 = arith.constant 0 : index
    %swap3A_11 = tpu.vector_load %arg7[%swap3A_9, %swap3A_10] {strides = array<i32>} : memref<2x128xi32, #tpu.memory_space<vmem>>, vector<1x16xi32>,
    %swap3A_12 = vector.shape_cast %swap3A_11 : vector<1x16xi32> to vector<16xi32>
    %swap3A_13 = vector.shape_cast %shift_right_arithmetic3A_8 : vector<16xi32> to vector<1x16xi32>
    tpu.vector_store %arg7[%swap3A_9, %swap3A_10], %swap3A_13 {strides = array<i32>} : memref<2x128xi32, #tpu.memory_space<vmem>>, vector<1x16xi32>,
    %and3A = arith.constant 65535 : i32
    %and3A_14 = vector.broadcast %and3A : i32 to vector<16xi32>
    %and3A_15 = arith.andi %get3A_6, %and3A_14 : vector<16xi32>
    %swap3A_16 = arith.constant 0 : i32
    %swap3A_17 = arith.index_cast %swap3A_16 : i32 to index
    %swap3A_18 = arith.constant 0 : index
    %swap3A_19 = tpu.vector_load %arg8[%swap3A_17, %swap3A_18] {strides = array<i32>} : memref<2x128xi32, #tpu.memory_space<vmem>>, vector<1x16xi32>,
    %swap3A_20 = vector.shape_cast %swap3A_19 : vector<1x16xi32> to vector<16xi32>
    %swap3A_21 = vector.shape_cast %and3A_15 : vector<16xi32> to vector<1x16xi32>
    tpu.vector_store %arg8[%swap3A_17, %swap3A_18], %swap3A_21 {strides = array<i32>} : memref<2x128xi32, #tpu.memory_space<vmem>>, vector<1x16xi32>,
    %get3A_22 = arith.constant 0 : i32
    %get3A_23 = arith.index_cast %get3A_22 : i32 to index
    %get3A_24 = arith.constant 16 : index
    %get3A_25 = tpu.vector_load %arg6[%get3A_23, %get3A_24] {strides = array<i32>} : memref<80x128xi32, #tpu.memory_space<vmem>>, vector<1x16xi32>,
    %get3A_26 = vector.shape_cast %get3A_25 : vector<1x16xi32> to vector<16xi32>
    %shift_right_arithmetic3A_27 = arith.constant 16 : i32
    %shift_right_arithmetic3A_28 = vector.broadcast %shift_right_arithmetic3A_27 : i32 to vector<16xi32>
    %shift_right_arithmetic3A_29 = arith.shrsi %get3A_26, %shift_right_arithmetic3A_28 : vector<16xi32>
    %swap3A_30 = arith.constant 0 : i32
    %swap3A_31 = arith.index_cast %swap3A_30 : i32 to index
    %swap3A_32 = arith.constant 16 : index
    %swap3A_33 = tpu.vector_load %arg7[%swap3A_31, %swap3A_32] {strides = array<i32>} : memref<2x128xi32, #tpu.memory_space<vmem>>, vector<1x16xi32>,
    %swap3A_34 = vector.shape_cast %swap3A_33 : vector<1x16xi32> to vector<16xi32>
    %swap3A_35 = vector.shape_cast %shift_right_arithmetic3A_29 : vector<16xi32> to vector<1x16xi32>
    tpu.vector_store %arg7[%swap3A_31, %swap3A_32], %swap3A_35 {strides = array<i32>} : memref<2x128xi32, #tpu.memory_space<vmem>>, vector<1x16xi32>,
    %and3A_36 = arith.constant 65535 : i32
    %and3A_37 = vector.broadcast %and3A_36 : i32 to vector<16xi32>
    %and3A_38 = arith.andi %get3A_26, %and3A_37 : vector<16xi32>
    %swap3A_39 = arith.constant 0 : i32
    %swap3A_40 = arith.index_cast %swap3A_39 : i32 to index
    %swap3A_41 = arith.constant 16 : index
    %swap3A_42 = tpu.vector_load %arg8[%swap3A_40, %swap3A_41] {strides = array<i32>} : memref<2x128xi32, #tpu.memory_space<vmem>>, vector<1x16xi32>,
    %swap3A_43 = vector.shape_cast %swap3A_42 : vector<1x16xi32> to vector<16xi32>
    %swap3A_44 = vector.shape_cast %and3A_38 : vector<16xi32> to vector<1x16xi32>
    tpu.vector_store %arg8[%swap3A_40, %swap3A_41], %swap3A_44 {strides = array<i32>} : memref<2x128xi32, #tpu.memory_space<vmem>>, vector<1x16xi32>,
    %get3A_45 = arith.constant 0 : i32
    %get3A_46 = arith.index_cast %get3A_45 : i32 to index
    %get3A_47 = arith.constant 32 : index
    %get3A_48 = tpu.vector_load %arg6[%get3A_46, %get3A_47] {strides = array<i32>} : memref<80x128xi32, #tpu.memory_space<vmem>>, vector<1x16xi32>,
    %get3A_49 = vector.shape_cast %get3A_48 : vector<1x16xi32> to vector<16xi32>
    %shift_right_arithmetic3A_50 = arith.constant 16 : i32
    %shift_right_arithmetic3A_51 = vector.broadcast %shift_right_arithmetic3A_50 : i32 to vector<16xi32>
    %shift_right_arithmetic3A_52 = arith.shrsi %get3A_49, %shift_right_arithmetic3A_51 : vector<16xi32>
    %swap3A_53 = arith.constant 0 : i32
    %swap3A_54 = arith.index_cast %swap3A_53 : i32 to index
    %swap3A_55 = arith.constant 32 : index
    %swap3A_56 = tpu.vector_load %arg7[%swap3A_54, %swap3A_55] {strides = array<i32>} : memref<2x128xi32, #tpu.memory_space<vmem>>, vector<1x16xi32>,
    %swap3A_57 = vector.shape_cast %swap3A_56 : vector<1x16xi32> to vector<16xi32>
    %swap3A_58 = vector.shape_cast %shift_right_arithmetic3A_52 : vector<16xi32> to vector<1x16xi32>
    tpu.vector_store %arg7[%swap3A_54, %swap3A_55], %swap3A_58 {strides = array<i32>} : memref<2x128xi32, #tpu.memory_space<vmem>>, vector<1x16xi32>,
    %and3A_59 = arith.constant 65535 : i32
    %and3A_60 = vector.broadcast %and3A_59 : i32 to vector<16xi32>
    %and3A_61 = arith.andi %get3A_49, %and3A_60 : vector<16xi32>
    %swap3A_62 = arith.constant 0 : i32
    %swap3A_63 = arith.index_cast %swap3A_62 : i32 to index
    %swap3A_64 = arith.constant 32 : index
    %swap3A_65 = tpu.vector_load %arg8[%swap3A_63, %swap3A_64] {strides = array<i32>} : memref<2x128xi32, #tpu.memory_space<vmem>>, vector<1x16xi32>,
    %swap3A_66 = vector.shape_cast %swap3A_65 : vector<1x16xi32> to vector<16xi32>
    %swap3A_67 = vector.shape_cast %and3A_61 : vector<16xi32> to vector<1x16xi32>
    tpu.vector_store %arg8[%swap3A_63, %swap3A_64], %swap3A_67 {strides = array<i32>} : memref<2x128xi32, #tpu.memory_space<vmem>>, vector<1x16xi32>,
    %get3A_68 = arith.constant 0 : i32
    %get3A_69 = arith.index_cast %get3A_68 : i32 to index
    %get3A_70 = arith.constant 48 : index
    %get3A_71 = tpu.vector_load %arg6[%get3A_69, %get3A_70] {strides = array<i32>} : memref<80x128xi32, #tpu.memory_space<vmem>>, vector<1x16xi32>,
    %get3A_72 = vector.shape_cast %get3A_71 : vector<1x16xi32> to vector<16xi32>
    %shift_right_arithmetic3A_73 = arith.constant 16 : i32
    %shift_right_arithmetic3A_74 = vector.broadcast %shift_right_arithmetic3A_73 : i32 to vector<16xi32>
    %shift_right_arithmetic3A_75 = arith.shrsi %get3A_72, %shift_right_arithmetic3A_74 : vector<16xi32>
    %swap3A_76 = arith.constant 0 : i32
    %swap3A_77 = arith.index_cast %swap3A_76 : i32 to index
    %swap3A_78 = arith.constant 48 : index
    %swap3A_79 = tpu.vector_load %arg7[%swap3A_77, %swap3A_78] {strides = array<i32>} : memref<2x128xi32, #tpu.memory_space<vmem>>, vector<1x16xi32>,
    %swap3A_80 = vector.shape_cast %swap3A_79 : vector<1x16xi32> to vector<16xi32>
    %swap3A_81 = vector.shape_cast %shift_right_arithmetic3A_75 : vector<16xi32> to vector<1x16xi32>
    tpu.vector_store %arg7[%swap3A_77, %swap3A_78], %swap3A_81 {strides = array<i32>} : memref<2x128xi32, #tpu.memory_space<vmem>>, vector<1x16xi32>,
    %and3A_82 = arith.constant 65535 : i32
    %and3A_83 = vector.broadcast %and3A_82 : i32 to vector<16xi32>
    %and3A_84 = arith.andi %get3A_72, %and3A_83 : vector<16xi32>
    %swap3A_85 = arith.constant 0 : i32
    %swap3A_86 = arith.index_cast %swap3A_85 : i32 to index
    %swap3A_87 = arith.constant 48 : index
    %swap3A_88 = tpu.vector_load %arg8[%swap3A_86, %swap3A_87] {strides = array<i32>} : memref<2x128xi32, #tpu.memory_space<vmem>>, vector<1x16xi32>,
    %swap3A_89 = vector.shape_cast %swap3A_88 : vector<1x16xi32> to vector<16xi32>
    %swap3A_90 = vector.shape_cast %and3A_84 : vector<16xi32> to vector<1x16xi32>
    tpu.vector_store %arg8[%swap3A_86, %swap3A_87], %swap3A_90 {strides = array<i32>} : memref<2x128xi32, #tpu.memory_space<vmem>>, vector<1x16xi32>,
    %get3A_91 = arith.constant 0 : i32
    %get3A_92 = arith.index_cast %get3A_91 : i32 to index
    %get3A_93 = arith.constant 64 : index
    %get3A_94 = tpu.vector_load %arg6[%get3A_92, %get3A_93] {strides = array<i32>} : memref<80x128xi32, #tpu.memory_space<vmem>>, vector<1x16xi32>,
    %get3A_95 = vector.shape_cast %get3A_94 : vector<1x16xi32> to vector<16xi32>
    %shift_right_arithmetic3A_96 = arith.constant 16 : i32
    %shift_right_arithmetic3A_97 = vector.broadcast %shift_right_arithmetic3A_96 : i32 to vector<16xi32>
    %shift_right_arithmetic3A_98 = arith.shrsi %get3A_95, %shift_right_arithmetic3A_97 : vector<16xi32>
    %swap3A_99 = arith.constant 0 : i32
    %swap3A_100 = arith.index_cast %swap3A_99 : i32 to index
    %swap3A_101 = arith.constant 64 : index
    %swap3A_102 = tpu.vector_load %arg7[%swap3A_100, %swap3A_101] {strides = array<i32>} : memref<2x128xi32, #tpu.memory_space<vmem>>, vector<1x16xi32>,
    %swap3A_103 = vector.shape_cast %swap3A_102 : vector<1x16xi32> to vector<16xi32>
    %swap3A_104 = vector.shape_cast %shift_right_arithmetic3A_98 : vector<16xi32> to vector<1x16xi32>
    tpu.vector_store %arg7[%swap3A_100, %swap3A_101], %swap3A_104 {strides = array<i32>} : memref<2x128xi32, #tpu.memory_space<vmem>>, vector<1x16xi32>,
    %and3A_105 = arith.constant 65535 : i32
    %and3A_106 = vector.broadcast %and3A_105 : i32 to vector<16xi32>
    %and3A_107 = arith.andi %get3A_95, %and3A_106 : vector<16xi32>
    %swap3A_108 = arith.constant 0 : i32
    %swap3A_109 = arith.index_cast %swap3A_108 : i32 to index
    %swap3A_110 = arith.constant 64 : index
    %swap3A_111 = tpu.vector_load %arg8[%swap3A_109, %swap3A_110] {strides = array<i32>} : memref<2x128xi32, #tpu.memory_space<vmem>>, vector<1x16xi32>,
    %swap3A_112 = vector.shape_cast %swap3A_111 : vector<1x16xi32> to vector<16xi32>
    %swap3A_113 = vector.shape_cast %and3A_107 : vector<16xi32> to vector<1x16xi32>
    tpu.vector_store %arg8[%swap3A_109, %swap3A_110], %swap3A_113 {strides = array<i32>} : memref<2x128xi32, #tpu.memory_space<vmem>>, vector<1x16xi32>,
    %get3A_114 = arith.constant 0 : i32
    %get3A_115 = arith.index_cast %get3A_114 : i32 to index
    %get3A_116 = arith.constant 80 : index
    %get3A_117 = tpu.vector_load %arg6[%get3A_115, %get3A_116] {strides = array<i32>} : memref<80x128xi32, #tpu.memory_space<vmem>>, vector<1x16xi32>,
    %get3A_118 = vector.shape_cast %get3A_117 : vector<1x16xi32> to vector<16xi32>
    %shift_right_arithmetic3A_119 = arith.constant 16 : i32
    %shift_right_arithmetic3A_120 = vector.broadcast %shift_right_arithmetic3A_119 : i32 to vector<16xi32>
    %shift_right_arithmetic3A_121 = arith.shrsi %get3A_118, %shift_right_arithmetic3A_120 : vector<16xi32>
    %swap3A_122 = arith.constant 0 : i32
    %swap3A_123 = arith.index_cast %swap3A_122 : i32 to index
    %swap3A_124 = arith.constant 80 : index
    %swap3A_125 = tpu.vector_load %arg7[%swap3A_123, %swap3A_124] {strides = array<i32>} : memref<2x128xi32, #tpu.memory_space<vmem>>, vector<1x16xi32>,
    %swap3A_126 = vector.shape_cast %swap3A_125 : vector<1x16xi32> to vector<16xi32>
    %swap3A_127 = vector.shape_cast %shift_right_arithmetic3A_121 : vector<16xi32> to vector<1x16xi32>
    tpu.vector_store %arg7[%swap3A_123, %swap3A_124], %swap3A_127 {strides = array<i32>} : memref<2x128xi32, #tpu.memory_space<vmem>>, vector<1x16xi32>,
    %and3A_128 = arith.constant 65535 : i32
    %and3A_129 = vector.broadcast %and3A_128 : i32 to vector<16xi32>
    %and3A_130 = arith.andi %get3A_118, %and3A_129 : vector<16xi32>
    %swap3A_131 = arith.constant 0 : i32
    %swap3A_132 = arith.index_cast %swap3A_131 : i32 to index
    %swap3A_133 = arith.constant 80 : index
    %swap3A_134 = tpu.vector_load %arg8[%swap3A_132, %swap3A_133] {strides = array<i32>} : memref<2x128xi32, #tpu.memory_space<vmem>>, vector<1x16xi32>,
    %swap3A_135 = vector.shape_cast %swap3A_134 : vector<1x16xi32> to vector<16xi32>
    %swap3A_136 = vector.shape_cast %and3A_130 : vector<16xi32> to vector<1x16xi32>
    tpu.vector_store %arg8[%swap3A_132, %swap3A_133], %swap3A_136 {strides = array<i32>} : memref<2x128xi32, #tpu.memory_space<vmem>>, vector<1x16xi32>,
    %get3A_137 = arith.constant 0 : i32
    %get3A_138 = arith.index_cast %get3A_137 : i32 to index
    %get3A_139 = arith.constant 96 : index
    %get3A_140 = tpu.vector_load %arg6[%get3A_138, %get3A_139] {strides = array<i32>} : memref<80x128xi32, #tpu.memory_space<vmem>>, vector<1x16xi32>,
    %get3A_141 = vector.shape_cast %get3A_140 : vector<1x16xi32> to vector<16xi32>
    %shift_right_arithmetic3A_142 = arith.constant 16 : i32
    %shift_right_arithmetic3A_143 = vector.broadcast %shift_right_arithmetic3A_142 : i32 to vector<16xi32>
    %shift_right_arithmetic3A_144 = arith.shrsi %get3A_141, %shift_right_arithmetic3A_143 : vector<16xi32>
    %swap3A_145 = arith.constant 0 : i32
    %swap3A_146 = arith.index_cast %swap3A_145 : i32 to index
    %swap3A_147 = arith.constant 96 : index
    %swap3A_148 = tpu.vector_load %arg7[%swap3A_146, %swap3A_147] {strides = array<i32>} : memref<2x128xi32, #tpu.memory_space<vmem>>, vector<1x16xi32>,
    %swap3A_149 = vector.shape_cast %swap3A_148 : vector<1x16xi32> to vector<16xi32>
    %swap3A_150 = vector.shape_cast %shift_right_arithmetic3A_144 : vector<16xi32> to vector<1x16xi32>
    tpu.vector_store %arg7[%swap3A_146, %swap3A_147], %swap3A_150 {strides = array<i32>} : memref<2x128xi32, #tpu.memory_space<vmem>>, vector<1x16xi32>,
    %and3A_151 = arith.constant 65535 : i32
    %and3A_152 = vector.broadcast %and3A_151 : i32 to vector<16xi32>
    %and3A_153 = arith.andi %get3A_141, %and3A_152 : vector<16xi32>
    %swap3A_154 = arith.constant 0 : i32
    %swap3A_155 = arith.index_cast %swap3A_154 : i32 to index
    %swap3A_156 = arith.constant 96 : index
    %swap3A_157 = tpu.vector_load %arg8[%swap3A_155, %swap3A_156] {strides = array<i32>} : memref<2x128xi32, #tpu.memory_space<vmem>>, vector<1x16xi32>,
    %swap3A_158 = vector.shape_cast %swap3A_157 : vector<1x16xi32> to vector<16xi32>
    %swap3A_159 = vector.shape_cast %and3A_153 : vector<16xi32> to vector<1x16xi32>
    tpu.vector_store %arg8[%swap3A_155, %swap3A_156], %swap3A_159 {strides = array<i32>} : memref<2x128xi32, #tpu.memory_space<vmem>>, vector<1x16xi32>,
    %get3A_160 = arith.constant 0 : i32
    %get3A_161 = arith.index_cast %get3A_160 : i32 to index
    %get3A_162 = arith.constant 112 : index
    %get3A_163 = tpu.vector_load %arg6[%get3A_161, %get3A_162] {strides = array<i32>} : memref<80x128xi32, #tpu.memory_space<vmem>>, vector<1x16xi32>,
    %get3A_164 = vector.shape_cast %get3A_163 : vector<1x16xi32> to vector<16xi32>
    %shift_right_arithmetic3A_165 = arith.constant 16 : i32
    %shift_right_arithmetic3A_166 = vector.broadcast %shift_right_arithmetic3A_165 : i32 to vector<16xi32>
    %shift_right_arithmetic3A_167 = arith.shrsi %get3A_164, %shift_right_arithmetic3A_166 : vector<16xi32>
    %swap3A_168 = arith.constant 0 : i32
    %swap3A_169 = arith.index_cast %swap3A_168 : i32 to index
    %swap3A_170 = arith.constant 112 : index
    %swap3A_171 = tpu.vector_load %arg7[%swap3A_169, %swap3A_170] {strides = array<i32>} : memref<2x128xi32, #tpu.memory_space<vmem>>, vector<1x16xi32>,
    %swap3A_172 = vector.shape_cast %swap3A_171 : vector<1x16xi32> to vector<16xi32>
    %swap3A_173 = vector.shape_cast %shift_right_arithmetic3A_167 : vector<16xi32> to vector<1x16xi32>
    tpu.vector_store %arg7[%swap3A_169, %swap3A_170], %swap3A_173 {strides = array<i32>} : memref<2x128xi32, #tpu.memory_space<vmem>>, vector<1x16xi32>,
    %and3A_174 = arith.constant 65535 : i32
    %and3A_175 = vector.broadcast %and3A_174 : i32 to vector<16xi32>
    %and3A_176 = arith.andi %get3A_164, %and3A_175 : vector<16xi32>
    %swap3A_177 = arith.constant 0 : i32
    %swap3A_178 = arith.index_cast %swap3A_177 : i32 to index
    %swap3A_179 = arith.constant 112 : index
    %swap3A_180 = tpu.vector_load %arg8[%swap3A_178, %swap3A_179] {strides = array<i32>} : memref<2x128xi32, #tpu.memory_space<vmem>>, vector<1x16xi32>,
    %swap3A_181 = vector.shape_cast %swap3A_180 : vector<1x16xi32> to vector<16xi32>
    %swap3A_182 = vector.shape_cast %and3A_176 : vector<16xi32> to vector<1x16xi32>
    tpu.vector_store %arg8[%swap3A_178, %swap3A_179], %swap3A_182 {strides = array<i32>} : memref<2x128xi32, #tpu.memory_space<vmem>>, vector<1x16xi32>,
    %dma_start3A = arith.constant 0 : i32
    %dma_start3A_183 = arith.constant 0 : i32
    %dma_start3A_184 = arith.constant 0 : i32
    %dma_start3A_185 = arith.constant 0 : i32
    %dma_start3A_186 = tpu.memref_slice %arg9[%dma_start3A_183, %dma_start3A_184, %dma_start3A_185] : memref<2x128x128xf32, #tpu.memory_space<vmem>> -> memref<1x128x128xf32, #tpu.memory_space<vmem>>
    %dma_start3A_187 = tpu.memref_squeeze %dma_start3A_186 : memref<1x128x128xf32, #tpu.memory_space<vmem>> -> memref<128x128xf32, #tpu.memory_space<vmem>>
    %dma_start3A_188 = arith.constant 0 : i32
    %dma_start3A_189 = tpu.memref_slice %arg7[%dma_start3A, %dma_start3A_188] : memref<2x128xi32, #tpu.memory_space<vmem>> -> memref<1x128xi32, #tpu.memory_space<vmem>>
    %dma_start3A_190 = tpu.memref_squeeze %dma_start3A_189 : memref<1x128xi32, #tpu.memory_space<vmem>> -> memref<128xi32, #tpu.memory_space<vmem>>
    %dma_start3A_191 = arith.constant 0 : i32
    %dma_start3A_192 = arith.constant 0 : i32
    %dma_start3A_193 = tpu.memref_slice %arg2[%dma_start3A_191, %dma_start3A_192] : memref<10112x128xf32, #tpu.memory_space<hbm>> -> memref<10112x128xf32, #tpu.memory_space<hbm>>
    tpu.enqueue_indirect_dma source(%dma_start3A_193 : memref<10112x128xf32, #tpu.memory_space<hbm>>) target(%dma_start3A_187 : memref<128x128xf32, #tpu.memory_space<vmem>>) offsets(%dma_start3A_190 : memref<128xi32, #tpu.memory_space<vmem>>) semaphore(%arg11 : memref<!tpu.dma_semaphore, #tpu.memory_space<semaphore_mem>>)
    %get3A_194 = arith.constant 1 : i32
    %get3A_195 = arith.index_cast %get3A_194 : i32 to index
    %get3A_196 = arith.constant 0 : index
    %get3A_197 = tpu.vector_load %arg6[%get3A_195, %get3A_196] {strides = array<i32>} : memref<80x128xi32, #tpu.memory_space<vmem>>, vector<1x16xi32>,
    %get3A_198 = vector.shape_cast %get3A_197 : vector<1x16xi32> to vector<16xi32>
    %shift_right_arithmetic3A_199 = arith.constant 16 : i32
    %shift_right_arithmetic3A_200 = vector.broadcast %shift_right_arithmetic3A_199 : i32 to vector<16xi32>
    %shift_right_arithmetic3A_201 = arith.shrsi %get3A_198, %shift_right_arithmetic3A_200 : vector<16xi32>
    %swap3A_202 = arith.constant 1 : i32
    %swap3A_203 = arith.index_cast %swap3A_202 : i32 to index
    %swap3A_204 = arith.constant 0 : index
    %swap3A_205 = tpu.vector_load %arg7[%swap3A_203, %swap3A_204] {strides = array<i32>} : memref<2x128xi32, #tpu.memory_space<vmem>>, vector<1x16xi32>,
    %swap3A_206 = vector.shape_cast %swap3A_205 : vector<1x16xi32> to vector<16xi32>
    %swap3A_207 = vector.shape_cast %shift_right_arithmetic3A_201 : vector<16xi32> to vector<1x16xi32>
    tpu.vector_store %arg7[%swap3A_203, %swap3A_204], %swap3A_207 {strides = array<i32>} : memref<2x128xi32, #tpu.memory_space<vmem>>, vector<1x16xi32>,
    %and3A_208 = arith.constant 65535 : i32
    %and3A_209 = vector.broadcast %and3A_208 : i32 to vector<16xi32>
    %and3A_210 = arith.andi %get3A_198, %and3A_209 : vector<16xi32>
    %swap3A_211 = arith.constant 1 : i32
    %swap3A_212 = arith.index_cast %swap3A_211 : i32 to index
    %swap3A_213 = arith.constant 0 : index
    %swap3A_214 = tpu.vector_load %arg8[%swap3A_212, %swap3A_213] {strides = array<i32>} : memref<2x128xi32, #tpu.memory_space<vmem>>, vector<1x16xi32>,
    %swap3A_215 = vector.shape_cast %swap3A_214 : vector<1x16xi32> to vector<16xi32>
    %swap3A_216 = vector.shape_cast %and3A_210 : vector<16xi32> to vector<1x16xi32>
    tpu.vector_store %arg8[%swap3A_212, %swap3A_213], %swap3A_216 {strides = array<i32>} : memref<2x128xi32, #tpu.memory_space<vmem>>, vector<1x16xi32>,
    %get3A_217 = arith.constant 1 : i32
    %get3A_218 = arith.index_cast %get3A_217 : i32 to index
    %get3A_219 = arith.constant 16 : index
    %get3A_220 = tpu.vector_load %arg6[%get3A_218, %get3A_219] {strides = array<i32>} : memref<80x128xi32, #tpu.memory_space<vmem>>, vector<1x16xi32>,
    %get3A_221 = vector.shape_cast %get3A_220 : vector<1x16xi32> to vector<16xi32>
    %shift_right_arithmetic3A_222 = arith.constant 16 : i32
    %shift_right_arithmetic3A_223 = vector.broadcast %shift_right_arithmetic3A_222 : i32 to vector<16xi32>
    %shift_right_arithmetic3A_224 = arith.shrsi %get3A_221, %shift_right_arithmetic3A_223 : vector<16xi32>
    %swap3A_225 = arith.constant 1 : i32
    %swap3A_226 = arith.index_cast %swap3A_225 : i32 to index
    %swap3A_227 = arith.constant 16 : index
    %swap3A_228 = tpu.vector_load %arg7[%swap3A_226, %swap3A_227] {strides = array<i32>} : memref<2x128xi32, #tpu.memory_space<vmem>>, vector<1x16xi32>,
    %swap3A_229 = vector.shape_cast %swap3A_228 : vector<1x16xi32> to vector<16xi32>
    %swap3A_230 = vector.shape_cast %shift_right_arithmetic3A_224 : vector<16xi32> to vector<1x16xi32>
    tpu.vector_store %arg7[%swap3A_226, %swap3A_227], %swap3A_230 {strides = array<i32>} : memref<2x128xi32, #tpu.memory_space<vmem>>, vector<1x16xi32>,
    %and3A_231 = arith.constant 65535 : i32
    %and3A_232 = vector.broadcast %and3A_231 : i32 to vector<16xi32>
    %and3A_233 = arith.andi %get3A_221, %and3A_232 : vector<16xi32>
    %swap3A_234 = arith.constant 1 : i32
    %swap3A_235 = arith.index_cast %swap3A_234 : i32 to index
    %swap3A_236 = arith.constant 16 : index
    %swap3A_237 = tpu.vector_load %arg8[%swap3A_235, %swap3A_236] {strides = array<i32>} : memref<2x128xi32, #tpu.memory_space<vmem>>, vector<1x16xi32>,
    %swap3A_238 = vector.shape_cast %swap3A_237 : vector<1x16xi32> to vector<16xi32>
    %swap3A_239 = vector.shape_cast %and3A_233 : vector<16xi32> to vector<1x16xi32>
    tpu.vector_store %arg8[%swap3A_235, %swap3A_236], %swap3A_239 {strides = array<i32>} : memref<2x128xi32, #tpu.memory_space<vmem>>, vector<1x16xi32>,
    %get3A_240 = arith.constant 1 : i32
    %get3A_241 = arith.index_cast %get3A_240 : i32 to index
    %get3A_242 = arith.constant 32 : index
    %get3A_243 = tpu.vector_load %arg6[%get3A_241, %get3A_242] {strides = array<i32>} : memref<80x128xi32, #tpu.memory_space<vmem>>, vector<1x16xi32>,
    %get3A_244 = vector.shape_cast %get3A_243 : vector<1x16xi32> to vector<16xi32>
    %shift_right_arithmetic3A_245 = arith.constant 16 : i32
    %shift_right_arithmetic3A_246 = vector.broadcast %shift_right_arithmetic3A_245 : i32 to vector<16xi32>
    %shift_right_arithmetic3A_247 = arith.shrsi %get3A_244, %shift_right_arithmetic3A_246 : vector<16xi32>
    %swap3A_248 = arith.constant 1 : i32
    %swap3A_249 = arith.index_cast %swap3A_248 : i32 to index
    %swap3A_250 = arith.constant 32 : index
    %swap3A_251 = tpu.vector_load %arg7[%swap3A_249, %swap3A_250] {strides = array<i32>} : memref<2x128xi32, #tpu.memory_space<vmem>>, vector<1x16xi32>,
    %swap3A_252 = vector.shape_cast %swap3A_251 : vector<1x16xi32> to vector<16xi32>
    %swap3A_253 = vector.shape_cast %shift_right_arithmetic3A_247 : vector<16xi32> to vector<1x16xi32>
    tpu.vector_store %arg7[%swap3A_249, %swap3A_250], %swap3A_253 {strides = array<i32>} : memref<2x128xi32, #tpu.memory_space<vmem>>, vector<1x16xi32>,
    %and3A_254 = arith.constant 65535 : i32
    %and3A_255 = vector.broadcast %and3A_254 : i32 to vector<16xi32>
    %and3A_256 = arith.andi %get3A_244, %and3A_255 : vector<16xi32>
    %swap3A_257 = arith.constant 1 : i32
    %swap3A_258 = arith.index_cast %swap3A_257 : i32 to index
    %swap3A_259 = arith.constant 32 : index
    %swap3A_260 = tpu.vector_load %arg8[%swap3A_258, %swap3A_259] {strides = array<i32>} : memref<2x128xi32, #tpu.memory_space<vmem>>, vector<1x16xi32>,
    %swap3A_261 = vector.shape_cast %swap3A_260 : vector<1x16xi32> to vector<16xi32>
    %swap3A_262 = vector.shape_cast %and3A_256 : vector<16xi32> to vector<1x16xi32>
    tpu.vector_store %arg8[%swap3A_258, %swap3A_259], %swap3A_262 {strides = array<i32>} : memref<2x128xi32, #tpu.memory_space<vmem>>, vector<1x16xi32>,
    %get3A_263 = arith.constant 1 : i32
    %get3A_264 = arith.index_cast %get3A_263 : i32 to index
    %get3A_265 = arith.constant 48 : index
    %get3A_266 = tpu.vector_load %arg6[%get3A_264, %get3A_265] {strides = array<i32>} : memref<80x128xi32, #tpu.memory_space<vmem>>, vector<1x16xi32>,
    %get3A_267 = vector.shape_cast %get3A_266 : vector<1x16xi32> to vector<16xi32>
    %shift_right_arithmetic3A_268 = arith.constant 16 : i32
    %shift_right_arithmetic3A_269 = vector.broadcast %shift_right_arithmetic3A_268 : i32 to vector<16xi32>
    %shift_right_arithmetic3A_270 = arith.shrsi %get3A_267, %shift_right_arithmetic3A_269 : vector<16xi32>
    %swap3A_271 = arith.constant 1 : i32
    %swap3A_272 = arith.index_cast %swap3A_271 : i32 to index
    %swap3A_273 = arith.constant 48 : index
    %swap3A_274 = tpu.vector_load %arg7[%swap3A_272, %swap3A_273] {strides = array<i32>} : memref<2x128xi32, #tpu.memory_space<vmem>>, vector<1x16xi32>,
    %swap3A_275 = vector.shape_cast %swap3A_274 : vector<1x16xi32> to vector<16xi32>
    %swap3A_276 = vector.shape_cast %shift_right_arithmetic3A_270 : vector<16xi32> to vector<1x16xi32>
    tpu.vector_store %arg7[%swap3A_272, %swap3A_273], %swap3A_276 {strides = array<i32>} : memref<2x128xi32, #tpu.memory_space<vmem>>, vector<1x16xi32>,
    %and3A_277 = arith.constant 65535 : i32
    %and3A_278 = vector.broadcast %and3A_277 : i32 to vector<16xi32>
    %and3A_279 = arith.andi %get3A_267, %and3A_278 : vector<16xi32>
    %swap3A_280 = arith.constant 1 : i32
    %swap3A_281 = arith.index_cast %swap3A_280 : i32 to index
    %swap3A_282 = arith.constant 48 : index
    %swap3A_283 = tpu.vector_load %arg8[%swap3A_281, %swap3A_282] {strides = array<i32>} : memref<2x128xi32, #tpu.memory_space<vmem>>, vector<1x16xi32>,
    %swap3A_284 = vector.shape_cast %swap3A_283 : vector<1x16xi32> to vector<16xi32>
    %swap3A_285 = vector.shape_cast %and3A_279 : vector<16xi32> to vector<1x16xi32>
    tpu.vector_store %arg8[%swap3A_281, %swap3A_282], %swap3A_285 {strides = array<i32>} : memref<2x128xi32, #tpu.memory_space<vmem>>, vector<1x16xi32>,
    %get3A_286 = arith.constant 1 : i32
    %get3A_287 = arith.index_cast %get3A_286 : i32 to index
    %get3A_288 = arith.constant 64 : index
    %get3A_289 = tpu.vector_load %arg6[%get3A_287, %get3A_288] {strides = array<i32>} : memref<80x128xi32, #tpu.memory_space<vmem>>, vector<1x16xi32>,
    %get3A_290 = vector.shape_cast %get3A_289 : vector<1x16xi32> to vector<16xi32>
    %shift_right_arithmetic3A_291 = arith.constant 16 : i32
    %shift_right_arithmetic3A_292 = vector.broadcast %shift_right_arithmetic3A_291 : i32 to vector<16xi32>
    %shift_right_arithmetic3A_293 = arith.shrsi %get3A_290, %shift_right_arithmetic3A_292 : vector<16xi32>
    %swap3A_294 = arith.constant 1 : i32
    %swap3A_295 = arith.index_cast %swap3A_294 : i32 to index
    %swap3A_296 = arith.constant 64 : index
    %swap3A_297 = tpu.vector_load %arg7[%swap3A_295, %swap3A_296] {strides = array<i32>} : memref<2x128xi32, #tpu.memory_space<vmem>>, vector<1x16xi32>,
    %swap3A_298 = vector.shape_cast %swap3A_297 : vector<1x16xi32> to vector<16xi32>
    %swap3A_299 = vector.shape_cast %shift_right_arithmetic3A_293 : vector<16xi32> to vector<1x16xi32>
    tpu.vector_store %arg7[%swap3A_295, %swap3A_296], %swap3A_299 {strides = array<i32>} : memref<2x128xi32, #tpu.memory_space<vmem>>, vector<1x16xi32>,
    %and3A_300 = arith.constant 65535 : i32
    %and3A_301 = vector.broadcast %and3A_300 : i32 to vector<16xi32>
    %and3A_302 = arith.andi %get3A_290, %and3A_301 : vector<16xi32>
    %swap3A_303 = arith.constant 1 : i32
    %swap3A_304 = arith.index_cast %swap3A_303 : i32 to index
    %swap3A_305 = arith.constant 64 : index
    %swap3A_306 = tpu.vector_load %arg8[%swap3A_304, %swap3A_305] {strides = array<i32>} : memref<2x128xi32, #tpu.memory_space<vmem>>, vector<1x16xi32>,
    %swap3A_307 = vector.shape_cast %swap3A_306 : vector<1x16xi32> to vector<16xi32>
    %swap3A_308 = vector.shape_cast %and3A_302 : vector<16xi32> to vector<1x16xi32>
    tpu.vector_store %arg8[%swap3A_304, %swap3A_305], %swap3A_308 {strides = array<i32>} : memref<2x128xi32, #tpu.memory_space<vmem>>, vector<1x16xi32>,
    %get3A_309 = arith.constant 1 : i32
    %get3A_310 = arith.index_cast %get3A_309 : i32 to index
    %get3A_311 = arith.constant 80 : index
    %get3A_312 = tpu.vector_load %arg6[%get3A_310, %get3A_311] {strides = array<i32>} : memref<80x128xi32, #tpu.memory_space<vmem>>, vector<1x16xi32>,
    %get3A_313 = vector.shape_cast %get3A_312 : vector<1x16xi32> to vector<16xi32>
    %shift_right_arithmetic3A_314 = arith.constant 16 : i32
    %shift_right_arithmetic3A_315 = vector.broadcast %shift_right_arithmetic3A_314 : i32 to vector<16xi32>
    %shift_right_arithmetic3A_316 = arith.shrsi %get3A_313, %shift_right_arithmetic3A_315 : vector<16xi32>
    %swap3A_317 = arith.constant 1 : i32
    %swap3A_318 = arith.index_cast %swap3A_317 : i32 to index
    %swap3A_319 = arith.constant 80 : index
    %swap3A_320 = tpu.vector_load %arg7[%swap3A_318, %swap3A_319] {strides = array<i32>} : memref<2x128xi32, #tpu.memory_space<vmem>>, vector<1x16xi32>,
    %swap3A_321 = vector.shape_cast %swap3A_320 : vector<1x16xi32> to vector<16xi32>
    %swap3A_322 = vector.shape_cast %shift_right_arithmetic3A_316 : vector<16xi32> to vector<1x16xi32>
    tpu.vector_store %arg7[%swap3A_318, %swap3A_319], %swap3A_322 {strides = array<i32>} : memref<2x128xi32, #tpu.memory_space<vmem>>, vector<1x16xi32>,
    %and3A_323 = arith.constant 65535 : i32
    %and3A_324 = vector.broadcast %and3A_323 : i32 to vector<16xi32>
    %and3A_325 = arith.andi %get3A_313, %and3A_324 : vector<16xi32>
    %swap3A_326 = arith.constant 1 : i32
    %swap3A_327 = arith.index_cast %swap3A_326 : i32 to index
    %swap3A_328 = arith.constant 80 : index
    %swap3A_329 = tpu.vector_load %arg8[%swap3A_327, %swap3A_328] {strides = array<i32>} : memref<2x128xi32, #tpu.memory_space<vmem>>, vector<1x16xi32>,
    %swap3A_330 = vector.shape_cast %swap3A_329 : vector<1x16xi32> to vector<16xi32>
    %swap3A_331 = vector.shape_cast %and3A_325 : vector<16xi32> to vector<1x16xi32>
    tpu.vector_store %arg8[%swap3A_327, %swap3A_328], %swap3A_331 {strides = array<i32>} : memref<2x128xi32, #tpu.memory_space<vmem>>, vector<1x16xi32>,
    %get3A_332 = arith.constant 1 : i32
    %get3A_333 = arith.index_cast %get3A_332 : i32 to index
    %get3A_334 = arith.constant 96 : index
    %get3A_335 = tpu.vector_load %arg6[%get3A_333, %get3A_334] {strides = array<i32>} : memref<80x128xi32, #tpu.memory_space<vmem>>, vector<1x16xi32>,
    %get3A_336 = vector.shape_cast %get3A_335 : vector<1x16xi32> to vector<16xi32>
    %shift_right_arithmetic3A_337 = arith.constant 16 : i32
    %shift_right_arithmetic3A_338 = vector.broadcast %shift_right_arithmetic3A_337 : i32 to vector<16xi32>
    %shift_right_arithmetic3A_339 = arith.shrsi %get3A_336, %shift_right_arithmetic3A_338 : vector<16xi32>
    %swap3A_340 = arith.constant 1 : i32
    %swap3A_341 = arith.index_cast %swap3A_340 : i32 to index
    %swap3A_342 = arith.constant 96 : index
    %swap3A_343 = tpu.vector_load %arg7[%swap3A_341, %swap3A_342] {strides = array<i32>} : memref<2x128xi32, #tpu.memory_space<vmem>>, vector<1x16xi32>,
    %swap3A_344 = vector.shape_cast %swap3A_343 : vector<1x16xi32> to vector<16xi32>
    %swap3A_345 = vector.shape_cast %shift_right_arithmetic3A_339 : vector<16xi32> to vector<1x16xi32>
    tpu.vector_store %arg7[%swap3A_341, %swap3A_342], %swap3A_345 {strides = array<i32>} : memref<2x128xi32, #tpu.memory_space<vmem>>, vector<1x16xi32>,
    %and3A_346 = arith.constant 65535 : i32
    %and3A_347 = vector.broadcast %and3A_346 : i32 to vector<16xi32>
    %and3A_348 = arith.andi %get3A_336, %and3A_347 : vector<16xi32>
    %swap3A_349 = arith.constant 1 : i32
    %swap3A_350 = arith.index_cast %swap3A_349 : i32 to index
    %swap3A_351 = arith.constant 96 : index
    %swap3A_352 = tpu.vector_load %arg8[%swap3A_350, %swap3A_351] {strides = array<i32>} : memref<2x128xi32, #tpu.memory_space<vmem>>, vector<1x16xi32>,
    %swap3A_353 = vector.shape_cast %swap3A_352 : vector<1x16xi32> to vector<16xi32>
    %swap3A_354 = vector.shape_cast %and3A_348 : vector<16xi32> to vector<1x16xi32>
    tpu.vector_store %arg8[%swap3A_350, %swap3A_351], %swap3A_354 {strides = array<i32>} : memref<2x128xi32, #tpu.memory_space<vmem>>, vector<1x16xi32>,
    %get3A_355 = arith.constant 1 : i32
    %get3A_356 = arith.index_cast %get3A_355 : i32 to index
    %get3A_357 = arith.constant 112 : index
    %get3A_358 = tpu.vector_load %arg6[%get3A_356, %get3A_357] {strides = array<i32>} : memref<80x128xi32, #tpu.memory_space<vmem>>, vector<1x16xi32>,
    %get3A_359 = vector.shape_cast %get3A_358 : vector<1x16xi32> to vector<16xi32>
    %shift_right_arithmetic3A_360 = arith.constant 16 : i32
    %shift_right_arithmetic3A_361 = vector.broadcast %shift_right_arithmetic3A_360 : i32 to vector<16xi32>
    %shift_right_arithmetic3A_362 = arith.shrsi %get3A_359, %shift_right_arithmetic3A_361 : vector<16xi32>
    %swap3A_363 = arith.constant 1 : i32
    %swap3A_364 = arith.index_cast %swap3A_363 : i32 to index
    %swap3A_365 = arith.constant 112 : index
    %swap3A_366 = tpu.vector_load %arg7[%swap3A_364, %swap3A_365] {strides = array<i32>} : memref<2x128xi32, #tpu.memory_space<vmem>>, vector<1x16xi32>,
    %swap3A_367 = vector.shape_cast %swap3A_366 : vector<1x16xi32> to vector<16xi32>
    %swap3A_368 = vector.shape_cast %shift_right_arithmetic3A_362 : vector<16xi32> to vector<1x16xi32>
    tpu.vector_store %arg7[%swap3A_364, %swap3A_365], %swap3A_368 {strides = array<i32>} : memref<2x128xi32, #tpu.memory_space<vmem>>, vector<1x16xi32>,
    %and3A_369 = arith.constant 65535 : i32
    %and3A_370 = vector.broadcast %and3A_369 : i32 to vector<16xi32>
    %and3A_371 = arith.andi %get3A_359, %and3A_370 : vector<16xi32>
    %swap3A_372 = arith.constant 1 : i32
    %swap3A_373 = arith.index_cast %swap3A_372 : i32 to index
    %swap3A_374 = arith.constant 112 : index
    %swap3A_375 = tpu.vector_load %arg8[%swap3A_373, %swap3A_374] {strides = array<i32>} : memref<2x128xi32, #tpu.memory_space<vmem>>, vector<1x16xi32>,
    %swap3A_376 = vector.shape_cast %swap3A_375 : vector<1x16xi32> to vector<16xi32>
    %swap3A_377 = vector.shape_cast %and3A_371 : vector<16xi32> to vector<1x16xi32>
    tpu.vector_store %arg8[%swap3A_373, %swap3A_374], %swap3A_377 {strides = array<i32>} : memref<2x128xi32, #tpu.memory_space<vmem>>, vector<1x16xi32>,
    %dma_start3A_378 = arith.constant 1 : i32
    %dma_start3A_379 = arith.constant 1 : i32
    %dma_start3A_380 = arith.constant 0 : i32
    %dma_start3A_381 = arith.constant 0 : i32
    %dma_start3A_382 = tpu.memref_slice %arg9[%dma_start3A_379, %dma_start3A_380, %dma_start3A_381] : memref<2x128x128xf32, #tpu.memory_space<vmem>> -> memref<1x128x128xf32, #tpu.memory_space<vmem>>
    %dma_start3A_383 = tpu.memref_squeeze %dma_start3A_382 : memref<1x128x128xf32, #tpu.memory_space<vmem>> -> memref<128x128xf32, #tpu.memory_space<vmem>>
    %dma_start3A_384 = arith.constant 0 : i32
    %dma_start3A_385 = tpu.memref_slice %arg7[%dma_start3A_378, %dma_start3A_384] : memref<2x128xi32, #tpu.memory_space<vmem>> -> memref<1x128xi32, #tpu.memory_space<vmem>>
    %dma_start3A_386 = tpu.memref_squeeze %dma_start3A_385 : memref<1x128xi32, #tpu.memory_space<vmem>> -> memref<128xi32, #tpu.memory_space<vmem>>
    %dma_start3A_387 = arith.constant 0 : i32
    %dma_start3A_388 = arith.constant 0 : i32
    %dma_start3A_389 = tpu.memref_slice %arg2[%dma_start3A_387, %dma_start3A_388] : memref<10112x128xf32, #tpu.memory_space<hbm>> -> memref<10112x128xf32, #tpu.memory_space<hbm>>
    tpu.enqueue_indirect_dma source(%dma_start3A_389 : memref<10112x128xf32, #tpu.memory_space<hbm>>) target(%dma_start3A_383 : memref<128x128xf32, #tpu.memory_space<vmem>>) offsets(%dma_start3A_386 : memref<128xi32, #tpu.memory_space<vmem>>) semaphore(%arg12 : memref<!tpu.dma_semaphore, #tpu.memory_space<semaphore_mem>>)
    %scan3A = arith.constant 0 : i32
    %scan3A_390 = arith.constant 0 : i32
    %scan3A_391 = arith.constant 40 : i32
    %scan3A_392 = arith.addi %scan3A_390, %scan3A_391 : i32
    %scan3A_393 = arith.constant 1 : i32
    scf.for %scan3A_419 = %scan3A_390 to %scan3A_392 step %scan3A_393  : i32 {
      %mul3A_420 = arith.constant 2 : i32
      %mul3A_421 = arith.muli %mul3A_420, %scan3A_419 : i32
      %add3A_422 = arith.constant 0 : i32
      %add3A_423 = arith.addi %mul3A_421, %add3A_422 : i32
      %dma_wait3A_424 = arith.constant 0 : i32
      %dma_wait3A_425 = arith.constant 0 : i32
      %dma_wait3A_426 = arith.constant 0 : i32
      %dma_wait3A_427 = arith.constant 0 : i32
      %dma_wait3A_428 = tpu.memref_slice %arg9[%dma_wait3A_425, %dma_wait3A_426, %dma_wait3A_427] : memref<2x128x128xf32, #tpu.memory_space<vmem>> -> memref<1x128x128xf32, #tpu.memory_space<vmem>>
      %dma_wait3A_429 = tpu.memref_squeeze %dma_wait3A_428 : memref<1x128x128xf32, #tpu.memory_space<vmem>> -> memref<128x128xf32, #tpu.memory_space<vmem>>
      %dma_wait3A_430 = arith.constant 0 : i32
      %dma_wait3A_431 = tpu.memref_slice %arg7[%dma_wait3A_424, %dma_wait3A_430] : memref<2x128xi32, #tpu.memory_space<vmem>> -> memref<1x128xi32, #tpu.memory_space<vmem>>
      %dma_wait3A_432 = tpu.memref_squeeze %dma_wait3A_431 : memref<1x128xi32, #tpu.memory_space<vmem>> -> memref<128xi32, #tpu.memory_space<vmem>>
      %dma_wait3A_433 = arith.constant 0 : i32
      %dma_wait3A_434 = arith.constant 0 : i32
      %dma_wait3A_435 = tpu.memref_slice %arg2[%dma_wait3A_433, %dma_wait3A_434] : memref<10112x128xf32, #tpu.memory_space<hbm>> -> memref<10112x128xf32, #tpu.memory_space<hbm>>
      tpu.wait_indirect_dma semaphore(%arg11 : memref<!tpu.dma_semaphore, #tpu.memory_space<semaphore_mem>>) src(%dma_wait3A_435 : memref<10112x128xf32, #tpu.memory_space<hbm>>) dst(%dma_wait3A_429 : memref<128x128xf32, #tpu.memory_space<vmem>>)
      %dma_start3A_436 = arith.constant 0 : i32
      %dma_start3A_437 = arith.constant 0 : i32
      %dma_start3A_438 = arith.constant 0 : i32
      %dma_start3A_439 = arith.constant 0 : i32
      %dma_start3A_440 = tpu.memref_slice %arg9[%dma_start3A_436, %dma_start3A_438, %dma_start3A_439] : memref<2x128x128xf32, #tpu.memory_space<vmem>> -> memref<1x128x128xf32, #tpu.memory_space<vmem>>
      %dma_start3A_441 = tpu.memref_squeeze %dma_start3A_440 : memref<1x128x128xf32, #tpu.memory_space<vmem>> -> memref<128x128xf32, #tpu.memory_space<vmem>>
      %dma_start3A_442 = arith.constant 0 : i32
      %dma_start3A_443 = tpu.memref_slice %arg8[%dma_start3A_437, %dma_start3A_442] : memref<2x128xi32, #tpu.memory_space<vmem>> -> memref<1x128xi32, #tpu.memory_space<vmem>>
      %dma_start3A_444 = tpu.memref_squeeze %dma_start3A_443 : memref<1x128xi32, #tpu.memory_space<vmem>> -> memref<128xi32, #tpu.memory_space<vmem>>
      %dma_start3A_445 = arith.constant 0 : i32
      %dma_start3A_446 = arith.constant 0 : i32
      %dma_start3A_447 = tpu.memref_slice %arg10[%dma_start3A_445, %dma_start3A_446] : memref<10112x128xf32, #tpu.memory_space<vmem_shared>> -> memref<10112x128xf32, #tpu.memory_space<vmem_shared>>
      tpu.enqueue_indirect_dma source(%dma_start3A_441 : memref<128x128xf32, #tpu.memory_space<vmem>>) target(%dma_start3A_447 : memref<10112x128xf32, #tpu.memory_space<vmem_shared>>) offsets(%dma_start3A_444 : memref<128xi32, #tpu.memory_space<vmem>>) semaphore(%arg13 : memref<!tpu.dma_semaphore, #tpu.memory_space<semaphore_mem>>) {add = true}
      %lt3A = arith.constant 39 : i32
      %lt3A_448 = arith.cmpi slt, %scan3A_419, %lt3A : i32
      %convert_element_type3A = arith.extui %lt3A_448 : i1 to i32
      %cond3A = arith.constant 0 : i32
      %cond3A_449 = arith.cmpi ne, %convert_element_type3A, %cond3A : i32
      scf.if %cond3A_449 {
        %dma_wait3A_483 = arith.constant 0 : i32
        %dma_wait3A_484 = arith.constant 0 : i32
        %dma_wait3A_485 = arith.constant 0 : i32
        %dma_wait3A_486 = arith.constant 0 : i32
        %dma_wait3A_487 = tpu.memref_slice %arg9[%dma_wait3A_483, %dma_wait3A_485, %dma_wait3A_486] : memref<2x128x128xf32, #tpu.memory_space<vmem>> -> memref<1x128x128xf32, #tpu.memory_space<vmem>>
        %dma_wait3A_488 = tpu.memref_squeeze %dma_wait3A_487 : memref<1x128x128xf32, #tpu.memory_space<vmem>> -> memref<128x128xf32, #tpu.memory_space<vmem>>
        %dma_wait3A_489 = arith.constant 0 : i32
        %dma_wait3A_490 = tpu.memref_slice %arg8[%dma_wait3A_484, %dma_wait3A_489] : memref<2x128xi32, #tpu.memory_space<vmem>> -> memref<1x128xi32, #tpu.memory_space<vmem>>
        %dma_wait3A_491 = tpu.memref_squeeze %dma_wait3A_490 : memref<1x128xi32, #tpu.memory_space<vmem>> -> memref<128xi32, #tpu.memory_space<vmem>>
        %dma_wait3A_492 = arith.constant 0 : i32
        %dma_wait3A_493 = arith.constant 0 : i32
        %dma_wait3A_494 = tpu.memref_slice %arg10[%dma_wait3A_492, %dma_wait3A_493] : memref<10112x128xf32, #tpu.memory_space<vmem_shared>> -> memref<10112x128xf32, #tpu.memory_space<vmem_shared>>
        tpu.wait_indirect_dma semaphore(%arg13 : memref<!tpu.dma_semaphore, #tpu.memory_space<semaphore_mem>>) src(%dma_wait3A_488 : memref<128x128xf32, #tpu.memory_space<vmem>>) dst(%dma_wait3A_494 : memref<10112x128xf32, #tpu.memory_space<vmem_shared>>)
        %add3A_495 = arith.constant 2 : i32
        %add3A_496 = arith.addi %add3A_423, %add3A_495 : i32
        %get3A_497 = arith.index_cast %add3A_496 : i32 to index
        %get3A_498 = arith.constant 0 : index
        %get3A_499 = tpu.vector_load %arg6[%get3A_497, %get3A_498] {strides = array<i32>} : memref<80x128xi32, #tpu.memory_space<vmem>>, vector<1x16xi32>,
        %get3A_500 = vector.shape_cast %get3A_499 : vector<1x16xi32> to vector<16xi32>
        %shift_right_arithmetic3A_501 = arith.constant 16 : i32
        %shift_right_arithmetic3A_502 = vector.broadcast %shift_right_arithmetic3A_501 : i32 to vector<16xi32>
        %shift_right_arithmetic3A_503 = arith.shrsi %get3A_500, %shift_right_arithmetic3A_502 : vector<16xi32>
        %swap3A_504 = arith.constant 0 : i32
        %swap3A_505 = arith.index_cast %swap3A_504 : i32 to index
        %swap3A_506 = arith.constant 0 : index
        %swap3A_507 = tpu.vector_load %arg7[%swap3A_505, %swap3A_506] {strides = array<i32>} : memref<2x128xi32, #tpu.memory_space<vmem>>, vector<1x16xi32>,
        %swap3A_508 = vector.shape_cast %swap3A_507 : vector<1x16xi32> to vector<16xi32>
        %swap3A_509 = vector.shape_cast %shift_right_arithmetic3A_503 : vector<16xi32> to vector<1x16xi32>
        tpu.vector_store %arg7[%swap3A_505, %swap3A_506], %swap3A_509 {strides = array<i32>} : memref<2x128xi32, #tpu.memory_space<vmem>>, vector<1x16xi32>,
        %and3A_510 = arith.constant 65535 : i32
        %and3A_511 = vector.broadcast %and3A_510 : i32 to vector<16xi32>
        %and3A_512 = arith.andi %get3A_500, %and3A_511 : vector<16xi32>
        %swap3A_513 = arith.constant 0 : i32
        %swap3A_514 = arith.index_cast %swap3A_513 : i32 to index
        %swap3A_515 = arith.constant 0 : index
        %swap3A_516 = tpu.vector_load %arg8[%swap3A_514, %swap3A_515] {strides = array<i32>} : memref<2x128xi32, #tpu.memory_space<vmem>>, vector<1x16xi32>,
        %swap3A_517 = vector.shape_cast %swap3A_516 : vector<1x16xi32> to vector<16xi32>
        %swap3A_518 = vector.shape_cast %and3A_512 : vector<16xi32> to vector<1x16xi32>
        tpu.vector_store %arg8[%swap3A_514, %swap3A_515], %swap3A_518 {strides = array<i32>} : memref<2x128xi32, #tpu.memory_space<vmem>>, vector<1x16xi32>,
        %get3A_519 = arith.index_cast %add3A_496 : i32 to index
        %get3A_520 = arith.constant 16 : index
        %get3A_521 = tpu.vector_load %arg6[%get3A_519, %get3A_520] {strides = array<i32>} : memref<80x128xi32, #tpu.memory_space<vmem>>, vector<1x16xi32>,
        %get3A_522 = vector.shape_cast %get3A_521 : vector<1x16xi32> to vector<16xi32>
        %shift_right_arithmetic3A_523 = arith.constant 16 : i32
        %shift_right_arithmetic3A_524 = vector.broadcast %shift_right_arithmetic3A_523 : i32 to vector<16xi32>
        %shift_right_arithmetic3A_525 = arith.shrsi %get3A_522, %shift_right_arithmetic3A_524 : vector<16xi32>
        %swap3A_526 = arith.constant 0 : i32
        %swap3A_527 = arith.index_cast %swap3A_526 : i32 to index
        %swap3A_528 = arith.constant 16 : index
        %swap3A_529 = tpu.vector_load %arg7[%swap3A_527, %swap3A_528] {strides = array<i32>} : memref<2x128xi32, #tpu.memory_space<vmem>>, vector<1x16xi32>,
        %swap3A_530 = vector.shape_cast %swap3A_529 : vector<1x16xi32> to vector<16xi32>
        %swap3A_531 = vector.shape_cast %shift_right_arithmetic3A_525 : vector<16xi32> to vector<1x16xi32>
        tpu.vector_store %arg7[%swap3A_527, %swap3A_528], %swap3A_531 {strides = array<i32>} : memref<2x128xi32, #tpu.memory_space<vmem>>, vector<1x16xi32>,
        %and3A_532 = arith.constant 65535 : i32
        %and3A_533 = vector.broadcast %and3A_532 : i32 to vector<16xi32>
        %and3A_534 = arith.andi %get3A_522, %and3A_533 : vector<16xi32>
        %swap3A_535 = arith.constant 0 : i32
        %swap3A_536 = arith.index_cast %swap3A_535 : i32 to index
        %swap3A_537 = arith.constant 16 : index
        %swap3A_538 = tpu.vector_load %arg8[%swap3A_536, %swap3A_537] {strides = array<i32>} : memref<2x128xi32, #tpu.memory_space<vmem>>, vector<1x16xi32>,
        %swap3A_539 = vector.shape_cast %swap3A_538 : vector<1x16xi32> to vector<16xi32>
        %swap3A_540 = vector.shape_cast %and3A_534 : vector<16xi32> to vector<1x16xi32>
        tpu.vector_store %arg8[%swap3A_536, %swap3A_537], %swap3A_540 {strides = array<i32>} : memref<2x128xi32, #tpu.memory_space<vmem>>, vector<1x16xi32>,
        %get3A_541 = arith.index_cast %add3A_496 : i32 to index
        %get3A_542 = arith.constant 32 : index
        %get3A_543 = tpu.vector_load %arg6[%get3A_541, %get3A_542] {strides = array<i32>} : memref<80x128xi32, #tpu.memory_space<vmem>>, vector<1x16xi32>,
        %get3A_544 = vector.shape_cast %get3A_543 : vector<1x16xi32> to vector<16xi32>
        %shift_right_arithmetic3A_545 = arith.constant 16 : i32
        %shift_right_arithmetic3A_546 = vector.broadcast %shift_right_arithmetic3A_545 : i32 to vector<16xi32>
        %shift_right_arithmetic3A_547 = arith.shrsi %get3A_544, %shift_right_arithmetic3A_546 : vector<16xi32>
        %swap3A_548 = arith.constant 0 : i32
        %swap3A_549 = arith.index_cast %swap3A_548 : i32 to index
        %swap3A_550 = arith.constant 32 : index
        %swap3A_551 = tpu.vector_load %arg7[%swap3A_549, %swap3A_550] {strides = array<i32>} : memref<2x128xi32, #tpu.memory_space<vmem>>, vector<1x16xi32>,
        %swap3A_552 = vector.shape_cast %swap3A_551 : vector<1x16xi32> to vector<16xi32>
        %swap3A_553 = vector.shape_cast %shift_right_arithmetic3A_547 : vector<16xi32> to vector<1x16xi32>
        tpu.vector_store %arg7[%swap3A_549, %swap3A_550], %swap3A_553 {strides = array<i32>} : memref<2x128xi32, #tpu.memory_space<vmem>>, vector<1x16xi32>,
        %and3A_554 = arith.constant 65535 : i32
        %and3A_555 = vector.broadcast %and3A_554 : i32 to vector<16xi32>
        %and3A_556 = arith.andi %get3A_544, %and3A_555 : vector<16xi32>
        %swap3A_557 = arith.constant 0 : i32
        %swap3A_558 = arith.index_cast %swap3A_557 : i32 to index
        %swap3A_559 = arith.constant 32 : index
        %swap3A_560 = tpu.vector_load %arg8[%swap3A_558, %swap3A_559] {strides = array<i32>} : memref<2x128xi32, #tpu.memory_space<vmem>>, vector<1x16xi32>,
        %swap3A_561 = vector.shape_cast %swap3A_560 : vector<1x16xi32> to vector<16xi32>
        %swap3A_562 = vector.shape_cast %and3A_556 : vector<16xi32> to vector<1x16xi32>
        tpu.vector_store %arg8[%swap3A_558, %swap3A_559], %swap3A_562 {strides = array<i32>} : memref<2x128xi32, #tpu.memory_space<vmem>>, vector<1x16xi32>,
        %get3A_563 = arith.index_cast %add3A_496 : i32 to index
        %get3A_564 = arith.constant 48 : index
        %get3A_565 = tpu.vector_load %arg6[%get3A_563, %get3A_564] {strides = array<i32>} : memref<80x128xi32, #tpu.memory_space<vmem>>, vector<1x16xi32>,
        %get3A_566 = vector.shape_cast %get3A_565 : vector<1x16xi32> to vector<16xi32>
        %shift_right_arithmetic3A_567 = arith.constant 16 : i32
        %shift_right_arithmetic3A_568 = vector.broadcast %shift_right_arithmetic3A_567 : i32 to vector<16xi32>
        %shift_right_arithmetic3A_569 = arith.shrsi %get3A_566, %shift_right_arithmetic3A_568 : vector<16xi32>
        %swap3A_570 = arith.constant 0 : i32
        %swap3A_571 = arith.index_cast %swap3A_570 : i32 to index
        %swap3A_572 = arith.constant 48 : index
        %swap3A_573 = tpu.vector_load %arg7[%swap3A_571, %swap3A_572] {strides = array<i32>} : memref<2x128xi32, #tpu.memory_space<vmem>>, vector<1x16xi32>,
        %swap3A_574 = vector.shape_cast %swap3A_573 : vector<1x16xi32> to vector<16xi32>
        %swap3A_575 = vector.shape_cast %shift_right_arithmetic3A_569 : vector<16xi32> to vector<1x16xi32>
        tpu.vector_store %arg7[%swap3A_571, %swap3A_572], %swap3A_575 {strides = array<i32>} : memref<2x128xi32, #tpu.memory_space<vmem>>, vector<1x16xi32>,
        %and3A_576 = arith.constant 65535 : i32
        %and3A_577 = vector.broadcast %and3A_576 : i32 to vector<16xi32>
        %and3A_578 = arith.andi %get3A_566, %and3A_577 : vector<16xi32>
        %swap3A_579 = arith.constant 0 : i32
        %swap3A_580 = arith.index_cast %swap3A_579 : i32 to index
        %swap3A_581 = arith.constant 48 : index
        %swap3A_582 = tpu.vector_load %arg8[%swap3A_580, %swap3A_581] {strides = array<i32>} : memref<2x128xi32, #tpu.memory_space<vmem>>, vector<1x16xi32>,
        %swap3A_583 = vector.shape_cast %swap3A_582 : vector<1x16xi32> to vector<16xi32>
        %swap3A_584 = vector.shape_cast %and3A_578 : vector<16xi32> to vector<1x16xi32>
        tpu.vector_store %arg8[%swap3A_580, %swap3A_581], %swap3A_584 {strides = array<i32>} : memref<2x128xi32, #tpu.memory_space<vmem>>, vector<1x16xi32>,
        %get3A_585 = arith.index_cast %add3A_496 : i32 to index
        %get3A_586 = arith.constant 64 : index
        %get3A_587 = tpu.vector_load %arg6[%get3A_585, %get3A_586] {strides = array<i32>} : memref<80x128xi32, #tpu.memory_space<vmem>>, vector<1x16xi32>,
        %get3A_588 = vector.shape_cast %get3A_587 : vector<1x16xi32> to vector<16xi32>
        %shift_right_arithmetic3A_589 = arith.constant 16 : i32
        %shift_right_arithmetic3A_590 = vector.broadcast %shift_right_arithmetic3A_589 : i32 to vector<16xi32>
        %shift_right_arithmetic3A_591 = arith.shrsi %get3A_588, %shift_right_arithmetic3A_590 : vector<16xi32>
        %swap3A_592 = arith.constant 0 : i32
        %swap3A_593 = arith.index_cast %swap3A_592 : i32 to index
        %swap3A_594 = arith.constant 64 : index
        %swap3A_595 = tpu.vector_load %arg7[%swap3A_593, %swap3A_594] {strides = array<i32>} : memref<2x128xi32, #tpu.memory_space<vmem>>, vector<1x16xi32>,
        %swap3A_596 = vector.shape_cast %swap3A_595 : vector<1x16xi32> to vector<16xi32>
        %swap3A_597 = vector.shape_cast %shift_right_arithmetic3A_591 : vector<16xi32> to vector<1x16xi32>
        tpu.vector_store %arg7[%swap3A_593, %swap3A_594], %swap3A_597 {strides = array<i32>} : memref<2x128xi32, #tpu.memory_space<vmem>>, vector<1x16xi32>,
        %and3A_598 = arith.constant 65535 : i32
        %and3A_599 = vector.broadcast %and3A_598 : i32 to vector<16xi32>
        %and3A_600 = arith.andi %get3A_588, %and3A_599 : vector<16xi32>
        %swap3A_601 = arith.constant 0 : i32
        %swap3A_602 = arith.index_cast %swap3A_601 : i32 to index
        %swap3A_603 = arith.constant 64 : index
        %swap3A_604 = tpu.vector_load %arg8[%swap3A_602, %swap3A_603] {strides = array<i32>} : memref<2x128xi32, #tpu.memory_space<vmem>>, vector<1x16xi32>,
        %swap3A_605 = vector.shape_cast %swap3A_604 : vector<1x16xi32> to vector<16xi32>
        %swap3A_606 = vector.shape_cast %and3A_600 : vector<16xi32> to vector<1x16xi32>
        tpu.vector_store %arg8[%swap3A_602, %swap3A_603], %swap3A_606 {strides = array<i32>} : memref<2x128xi32, #tpu.memory_space<vmem>>, vector<1x16xi32>,
        %get3A_607 = arith.index_cast %add3A_496 : i32 to index
        %get3A_608 = arith.constant 80 : index
        %get3A_609 = tpu.vector_load %arg6[%get3A_607, %get3A_608] {strides = array<i32>} : memref<80x128xi32, #tpu.memory_space<vmem>>, vector<1x16xi32>,
        %get3A_610 = vector.shape_cast %get3A_609 : vector<1x16xi32> to vector<16xi32>
        %shift_right_arithmetic3A_611 = arith.constant 16 : i32
        %shift_right_arithmetic3A_612 = vector.broadcast %shift_right_arithmetic3A_611 : i32 to vector<16xi32>
        %shift_right_arithmetic3A_613 = arith.shrsi %get3A_610, %shift_right_arithmetic3A_612 : vector<16xi32>
        %swap3A_614 = arith.constant 0 : i32
        %swap3A_615 = arith.index_cast %swap3A_614 : i32 to index
        %swap3A_616 = arith.constant 80 : index
        %swap3A_617 = tpu.vector_load %arg7[%swap3A_615, %swap3A_616] {strides = array<i32>} : memref<2x128xi32, #tpu.memory_space<vmem>>, vector<1x16xi32>,
        %swap3A_618 = vector.shape_cast %swap3A_617 : vector<1x16xi32> to vector<16xi32>
        %swap3A_619 = vector.shape_cast %shift_right_arithmetic3A_613 : vector<16xi32> to vector<1x16xi32>
        tpu.vector_store %arg7[%swap3A_615, %swap3A_616], %swap3A_619 {strides = array<i32>} : memref<2x128xi32, #tpu.memory_space<vmem>>, vector<1x16xi32>,
        %and3A_620 = arith.constant 65535 : i32
        %and3A_621 = vector.broadcast %and3A_620 : i32 to vector<16xi32>
        %and3A_622 = arith.andi %get3A_610, %and3A_621 : vector<16xi32>
        %swap3A_623 = arith.constant 0 : i32
        %swap3A_624 = arith.index_cast %swap3A_623 : i32 to index
        %swap3A_625 = arith.constant 80 : index
        %swap3A_626 = tpu.vector_load %arg8[%swap3A_624, %swap3A_625] {strides = array<i32>} : memref<2x128xi32, #tpu.memory_space<vmem>>, vector<1x16xi32>,
        %swap3A_627 = vector.shape_cast %swap3A_626 : vector<1x16xi32> to vector<16xi32>
        %swap3A_628 = vector.shape_cast %and3A_622 : vector<16xi32> to vector<1x16xi32>
        tpu.vector_store %arg8[%swap3A_624, %swap3A_625], %swap3A_628 {strides = array<i32>} : memref<2x128xi32, #tpu.memory_space<vmem>>, vector<1x16xi32>,
        %get3A_629 = arith.index_cast %add3A_496 : i32 to index
        %get3A_630 = arith.constant 96 : index
        %get3A_631 = tpu.vector_load %arg6[%get3A_629, %get3A_630] {strides = array<i32>} : memref<80x128xi32, #tpu.memory_space<vmem>>, vector<1x16xi32>,
        %get3A_632 = vector.shape_cast %get3A_631 : vector<1x16xi32> to vector<16xi32>
        %shift_right_arithmetic3A_633 = arith.constant 16 : i32
        %shift_right_arithmetic3A_634 = vector.broadcast %shift_right_arithmetic3A_633 : i32 to vector<16xi32>
        %shift_right_arithmetic3A_635 = arith.shrsi %get3A_632, %shift_right_arithmetic3A_634 : vector<16xi32>
        %swap3A_636 = arith.constant 0 : i32
        %swap3A_637 = arith.index_cast %swap3A_636 : i32 to index
        %swap3A_638 = arith.constant 96 : index
        %swap3A_639 = tpu.vector_load %arg7[%swap3A_637, %swap3A_638] {strides = array<i32>} : memref<2x128xi32, #tpu.memory_space<vmem>>, vector<1x16xi32>,
        %swap3A_640 = vector.shape_cast %swap3A_639 : vector<1x16xi32> to vector<16xi32>
        %swap3A_641 = vector.shape_cast %shift_right_arithmetic3A_635 : vector<16xi32> to vector<1x16xi32>
        tpu.vector_store %arg7[%swap3A_637, %swap3A_638], %swap3A_641 {strides = array<i32>} : memref<2x128xi32, #tpu.memory_space<vmem>>, vector<1x16xi32>,
        %and3A_642 = arith.constant 65535 : i32
        %and3A_643 = vector.broadcast %and3A_642 : i32 to vector<16xi32>
        %and3A_644 = arith.andi %get3A_632, %and3A_643 : vector<16xi32>
        %swap3A_645 = arith.constant 0 : i32
        %swap3A_646 = arith.index_cast %swap3A_645 : i32 to index
        %swap3A_647 = arith.constant 96 : index
        %swap3A_648 = tpu.vector_load %arg8[%swap3A_646, %swap3A_647] {strides = array<i32>} : memref<2x128xi32, #tpu.memory_space<vmem>>, vector<1x16xi32>,
        %swap3A_649 = vector.shape_cast %swap3A_648 : vector<1x16xi32> to vector<16xi32>
        %swap3A_650 = vector.shape_cast %and3A_644 : vector<16xi32> to vector<1x16xi32>
        tpu.vector_store %arg8[%swap3A_646, %swap3A_647], %swap3A_650 {strides = array<i32>} : memref<2x128xi32, #tpu.memory_space<vmem>>, vector<1x16xi32>,
        %get3A_651 = arith.index_cast %add3A_496 : i32 to index
        %get3A_652 = arith.constant 112 : index
        %get3A_653 = tpu.vector_load %arg6[%get3A_651, %get3A_652] {strides = array<i32>} : memref<80x128xi32, #tpu.memory_space<vmem>>, vector<1x16xi32>,
        %get3A_654 = vector.shape_cast %get3A_653 : vector<1x16xi32> to vector<16xi32>
        %shift_right_arithmetic3A_655 = arith.constant 16 : i32
        %shift_right_arithmetic3A_656 = vector.broadcast %shift_right_arithmetic3A_655 : i32 to vector<16xi32>
        %shift_right_arithmetic3A_657 = arith.shrsi %get3A_654, %shift_right_arithmetic3A_656 : vector<16xi32>
        %swap3A_658 = arith.constant 0 : i32
        %swap3A_659 = arith.index_cast %swap3A_658 : i32 to index
        %swap3A_660 = arith.constant 112 : index
        %swap3A_661 = tpu.vector_load %arg7[%swap3A_659, %swap3A_660] {strides = array<i32>} : memref<2x128xi32, #tpu.memory_space<vmem>>, vector<1x16xi32>,
        %swap3A_662 = vector.shape_cast %swap3A_661 : vector<1x16xi32> to vector<16xi32>
        %swap3A_663 = vector.shape_cast %shift_right_arithmetic3A_657 : vector<16xi32> to vector<1x16xi32>
        tpu.vector_store %arg7[%swap3A_659, %swap3A_660], %swap3A_663 {strides = array<i32>} : memref<2x128xi32, #tpu.memory_space<vmem>>, vector<1x16xi32>,
        %and3A_664 = arith.constant 65535 : i32
        %and3A_665 = vector.broadcast %and3A_664 : i32 to vector<16xi32>
        %and3A_666 = arith.andi %get3A_654, %and3A_665 : vector<16xi32>
        %swap3A_667 = arith.constant 0 : i32
        %swap3A_668 = arith.index_cast %swap3A_667 : i32 to index
        %swap3A_669 = arith.constant 112 : index
        %swap3A_670 = tpu.vector_load %arg8[%swap3A_668, %swap3A_669] {strides = array<i32>} : memref<2x128xi32, #tpu.memory_space<vmem>>, vector<1x16xi32>,
        %swap3A_671 = vector.shape_cast %swap3A_670 : vector<1x16xi32> to vector<16xi32>
        %swap3A_672 = vector.shape_cast %and3A_666 : vector<16xi32> to vector<1x16xi32>
        tpu.vector_store %arg8[%swap3A_668, %swap3A_669], %swap3A_672 {strides = array<i32>} : memref<2x128xi32, #tpu.memory_space<vmem>>, vector<1x16xi32>,
        %dma_start3A_673 = arith.constant 0 : i32
        %dma_start3A_674 = arith.constant 0 : i32
        %dma_start3A_675 = arith.constant 0 : i32
        %dma_start3A_676 = arith.constant 0 : i32
        %dma_start3A_677 = tpu.memref_slice %arg9[%dma_start3A_674, %dma_start3A_675, %dma_start3A_676] : memref<2x128x128xf32, #tpu.memory_space<vmem>> -> memref<1x128x128xf32, #tpu.memory_space<vmem>>
        %dma_start3A_678 = tpu.memref_squeeze %dma_start3A_677 : memref<1x128x128xf32, #tpu.memory_space<vmem>> -> memref<128x128xf32, #tpu.memory_space<vmem>>
        %dma_start3A_679 = arith.constant 0 : i32
        %dma_start3A_680 = tpu.memref_slice %arg7[%dma_start3A_673, %dma_start3A_679] : memref<2x128xi32, #tpu.memory_space<vmem>> -> memref<1x128xi32, #tpu.memory_space<vmem>>
        %dma_start3A_681 = tpu.memref_squeeze %dma_start3A_680 : memref<1x128xi32, #tpu.memory_space<vmem>> -> memref<128xi32, #tpu.memory_space<vmem>>
        %dma_start3A_682 = arith.constant 0 : i32
        %dma_start3A_683 = arith.constant 0 : i32
        %dma_start3A_684 = tpu.memref_slice %arg2[%dma_start3A_682, %dma_start3A_683] : memref<10112x128xf32, #tpu.memory_space<hbm>> -> memref<10112x128xf32, #tpu.memory_space<hbm>>
        tpu.enqueue_indirect_dma source(%dma_start3A_684 : memref<10112x128xf32, #tpu.memory_space<hbm>>) target(%dma_start3A_678 : memref<128x128xf32, #tpu.memory_space<vmem>>) offsets(%dma_start3A_681 : memref<128xi32, #tpu.memory_space<vmem>>) semaphore(%arg11 : memref<!tpu.dma_semaphore, #tpu.memory_space<semaphore_mem>>)
      } else {
      }
      %mul3A_450 = arith.constant 2 : i32
      %mul3A_451 = arith.muli %mul3A_450, %scan3A_419 : i32
      %add3A_452 = arith.constant 1 : i32
      %add3A_453 = arith.addi %mul3A_451, %add3A_452 : i32
      %dma_wait3A_454 = arith.constant 1 : i32
      %dma_wait3A_455 = arith.constant 1 : i32
      %dma_wait3A_456 = arith.constant 0 : i32
      %dma_wait3A_457 = arith.constant 0 : i32
      %dma_wait3A_458 = tpu.memref_slice %arg9[%dma_wait3A_455, %dma_wait3A_456, %dma_wait3A_457] : memref<2x128x128xf32, #tpu.memory_space<vmem>> -> memref<1x128x128xf32, #tpu.memory_space<vmem>>
      %dma_wait3A_459 = tpu.memref_squeeze %dma_wait3A_458 : memref<1x128x128xf32, #tpu.memory_space<vmem>> -> memref<128x128xf32, #tpu.memory_space<vmem>>
      %dma_wait3A_460 = arith.constant 0 : i32
      %dma_wait3A_461 = tpu.memref_slice %arg7[%dma_wait3A_454, %dma_wait3A_460] : memref<2x128xi32, #tpu.memory_space<vmem>> -> memref<1x128xi32, #tpu.memory_space<vmem>>
      %dma_wait3A_462 = tpu.memref_squeeze %dma_wait3A_461 : memref<1x128xi32, #tpu.memory_space<vmem>> -> memref<128xi32, #tpu.memory_space<vmem>>
      %dma_wait3A_463 = arith.constant 0 : i32
      %dma_wait3A_464 = arith.constant 0 : i32
      %dma_wait3A_465 = tpu.memref_slice %arg2[%dma_wait3A_463, %dma_wait3A_464] : memref<10112x128xf32, #tpu.memory_space<hbm>> -> memref<10112x128xf32, #tpu.memory_space<hbm>>
      tpu.wait_indirect_dma semaphore(%arg12 : memref<!tpu.dma_semaphore, #tpu.memory_space<semaphore_mem>>) src(%dma_wait3A_465 : memref<10112x128xf32, #tpu.memory_space<hbm>>) dst(%dma_wait3A_459 : memref<128x128xf32, #tpu.memory_space<vmem>>)
      %dma_start3A_466 = arith.constant 1 : i32
      %dma_start3A_467 = arith.constant 1 : i32
      %dma_start3A_468 = arith.constant 0 : i32
      %dma_start3A_469 = arith.constant 0 : i32
      %dma_start3A_470 = tpu.memref_slice %arg9[%dma_start3A_466, %dma_start3A_468, %dma_start3A_469] : memref<2x128x128xf32, #tpu.memory_space<vmem>> -> memref<1x128x128xf32, #tpu.memory_space<vmem>>
      %dma_start3A_471 = tpu.memref_squeeze %dma_start3A_470 : memref<1x128x128xf32, #tpu.memory_space<vmem>> -> memref<128x128xf32, #tpu.memory_space<vmem>>
      %dma_start3A_472 = arith.constant 0 : i32
      %dma_start3A_473 = tpu.memref_slice %arg8[%dma_start3A_467, %dma_start3A_472] : memref<2x128xi32, #tpu.memory_space<vmem>> -> memref<1x128xi32, #tpu.memory_space<vmem>>
      %dma_start3A_474 = tpu.memref_squeeze %dma_start3A_473 : memref<1x128xi32, #tpu.memory_space<vmem>> -> memref<128xi32, #tpu.memory_space<vmem>>
      %dma_start3A_475 = arith.constant 0 : i32
      %dma_start3A_476 = arith.constant 0 : i32
      %dma_start3A_477 = tpu.memref_slice %arg10[%dma_start3A_475, %dma_start3A_476] : memref<10112x128xf32, #tpu.memory_space<vmem_shared>> -> memref<10112x128xf32, #tpu.memory_space<vmem_shared>>
      tpu.enqueue_indirect_dma source(%dma_start3A_471 : memref<128x128xf32, #tpu.memory_space<vmem>>) target(%dma_start3A_477 : memref<10112x128xf32, #tpu.memory_space<vmem_shared>>) offsets(%dma_start3A_474 : memref<128xi32, #tpu.memory_space<vmem>>) semaphore(%arg14 : memref<!tpu.dma_semaphore, #tpu.memory_space<semaphore_mem>>) {add = true}
      %lt3A_478 = arith.constant 39 : i32
      %lt3A_479 = arith.cmpi slt, %scan3A_419, %lt3A_478 : i32
      %convert_element_type3A_480 = arith.extui %lt3A_479 : i1 to i32
      %cond3A_481 = arith.constant 0 : i32
      %cond3A_482 = arith.cmpi ne, %convert_element_type3A_480, %cond3A_481 : i32
      scf.if %cond3A_482 {
        %dma_wait3A_483 = arith.constant 1 : i32
        %dma_wait3A_484 = arith.constant 1 : i32
        %dma_wait3A_485 = arith.constant 0 : i32
        %dma_wait3A_486 = arith.constant 0 : i32
        %dma_wait3A_487 = tpu.memref_slice %arg9[%dma_wait3A_483, %dma_wait3A_485, %dma_wait3A_486] : memref<2x128x128xf32, #tpu.memory_space<vmem>> -> memref<1x128x128xf32, #tpu.memory_space<vmem>>
        %dma_wait3A_488 = tpu.memref_squeeze %dma_wait3A_487 : memref<1x128x128xf32, #tpu.memory_space<vmem>> -> memref<128x128xf32, #tpu.memory_space<vmem>>
        %dma_wait3A_489 = arith.constant 0 : i32
        %dma_wait3A_490 = tpu.memref_slice %arg8[%dma_wait3A_484, %dma_wait3A_489] : memref<2x128xi32, #tpu.memory_space<vmem>> -> memref<1x128xi32, #tpu.memory_space<vmem>>
        %dma_wait3A_491 = tpu.memref_squeeze %dma_wait3A_490 : memref<1x128xi32, #tpu.memory_space<vmem>> -> memref<128xi32, #tpu.memory_space<vmem>>
        %dma_wait3A_492 = arith.constant 0 : i32
        %dma_wait3A_493 = arith.constant 0 : i32
        %dma_wait3A_494 = tpu.memref_slice %arg10[%dma_wait3A_492, %dma_wait3A_493] : memref<10112x128xf32, #tpu.memory_space<vmem_shared>> -> memref<10112x128xf32, #tpu.memory_space<vmem_shared>>
        tpu.wait_indirect_dma semaphore(%arg14 : memref<!tpu.dma_semaphore, #tpu.memory_space<semaphore_mem>>) src(%dma_wait3A_488 : memref<128x128xf32, #tpu.memory_space<vmem>>) dst(%dma_wait3A_494 : memref<10112x128xf32, #tpu.memory_space<vmem_shared>>)
        %add3A_495 = arith.constant 2 : i32
        %add3A_496 = arith.addi %add3A_453, %add3A_495 : i32
        %get3A_497 = arith.index_cast %add3A_496 : i32 to index
        %get3A_498 = arith.constant 0 : index
        %get3A_499 = tpu.vector_load %arg6[%get3A_497, %get3A_498] {strides = array<i32>} : memref<80x128xi32, #tpu.memory_space<vmem>>, vector<1x16xi32>,
        %get3A_500 = vector.shape_cast %get3A_499 : vector<1x16xi32> to vector<16xi32>
        %shift_right_arithmetic3A_501 = arith.constant 16 : i32
        %shift_right_arithmetic3A_502 = vector.broadcast %shift_right_arithmetic3A_501 : i32 to vector<16xi32>
        %shift_right_arithmetic3A_503 = arith.shrsi %get3A_500, %shift_right_arithmetic3A_502 : vector<16xi32>
        %swap3A_504 = arith.constant 1 : i32
        %swap3A_505 = arith.index_cast %swap3A_504 : i32 to index
        %swap3A_506 = arith.constant 0 : index
        %swap3A_507 = tpu.vector_load %arg7[%swap3A_505, %swap3A_506] {strides = array<i32>} : memref<2x128xi32, #tpu.memory_space<vmem>>, vector<1x16xi32>,
        %swap3A_508 = vector.shape_cast %swap3A_507 : vector<1x16xi32> to vector<16xi32>
        %swap3A_509 = vector.shape_cast %shift_right_arithmetic3A_503 : vector<16xi32> to vector<1x16xi32>
        tpu.vector_store %arg7[%swap3A_505, %swap3A_506], %swap3A_509 {strides = array<i32>} : memref<2x128xi32, #tpu.memory_space<vmem>>, vector<1x16xi32>,
        %and3A_510 = arith.constant 65535 : i32
        %and3A_511 = vector.broadcast %and3A_510 : i32 to vector<16xi32>
        %and3A_512 = arith.andi %get3A_500, %and3A_511 : vector<16xi32>
        %swap3A_513 = arith.constant 1 : i32
        %swap3A_514 = arith.index_cast %swap3A_513 : i32 to index
        %swap3A_515 = arith.constant 0 : index
        %swap3A_516 = tpu.vector_load %arg8[%swap3A_514, %swap3A_515] {strides = array<i32>} : memref<2x128xi32, #tpu.memory_space<vmem>>, vector<1x16xi32>,
        %swap3A_517 = vector.shape_cast %swap3A_516 : vector<1x16xi32> to vector<16xi32>
        %swap3A_518 = vector.shape_cast %and3A_512 : vector<16xi32> to vector<1x16xi32>
        tpu.vector_store %arg8[%swap3A_514, %swap3A_515], %swap3A_518 {strides = array<i32>} : memref<2x128xi32, #tpu.memory_space<vmem>>, vector<1x16xi32>,
        %get3A_519 = arith.index_cast %add3A_496 : i32 to index
        %get3A_520 = arith.constant 16 : index
        %get3A_521 = tpu.vector_load %arg6[%get3A_519, %get3A_520] {strides = array<i32>} : memref<80x128xi32, #tpu.memory_space<vmem>>, vector<1x16xi32>,
        %get3A_522 = vector.shape_cast %get3A_521 : vector<1x16xi32> to vector<16xi32>
        %shift_right_arithmetic3A_523 = arith.constant 16 : i32
        %shift_right_arithmetic3A_524 = vector.broadcast %shift_right_arithmetic3A_523 : i32 to vector<16xi32>
        %shift_right_arithmetic3A_525 = arith.shrsi %get3A_522, %shift_right_arithmetic3A_524 : vector<16xi32>
        %swap3A_526 = arith.constant 1 : i32
        %swap3A_527 = arith.index_cast %swap3A_526 : i32 to index
        %swap3A_528 = arith.constant 16 : index
        %swap3A_529 = tpu.vector_load %arg7[%swap3A_527, %swap3A_528] {strides = array<i32>} : memref<2x128xi32, #tpu.memory_space<vmem>>, vector<1x16xi32>,
        %swap3A_530 = vector.shape_cast %swap3A_529 : vector<1x16xi32> to vector<16xi32>
        %swap3A_531 = vector.shape_cast %shift_right_arithmetic3A_525 : vector<16xi32> to vector<1x16xi32>
        tpu.vector_store %arg7[%swap3A_527, %swap3A_528], %swap3A_531 {strides = array<i32>} : memref<2x128xi32, #tpu.memory_space<vmem>>, vector<1x16xi32>,
        %and3A_532 = arith.constant 65535 : i32
        %and3A_533 = vector.broadcast %and3A_532 : i32 to vector<16xi32>
        %and3A_534 = arith.andi %get3A_522, %and3A_533 : vector<16xi32>
        %swap3A_535 = arith.constant 1 : i32
        %swap3A_536 = arith.index_cast %swap3A_535 : i32 to index
        %swap3A_537 = arith.constant 16 : index
        %swap3A_538 = tpu.vector_load %arg8[%swap3A_536, %swap3A_537] {strides = array<i32>} : memref<2x128xi32, #tpu.memory_space<vmem>>, vector<1x16xi32>,
        %swap3A_539 = vector.shape_cast %swap3A_538 : vector<1x16xi32> to vector<16xi32>
        %swap3A_540 = vector.shape_cast %and3A_534 : vector<16xi32> to vector<1x16xi32>
        tpu.vector_store %arg8[%swap3A_536, %swap3A_537], %swap3A_540 {strides = array<i32>} : memref<2x128xi32, #tpu.memory_space<vmem>>, vector<1x16xi32>,
        %get3A_541 = arith.index_cast %add3A_496 : i32 to index
        %get3A_542 = arith.constant 32 : index
        %get3A_543 = tpu.vector_load %arg6[%get3A_541, %get3A_542] {strides = array<i32>} : memref<80x128xi32, #tpu.memory_space<vmem>>, vector<1x16xi32>,
        %get3A_544 = vector.shape_cast %get3A_543 : vector<1x16xi32> to vector<16xi32>
        %shift_right_arithmetic3A_545 = arith.constant 16 : i32
        %shift_right_arithmetic3A_546 = vector.broadcast %shift_right_arithmetic3A_545 : i32 to vector<16xi32>
        %shift_right_arithmetic3A_547 = arith.shrsi %get3A_544, %shift_right_arithmetic3A_546 : vector<16xi32>
        %swap3A_548 = arith.constant 1 : i32
        %swap3A_549 = arith.index_cast %swap3A_548 : i32 to index
        %swap3A_550 = arith.constant 32 : index
        %swap3A_551 = tpu.vector_load %arg7[%swap3A_549, %swap3A_550] {strides = array<i32>} : memref<2x128xi32, #tpu.memory_space<vmem>>, vector<1x16xi32>,
        %swap3A_552 = vector.shape_cast %swap3A_551 : vector<1x16xi32> to vector<16xi32>
        %swap3A_553 = vector.shape_cast %shift_right_arithmetic3A_547 : vector<16xi32> to vector<1x16xi32>
        tpu.vector_store %arg7[%swap3A_549, %swap3A_550], %swap3A_553 {strides = array<i32>} : memref<2x128xi32, #tpu.memory_space<vmem>>, vector<1x16xi32>,
        %and3A_554 = arith.constant 65535 : i32
        %and3A_555 = vector.broadcast %and3A_554 : i32 to vector<16xi32>
        %and3A_556 = arith.andi %get3A_544, %and3A_555 : vector<16xi32>
        %swap3A_557 = arith.constant 1 : i32
        %swap3A_558 = arith.index_cast %swap3A_557 : i32 to index
        %swap3A_559 = arith.constant 32 : index
        %swap3A_560 = tpu.vector_load %arg8[%swap3A_558, %swap3A_559] {strides = array<i32>} : memref<2x128xi32, #tpu.memory_space<vmem>>, vector<1x16xi32>,
        %swap3A_561 = vector.shape_cast %swap3A_560 : vector<1x16xi32> to vector<16xi32>
        %swap3A_562 = vector.shape_cast %and3A_556 : vector<16xi32> to vector<1x16xi32>
        tpu.vector_store %arg8[%swap3A_558, %swap3A_559], %swap3A_562 {strides = array<i32>} : memref<2x128xi32, #tpu.memory_space<vmem>>, vector<1x16xi32>,
        %get3A_563 = arith.index_cast %add3A_496 : i32 to index
        %get3A_564 = arith.constant 48 : index
        %get3A_565 = tpu.vector_load %arg6[%get3A_563, %get3A_564] {strides = array<i32>} : memref<80x128xi32, #tpu.memory_space<vmem>>, vector<1x16xi32>,
        %get3A_566 = vector.shape_cast %get3A_565 : vector<1x16xi32> to vector<16xi32>
        %shift_right_arithmetic3A_567 = arith.constant 16 : i32
        %shift_right_arithmetic3A_568 = vector.broadcast %shift_right_arithmetic3A_567 : i32 to vector<16xi32>
        %shift_right_arithmetic3A_569 = arith.shrsi %get3A_566, %shift_right_arithmetic3A_568 : vector<16xi32>
        %swap3A_570 = arith.constant 1 : i32
        %swap3A_571 = arith.index_cast %swap3A_570 : i32 to index
        %swap3A_572 = arith.constant 48 : index
        %swap3A_573 = tpu.vector_load %arg7[%swap3A_571, %swap3A_572] {strides = array<i32>} : memref<2x128xi32, #tpu.memory_space<vmem>>, vector<1x16xi32>,
        %swap3A_574 = vector.shape_cast %swap3A_573 : vector<1x16xi32> to vector<16xi32>
        %swap3A_575 = vector.shape_cast %shift_right_arithmetic3A_569 : vector<16xi32> to vector<1x16xi32>
        tpu.vector_store %arg7[%swap3A_571, %swap3A_572], %swap3A_575 {strides = array<i32>} : memref<2x128xi32, #tpu.memory_space<vmem>>, vector<1x16xi32>,
        %and3A_576 = arith.constant 65535 : i32
        %and3A_577 = vector.broadcast %and3A_576 : i32 to vector<16xi32>
        %and3A_578 = arith.andi %get3A_566, %and3A_577 : vector<16xi32>
        %swap3A_579 = arith.constant 1 : i32
        %swap3A_580 = arith.index_cast %swap3A_579 : i32 to index
        %swap3A_581 = arith.constant 48 : index
        %swap3A_582 = tpu.vector_load %arg8[%swap3A_580, %swap3A_581] {strides = array<i32>} : memref<2x128xi32, #tpu.memory_space<vmem>>, vector<1x16xi32>,
        %swap3A_583 = vector.shape_cast %swap3A_582 : vector<1x16xi32> to vector<16xi32>
        %swap3A_584 = vector.shape_cast %and3A_578 : vector<16xi32> to vector<1x16xi32>
        tpu.vector_store %arg8[%swap3A_580, %swap3A_581], %swap3A_584 {strides = array<i32>} : memref<2x128xi32, #tpu.memory_space<vmem>>, vector<1x16xi32>,
        %get3A_585 = arith.index_cast %add3A_496 : i32 to index
        %get3A_586 = arith.constant 64 : index
        %get3A_587 = tpu.vector_load %arg6[%get3A_585, %get3A_586] {strides = array<i32>} : memref<80x128xi32, #tpu.memory_space<vmem>>, vector<1x16xi32>,
        %get3A_588 = vector.shape_cast %get3A_587 : vector<1x16xi32> to vector<16xi32>
        %shift_right_arithmetic3A_589 = arith.constant 16 : i32
        %shift_right_arithmetic3A_590 = vector.broadcast %shift_right_arithmetic3A_589 : i32 to vector<16xi32>
        %shift_right_arithmetic3A_591 = arith.shrsi %get3A_588, %shift_right_arithmetic3A_590 : vector<16xi32>
        %swap3A_592 = arith.constant 1 : i32
        %swap3A_593 = arith.index_cast %swap3A_592 : i32 to index
        %swap3A_594 = arith.constant 64 : index
        %swap3A_595 = tpu.vector_load %arg7[%swap3A_593, %swap3A_594] {strides = array<i32>} : memref<2x128xi32, #tpu.memory_space<vmem>>, vector<1x16xi32>,
        %swap3A_596 = vector.shape_cast %swap3A_595 : vector<1x16xi32> to vector<16xi32>
        %swap3A_597 = vector.shape_cast %shift_right_arithmetic3A_591 : vector<16xi32> to vector<1x16xi32>
        tpu.vector_store %arg7[%swap3A_593, %swap3A_594], %swap3A_597 {strides = array<i32>} : memref<2x128xi32, #tpu.memory_space<vmem>>, vector<1x16xi32>,
        %and3A_598 = arith.constant 65535 : i32
        %and3A_599 = vector.broadcast %and3A_598 : i32 to vector<16xi32>
        %and3A_600 = arith.andi %get3A_588, %and3A_599 : vector<16xi32>
        %swap3A_601 = arith.constant 1 : i32
        %swap3A_602 = arith.index_cast %swap3A_601 : i32 to index
        %swap3A_603 = arith.constant 64 : index
        %swap3A_604 = tpu.vector_load %arg8[%swap3A_602, %swap3A_603] {strides = array<i32>} : memref<2x128xi32, #tpu.memory_space<vmem>>, vector<1x16xi32>,
        %swap3A_605 = vector.shape_cast %swap3A_604 : vector<1x16xi32> to vector<16xi32>
        %swap3A_606 = vector.shape_cast %and3A_600 : vector<16xi32> to vector<1x16xi32>
        tpu.vector_store %arg8[%swap3A_602, %swap3A_603], %swap3A_606 {strides = array<i32>} : memref<2x128xi32, #tpu.memory_space<vmem>>, vector<1x16xi32>,
        %get3A_607 = arith.index_cast %add3A_496 : i32 to index
        %get3A_608 = arith.constant 80 : index
        %get3A_609 = tpu.vector_load %arg6[%get3A_607, %get3A_608] {strides = array<i32>} : memref<80x128xi32, #tpu.memory_space<vmem>>, vector<1x16xi32>,
        %get3A_610 = vector.shape_cast %get3A_609 : vector<1x16xi32> to vector<16xi32>
        %shift_right_arithmetic3A_611 = arith.constant 16 : i32
        %shift_right_arithmetic3A_612 = vector.broadcast %shift_right_arithmetic3A_611 : i32 to vector<16xi32>
        %shift_right_arithmetic3A_613 = arith.shrsi %get3A_610, %shift_right_arithmetic3A_612 : vector<16xi32>
        %swap3A_614 = arith.constant 1 : i32
        %swap3A_615 = arith.index_cast %swap3A_614 : i32 to index
        %swap3A_616 = arith.constant 80 : index
        %swap3A_617 = tpu.vector_load %arg7[%swap3A_615, %swap3A_616] {strides = array<i32>} : memref<2x128xi32, #tpu.memory_space<vmem>>, vector<1x16xi32>,
        %swap3A_618 = vector.shape_cast %swap3A_617 : vector<1x16xi32> to vector<16xi32>
        %swap3A_619 = vector.shape_cast %shift_right_arithmetic3A_613 : vector<16xi32> to vector<1x16xi32>
        tpu.vector_store %arg7[%swap3A_615, %swap3A_616], %swap3A_619 {strides = array<i32>} : memref<2x128xi32, #tpu.memory_space<vmem>>, vector<1x16xi32>,
        %and3A_620 = arith.constant 65535 : i32
        %and3A_621 = vector.broadcast %and3A_620 : i32 to vector<16xi32>
        %and3A_622 = arith.andi %get3A_610, %and3A_621 : vector<16xi32>
        %swap3A_623 = arith.constant 1 : i32
        %swap3A_624 = arith.index_cast %swap3A_623 : i32 to index
        %swap3A_625 = arith.constant 80 : index
        %swap3A_626 = tpu.vector_load %arg8[%swap3A_624, %swap3A_625] {strides = array<i32>} : memref<2x128xi32, #tpu.memory_space<vmem>>, vector<1x16xi32>,
        %swap3A_627 = vector.shape_cast %swap3A_626 : vector<1x16xi32> to vector<16xi32>
        %swap3A_628 = vector.shape_cast %and3A_622 : vector<16xi32> to vector<1x16xi32>
        tpu.vector_store %arg8[%swap3A_624, %swap3A_625], %swap3A_628 {strides = array<i32>} : memref<2x128xi32, #tpu.memory_space<vmem>>, vector<1x16xi32>,
        %get3A_629 = arith.index_cast %add3A_496 : i32 to index
        %get3A_630 = arith.constant 96 : index
        %get3A_631 = tpu.vector_load %arg6[%get3A_629, %get3A_630] {strides = array<i32>} : memref<80x128xi32, #tpu.memory_space<vmem>>, vector<1x16xi32>,
        %get3A_632 = vector.shape_cast %get3A_631 : vector<1x16xi32> to vector<16xi32>
        %shift_right_arithmetic3A_633 = arith.constant 16 : i32
        %shift_right_arithmetic3A_634 = vector.broadcast %shift_right_arithmetic3A_633 : i32 to vector<16xi32>
        %shift_right_arithmetic3A_635 = arith.shrsi %get3A_632, %shift_right_arithmetic3A_634 : vector<16xi32>
        %swap3A_636 = arith.constant 1 : i32
        %swap3A_637 = arith.index_cast %swap3A_636 : i32 to index
        %swap3A_638 = arith.constant 96 : index
        %swap3A_639 = tpu.vector_load %arg7[%swap3A_637, %swap3A_638] {strides = array<i32>} : memref<2x128xi32, #tpu.memory_space<vmem>>, vector<1x16xi32>,
        %swap3A_640 = vector.shape_cast %swap3A_639 : vector<1x16xi32> to vector<16xi32>
        %swap3A_641 = vector.shape_cast %shift_right_arithmetic3A_635 : vector<16xi32> to vector<1x16xi32>
        tpu.vector_store %arg7[%swap3A_637, %swap3A_638], %swap3A_641 {strides = array<i32>} : memref<2x128xi32, #tpu.memory_space<vmem>>, vector<1x16xi32>,
        %and3A_642 = arith.constant 65535 : i32
        %and3A_643 = vector.broadcast %and3A_642 : i32 to vector<16xi32>
        %and3A_644 = arith.andi %get3A_632, %and3A_643 : vector<16xi32>
        %swap3A_645 = arith.constant 1 : i32
        %swap3A_646 = arith.index_cast %swap3A_645 : i32 to index
        %swap3A_647 = arith.constant 96 : index
        %swap3A_648 = tpu.vector_load %arg8[%swap3A_646, %swap3A_647] {strides = array<i32>} : memref<2x128xi32, #tpu.memory_space<vmem>>, vector<1x16xi32>,
        %swap3A_649 = vector.shape_cast %swap3A_648 : vector<1x16xi32> to vector<16xi32>
        %swap3A_650 = vector.shape_cast %and3A_644 : vector<16xi32> to vector<1x16xi32>
        tpu.vector_store %arg8[%swap3A_646, %swap3A_647], %swap3A_650 {strides = array<i32>} : memref<2x128xi32, #tpu.memory_space<vmem>>, vector<1x16xi32>,
        %get3A_651 = arith.index_cast %add3A_496 : i32 to index
        %get3A_652 = arith.constant 112 : index
        %get3A_653 = tpu.vector_load %arg6[%get3A_651, %get3A_652] {strides = array<i32>} : memref<80x128xi32, #tpu.memory_space<vmem>>, vector<1x16xi32>,
        %get3A_654 = vector.shape_cast %get3A_653 : vector<1x16xi32> to vector<16xi32>
        %shift_right_arithmetic3A_655 = arith.constant 16 : i32
        %shift_right_arithmetic3A_656 = vector.broadcast %shift_right_arithmetic3A_655 : i32 to vector<16xi32>
        %shift_right_arithmetic3A_657 = arith.shrsi %get3A_654, %shift_right_arithmetic3A_656 : vector<16xi32>
        %swap3A_658 = arith.constant 1 : i32
        %swap3A_659 = arith.index_cast %swap3A_658 : i32 to index
        %swap3A_660 = arith.constant 112 : index
        %swap3A_661 = tpu.vector_load %arg7[%swap3A_659, %swap3A_660] {strides = array<i32>} : memref<2x128xi32, #tpu.memory_space<vmem>>, vector<1x16xi32>,
        %swap3A_662 = vector.shape_cast %swap3A_661 : vector<1x16xi32> to vector<16xi32>
        %swap3A_663 = vector.shape_cast %shift_right_arithmetic3A_657 : vector<16xi32> to vector<1x16xi32>
        tpu.vector_store %arg7[%swap3A_659, %swap3A_660], %swap3A_663 {strides = array<i32>} : memref<2x128xi32, #tpu.memory_space<vmem>>, vector<1x16xi32>,
        %and3A_664 = arith.constant 65535 : i32
        %and3A_665 = vector.broadcast %and3A_664 : i32 to vector<16xi32>
        %and3A_666 = arith.andi %get3A_654, %and3A_665 : vector<16xi32>
        %swap3A_667 = arith.constant 1 : i32
        %swap3A_668 = arith.index_cast %swap3A_667 : i32 to index
        %swap3A_669 = arith.constant 112 : index
        %swap3A_670 = tpu.vector_load %arg8[%swap3A_668, %swap3A_669] {strides = array<i32>} : memref<2x128xi32, #tpu.memory_space<vmem>>, vector<1x16xi32>,
        %swap3A_671 = vector.shape_cast %swap3A_670 : vector<1x16xi32> to vector<16xi32>
        %swap3A_672 = vector.shape_cast %and3A_666 : vector<16xi32> to vector<1x16xi32>
        tpu.vector_store %arg8[%swap3A_668, %swap3A_669], %swap3A_672 {strides = array<i32>} : memref<2x128xi32, #tpu.memory_space<vmem>>, vector<1x16xi32>,
        %dma_start3A_673 = arith.constant 1 : i32
        %dma_start3A_674 = arith.constant 1 : i32
        %dma_start3A_675 = arith.constant 0 : i32
        %dma_start3A_676 = arith.constant 0 : i32
        %dma_start3A_677 = tpu.memref_slice %arg9[%dma_start3A_674, %dma_start3A_675, %dma_start3A_676] : memref<2x128x128xf32, #tpu.memory_space<vmem>> -> memref<1x128x128xf32, #tpu.memory_space<vmem>>
        %dma_start3A_678 = tpu.memref_squeeze %dma_start3A_677 : memref<1x128x128xf32, #tpu.memory_space<vmem>> -> memref<128x128xf32, #tpu.memory_space<vmem>>
        %dma_start3A_679 = arith.constant 0 : i32
        %dma_start3A_680 = tpu.memref_slice %arg7[%dma_start3A_673, %dma_start3A_679] : memref<2x128xi32, #tpu.memory_space<vmem>> -> memref<1x128xi32, #tpu.memory_space<vmem>>
        %dma_start3A_681 = tpu.memref_squeeze %dma_start3A_680 : memref<1x128xi32, #tpu.memory_space<vmem>> -> memref<128xi32, #tpu.memory_space<vmem>>
        %dma_start3A_682 = arith.constant 0 : i32
        %dma_start3A_683 = arith.constant 0 : i32
        %dma_start3A_684 = tpu.memref_slice %arg2[%dma_start3A_682, %dma_start3A_683] : memref<10112x128xf32, #tpu.memory_space<hbm>> -> memref<10112x128xf32, #tpu.memory_space<hbm>>
        tpu.enqueue_indirect_dma source(%dma_start3A_684 : memref<10112x128xf32, #tpu.memory_space<hbm>>) target(%dma_start3A_678 : memref<128x128xf32, #tpu.memory_space<vmem>>) offsets(%dma_start3A_681 : memref<128xi32, #tpu.memory_space<vmem>>) semaphore(%arg12 : memref<!tpu.dma_semaphore, #tpu.memory_space<semaphore_mem>>)
      } else {
      }
    }
    %scan3A_394 = arith.constant 40 : i32
    %dma_wait3A = arith.constant 0 : i32
    %dma_wait3A_395 = arith.constant 0 : i32
    %dma_wait3A_396 = arith.constant 0 : i32
    %dma_wait3A_397 = arith.constant 0 : i32
    %dma_wait3A_398 = tpu.memref_slice %arg9[%dma_wait3A, %dma_wait3A_396, %dma_wait3A_397] : memref<2x128x128xf32, #tpu.memory_space<vmem>> -> memref<1x128x128xf32, #tpu.memory_space<vmem>>
    %dma_wait3A_399 = tpu.memref_squeeze %dma_wait3A_398 : memref<1x128x128xf32, #tpu.memory_space<vmem>> -> memref<128x128xf32, #tpu.memory_space<vmem>>
    %dma_wait3A_400 = arith.constant 0 : i32
    %dma_wait3A_401 = tpu.memref_slice %arg8[%dma_wait3A_395, %dma_wait3A_400] : memref<2x128xi32, #tpu.memory_space<vmem>> -> memref<1x128xi32, #tpu.memory_space<vmem>>
    %dma_wait3A_402 = tpu.memref_squeeze %dma_wait3A_401 : memref<1x128xi32, #tpu.memory_space<vmem>> -> memref<128xi32, #tpu.memory_space<vmem>>
    %dma_wait3A_403 = arith.constant 0 : i32
    %dma_wait3A_404 = arith.constant 0 : i32
    %dma_wait3A_405 = tpu.memref_slice %arg10[%dma_wait3A_403, %dma_wait3A_404] : memref<10112x128xf32, #tpu.memory_space<vmem_shared>> -> memref<10112x128xf32, #tpu.memory_space<vmem_shared>>
    tpu.wait_indirect_dma semaphore(%arg13 : memref<!tpu.dma_semaphore, #tpu.memory_space<semaphore_mem>>) src(%dma_wait3A_399 : memref<128x128xf32, #tpu.memory_space<vmem>>) dst(%dma_wait3A_405 : memref<10112x128xf32, #tpu.memory_space<vmem_shared>>)
    %dma_wait3A_406 = arith.constant 1 : i32
    %dma_wait3A_407 = arith.constant 1 : i32
    %dma_wait3A_408 = arith.constant 0 : i32
    %dma_wait3A_409 = arith.constant 0 : i32
    %dma_wait3A_410 = tpu.memref_slice %arg9[%dma_wait3A_406, %dma_wait3A_408, %dma_wait3A_409] : memref<2x128x128xf32, #tpu.memory_space<vmem>> -> memref<1x128x128xf32, #tpu.memory_space<vmem>>
    %dma_wait3A_411 = tpu.memref_squeeze %dma_wait3A_410 : memref<1x128x128xf32, #tpu.memory_space<vmem>> -> memref<128x128xf32, #tpu.memory_space<vmem>>
    %dma_wait3A_412 = arith.constant 0 : i32
    %dma_wait3A_413 = tpu.memref_slice %arg8[%dma_wait3A_407, %dma_wait3A_412] : memref<2x128xi32, #tpu.memory_space<vmem>> -> memref<1x128xi32, #tpu.memory_space<vmem>>
    %dma_wait3A_414 = tpu.memref_squeeze %dma_wait3A_413 : memref<1x128xi32, #tpu.memory_space<vmem>> -> memref<128xi32, #tpu.memory_space<vmem>>
    %dma_wait3A_415 = arith.constant 0 : i32
    %dma_wait3A_416 = arith.constant 0 : i32
    %dma_wait3A_417 = tpu.memref_slice %arg10[%dma_wait3A_415, %dma_wait3A_416] : memref<10112x128xf32, #tpu.memory_space<vmem_shared>> -> memref<10112x128xf32, #tpu.memory_space<vmem_shared>>
    tpu.wait_indirect_dma semaphore(%arg14 : memref<!tpu.dma_semaphore, #tpu.memory_space<semaphore_mem>>) src(%dma_wait3A_411 : memref<128x128xf32, #tpu.memory_space<vmem>>) dst(%dma_wait3A_417 : memref<10112x128xf32, #tpu.memory_space<vmem_shared>>)
    %barrier3A_418 = arith.constant 0 : index
    tpu.barrier barrier_id(%barrier3A_418)
    "tpu.region"() ({
      %run_scoped3A = tpu.sem_alloc : memref<!tpu.dma_semaphore, #tpu.memory_space<semaphore_mem>>
      %dma_start3A_419 = arith.constant 0 : i32
      %dma_start3A_420 = tpu.memref_slice %arg5[%arg0, %mul3A_2, %dma_start3A_419] : memref<2x10112x128xf32, #tpu.memory_space<hbm>> -> memref<1x632x128xf32, #tpu.memory_space<hbm>>
      %dma_start3A_421 = tpu.memref_squeeze %dma_start3A_420 : memref<1x632x128xf32, #tpu.memory_space<hbm>> -> memref<632x128xf32, #tpu.memory_space<hbm>>
      %dma_start3A_422 = arith.constant 0 : i32
      %dma_start3A_423 = tpu.memref_slice %arg10[%mul3A_2, %dma_start3A_422] : memref<10112x128xf32, #tpu.memory_space<vmem_shared>> -> memref<632x128xf32, #tpu.memory_space<vmem_shared>>
      tpu.enqueue_dma source(%dma_start3A_423 : memref<632x128xf32, #tpu.memory_space<vmem_shared>>) target(%dma_start3A_421 : memref<632x128xf32, #tpu.memory_space<hbm>>) target_semaphore(%run_scoped3A : memref<!tpu.dma_semaphore, #tpu.memory_space<semaphore_mem>>)
      %dma_wait3A_424 = arith.constant 0 : i32
      %dma_wait3A_425 = tpu.memref_slice %arg5[%arg0, %mul3A_2, %dma_wait3A_424] : memref<2x10112x128xf32, #tpu.memory_space<hbm>> -> memref<1x632x128xf32, #tpu.memory_space<hbm>>
      %dma_wait3A_426 = tpu.memref_squeeze %dma_wait3A_425 : memref<1x632x128xf32, #tpu.memory_space<hbm>> -> memref<632x128xf32, #tpu.memory_space<hbm>>
      %dma_wait3A_427 = arith.constant 0 : i32
      %dma_wait3A_428 = tpu.memref_slice %arg10[%mul3A_2, %dma_wait3A_427] : memref<10112x128xf32, #tpu.memory_space<vmem_shared>> -> memref<632x128xf32, #tpu.memory_space<vmem_shared>>
      tpu.wait_dma2 semaphore(%run_scoped3A : memref<!tpu.dma_semaphore, #tpu.memory_space<semaphore_mem>>) src(%dma_wait3A_428 : memref<632x128xf32, #tpu.memory_space<vmem_shared>>) dst(%dma_wait3A_426 : memref<632x128xf32, #tpu.memory_space<hbm>>)
      tpu.yield
    }) : () -> ()
    return
  }
}

#map = affine_map<(d0, d1) -> (0, 0)>
#map1 = affine_map<(d0, d1) -> (0, 0, 0)>
module attributes {stable_mosaic.version = 14 : i64} {
  func.func @_agg_kernel(%arg0: i32, %arg1: i32, %arg2: memref<10112x128xf32, #tpu.memory_space<hbm>>, %arg3: memref<32x80x128xi32, #tpu.memory_space<hbm>>, %arg4: memref<632x128xf32, #tpu.memory_space<hbm>>, %arg5: memref<2x10112x128xf32, #tpu.memory_space<hbm>>, %arg6: memref<80x128xi32, #tpu.memory_space<vmem>>, %arg7: memref<2x128xi32, #tpu.memory_space<vmem>>, %arg8: memref<2x128xi32, #tpu.memory_space<vmem>>, %arg9: memref<2x128x128xf32, #tpu.memory_space<vmem>>, %arg10: memref<10112x128xf32, #tpu.memory_space<vmem_shared>>, %arg11: memref<!tpu.dma_semaphore, #tpu.memory_space<semaphore_mem>>, %arg12: memref<!tpu.dma_semaphore, #tpu.memory_space<semaphore_mem>>, %arg13: memref<!tpu.dma_semaphore, #tpu.memory_space<semaphore_mem>>, %arg14: memref<!tpu.dma_semaphore, #tpu.memory_space<semaphore_mem>>) attributes {dimension_semantics = [#tpu.dimension_semantics<core_parallel>, #tpu.dimension_semantics<subcore_parallel>], iteration_bounds = array<i64: 2, 16>, scalar_prefetch = 0 : i64, scratch_operands = 9 : i64, tpu.core_type = #tpu.core_type<sc_vector_subcore>, window_params = [{transform_indices = #map}, {transform_indices = #map1}, {transform_indices = #map}, {transform_indices = #map1}]} {
    %mul3A = arith.constant 2 : i32
    %mul3A_0 = arith.muli %arg1, %mul3A : i32
    %add3A = arith.addi %mul3A_0, %arg0 : i32
    %mul3A_1 = arith.constant 632 : i32
    %mul3A_2 = arith.muli %arg1, %mul3A_1 : i32
    "tpu.region"() ({
      %run_scoped3A = tpu.sem_alloc : memref<!tpu.dma_semaphore, #tpu.memory_space<semaphore_mem>>
      %dma_start3A_419 = arith.constant 0 : i32
      %dma_start3A_420 = arith.constant 0 : i32
      %dma_start3A_421 = tpu.memref_slice %arg3[%add3A, %dma_start3A_419, %dma_start3A_420] : memref<32x80x128xi32, #tpu.memory_space<hbm>> -> memref<1x80x128xi32, #tpu.memory_space<hbm>>
      %dma_start3A_422 = tpu.memref_squeeze %dma_start3A_421 : memref<1x80x128xi32, #tpu.memory_space<hbm>> -> memref<80x128xi32, #tpu.memory_space<hbm>>
      %dma_start3A_423 = arith.constant 0 : i32
      %dma_start3A_424 = arith.constant 0 : i32
      %dma_start3A_425 = tpu.memref_slice %arg3[%add3A, %dma_start3A_423, %dma_start3A_424] : memref<32x80x128xi32, #tpu.memory_space<hbm>> -> memref<1x80x128xi32, #tpu.memory_space<hbm>>
      %dma_start3A_426 = tpu.memref_squeeze %dma_start3A_425 : memref<1x80x128xi32, #tpu.memory_space<hbm>> -> memref<80x128xi32, #tpu.memory_space<hbm>>
      tpu.enqueue_dma source(%dma_start3A_426 : memref<80x128xi32, #tpu.memory_space<hbm>>) target(%arg6 : memref<80x128xi32, #tpu.memory_space<vmem>>) target_semaphore(%run_scoped3A : memref<!tpu.dma_semaphore, #tpu.memory_space<semaphore_mem>>)
      %dma_wait3A_427 = arith.constant 0 : i32
      %dma_wait3A_428 = arith.constant 0 : i32
      %dma_wait3A_429 = tpu.memref_slice %arg3[%add3A, %dma_wait3A_427, %dma_wait3A_428] : memref<32x80x128xi32, #tpu.memory_space<hbm>> -> memref<1x80x128xi32, #tpu.memory_space<hbm>>
      %dma_wait3A_430 = tpu.memref_squeeze %dma_wait3A_429 : memref<1x80x128xi32, #tpu.memory_space<hbm>> -> memref<80x128xi32, #tpu.memory_space<hbm>>
      %dma_wait3A_431 = arith.constant 0 : i32
      %dma_wait3A_432 = arith.constant 0 : i32
      %dma_wait3A_433 = tpu.memref_slice %arg3[%add3A, %dma_wait3A_431, %dma_wait3A_432] : memref<32x80x128xi32, #tpu.memory_space<hbm>> -> memref<1x80x128xi32, #tpu.memory_space<hbm>>
      %dma_wait3A_434 = tpu.memref_squeeze %dma_wait3A_433 : memref<1x80x128xi32, #tpu.memory_space<hbm>> -> memref<80x128xi32, #tpu.memory_space<hbm>>
      tpu.wait_dma2 semaphore(%run_scoped3A : memref<!tpu.dma_semaphore, #tpu.memory_space<semaphore_mem>>) src(%dma_wait3A_434 : memref<80x128xi32, #tpu.memory_space<hbm>>) dst(%arg6 : memref<80x128xi32, #tpu.memory_space<vmem>>)
      tpu.yield
    }) : () -> ()
    "tpu.region"() ({
      %run_scoped3A = tpu.sem_alloc : memref<!tpu.dma_semaphore, #tpu.memory_space<semaphore_mem>>
      %dma_start3A_419 = arith.constant 0 : i32
      %dma_start3A_420 = tpu.memref_slice %arg10[%mul3A_2, %dma_start3A_419] : memref<10112x128xf32, #tpu.memory_space<vmem_shared>> -> memref<632x128xf32, #tpu.memory_space<vmem_shared>>
      tpu.enqueue_dma source(%arg4 : memref<632x128xf32, #tpu.memory_space<hbm>>) target(%dma_start3A_420 : memref<632x128xf32, #tpu.memory_space<vmem_shared>>) target_semaphore(%run_scoped3A : memref<!tpu.dma_semaphore, #tpu.memory_space<semaphore_mem>>)
      %dma_wait3A_421 = arith.constant 0 : i32
      %dma_wait3A_422 = tpu.memref_slice %arg10[%mul3A_2, %dma_wait3A_421] : memref<10112x128xf32, #tpu.memory_space<vmem_shared>> -> memref<632x128xf32, #tpu.memory_space<vmem_shared>>
      tpu.wait_dma2 semaphore(%run_scoped3A : memref<!tpu.dma_semaphore, #tpu.memory_space<semaphore_mem>>) src(%arg4 : memref<632x128xf32, #tpu.memory_space<hbm>>) dst(%dma_wait3A_422 : memref<632x128xf32, #tpu.memory_space<vmem_shared>>)
      tpu.yield
    }) : () -> ()
    %barrier3A = arith.constant 0 : index
    tpu.barrier barrier_id(%barrier3A)
    %get3A = arith.constant 0 : i32
    %get3A_3 = arith.index_cast %get3A : i32 to index
    %get3A_4 = arith.constant 0 : index
    %get3A_5 = tpu.vector_load %arg6[%get3A_3, %get3A_4] {strides = array<i32>} : memref<80x128xi32, #tpu.memory_space<vmem>>, vector<1x16xi32>,
    %get3A_6 = vector.shape_cast %get3A_5 : vector<1x16xi32> to vector<16xi32>
    %shift_right_arithmetic3A = arith.constant 16 : i32
    %shift_right_arithmetic3A_7 = vector.broadcast %shift_right_arithmetic3A : i32 to vector<16xi32>
    %shift_right_arithmetic3A_8 = arith.shrsi %get3A_6, %shift_right_arithmetic3A_7 : vector<16xi32>
    %swap3A = arith.constant 0 : i32
    %swap3A_9 = arith.index_cast %swap3A : i32 to index
    %swap3A_10 = arith.constant 0 : index
    %swap3A_11 = tpu.vector_load %arg7[%swap3A_9, %swap3A_10] {strides = array<i32>} : memref<2x128xi32, #tpu.memory_space<vmem>>, vector<1x16xi32>,
    %swap3A_12 = vector.shape_cast %swap3A_11 : vector<1x16xi32> to vector<16xi32>
    %swap3A_13 = vector.shape_cast %shift_right_arithmetic3A_8 : vector<16xi32> to vector<1x16xi32>
    tpu.vector_store %arg7[%swap3A_9, %swap3A_10], %swap3A_13 {strides = array<i32>} : memref<2x128xi32, #tpu.memory_space<vmem>>, vector<1x16xi32>,
    %and3A = arith.constant 65535 : i32
    %and3A_14 = vector.broadcast %and3A : i32 to vector<16xi32>
    %and3A_15 = arith.andi %get3A_6, %and3A_14 : vector<16xi32>
    %swap3A_16 = arith.constant 0 : i32
    %swap3A_17 = arith.index_cast %swap3A_16 : i32 to index
    %swap3A_18 = arith.constant 0 : index
    %swap3A_19 = tpu.vector_load %arg8[%swap3A_17, %swap3A_18] {strides = array<i32>} : memref<2x128xi32, #tpu.memory_space<vmem>>, vector<1x16xi32>,
    %swap3A_20 = vector.shape_cast %swap3A_19 : vector<1x16xi32> to vector<16xi32>
    %swap3A_21 = vector.shape_cast %and3A_15 : vector<16xi32> to vector<1x16xi32>
    tpu.vector_store %arg8[%swap3A_17, %swap3A_18], %swap3A_21 {strides = array<i32>} : memref<2x128xi32, #tpu.memory_space<vmem>>, vector<1x16xi32>,
    %get3A_22 = arith.constant 0 : i32
    %get3A_23 = arith.index_cast %get3A_22 : i32 to index
    %get3A_24 = arith.constant 16 : index
    %get3A_25 = tpu.vector_load %arg6[%get3A_23, %get3A_24] {strides = array<i32>} : memref<80x128xi32, #tpu.memory_space<vmem>>, vector<1x16xi32>,
    %get3A_26 = vector.shape_cast %get3A_25 : vector<1x16xi32> to vector<16xi32>
    %shift_right_arithmetic3A_27 = arith.constant 16 : i32
    %shift_right_arithmetic3A_28 = vector.broadcast %shift_right_arithmetic3A_27 : i32 to vector<16xi32>
    %shift_right_arithmetic3A_29 = arith.shrsi %get3A_26, %shift_right_arithmetic3A_28 : vector<16xi32>
    %swap3A_30 = arith.constant 0 : i32
    %swap3A_31 = arith.index_cast %swap3A_30 : i32 to index
    %swap3A_32 = arith.constant 16 : index
    %swap3A_33 = tpu.vector_load %arg7[%swap3A_31, %swap3A_32] {strides = array<i32>} : memref<2x128xi32, #tpu.memory_space<vmem>>, vector<1x16xi32>,
    %swap3A_34 = vector.shape_cast %swap3A_33 : vector<1x16xi32> to vector<16xi32>
    %swap3A_35 = vector.shape_cast %shift_right_arithmetic3A_29 : vector<16xi32> to vector<1x16xi32>
    tpu.vector_store %arg7[%swap3A_31, %swap3A_32], %swap3A_35 {strides = array<i32>} : memref<2x128xi32, #tpu.memory_space<vmem>>, vector<1x16xi32>,
    %and3A_36 = arith.constant 65535 : i32
    %and3A_37 = vector.broadcast %and3A_36 : i32 to vector<16xi32>
    %and3A_38 = arith.andi %get3A_26, %and3A_37 : vector<16xi32>
    %swap3A_39 = arith.constant 0 : i32
    %swap3A_40 = arith.index_cast %swap3A_39 : i32 to index
    %swap3A_41 = arith.constant 16 : index
    %swap3A_42 = tpu.vector_load %arg8[%swap3A_40, %swap3A_41] {strides = array<i32>} : memref<2x128xi32, #tpu.memory_space<vmem>>, vector<1x16xi32>,
    %swap3A_43 = vector.shape_cast %swap3A_42 : vector<1x16xi32> to vector<16xi32>
    %swap3A_44 = vector.shape_cast %and3A_38 : vector<16xi32> to vector<1x16xi32>
    tpu.vector_store %arg8[%swap3A_40, %swap3A_41], %swap3A_44 {strides = array<i32>} : memref<2x128xi32, #tpu.memory_space<vmem>>, vector<1x16xi32>,
    %get3A_45 = arith.constant 0 : i32
    %get3A_46 = arith.index_cast %get3A_45 : i32 to index
    %get3A_47 = arith.constant 32 : index
    %get3A_48 = tpu.vector_load %arg6[%get3A_46, %get3A_47] {strides = array<i32>} : memref<80x128xi32, #tpu.memory_space<vmem>>, vector<1x16xi32>,
    %get3A_49 = vector.shape_cast %get3A_48 : vector<1x16xi32> to vector<16xi32>
    %shift_right_arithmetic3A_50 = arith.constant 16 : i32
    %shift_right_arithmetic3A_51 = vector.broadcast %shift_right_arithmetic3A_50 : i32 to vector<16xi32>
    %shift_right_arithmetic3A_52 = arith.shrsi %get3A_49, %shift_right_arithmetic3A_51 : vector<16xi32>
    %swap3A_53 = arith.constant 0 : i32
    %swap3A_54 = arith.index_cast %swap3A_53 : i32 to index
    %swap3A_55 = arith.constant 32 : index
    %swap3A_56 = tpu.vector_load %arg7[%swap3A_54, %swap3A_55] {strides = array<i32>} : memref<2x128xi32, #tpu.memory_space<vmem>>, vector<1x16xi32>,
    %swap3A_57 = vector.shape_cast %swap3A_56 : vector<1x16xi32> to vector<16xi32>
    %swap3A_58 = vector.shape_cast %shift_right_arithmetic3A_52 : vector<16xi32> to vector<1x16xi32>
    tpu.vector_store %arg7[%swap3A_54, %swap3A_55], %swap3A_58 {strides = array<i32>} : memref<2x128xi32, #tpu.memory_space<vmem>>, vector<1x16xi32>,
    %and3A_59 = arith.constant 65535 : i32
    %and3A_60 = vector.broadcast %and3A_59 : i32 to vector<16xi32>
    %and3A_61 = arith.andi %get3A_49, %and3A_60 : vector<16xi32>
    %swap3A_62 = arith.constant 0 : i32
    %swap3A_63 = arith.index_cast %swap3A_62 : i32 to index
    %swap3A_64 = arith.constant 32 : index
    %swap3A_65 = tpu.vector_load %arg8[%swap3A_63, %swap3A_64] {strides = array<i32>} : memref<2x128xi32, #tpu.memory_space<vmem>>, vector<1x16xi32>,
    %swap3A_66 = vector.shape_cast %swap3A_65 : vector<1x16xi32> to vector<16xi32>
    %swap3A_67 = vector.shape_cast %and3A_61 : vector<16xi32> to vector<1x16xi32>
    tpu.vector_store %arg8[%swap3A_63, %swap3A_64], %swap3A_67 {strides = array<i32>} : memref<2x128xi32, #tpu.memory_space<vmem>>, vector<1x16xi32>,
    %get3A_68 = arith.constant 0 : i32
    %get3A_69 = arith.index_cast %get3A_68 : i32 to index
    %get3A_70 = arith.constant 48 : index
    %get3A_71 = tpu.vector_load %arg6[%get3A_69, %get3A_70] {strides = array<i32>} : memref<80x128xi32, #tpu.memory_space<vmem>>, vector<1x16xi32>,
    %get3A_72 = vector.shape_cast %get3A_71 : vector<1x16xi32> to vector<16xi32>
    %shift_right_arithmetic3A_73 = arith.constant 16 : i32
    %shift_right_arithmetic3A_74 = vector.broadcast %shift_right_arithmetic3A_73 : i32 to vector<16xi32>
    %shift_right_arithmetic3A_75 = arith.shrsi %get3A_72, %shift_right_arithmetic3A_74 : vector<16xi32>
    %swap3A_76 = arith.constant 0 : i32
    %swap3A_77 = arith.index_cast %swap3A_76 : i32 to index
    %swap3A_78 = arith.constant 48 : index
    %swap3A_79 = tpu.vector_load %arg7[%swap3A_77, %swap3A_78] {strides = array<i32>} : memref<2x128xi32, #tpu.memory_space<vmem>>, vector<1x16xi32>,
    %swap3A_80 = vector.shape_cast %swap3A_79 : vector<1x16xi32> to vector<16xi32>
    %swap3A_81 = vector.shape_cast %shift_right_arithmetic3A_75 : vector<16xi32> to vector<1x16xi32>
    tpu.vector_store %arg7[%swap3A_77, %swap3A_78], %swap3A_81 {strides = array<i32>} : memref<2x128xi32, #tpu.memory_space<vmem>>, vector<1x16xi32>,
    %and3A_82 = arith.constant 65535 : i32
    %and3A_83 = vector.broadcast %and3A_82 : i32 to vector<16xi32>
    %and3A_84 = arith.andi %get3A_72, %and3A_83 : vector<16xi32>
    %swap3A_85 = arith.constant 0 : i32
    %swap3A_86 = arith.index_cast %swap3A_85 : i32 to index
    %swap3A_87 = arith.constant 48 : index
    %swap3A_88 = tpu.vector_load %arg8[%swap3A_86, %swap3A_87] {strides = array<i32>} : memref<2x128xi32, #tpu.memory_space<vmem>>, vector<1x16xi32>,
    %swap3A_89 = vector.shape_cast %swap3A_88 : vector<1x16xi32> to vector<16xi32>
    %swap3A_90 = vector.shape_cast %and3A_84 : vector<16xi32> to vector<1x16xi32>
    tpu.vector_store %arg8[%swap3A_86, %swap3A_87], %swap3A_90 {strides = array<i32>} : memref<2x128xi32, #tpu.memory_space<vmem>>, vector<1x16xi32>,
    %get3A_91 = arith.constant 0 : i32
    %get3A_92 = arith.index_cast %get3A_91 : i32 to index
    %get3A_93 = arith.constant 64 : index
    %get3A_94 = tpu.vector_load %arg6[%get3A_92, %get3A_93] {strides = array<i32>} : memref<80x128xi32, #tpu.memory_space<vmem>>, vector<1x16xi32>,
    %get3A_95 = vector.shape_cast %get3A_94 : vector<1x16xi32> to vector<16xi32>
    %shift_right_arithmetic3A_96 = arith.constant 16 : i32
    %shift_right_arithmetic3A_97 = vector.broadcast %shift_right_arithmetic3A_96 : i32 to vector<16xi32>
    %shift_right_arithmetic3A_98 = arith.shrsi %get3A_95, %shift_right_arithmetic3A_97 : vector<16xi32>
    %swap3A_99 = arith.constant 0 : i32
    %swap3A_100 = arith.index_cast %swap3A_99 : i32 to index
    %swap3A_101 = arith.constant 64 : index
    %swap3A_102 = tpu.vector_load %arg7[%swap3A_100, %swap3A_101] {strides = array<i32>} : memref<2x128xi32, #tpu.memory_space<vmem>>, vector<1x16xi32>,
    %swap3A_103 = vector.shape_cast %swap3A_102 : vector<1x16xi32> to vector<16xi32>
    %swap3A_104 = vector.shape_cast %shift_right_arithmetic3A_98 : vector<16xi32> to vector<1x16xi32>
    tpu.vector_store %arg7[%swap3A_100, %swap3A_101], %swap3A_104 {strides = array<i32>} : memref<2x128xi32, #tpu.memory_space<vmem>>, vector<1x16xi32>,
    %and3A_105 = arith.constant 65535 : i32
    %and3A_106 = vector.broadcast %and3A_105 : i32 to vector<16xi32>
    %and3A_107 = arith.andi %get3A_95, %and3A_106 : vector<16xi32>
    %swap3A_108 = arith.constant 0 : i32
    %swap3A_109 = arith.index_cast %swap3A_108 : i32 to index
    %swap3A_110 = arith.constant 64 : index
    %swap3A_111 = tpu.vector_load %arg8[%swap3A_109, %swap3A_110] {strides = array<i32>} : memref<2x128xi32, #tpu.memory_space<vmem>>, vector<1x16xi32>,
    %swap3A_112 = vector.shape_cast %swap3A_111 : vector<1x16xi32> to vector<16xi32>
    %swap3A_113 = vector.shape_cast %and3A_107 : vector<16xi32> to vector<1x16xi32>
    tpu.vector_store %arg8[%swap3A_109, %swap3A_110], %swap3A_113 {strides = array<i32>} : memref<2x128xi32, #tpu.memory_space<vmem>>, vector<1x16xi32>,
    %get3A_114 = arith.constant 0 : i32
    %get3A_115 = arith.index_cast %get3A_114 : i32 to index
    %get3A_116 = arith.constant 80 : index
    %get3A_117 = tpu.vector_load %arg6[%get3A_115, %get3A_116] {strides = array<i32>} : memref<80x128xi32, #tpu.memory_space<vmem>>, vector<1x16xi32>,
    %get3A_118 = vector.shape_cast %get3A_117 : vector<1x16xi32> to vector<16xi32>
    %shift_right_arithmetic3A_119 = arith.constant 16 : i32
    %shift_right_arithmetic3A_120 = vector.broadcast %shift_right_arithmetic3A_119 : i32 to vector<16xi32>
    %shift_right_arithmetic3A_121 = arith.shrsi %get3A_118, %shift_right_arithmetic3A_120 : vector<16xi32>
    %swap3A_122 = arith.constant 0 : i32
    %swap3A_123 = arith.index_cast %swap3A_122 : i32 to index
    %swap3A_124 = arith.constant 80 : index
    %swap3A_125 = tpu.vector_load %arg7[%swap3A_123, %swap3A_124] {strides = array<i32>} : memref<2x128xi32, #tpu.memory_space<vmem>>, vector<1x16xi32>,
    %swap3A_126 = vector.shape_cast %swap3A_125 : vector<1x16xi32> to vector<16xi32>
    %swap3A_127 = vector.shape_cast %shift_right_arithmetic3A_121 : vector<16xi32> to vector<1x16xi32>
    tpu.vector_store %arg7[%swap3A_123, %swap3A_124], %swap3A_127 {strides = array<i32>} : memref<2x128xi32, #tpu.memory_space<vmem>>, vector<1x16xi32>,
    %and3A_128 = arith.constant 65535 : i32
    %and3A_129 = vector.broadcast %and3A_128 : i32 to vector<16xi32>
    %and3A_130 = arith.andi %get3A_118, %and3A_129 : vector<16xi32>
    %swap3A_131 = arith.constant 0 : i32
    %swap3A_132 = arith.index_cast %swap3A_131 : i32 to index
    %swap3A_133 = arith.constant 80 : index
    %swap3A_134 = tpu.vector_load %arg8[%swap3A_132, %swap3A_133] {strides = array<i32>} : memref<2x128xi32, #tpu.memory_space<vmem>>, vector<1x16xi32>,
    %swap3A_135 = vector.shape_cast %swap3A_134 : vector<1x16xi32> to vector<16xi32>
    %swap3A_136 = vector.shape_cast %and3A_130 : vector<16xi32> to vector<1x16xi32>
    tpu.vector_store %arg8[%swap3A_132, %swap3A_133], %swap3A_136 {strides = array<i32>} : memref<2x128xi32, #tpu.memory_space<vmem>>, vector<1x16xi32>,
    %get3A_137 = arith.constant 0 : i32
    %get3A_138 = arith.index_cast %get3A_137 : i32 to index
    %get3A_139 = arith.constant 96 : index
    %get3A_140 = tpu.vector_load %arg6[%get3A_138, %get3A_139] {strides = array<i32>} : memref<80x128xi32, #tpu.memory_space<vmem>>, vector<1x16xi32>,
    %get3A_141 = vector.shape_cast %get3A_140 : vector<1x16xi32> to vector<16xi32>
    %shift_right_arithmetic3A_142 = arith.constant 16 : i32
    %shift_right_arithmetic3A_143 = vector.broadcast %shift_right_arithmetic3A_142 : i32 to vector<16xi32>
    %shift_right_arithmetic3A_144 = arith.shrsi %get3A_141, %shift_right_arithmetic3A_143 : vector<16xi32>
    %swap3A_145 = arith.constant 0 : i32
    %swap3A_146 = arith.index_cast %swap3A_145 : i32 to index
    %swap3A_147 = arith.constant 96 : index
    %swap3A_148 = tpu.vector_load %arg7[%swap3A_146, %swap3A_147] {strides = array<i32>} : memref<2x128xi32, #tpu.memory_space<vmem>>, vector<1x16xi32>,
    %swap3A_149 = vector.shape_cast %swap3A_148 : vector<1x16xi32> to vector<16xi32>
    %swap3A_150 = vector.shape_cast %shift_right_arithmetic3A_144 : vector<16xi32> to vector<1x16xi32>
    tpu.vector_store %arg7[%swap3A_146, %swap3A_147], %swap3A_150 {strides = array<i32>} : memref<2x128xi32, #tpu.memory_space<vmem>>, vector<1x16xi32>,
    %and3A_151 = arith.constant 65535 : i32
    %and3A_152 = vector.broadcast %and3A_151 : i32 to vector<16xi32>
    %and3A_153 = arith.andi %get3A_141, %and3A_152 : vector<16xi32>
    %swap3A_154 = arith.constant 0 : i32
    %swap3A_155 = arith.index_cast %swap3A_154 : i32 to index
    %swap3A_156 = arith.constant 96 : index
    %swap3A_157 = tpu.vector_load %arg8[%swap3A_155, %swap3A_156] {strides = array<i32>} : memref<2x128xi32, #tpu.memory_space<vmem>>, vector<1x16xi32>,
    %swap3A_158 = vector.shape_cast %swap3A_157 : vector<1x16xi32> to vector<16xi32>
    %swap3A_159 = vector.shape_cast %and3A_153 : vector<16xi32> to vector<1x16xi32>
    tpu.vector_store %arg8[%swap3A_155, %swap3A_156], %swap3A_159 {strides = array<i32>} : memref<2x128xi32, #tpu.memory_space<vmem>>, vector<1x16xi32>,
    %get3A_160 = arith.constant 0 : i32
    %get3A_161 = arith.index_cast %get3A_160 : i32 to index
    %get3A_162 = arith.constant 112 : index
    %get3A_163 = tpu.vector_load %arg6[%get3A_161, %get3A_162] {strides = array<i32>} : memref<80x128xi32, #tpu.memory_space<vmem>>, vector<1x16xi32>,
    %get3A_164 = vector.shape_cast %get3A_163 : vector<1x16xi32> to vector<16xi32>
    %shift_right_arithmetic3A_165 = arith.constant 16 : i32
    %shift_right_arithmetic3A_166 = vector.broadcast %shift_right_arithmetic3A_165 : i32 to vector<16xi32>
    %shift_right_arithmetic3A_167 = arith.shrsi %get3A_164, %shift_right_arithmetic3A_166 : vector<16xi32>
    %swap3A_168 = arith.constant 0 : i32
    %swap3A_169 = arith.index_cast %swap3A_168 : i32 to index
    %swap3A_170 = arith.constant 112 : index
    %swap3A_171 = tpu.vector_load %arg7[%swap3A_169, %swap3A_170] {strides = array<i32>} : memref<2x128xi32, #tpu.memory_space<vmem>>, vector<1x16xi32>,
    %swap3A_172 = vector.shape_cast %swap3A_171 : vector<1x16xi32> to vector<16xi32>
    %swap3A_173 = vector.shape_cast %shift_right_arithmetic3A_167 : vector<16xi32> to vector<1x16xi32>
    tpu.vector_store %arg7[%swap3A_169, %swap3A_170], %swap3A_173 {strides = array<i32>} : memref<2x128xi32, #tpu.memory_space<vmem>>, vector<1x16xi32>,
    %and3A_174 = arith.constant 65535 : i32
    %and3A_175 = vector.broadcast %and3A_174 : i32 to vector<16xi32>
    %and3A_176 = arith.andi %get3A_164, %and3A_175 : vector<16xi32>
    %swap3A_177 = arith.constant 0 : i32
    %swap3A_178 = arith.index_cast %swap3A_177 : i32 to index
    %swap3A_179 = arith.constant 112 : index
    %swap3A_180 = tpu.vector_load %arg8[%swap3A_178, %swap3A_179] {strides = array<i32>} : memref<2x128xi32, #tpu.memory_space<vmem>>, vector<1x16xi32>,
    %swap3A_181 = vector.shape_cast %swap3A_180 : vector<1x16xi32> to vector<16xi32>
    %swap3A_182 = vector.shape_cast %and3A_176 : vector<16xi32> to vector<1x16xi32>
    tpu.vector_store %arg8[%swap3A_178, %swap3A_179], %swap3A_182 {strides = array<i32>} : memref<2x128xi32, #tpu.memory_space<vmem>>, vector<1x16xi32>,
    %dma_start3A = arith.constant 0 : i32
    %dma_start3A_183 = arith.constant 0 : i32
    %dma_start3A_184 = arith.constant 0 : i32
    %dma_start3A_185 = arith.constant 0 : i32
    %dma_start3A_186 = tpu.memref_slice %arg9[%dma_start3A_183, %dma_start3A_184, %dma_start3A_185] : memref<2x128x128xf32, #tpu.memory_space<vmem>> -> memref<1x128x128xf32, #tpu.memory_space<vmem>>
    %dma_start3A_187 = tpu.memref_squeeze %dma_start3A_186 : memref<1x128x128xf32, #tpu.memory_space<vmem>> -> memref<128x128xf32, #tpu.memory_space<vmem>>
    %dma_start3A_188 = arith.constant 0 : i32
    %dma_start3A_189 = tpu.memref_slice %arg7[%dma_start3A, %dma_start3A_188] : memref<2x128xi32, #tpu.memory_space<vmem>> -> memref<1x128xi32, #tpu.memory_space<vmem>>
    %dma_start3A_190 = tpu.memref_squeeze %dma_start3A_189 : memref<1x128xi32, #tpu.memory_space<vmem>> -> memref<128xi32, #tpu.memory_space<vmem>>
    %dma_start3A_191 = arith.constant 0 : i32
    %dma_start3A_192 = arith.constant 0 : i32
    %dma_start3A_193 = tpu.memref_slice %arg2[%dma_start3A_191, %dma_start3A_192] : memref<10112x128xf32, #tpu.memory_space<hbm>> -> memref<10112x128xf32, #tpu.memory_space<hbm>>
    tpu.enqueue_indirect_dma source(%dma_start3A_193 : memref<10112x128xf32, #tpu.memory_space<hbm>>) target(%dma_start3A_187 : memref<128x128xf32, #tpu.memory_space<vmem>>) offsets(%dma_start3A_190 : memref<128xi32, #tpu.memory_space<vmem>>) semaphore(%arg11 : memref<!tpu.dma_semaphore, #tpu.memory_space<semaphore_mem>>)
    %get3A_194 = arith.constant 1 : i32
    %get3A_195 = arith.index_cast %get3A_194 : i32 to index
    %get3A_196 = arith.constant 0 : index
    %get3A_197 = tpu.vector_load %arg6[%get3A_195, %get3A_196] {strides = array<i32>} : memref<80x128xi32, #tpu.memory_space<vmem>>, vector<1x16xi32>,
    %get3A_198 = vector.shape_cast %get3A_197 : vector<1x16xi32> to vector<16xi32>
    %shift_right_arithmetic3A_199 = arith.constant 16 : i32
    %shift_right_arithmetic3A_200 = vector.broadcast %shift_right_arithmetic3A_199 : i32 to vector<16xi32>
    %shift_right_arithmetic3A_201 = arith.shrsi %get3A_198, %shift_right_arithmetic3A_200 : vector<16xi32>
    %swap3A_202 = arith.constant 1 : i32
    %swap3A_203 = arith.index_cast %swap3A_202 : i32 to index
    %swap3A_204 = arith.constant 0 : index
    %swap3A_205 = tpu.vector_load %arg7[%swap3A_203, %swap3A_204] {strides = array<i32>} : memref<2x128xi32, #tpu.memory_space<vmem>>, vector<1x16xi32>,
    %swap3A_206 = vector.shape_cast %swap3A_205 : vector<1x16xi32> to vector<16xi32>
    %swap3A_207 = vector.shape_cast %shift_right_arithmetic3A_201 : vector<16xi32> to vector<1x16xi32>
    tpu.vector_store %arg7[%swap3A_203, %swap3A_204], %swap3A_207 {strides = array<i32>} : memref<2x128xi32, #tpu.memory_space<vmem>>, vector<1x16xi32>,
    %and3A_208 = arith.constant 65535 : i32
    %and3A_209 = vector.broadcast %and3A_208 : i32 to vector<16xi32>
    %and3A_210 = arith.andi %get3A_198, %and3A_209 : vector<16xi32>
    %swap3A_211 = arith.constant 1 : i32
    %swap3A_212 = arith.index_cast %swap3A_211 : i32 to index
    %swap3A_213 = arith.constant 0 : index
    %swap3A_214 = tpu.vector_load %arg8[%swap3A_212, %swap3A_213] {strides = array<i32>} : memref<2x128xi32, #tpu.memory_space<vmem>>, vector<1x16xi32>,
    %swap3A_215 = vector.shape_cast %swap3A_214 : vector<1x16xi32> to vector<16xi32>
    %swap3A_216 = vector.shape_cast %and3A_210 : vector<16xi32> to vector<1x16xi32>
    tpu.vector_store %arg8[%swap3A_212, %swap3A_213], %swap3A_216 {strides = array<i32>} : memref<2x128xi32, #tpu.memory_space<vmem>>, vector<1x16xi32>,
    %get3A_217 = arith.constant 1 : i32
    %get3A_218 = arith.index_cast %get3A_217 : i32 to index
    %get3A_219 = arith.constant 16 : index
    %get3A_220 = tpu.vector_load %arg6[%get3A_218, %get3A_219] {strides = array<i32>} : memref<80x128xi32, #tpu.memory_space<vmem>>, vector<1x16xi32>,
    %get3A_221 = vector.shape_cast %get3A_220 : vector<1x16xi32> to vector<16xi32>
    %shift_right_arithmetic3A_222 = arith.constant 16 : i32
    %shift_right_arithmetic3A_223 = vector.broadcast %shift_right_arithmetic3A_222 : i32 to vector<16xi32>
    %shift_right_arithmetic3A_224 = arith.shrsi %get3A_221, %shift_right_arithmetic3A_223 : vector<16xi32>
    %swap3A_225 = arith.constant 1 : i32
    %swap3A_226 = arith.index_cast %swap3A_225 : i32 to index
    %swap3A_227 = arith.constant 16 : index
    %swap3A_228 = tpu.vector_load %arg7[%swap3A_226, %swap3A_227] {strides = array<i32>} : memref<2x128xi32, #tpu.memory_space<vmem>>, vector<1x16xi32>,
    %swap3A_229 = vector.shape_cast %swap3A_228 : vector<1x16xi32> to vector<16xi32>
    %swap3A_230 = vector.shape_cast %shift_right_arithmetic3A_224 : vector<16xi32> to vector<1x16xi32>
    tpu.vector_store %arg7[%swap3A_226, %swap3A_227], %swap3A_230 {strides = array<i32>} : memref<2x128xi32, #tpu.memory_space<vmem>>, vector<1x16xi32>,
    %and3A_231 = arith.constant 65535 : i32
    %and3A_232 = vector.broadcast %and3A_231 : i32 to vector<16xi32>
    %and3A_233 = arith.andi %get3A_221, %and3A_232 : vector<16xi32>
    %swap3A_234 = arith.constant 1 : i32
    %swap3A_235 = arith.index_cast %swap3A_234 : i32 to index
    %swap3A_236 = arith.constant 16 : index
    %swap3A_237 = tpu.vector_load %arg8[%swap3A_235, %swap3A_236] {strides = array<i32>} : memref<2x128xi32, #tpu.memory_space<vmem>>, vector<1x16xi32>,
    %swap3A_238 = vector.shape_cast %swap3A_237 : vector<1x16xi32> to vector<16xi32>
    %swap3A_239 = vector.shape_cast %and3A_233 : vector<16xi32> to vector<1x16xi32>
    tpu.vector_store %arg8[%swap3A_235, %swap3A_236], %swap3A_239 {strides = array<i32>} : memref<2x128xi32, #tpu.memory_space<vmem>>, vector<1x16xi32>,
    %get3A_240 = arith.constant 1 : i32
    %get3A_241 = arith.index_cast %get3A_240 : i32 to index
    %get3A_242 = arith.constant 32 : index
    %get3A_243 = tpu.vector_load %arg6[%get3A_241, %get3A_242] {strides = array<i32>} : memref<80x128xi32, #tpu.memory_space<vmem>>, vector<1x16xi32>,
    %get3A_244 = vector.shape_cast %get3A_243 : vector<1x16xi32> to vector<16xi32>
    %shift_right_arithmetic3A_245 = arith.constant 16 : i32
    %shift_right_arithmetic3A_246 = vector.broadcast %shift_right_arithmetic3A_245 : i32 to vector<16xi32>
    %shift_right_arithmetic3A_247 = arith.shrsi %get3A_244, %shift_right_arithmetic3A_246 : vector<16xi32>
    %swap3A_248 = arith.constant 1 : i32
    %swap3A_249 = arith.index_cast %swap3A_248 : i32 to index
    %swap3A_250 = arith.constant 32 : index
    %swap3A_251 = tpu.vector_load %arg7[%swap3A_249, %swap3A_250] {strides = array<i32>} : memref<2x128xi32, #tpu.memory_space<vmem>>, vector<1x16xi32>,
    %swap3A_252 = vector.shape_cast %swap3A_251 : vector<1x16xi32> to vector<16xi32>
    %swap3A_253 = vector.shape_cast %shift_right_arithmetic3A_247 : vector<16xi32> to vector<1x16xi32>
    tpu.vector_store %arg7[%swap3A_249, %swap3A_250], %swap3A_253 {strides = array<i32>} : memref<2x128xi32, #tpu.memory_space<vmem>>, vector<1x16xi32>,
    %and3A_254 = arith.constant 65535 : i32
    %and3A_255 = vector.broadcast %and3A_254 : i32 to vector<16xi32>
    %and3A_256 = arith.andi %get3A_244, %and3A_255 : vector<16xi32>
    %swap3A_257 = arith.constant 1 : i32
    %swap3A_258 = arith.index_cast %swap3A_257 : i32 to index
    %swap3A_259 = arith.constant 32 : index
    %swap3A_260 = tpu.vector_load %arg8[%swap3A_258, %swap3A_259] {strides = array<i32>} : memref<2x128xi32, #tpu.memory_space<vmem>>, vector<1x16xi32>,
    %swap3A_261 = vector.shape_cast %swap3A_260 : vector<1x16xi32> to vector<16xi32>
    %swap3A_262 = vector.shape_cast %and3A_256 : vector<16xi32> to vector<1x16xi32>
    tpu.vector_store %arg8[%swap3A_258, %swap3A_259], %swap3A_262 {strides = array<i32>} : memref<2x128xi32, #tpu.memory_space<vmem>>, vector<1x16xi32>,
    %get3A_263 = arith.constant 1 : i32
    %get3A_264 = arith.index_cast %get3A_263 : i32 to index
    %get3A_265 = arith.constant 48 : index
    %get3A_266 = tpu.vector_load %arg6[%get3A_264, %get3A_265] {strides = array<i32>} : memref<80x128xi32, #tpu.memory_space<vmem>>, vector<1x16xi32>,
    %get3A_267 = vector.shape_cast %get3A_266 : vector<1x16xi32> to vector<16xi32>
    %shift_right_arithmetic3A_268 = arith.constant 16 : i32
    %shift_right_arithmetic3A_269 = vector.broadcast %shift_right_arithmetic3A_268 : i32 to vector<16xi32>
    %shift_right_arithmetic3A_270 = arith.shrsi %get3A_267, %shift_right_arithmetic3A_269 : vector<16xi32>
    %swap3A_271 = arith.constant 1 : i32
    %swap3A_272 = arith.index_cast %swap3A_271 : i32 to index
    %swap3A_273 = arith.constant 48 : index
    %swap3A_274 = tpu.vector_load %arg7[%swap3A_272, %swap3A_273] {strides = array<i32>} : memref<2x128xi32, #tpu.memory_space<vmem>>, vector<1x16xi32>,
    %swap3A_275 = vector.shape_cast %swap3A_274 : vector<1x16xi32> to vector<16xi32>
    %swap3A_276 = vector.shape_cast %shift_right_arithmetic3A_270 : vector<16xi32> to vector<1x16xi32>
    tpu.vector_store %arg7[%swap3A_272, %swap3A_273], %swap3A_276 {strides = array<i32>} : memref<2x128xi32, #tpu.memory_space<vmem>>, vector<1x16xi32>,
    %and3A_277 = arith.constant 65535 : i32
    %and3A_278 = vector.broadcast %and3A_277 : i32 to vector<16xi32>
    %and3A_279 = arith.andi %get3A_267, %and3A_278 : vector<16xi32>
    %swap3A_280 = arith.constant 1 : i32
    %swap3A_281 = arith.index_cast %swap3A_280 : i32 to index
    %swap3A_282 = arith.constant 48 : index
    %swap3A_283 = tpu.vector_load %arg8[%swap3A_281, %swap3A_282] {strides = array<i32>} : memref<2x128xi32, #tpu.memory_space<vmem>>, vector<1x16xi32>,
    %swap3A_284 = vector.shape_cast %swap3A_283 : vector<1x16xi32> to vector<16xi32>
    %swap3A_285 = vector.shape_cast %and3A_279 : vector<16xi32> to vector<1x16xi32>
    tpu.vector_store %arg8[%swap3A_281, %swap3A_282], %swap3A_285 {strides = array<i32>} : memref<2x128xi32, #tpu.memory_space<vmem>>, vector<1x16xi32>,
    %get3A_286 = arith.constant 1 : i32
    %get3A_287 = arith.index_cast %get3A_286 : i32 to index
    %get3A_288 = arith.constant 64 : index
    %get3A_289 = tpu.vector_load %arg6[%get3A_287, %get3A_288] {strides = array<i32>} : memref<80x128xi32, #tpu.memory_space<vmem>>, vector<1x16xi32>,
    %get3A_290 = vector.shape_cast %get3A_289 : vector<1x16xi32> to vector<16xi32>
    %shift_right_arithmetic3A_291 = arith.constant 16 : i32
    %shift_right_arithmetic3A_292 = vector.broadcast %shift_right_arithmetic3A_291 : i32 to vector<16xi32>
    %shift_right_arithmetic3A_293 = arith.shrsi %get3A_290, %shift_right_arithmetic3A_292 : vector<16xi32>
    %swap3A_294 = arith.constant 1 : i32
    %swap3A_295 = arith.index_cast %swap3A_294 : i32 to index
    %swap3A_296 = arith.constant 64 : index
    %swap3A_297 = tpu.vector_load %arg7[%swap3A_295, %swap3A_296] {strides = array<i32>} : memref<2x128xi32, #tpu.memory_space<vmem>>, vector<1x16xi32>,
    %swap3A_298 = vector.shape_cast %swap3A_297 : vector<1x16xi32> to vector<16xi32>
    %swap3A_299 = vector.shape_cast %shift_right_arithmetic3A_293 : vector<16xi32> to vector<1x16xi32>
    tpu.vector_store %arg7[%swap3A_295, %swap3A_296], %swap3A_299 {strides = array<i32>} : memref<2x128xi32, #tpu.memory_space<vmem>>, vector<1x16xi32>,
    %and3A_300 = arith.constant 65535 : i32
    %and3A_301 = vector.broadcast %and3A_300 : i32 to vector<16xi32>
    %and3A_302 = arith.andi %get3A_290, %and3A_301 : vector<16xi32>
    %swap3A_303 = arith.constant 1 : i32
    %swap3A_304 = arith.index_cast %swap3A_303 : i32 to index
    %swap3A_305 = arith.constant 64 : index
    %swap3A_306 = tpu.vector_load %arg8[%swap3A_304, %swap3A_305] {strides = array<i32>} : memref<2x128xi32, #tpu.memory_space<vmem>>, vector<1x16xi32>,
    %swap3A_307 = vector.shape_cast %swap3A_306 : vector<1x16xi32> to vector<16xi32>
    %swap3A_308 = vector.shape_cast %and3A_302 : vector<16xi32> to vector<1x16xi32>
    tpu.vector_store %arg8[%swap3A_304, %swap3A_305], %swap3A_308 {strides = array<i32>} : memref<2x128xi32, #tpu.memory_space<vmem>>, vector<1x16xi32>,
    %get3A_309 = arith.constant 1 : i32
    %get3A_310 = arith.index_cast %get3A_309 : i32 to index
    %get3A_311 = arith.constant 80 : index
    %get3A_312 = tpu.vector_load %arg6[%get3A_310, %get3A_311] {strides = array<i32>} : memref<80x128xi32, #tpu.memory_space<vmem>>, vector<1x16xi32>,
    %get3A_313 = vector.shape_cast %get3A_312 : vector<1x16xi32> to vector<16xi32>
    %shift_right_arithmetic3A_314 = arith.constant 16 : i32
    %shift_right_arithmetic3A_315 = vector.broadcast %shift_right_arithmetic3A_314 : i32 to vector<16xi32>
    %shift_right_arithmetic3A_316 = arith.shrsi %get3A_313, %shift_right_arithmetic3A_315 : vector<16xi32>
    %swap3A_317 = arith.constant 1 : i32
    %swap3A_318 = arith.index_cast %swap3A_317 : i32 to index
    %swap3A_319 = arith.constant 80 : index
    %swap3A_320 = tpu.vector_load %arg7[%swap3A_318, %swap3A_319] {strides = array<i32>} : memref<2x128xi32, #tpu.memory_space<vmem>>, vector<1x16xi32>,
    %swap3A_321 = vector.shape_cast %swap3A_320 : vector<1x16xi32> to vector<16xi32>
    %swap3A_322 = vector.shape_cast %shift_right_arithmetic3A_316 : vector<16xi32> to vector<1x16xi32>
    tpu.vector_store %arg7[%swap3A_318, %swap3A_319], %swap3A_322 {strides = array<i32>} : memref<2x128xi32, #tpu.memory_space<vmem>>, vector<1x16xi32>,
    %and3A_323 = arith.constant 65535 : i32
    %and3A_324 = vector.broadcast %and3A_323 : i32 to vector<16xi32>
    %and3A_325 = arith.andi %get3A_313, %and3A_324 : vector<16xi32>
    %swap3A_326 = arith.constant 1 : i32
    %swap3A_327 = arith.index_cast %swap3A_326 : i32 to index
    %swap3A_328 = arith.constant 80 : index
    %swap3A_329 = tpu.vector_load %arg8[%swap3A_327, %swap3A_328] {strides = array<i32>} : memref<2x128xi32, #tpu.memory_space<vmem>>, vector<1x16xi32>,
    %swap3A_330 = vector.shape_cast %swap3A_329 : vector<1x16xi32> to vector<16xi32>
    %swap3A_331 = vector.shape_cast %and3A_325 : vector<16xi32> to vector<1x16xi32>
    tpu.vector_store %arg8[%swap3A_327, %swap3A_328], %swap3A_331 {strides = array<i32>} : memref<2x128xi32, #tpu.memory_space<vmem>>, vector<1x16xi32>,
    %get3A_332 = arith.constant 1 : i32
    %get3A_333 = arith.index_cast %get3A_332 : i32 to index
    %get3A_334 = arith.constant 96 : index
    %get3A_335 = tpu.vector_load %arg6[%get3A_333, %get3A_334] {strides = array<i32>} : memref<80x128xi32, #tpu.memory_space<vmem>>, vector<1x16xi32>,
    %get3A_336 = vector.shape_cast %get3A_335 : vector<1x16xi32> to vector<16xi32>
    %shift_right_arithmetic3A_337 = arith.constant 16 : i32
    %shift_right_arithmetic3A_338 = vector.broadcast %shift_right_arithmetic3A_337 : i32 to vector<16xi32>
    %shift_right_arithmetic3A_339 = arith.shrsi %get3A_336, %shift_right_arithmetic3A_338 : vector<16xi32>
    %swap3A_340 = arith.constant 1 : i32
    %swap3A_341 = arith.index_cast %swap3A_340 : i32 to index
    %swap3A_342 = arith.constant 96 : index
    %swap3A_343 = tpu.vector_load %arg7[%swap3A_341, %swap3A_342] {strides = array<i32>} : memref<2x128xi32, #tpu.memory_space<vmem>>, vector<1x16xi32>,
    %swap3A_344 = vector.shape_cast %swap3A_343 : vector<1x16xi32> to vector<16xi32>
    %swap3A_345 = vector.shape_cast %shift_right_arithmetic3A_339 : vector<16xi32> to vector<1x16xi32>
    tpu.vector_store %arg7[%swap3A_341, %swap3A_342], %swap3A_345 {strides = array<i32>} : memref<2x128xi32, #tpu.memory_space<vmem>>, vector<1x16xi32>,
    %and3A_346 = arith.constant 65535 : i32
    %and3A_347 = vector.broadcast %and3A_346 : i32 to vector<16xi32>
    %and3A_348 = arith.andi %get3A_336, %and3A_347 : vector<16xi32>
    %swap3A_349 = arith.constant 1 : i32
    %swap3A_350 = arith.index_cast %swap3A_349 : i32 to index
    %swap3A_351 = arith.constant 96 : index
    %swap3A_352 = tpu.vector_load %arg8[%swap3A_350, %swap3A_351] {strides = array<i32>} : memref<2x128xi32, #tpu.memory_space<vmem>>, vector<1x16xi32>,
    %swap3A_353 = vector.shape_cast %swap3A_352 : vector<1x16xi32> to vector<16xi32>
    %swap3A_354 = vector.shape_cast %and3A_348 : vector<16xi32> to vector<1x16xi32>
    tpu.vector_store %arg8[%swap3A_350, %swap3A_351], %swap3A_354 {strides = array<i32>} : memref<2x128xi32, #tpu.memory_space<vmem>>, vector<1x16xi32>,
    %get3A_355 = arith.constant 1 : i32
    %get3A_356 = arith.index_cast %get3A_355 : i32 to index
    %get3A_357 = arith.constant 112 : index
    %get3A_358 = tpu.vector_load %arg6[%get3A_356, %get3A_357] {strides = array<i32>} : memref<80x128xi32, #tpu.memory_space<vmem>>, vector<1x16xi32>,
    %get3A_359 = vector.shape_cast %get3A_358 : vector<1x16xi32> to vector<16xi32>
    %shift_right_arithmetic3A_360 = arith.constant 16 : i32
    %shift_right_arithmetic3A_361 = vector.broadcast %shift_right_arithmetic3A_360 : i32 to vector<16xi32>
    %shift_right_arithmetic3A_362 = arith.shrsi %get3A_359, %shift_right_arithmetic3A_361 : vector<16xi32>
    %swap3A_363 = arith.constant 1 : i32
    %swap3A_364 = arith.index_cast %swap3A_363 : i32 to index
    %swap3A_365 = arith.constant 112 : index
    %swap3A_366 = tpu.vector_load %arg7[%swap3A_364, %swap3A_365] {strides = array<i32>} : memref<2x128xi32, #tpu.memory_space<vmem>>, vector<1x16xi32>,
    %swap3A_367 = vector.shape_cast %swap3A_366 : vector<1x16xi32> to vector<16xi32>
    %swap3A_368 = vector.shape_cast %shift_right_arithmetic3A_362 : vector<16xi32> to vector<1x16xi32>
    tpu.vector_store %arg7[%swap3A_364, %swap3A_365], %swap3A_368 {strides = array<i32>} : memref<2x128xi32, #tpu.memory_space<vmem>>, vector<1x16xi32>,
    %and3A_369 = arith.constant 65535 : i32
    %and3A_370 = vector.broadcast %and3A_369 : i32 to vector<16xi32>
    %and3A_371 = arith.andi %get3A_359, %and3A_370 : vector<16xi32>
    %swap3A_372 = arith.constant 1 : i32
    %swap3A_373 = arith.index_cast %swap3A_372 : i32 to index
    %swap3A_374 = arith.constant 112 : index
    %swap3A_375 = tpu.vector_load %arg8[%swap3A_373, %swap3A_374] {strides = array<i32>} : memref<2x128xi32, #tpu.memory_space<vmem>>, vector<1x16xi32>,
    %swap3A_376 = vector.shape_cast %swap3A_375 : vector<1x16xi32> to vector<16xi32>
    %swap3A_377 = vector.shape_cast %and3A_371 : vector<16xi32> to vector<1x16xi32>
    tpu.vector_store %arg8[%swap3A_373, %swap3A_374], %swap3A_377 {strides = array<i32>} : memref<2x128xi32, #tpu.memory_space<vmem>>, vector<1x16xi32>,
    %dma_start3A_378 = arith.constant 1 : i32
    %dma_start3A_379 = arith.constant 1 : i32
    %dma_start3A_380 = arith.constant 0 : i32
    %dma_start3A_381 = arith.constant 0 : i32
    %dma_start3A_382 = tpu.memref_slice %arg9[%dma_start3A_379, %dma_start3A_380, %dma_start3A_381] : memref<2x128x128xf32, #tpu.memory_space<vmem>> -> memref<1x128x128xf32, #tpu.memory_space<vmem>>
    %dma_start3A_383 = tpu.memref_squeeze %dma_start3A_382 : memref<1x128x128xf32, #tpu.memory_space<vmem>> -> memref<128x128xf32, #tpu.memory_space<vmem>>
    %dma_start3A_384 = arith.constant 0 : i32
    %dma_start3A_385 = tpu.memref_slice %arg7[%dma_start3A_378, %dma_start3A_384] : memref<2x128xi32, #tpu.memory_space<vmem>> -> memref<1x128xi32, #tpu.memory_space<vmem>>
    %dma_start3A_386 = tpu.memref_squeeze %dma_start3A_385 : memref<1x128xi32, #tpu.memory_space<vmem>> -> memref<128xi32, #tpu.memory_space<vmem>>
    %dma_start3A_387 = arith.constant 0 : i32
    %dma_start3A_388 = arith.constant 0 : i32
    %dma_start3A_389 = tpu.memref_slice %arg2[%dma_start3A_387, %dma_start3A_388] : memref<10112x128xf32, #tpu.memory_space<hbm>> -> memref<10112x128xf32, #tpu.memory_space<hbm>>
    tpu.enqueue_indirect_dma source(%dma_start3A_389 : memref<10112x128xf32, #tpu.memory_space<hbm>>) target(%dma_start3A_383 : memref<128x128xf32, #tpu.memory_space<vmem>>) offsets(%dma_start3A_386 : memref<128xi32, #tpu.memory_space<vmem>>) semaphore(%arg12 : memref<!tpu.dma_semaphore, #tpu.memory_space<semaphore_mem>>)
    %scan3A = arith.constant 0 : i32
    %scan3A_390 = arith.constant 0 : i32
    %scan3A_391 = arith.constant 40 : i32
    %scan3A_392 = arith.addi %scan3A_390, %scan3A_391 : i32
    %scan3A_393 = arith.constant 1 : i32
    scf.for %scan3A_419 = %scan3A_390 to %scan3A_392 step %scan3A_393  : i32 {
      %mul3A_420 = arith.constant 2 : i32
      %mul3A_421 = arith.muli %mul3A_420, %scan3A_419 : i32
      %add3A_422 = arith.constant 0 : i32
      %add3A_423 = arith.addi %mul3A_421, %add3A_422 : i32
      %dma_wait3A_424 = arith.constant 0 : i32
      %dma_wait3A_425 = arith.constant 0 : i32
      %dma_wait3A_426 = arith.constant 0 : i32
      %dma_wait3A_427 = arith.constant 0 : i32
      %dma_wait3A_428 = tpu.memref_slice %arg9[%dma_wait3A_425, %dma_wait3A_426, %dma_wait3A_427] : memref<2x128x128xf32, #tpu.memory_space<vmem>> -> memref<1x128x128xf32, #tpu.memory_space<vmem>>
      %dma_wait3A_429 = tpu.memref_squeeze %dma_wait3A_428 : memref<1x128x128xf32, #tpu.memory_space<vmem>> -> memref<128x128xf32, #tpu.memory_space<vmem>>
      %dma_wait3A_430 = arith.constant 0 : i32
      %dma_wait3A_431 = tpu.memref_slice %arg7[%dma_wait3A_424, %dma_wait3A_430] : memref<2x128xi32, #tpu.memory_space<vmem>> -> memref<1x128xi32, #tpu.memory_space<vmem>>
      %dma_wait3A_432 = tpu.memref_squeeze %dma_wait3A_431 : memref<1x128xi32, #tpu.memory_space<vmem>> -> memref<128xi32, #tpu.memory_space<vmem>>
      %dma_wait3A_433 = arith.constant 0 : i32
      %dma_wait3A_434 = arith.constant 0 : i32
      %dma_wait3A_435 = tpu.memref_slice %arg2[%dma_wait3A_433, %dma_wait3A_434] : memref<10112x128xf32, #tpu.memory_space<hbm>> -> memref<10112x128xf32, #tpu.memory_space<hbm>>
      tpu.wait_indirect_dma semaphore(%arg11 : memref<!tpu.dma_semaphore, #tpu.memory_space<semaphore_mem>>) src(%dma_wait3A_435 : memref<10112x128xf32, #tpu.memory_space<hbm>>) dst(%dma_wait3A_429 : memref<128x128xf32, #tpu.memory_space<vmem>>)
      %dma_start3A_436 = arith.constant 0 : i32
      %dma_start3A_437 = arith.constant 0 : i32
      %dma_start3A_438 = arith.constant 0 : i32
      %dma_start3A_439 = arith.constant 0 : i32
      %dma_start3A_440 = tpu.memref_slice %arg9[%dma_start3A_436, %dma_start3A_438, %dma_start3A_439] : memref<2x128x128xf32, #tpu.memory_space<vmem>> -> memref<1x128x128xf32, #tpu.memory_space<vmem>>
      %dma_start3A_441 = tpu.memref_squeeze %dma_start3A_440 : memref<1x128x128xf32, #tpu.memory_space<vmem>> -> memref<128x128xf32, #tpu.memory_space<vmem>>
      %dma_start3A_442 = arith.constant 0 : i32
      %dma_start3A_443 = tpu.memref_slice %arg8[%dma_start3A_437, %dma_start3A_442] : memref<2x128xi32, #tpu.memory_space<vmem>> -> memref<1x128xi32, #tpu.memory_space<vmem>>
      %dma_start3A_444 = tpu.memref_squeeze %dma_start3A_443 : memref<1x128xi32, #tpu.memory_space<vmem>> -> memref<128xi32, #tpu.memory_space<vmem>>
      %dma_start3A_445 = arith.constant 0 : i32
      %dma_start3A_446 = arith.constant 0 : i32
      %dma_start3A_447 = tpu.memref_slice %arg10[%dma_start3A_445, %dma_start3A_446] : memref<10112x128xf32, #tpu.memory_space<vmem_shared>> -> memref<10112x128xf32, #tpu.memory_space<vmem_shared>>
      tpu.enqueue_indirect_dma source(%dma_start3A_441 : memref<128x128xf32, #tpu.memory_space<vmem>>) target(%dma_start3A_447 : memref<10112x128xf32, #tpu.memory_space<vmem_shared>>) offsets(%dma_start3A_444 : memref<128xi32, #tpu.memory_space<vmem>>) semaphore(%arg13 : memref<!tpu.dma_semaphore, #tpu.memory_space<semaphore_mem>>) {add = true}
      %lt3A = arith.constant 39 : i32
      %lt3A_448 = arith.cmpi slt, %scan3A_419, %lt3A : i32
      %convert_element_type3A = arith.extui %lt3A_448 : i1 to i32
      %cond3A = arith.constant 0 : i32
      %cond3A_449 = arith.cmpi ne, %convert_element_type3A, %cond3A : i32
      scf.if %cond3A_449 {
        %dma_wait3A_483 = arith.constant 0 : i32
        %dma_wait3A_484 = arith.constant 0 : i32
        %dma_wait3A_485 = arith.constant 0 : i32
        %dma_wait3A_486 = arith.constant 0 : i32
        %dma_wait3A_487 = tpu.memref_slice %arg9[%dma_wait3A_483, %dma_wait3A_485, %dma_wait3A_486] : memref<2x128x128xf32, #tpu.memory_space<vmem>> -> memref<1x128x128xf32, #tpu.memory_space<vmem>>
        %dma_wait3A_488 = tpu.memref_squeeze %dma_wait3A_487 : memref<1x128x128xf32, #tpu.memory_space<vmem>> -> memref<128x128xf32, #tpu.memory_space<vmem>>
        %dma_wait3A_489 = arith.constant 0 : i32
        %dma_wait3A_490 = tpu.memref_slice %arg8[%dma_wait3A_484, %dma_wait3A_489] : memref<2x128xi32, #tpu.memory_space<vmem>> -> memref<1x128xi32, #tpu.memory_space<vmem>>
        %dma_wait3A_491 = tpu.memref_squeeze %dma_wait3A_490 : memref<1x128xi32, #tpu.memory_space<vmem>> -> memref<128xi32, #tpu.memory_space<vmem>>
        %dma_wait3A_492 = arith.constant 0 : i32
        %dma_wait3A_493 = arith.constant 0 : i32
        %dma_wait3A_494 = tpu.memref_slice %arg10[%dma_wait3A_492, %dma_wait3A_493] : memref<10112x128xf32, #tpu.memory_space<vmem_shared>> -> memref<10112x128xf32, #tpu.memory_space<vmem_shared>>
        tpu.wait_indirect_dma semaphore(%arg13 : memref<!tpu.dma_semaphore, #tpu.memory_space<semaphore_mem>>) src(%dma_wait3A_488 : memref<128x128xf32, #tpu.memory_space<vmem>>) dst(%dma_wait3A_494 : memref<10112x128xf32, #tpu.memory_space<vmem_shared>>)
        %add3A_495 = arith.constant 2 : i32
        %add3A_496 = arith.addi %add3A_423, %add3A_495 : i32
        %get3A_497 = arith.index_cast %add3A_496 : i32 to index
        %get3A_498 = arith.constant 0 : index
        %get3A_499 = tpu.vector_load %arg6[%get3A_497, %get3A_498] {strides = array<i32>} : memref<80x128xi32, #tpu.memory_space<vmem>>, vector<1x16xi32>,
        %get3A_500 = vector.shape_cast %get3A_499 : vector<1x16xi32> to vector<16xi32>
        %shift_right_arithmetic3A_501 = arith.constant 16 : i32
        %shift_right_arithmetic3A_502 = vector.broadcast %shift_right_arithmetic3A_501 : i32 to vector<16xi32>
        %shift_right_arithmetic3A_503 = arith.shrsi %get3A_500, %shift_right_arithmetic3A_502 : vector<16xi32>
        %swap3A_504 = arith.constant 0 : i32
        %swap3A_505 = arith.index_cast %swap3A_504 : i32 to index
        %swap3A_506 = arith.constant 0 : index
        %swap3A_507 = tpu.vector_load %arg7[%swap3A_505, %swap3A_506] {strides = array<i32>} : memref<2x128xi32, #tpu.memory_space<vmem>>, vector<1x16xi32>,
        %swap3A_508 = vector.shape_cast %swap3A_507 : vector<1x16xi32> to vector<16xi32>
        %swap3A_509 = vector.shape_cast %shift_right_arithmetic3A_503 : vector<16xi32> to vector<1x16xi32>
        tpu.vector_store %arg7[%swap3A_505, %swap3A_506], %swap3A_509 {strides = array<i32>} : memref<2x128xi32, #tpu.memory_space<vmem>>, vector<1x16xi32>,
        %and3A_510 = arith.constant 65535 : i32
        %and3A_511 = vector.broadcast %and3A_510 : i32 to vector<16xi32>
        %and3A_512 = arith.andi %get3A_500, %and3A_511 : vector<16xi32>
        %swap3A_513 = arith.constant 0 : i32
        %swap3A_514 = arith.index_cast %swap3A_513 : i32 to index
        %swap3A_515 = arith.constant 0 : index
        %swap3A_516 = tpu.vector_load %arg8[%swap3A_514, %swap3A_515] {strides = array<i32>} : memref<2x128xi32, #tpu.memory_space<vmem>>, vector<1x16xi32>,
        %swap3A_517 = vector.shape_cast %swap3A_516 : vector<1x16xi32> to vector<16xi32>
        %swap3A_518 = vector.shape_cast %and3A_512 : vector<16xi32> to vector<1x16xi32>
        tpu.vector_store %arg8[%swap3A_514, %swap3A_515], %swap3A_518 {strides = array<i32>} : memref<2x128xi32, #tpu.memory_space<vmem>>, vector<1x16xi32>,
        %get3A_519 = arith.index_cast %add3A_496 : i32 to index
        %get3A_520 = arith.constant 16 : index
        %get3A_521 = tpu.vector_load %arg6[%get3A_519, %get3A_520] {strides = array<i32>} : memref<80x128xi32, #tpu.memory_space<vmem>>, vector<1x16xi32>,
        %get3A_522 = vector.shape_cast %get3A_521 : vector<1x16xi32> to vector<16xi32>
        %shift_right_arithmetic3A_523 = arith.constant 16 : i32
        %shift_right_arithmetic3A_524 = vector.broadcast %shift_right_arithmetic3A_523 : i32 to vector<16xi32>
        %shift_right_arithmetic3A_525 = arith.shrsi %get3A_522, %shift_right_arithmetic3A_524 : vector<16xi32>
        %swap3A_526 = arith.constant 0 : i32
        %swap3A_527 = arith.index_cast %swap3A_526 : i32 to index
        %swap3A_528 = arith.constant 16 : index
        %swap3A_529 = tpu.vector_load %arg7[%swap3A_527, %swap3A_528] {strides = array<i32>} : memref<2x128xi32, #tpu.memory_space<vmem>>, vector<1x16xi32>,
        %swap3A_530 = vector.shape_cast %swap3A_529 : vector<1x16xi32> to vector<16xi32>
        %swap3A_531 = vector.shape_cast %shift_right_arithmetic3A_525 : vector<16xi32> to vector<1x16xi32>
        tpu.vector_store %arg7[%swap3A_527, %swap3A_528], %swap3A_531 {strides = array<i32>} : memref<2x128xi32, #tpu.memory_space<vmem>>, vector<1x16xi32>,
        %and3A_532 = arith.constant 65535 : i32
        %and3A_533 = vector.broadcast %and3A_532 : i32 to vector<16xi32>
        %and3A_534 = arith.andi %get3A_522, %and3A_533 : vector<16xi32>
        %swap3A_535 = arith.constant 0 : i32
        %swap3A_536 = arith.index_cast %swap3A_535 : i32 to index
        %swap3A_537 = arith.constant 16 : index
        %swap3A_538 = tpu.vector_load %arg8[%swap3A_536, %swap3A_537] {strides = array<i32>} : memref<2x128xi32, #tpu.memory_space<vmem>>, vector<1x16xi32>,
        %swap3A_539 = vector.shape_cast %swap3A_538 : vector<1x16xi32> to vector<16xi32>
        %swap3A_540 = vector.shape_cast %and3A_534 : vector<16xi32> to vector<1x16xi32>
        tpu.vector_store %arg8[%swap3A_536, %swap3A_537], %swap3A_540 {strides = array<i32>} : memref<2x128xi32, #tpu.memory_space<vmem>>, vector<1x16xi32>,
        %get3A_541 = arith.index_cast %add3A_496 : i32 to index
        %get3A_542 = arith.constant 32 : index
        %get3A_543 = tpu.vector_load %arg6[%get3A_541, %get3A_542] {strides = array<i32>} : memref<80x128xi32, #tpu.memory_space<vmem>>, vector<1x16xi32>,
        %get3A_544 = vector.shape_cast %get3A_543 : vector<1x16xi32> to vector<16xi32>
        %shift_right_arithmetic3A_545 = arith.constant 16 : i32
        %shift_right_arithmetic3A_546 = vector.broadcast %shift_right_arithmetic3A_545 : i32 to vector<16xi32>
        %shift_right_arithmetic3A_547 = arith.shrsi %get3A_544, %shift_right_arithmetic3A_546 : vector<16xi32>
        %swap3A_548 = arith.constant 0 : i32
        %swap3A_549 = arith.index_cast %swap3A_548 : i32 to index
        %swap3A_550 = arith.constant 32 : index
        %swap3A_551 = tpu.vector_load %arg7[%swap3A_549, %swap3A_550] {strides = array<i32>} : memref<2x128xi32, #tpu.memory_space<vmem>>, vector<1x16xi32>,
        %swap3A_552 = vector.shape_cast %swap3A_551 : vector<1x16xi32> to vector<16xi32>
        %swap3A_553 = vector.shape_cast %shift_right_arithmetic3A_547 : vector<16xi32> to vector<1x16xi32>
        tpu.vector_store %arg7[%swap3A_549, %swap3A_550], %swap3A_553 {strides = array<i32>} : memref<2x128xi32, #tpu.memory_space<vmem>>, vector<1x16xi32>,
        %and3A_554 = arith.constant 65535 : i32
        %and3A_555 = vector.broadcast %and3A_554 : i32 to vector<16xi32>
        %and3A_556 = arith.andi %get3A_544, %and3A_555 : vector<16xi32>
        %swap3A_557 = arith.constant 0 : i32
        %swap3A_558 = arith.index_cast %swap3A_557 : i32 to index
        %swap3A_559 = arith.constant 32 : index
        %swap3A_560 = tpu.vector_load %arg8[%swap3A_558, %swap3A_559] {strides = array<i32>} : memref<2x128xi32, #tpu.memory_space<vmem>>, vector<1x16xi32>,
        %swap3A_561 = vector.shape_cast %swap3A_560 : vector<1x16xi32> to vector<16xi32>
        %swap3A_562 = vector.shape_cast %and3A_556 : vector<16xi32> to vector<1x16xi32>
        tpu.vector_store %arg8[%swap3A_558, %swap3A_559], %swap3A_562 {strides = array<i32>} : memref<2x128xi32, #tpu.memory_space<vmem>>, vector<1x16xi32>,
        %get3A_563 = arith.index_cast %add3A_496 : i32 to index
        %get3A_564 = arith.constant 48 : index
        %get3A_565 = tpu.vector_load %arg6[%get3A_563, %get3A_564] {strides = array<i32>} : memref<80x128xi32, #tpu.memory_space<vmem>>, vector<1x16xi32>,
        %get3A_566 = vector.shape_cast %get3A_565 : vector<1x16xi32> to vector<16xi32>
        %shift_right_arithmetic3A_567 = arith.constant 16 : i32
        %shift_right_arithmetic3A_568 = vector.broadcast %shift_right_arithmetic3A_567 : i32 to vector<16xi32>
        %shift_right_arithmetic3A_569 = arith.shrsi %get3A_566, %shift_right_arithmetic3A_568 : vector<16xi32>
        %swap3A_570 = arith.constant 0 : i32
        %swap3A_571 = arith.index_cast %swap3A_570 : i32 to index
        %swap3A_572 = arith.constant 48 : index
        %swap3A_573 = tpu.vector_load %arg7[%swap3A_571, %swap3A_572] {strides = array<i32>} : memref<2x128xi32, #tpu.memory_space<vmem>>, vector<1x16xi32>,
        %swap3A_574 = vector.shape_cast %swap3A_573 : vector<1x16xi32> to vector<16xi32>
        %swap3A_575 = vector.shape_cast %shift_right_arithmetic3A_569 : vector<16xi32> to vector<1x16xi32>
        tpu.vector_store %arg7[%swap3A_571, %swap3A_572], %swap3A_575 {strides = array<i32>} : memref<2x128xi32, #tpu.memory_space<vmem>>, vector<1x16xi32>,
        %and3A_576 = arith.constant 65535 : i32
        %and3A_577 = vector.broadcast %and3A_576 : i32 to vector<16xi32>
        %and3A_578 = arith.andi %get3A_566, %and3A_577 : vector<16xi32>
        %swap3A_579 = arith.constant 0 : i32
        %swap3A_580 = arith.index_cast %swap3A_579 : i32 to index
        %swap3A_581 = arith.constant 48 : index
        %swap3A_582 = tpu.vector_load %arg8[%swap3A_580, %swap3A_581] {strides = array<i32>} : memref<2x128xi32, #tpu.memory_space<vmem>>, vector<1x16xi32>,
        %swap3A_583 = vector.shape_cast %swap3A_582 : vector<1x16xi32> to vector<16xi32>
        %swap3A_584 = vector.shape_cast %and3A_578 : vector<16xi32> to vector<1x16xi32>
        tpu.vector_store %arg8[%swap3A_580, %swap3A_581], %swap3A_584 {strides = array<i32>} : memref<2x128xi32, #tpu.memory_space<vmem>>, vector<1x16xi32>,
        %get3A_585 = arith.index_cast %add3A_496 : i32 to index
        %get3A_586 = arith.constant 64 : index
        %get3A_587 = tpu.vector_load %arg6[%get3A_585, %get3A_586] {strides = array<i32>} : memref<80x128xi32, #tpu.memory_space<vmem>>, vector<1x16xi32>,
        %get3A_588 = vector.shape_cast %get3A_587 : vector<1x16xi32> to vector<16xi32>
        %shift_right_arithmetic3A_589 = arith.constant 16 : i32
        %shift_right_arithmetic3A_590 = vector.broadcast %shift_right_arithmetic3A_589 : i32 to vector<16xi32>
        %shift_right_arithmetic3A_591 = arith.shrsi %get3A_588, %shift_right_arithmetic3A_590 : vector<16xi32>
        %swap3A_592 = arith.constant 0 : i32
        %swap3A_593 = arith.index_cast %swap3A_592 : i32 to index
        %swap3A_594 = arith.constant 64 : index
        %swap3A_595 = tpu.vector_load %arg7[%swap3A_593, %swap3A_594] {strides = array<i32>} : memref<2x128xi32, #tpu.memory_space<vmem>>, vector<1x16xi32>,
        %swap3A_596 = vector.shape_cast %swap3A_595 : vector<1x16xi32> to vector<16xi32>
        %swap3A_597 = vector.shape_cast %shift_right_arithmetic3A_591 : vector<16xi32> to vector<1x16xi32>
        tpu.vector_store %arg7[%swap3A_593, %swap3A_594], %swap3A_597 {strides = array<i32>} : memref<2x128xi32, #tpu.memory_space<vmem>>, vector<1x16xi32>,
        %and3A_598 = arith.constant 65535 : i32
        %and3A_599 = vector.broadcast %and3A_598 : i32 to vector<16xi32>
        %and3A_600 = arith.andi %get3A_588, %and3A_599 : vector<16xi32>
        %swap3A_601 = arith.constant 0 : i32
        %swap3A_602 = arith.index_cast %swap3A_601 : i32 to index
        %swap3A_603 = arith.constant 64 : index
        %swap3A_604 = tpu.vector_load %arg8[%swap3A_602, %swap3A_603] {strides = array<i32>} : memref<2x128xi32, #tpu.memory_space<vmem>>, vector<1x16xi32>,
        %swap3A_605 = vector.shape_cast %swap3A_604 : vector<1x16xi32> to vector<16xi32>
        %swap3A_606 = vector.shape_cast %and3A_600 : vector<16xi32> to vector<1x16xi32>
        tpu.vector_store %arg8[%swap3A_602, %swap3A_603], %swap3A_606 {strides = array<i32>} : memref<2x128xi32, #tpu.memory_space<vmem>>, vector<1x16xi32>,
        %get3A_607 = arith.index_cast %add3A_496 : i32 to index
        %get3A_608 = arith.constant 80 : index
        %get3A_609 = tpu.vector_load %arg6[%get3A_607, %get3A_608] {strides = array<i32>} : memref<80x128xi32, #tpu.memory_space<vmem>>, vector<1x16xi32>,
        %get3A_610 = vector.shape_cast %get3A_609 : vector<1x16xi32> to vector<16xi32>
        %shift_right_arithmetic3A_611 = arith.constant 16 : i32
        %shift_right_arithmetic3A_612 = vector.broadcast %shift_right_arithmetic3A_611 : i32 to vector<16xi32>
        %shift_right_arithmetic3A_613 = arith.shrsi %get3A_610, %shift_right_arithmetic3A_612 : vector<16xi32>
        %swap3A_614 = arith.constant 0 : i32
        %swap3A_615 = arith.index_cast %swap3A_614 : i32 to index
        %swap3A_616 = arith.constant 80 : index
        %swap3A_617 = tpu.vector_load %arg7[%swap3A_615, %swap3A_616] {strides = array<i32>} : memref<2x128xi32, #tpu.memory_space<vmem>>, vector<1x16xi32>,
        %swap3A_618 = vector.shape_cast %swap3A_617 : vector<1x16xi32> to vector<16xi32>
        %swap3A_619 = vector.shape_cast %shift_right_arithmetic3A_613 : vector<16xi32> to vector<1x16xi32>
        tpu.vector_store %arg7[%swap3A_615, %swap3A_616], %swap3A_619 {strides = array<i32>} : memref<2x128xi32, #tpu.memory_space<vmem>>, vector<1x16xi32>,
        %and3A_620 = arith.constant 65535 : i32
        %and3A_621 = vector.broadcast %and3A_620 : i32 to vector<16xi32>
        %and3A_622 = arith.andi %get3A_610, %and3A_621 : vector<16xi32>
        %swap3A_623 = arith.constant 0 : i32
        %swap3A_624 = arith.index_cast %swap3A_623 : i32 to index
        %swap3A_625 = arith.constant 80 : index
        %swap3A_626 = tpu.vector_load %arg8[%swap3A_624, %swap3A_625] {strides = array<i32>} : memref<2x128xi32, #tpu.memory_space<vmem>>, vector<1x16xi32>,
        %swap3A_627 = vector.shape_cast %swap3A_626 : vector<1x16xi32> to vector<16xi32>
        %swap3A_628 = vector.shape_cast %and3A_622 : vector<16xi32> to vector<1x16xi32>
        tpu.vector_store %arg8[%swap3A_624, %swap3A_625], %swap3A_628 {strides = array<i32>} : memref<2x128xi32, #tpu.memory_space<vmem>>, vector<1x16xi32>,
        %get3A_629 = arith.index_cast %add3A_496 : i32 to index
        %get3A_630 = arith.constant 96 : index
        %get3A_631 = tpu.vector_load %arg6[%get3A_629, %get3A_630] {strides = array<i32>} : memref<80x128xi32, #tpu.memory_space<vmem>>, vector<1x16xi32>,
        %get3A_632 = vector.shape_cast %get3A_631 : vector<1x16xi32> to vector<16xi32>
        %shift_right_arithmetic3A_633 = arith.constant 16 : i32
        %shift_right_arithmetic3A_634 = vector.broadcast %shift_right_arithmetic3A_633 : i32 to vector<16xi32>
        %shift_right_arithmetic3A_635 = arith.shrsi %get3A_632, %shift_right_arithmetic3A_634 : vector<16xi32>
        %swap3A_636 = arith.constant 0 : i32
        %swap3A_637 = arith.index_cast %swap3A_636 : i32 to index
        %swap3A_638 = arith.constant 96 : index
        %swap3A_639 = tpu.vector_load %arg7[%swap3A_637, %swap3A_638] {strides = array<i32>} : memref<2x128xi32, #tpu.memory_space<vmem>>, vector<1x16xi32>,
        %swap3A_640 = vector.shape_cast %swap3A_639 : vector<1x16xi32> to vector<16xi32>
        %swap3A_641 = vector.shape_cast %shift_right_arithmetic3A_635 : vector<16xi32> to vector<1x16xi32>
        tpu.vector_store %arg7[%swap3A_637, %swap3A_638], %swap3A_641 {strides = array<i32>} : memref<2x128xi32, #tpu.memory_space<vmem>>, vector<1x16xi32>,
        %and3A_642 = arith.constant 65535 : i32
        %and3A_643 = vector.broadcast %and3A_642 : i32 to vector<16xi32>
        %and3A_644 = arith.andi %get3A_632, %and3A_643 : vector<16xi32>
        %swap3A_645 = arith.constant 0 : i32
        %swap3A_646 = arith.index_cast %swap3A_645 : i32 to index
        %swap3A_647 = arith.constant 96 : index
        %swap3A_648 = tpu.vector_load %arg8[%swap3A_646, %swap3A_647] {strides = array<i32>} : memref<2x128xi32, #tpu.memory_space<vmem>>, vector<1x16xi32>,
        %swap3A_649 = vector.shape_cast %swap3A_648 : vector<1x16xi32> to vector<16xi32>
        %swap3A_650 = vector.shape_cast %and3A_644 : vector<16xi32> to vector<1x16xi32>
        tpu.vector_store %arg8[%swap3A_646, %swap3A_647], %swap3A_650 {strides = array<i32>} : memref<2x128xi32, #tpu.memory_space<vmem>>, vector<1x16xi32>,
        %get3A_651 = arith.index_cast %add3A_496 : i32 to index
        %get3A_652 = arith.constant 112 : index
        %get3A_653 = tpu.vector_load %arg6[%get3A_651, %get3A_652] {strides = array<i32>} : memref<80x128xi32, #tpu.memory_space<vmem>>, vector<1x16xi32>,
        %get3A_654 = vector.shape_cast %get3A_653 : vector<1x16xi32> to vector<16xi32>
        %shift_right_arithmetic3A_655 = arith.constant 16 : i32
        %shift_right_arithmetic3A_656 = vector.broadcast %shift_right_arithmetic3A_655 : i32 to vector<16xi32>
        %shift_right_arithmetic3A_657 = arith.shrsi %get3A_654, %shift_right_arithmetic3A_656 : vector<16xi32>
        %swap3A_658 = arith.constant 0 : i32
        %swap3A_659 = arith.index_cast %swap3A_658 : i32 to index
        %swap3A_660 = arith.constant 112 : index
        %swap3A_661 = tpu.vector_load %arg7[%swap3A_659, %swap3A_660] {strides = array<i32>} : memref<2x128xi32, #tpu.memory_space<vmem>>, vector<1x16xi32>,
        %swap3A_662 = vector.shape_cast %swap3A_661 : vector<1x16xi32> to vector<16xi32>
        %swap3A_663 = vector.shape_cast %shift_right_arithmetic3A_657 : vector<16xi32> to vector<1x16xi32>
        tpu.vector_store %arg7[%swap3A_659, %swap3A_660], %swap3A_663 {strides = array<i32>} : memref<2x128xi32, #tpu.memory_space<vmem>>, vector<1x16xi32>,
        %and3A_664 = arith.constant 65535 : i32
        %and3A_665 = vector.broadcast %and3A_664 : i32 to vector<16xi32>
        %and3A_666 = arith.andi %get3A_654, %and3A_665 : vector<16xi32>
        %swap3A_667 = arith.constant 0 : i32
        %swap3A_668 = arith.index_cast %swap3A_667 : i32 to index
        %swap3A_669 = arith.constant 112 : index
        %swap3A_670 = tpu.vector_load %arg8[%swap3A_668, %swap3A_669] {strides = array<i32>} : memref<2x128xi32, #tpu.memory_space<vmem>>, vector<1x16xi32>,
        %swap3A_671 = vector.shape_cast %swap3A_670 : vector<1x16xi32> to vector<16xi32>
        %swap3A_672 = vector.shape_cast %and3A_666 : vector<16xi32> to vector<1x16xi32>
        tpu.vector_store %arg8[%swap3A_668, %swap3A_669], %swap3A_672 {strides = array<i32>} : memref<2x128xi32, #tpu.memory_space<vmem>>, vector<1x16xi32>,
        %dma_start3A_673 = arith.constant 0 : i32
        %dma_start3A_674 = arith.constant 0 : i32
        %dma_start3A_675 = arith.constant 0 : i32
        %dma_start3A_676 = arith.constant 0 : i32
        %dma_start3A_677 = tpu.memref_slice %arg9[%dma_start3A_674, %dma_start3A_675, %dma_start3A_676] : memref<2x128x128xf32, #tpu.memory_space<vmem>> -> memref<1x128x128xf32, #tpu.memory_space<vmem>>
        %dma_start3A_678 = tpu.memref_squeeze %dma_start3A_677 : memref<1x128x128xf32, #tpu.memory_space<vmem>> -> memref<128x128xf32, #tpu.memory_space<vmem>>
        %dma_start3A_679 = arith.constant 0 : i32
        %dma_start3A_680 = tpu.memref_slice %arg7[%dma_start3A_673, %dma_start3A_679] : memref<2x128xi32, #tpu.memory_space<vmem>> -> memref<1x128xi32, #tpu.memory_space<vmem>>
        %dma_start3A_681 = tpu.memref_squeeze %dma_start3A_680 : memref<1x128xi32, #tpu.memory_space<vmem>> -> memref<128xi32, #tpu.memory_space<vmem>>
        %dma_start3A_682 = arith.constant 0 : i32
        %dma_start3A_683 = arith.constant 0 : i32
        %dma_start3A_684 = tpu.memref_slice %arg2[%dma_start3A_682, %dma_start3A_683] : memref<10112x128xf32, #tpu.memory_space<hbm>> -> memref<10112x128xf32, #tpu.memory_space<hbm>>
        tpu.enqueue_indirect_dma source(%dma_start3A_684 : memref<10112x128xf32, #tpu.memory_space<hbm>>) target(%dma_start3A_678 : memref<128x128xf32, #tpu.memory_space<vmem>>) offsets(%dma_start3A_681 : memref<128xi32, #tpu.memory_space<vmem>>) semaphore(%arg11 : memref<!tpu.dma_semaphore, #tpu.memory_space<semaphore_mem>>)
      } else {
      }
      %mul3A_450 = arith.constant 2 : i32
      %mul3A_451 = arith.muli %mul3A_450, %scan3A_419 : i32
      %add3A_452 = arith.constant 1 : i32
      %add3A_453 = arith.addi %mul3A_451, %add3A_452 : i32
      %dma_wait3A_454 = arith.constant 1 : i32
      %dma_wait3A_455 = arith.constant 1 : i32
      %dma_wait3A_456 = arith.constant 0 : i32
      %dma_wait3A_457 = arith.constant 0 : i32
      %dma_wait3A_458 = tpu.memref_slice %arg9[%dma_wait3A_455, %dma_wait3A_456, %dma_wait3A_457] : memref<2x128x128xf32, #tpu.memory_space<vmem>> -> memref<1x128x128xf32, #tpu.memory_space<vmem>>
      %dma_wait3A_459 = tpu.memref_squeeze %dma_wait3A_458 : memref<1x128x128xf32, #tpu.memory_space<vmem>> -> memref<128x128xf32, #tpu.memory_space<vmem>>
      %dma_wait3A_460 = arith.constant 0 : i32
      %dma_wait3A_461 = tpu.memref_slice %arg7[%dma_wait3A_454, %dma_wait3A_460] : memref<2x128xi32, #tpu.memory_space<vmem>> -> memref<1x128xi32, #tpu.memory_space<vmem>>
      %dma_wait3A_462 = tpu.memref_squeeze %dma_wait3A_461 : memref<1x128xi32, #tpu.memory_space<vmem>> -> memref<128xi32, #tpu.memory_space<vmem>>
      %dma_wait3A_463 = arith.constant 0 : i32
      %dma_wait3A_464 = arith.constant 0 : i32
      %dma_wait3A_465 = tpu.memref_slice %arg2[%dma_wait3A_463, %dma_wait3A_464] : memref<10112x128xf32, #tpu.memory_space<hbm>> -> memref<10112x128xf32, #tpu.memory_space<hbm>>
      tpu.wait_indirect_dma semaphore(%arg12 : memref<!tpu.dma_semaphore, #tpu.memory_space<semaphore_mem>>) src(%dma_wait3A_465 : memref<10112x128xf32, #tpu.memory_space<hbm>>) dst(%dma_wait3A_459 : memref<128x128xf32, #tpu.memory_space<vmem>>)
      %dma_start3A_466 = arith.constant 1 : i32
      %dma_start3A_467 = arith.constant 1 : i32
      %dma_start3A_468 = arith.constant 0 : i32
      %dma_start3A_469 = arith.constant 0 : i32
      %dma_start3A_470 = tpu.memref_slice %arg9[%dma_start3A_466, %dma_start3A_468, %dma_start3A_469] : memref<2x128x128xf32, #tpu.memory_space<vmem>> -> memref<1x128x128xf32, #tpu.memory_space<vmem>>
      %dma_start3A_471 = tpu.memref_squeeze %dma_start3A_470 : memref<1x128x128xf32, #tpu.memory_space<vmem>> -> memref<128x128xf32, #tpu.memory_space<vmem>>
      %dma_start3A_472 = arith.constant 0 : i32
      %dma_start3A_473 = tpu.memref_slice %arg8[%dma_start3A_467, %dma_start3A_472] : memref<2x128xi32, #tpu.memory_space<vmem>> -> memref<1x128xi32, #tpu.memory_space<vmem>>
      %dma_start3A_474 = tpu.memref_squeeze %dma_start3A_473 : memref<1x128xi32, #tpu.memory_space<vmem>> -> memref<128xi32, #tpu.memory_space<vmem>>
      %dma_start3A_475 = arith.constant 0 : i32
      %dma_start3A_476 = arith.constant 0 : i32
      %dma_start3A_477 = tpu.memref_slice %arg10[%dma_start3A_475, %dma_start3A_476] : memref<10112x128xf32, #tpu.memory_space<vmem_shared>> -> memref<10112x128xf32, #tpu.memory_space<vmem_shared>>
      tpu.enqueue_indirect_dma source(%dma_start3A_471 : memref<128x128xf32, #tpu.memory_space<vmem>>) target(%dma_start3A_477 : memref<10112x128xf32, #tpu.memory_space<vmem_shared>>) offsets(%dma_start3A_474 : memref<128xi32, #tpu.memory_space<vmem>>) semaphore(%arg14 : memref<!tpu.dma_semaphore, #tpu.memory_space<semaphore_mem>>) {add = true}
      %lt3A_478 = arith.constant 39 : i32
      %lt3A_479 = arith.cmpi slt, %scan3A_419, %lt3A_478 : i32
      %convert_element_type3A_480 = arith.extui %lt3A_479 : i1 to i32
      %cond3A_481 = arith.constant 0 : i32
      %cond3A_482 = arith.cmpi ne, %convert_element_type3A_480, %cond3A_481 : i32
      scf.if %cond3A_482 {
        %dma_wait3A_483 = arith.constant 1 : i32
        %dma_wait3A_484 = arith.constant 1 : i32
        %dma_wait3A_485 = arith.constant 0 : i32
        %dma_wait3A_486 = arith.constant 0 : i32
        %dma_wait3A_487 = tpu.memref_slice %arg9[%dma_wait3A_483, %dma_wait3A_485, %dma_wait3A_486] : memref<2x128x128xf32, #tpu.memory_space<vmem>> -> memref<1x128x128xf32, #tpu.memory_space<vmem>>
        %dma_wait3A_488 = tpu.memref_squeeze %dma_wait3A_487 : memref<1x128x128xf32, #tpu.memory_space<vmem>> -> memref<128x128xf32, #tpu.memory_space<vmem>>
        %dma_wait3A_489 = arith.constant 0 : i32
        %dma_wait3A_490 = tpu.memref_slice %arg8[%dma_wait3A_484, %dma_wait3A_489] : memref<2x128xi32, #tpu.memory_space<vmem>> -> memref<1x128xi32, #tpu.memory_space<vmem>>
        %dma_wait3A_491 = tpu.memref_squeeze %dma_wait3A_490 : memref<1x128xi32, #tpu.memory_space<vmem>> -> memref<128xi32, #tpu.memory_space<vmem>>
        %dma_wait3A_492 = arith.constant 0 : i32
        %dma_wait3A_493 = arith.constant 0 : i32
        %dma_wait3A_494 = tpu.memref_slice %arg10[%dma_wait3A_492, %dma_wait3A_493] : memref<10112x128xf32, #tpu.memory_space<vmem_shared>> -> memref<10112x128xf32, #tpu.memory_space<vmem_shared>>
        tpu.wait_indirect_dma semaphore(%arg14 : memref<!tpu.dma_semaphore, #tpu.memory_space<semaphore_mem>>) src(%dma_wait3A_488 : memref<128x128xf32, #tpu.memory_space<vmem>>) dst(%dma_wait3A_494 : memref<10112x128xf32, #tpu.memory_space<vmem_shared>>)
        %add3A_495 = arith.constant 2 : i32
        %add3A_496 = arith.addi %add3A_453, %add3A_495 : i32
        %get3A_497 = arith.index_cast %add3A_496 : i32 to index
        %get3A_498 = arith.constant 0 : index
        %get3A_499 = tpu.vector_load %arg6[%get3A_497, %get3A_498] {strides = array<i32>} : memref<80x128xi32, #tpu.memory_space<vmem>>, vector<1x16xi32>,
        %get3A_500 = vector.shape_cast %get3A_499 : vector<1x16xi32> to vector<16xi32>
        %shift_right_arithmetic3A_501 = arith.constant 16 : i32
        %shift_right_arithmetic3A_502 = vector.broadcast %shift_right_arithmetic3A_501 : i32 to vector<16xi32>
        %shift_right_arithmetic3A_503 = arith.shrsi %get3A_500, %shift_right_arithmetic3A_502 : vector<16xi32>
        %swap3A_504 = arith.constant 1 : i32
        %swap3A_505 = arith.index_cast %swap3A_504 : i32 to index
        %swap3A_506 = arith.constant 0 : index
        %swap3A_507 = tpu.vector_load %arg7[%swap3A_505, %swap3A_506] {strides = array<i32>} : memref<2x128xi32, #tpu.memory_space<vmem>>, vector<1x16xi32>,
        %swap3A_508 = vector.shape_cast %swap3A_507 : vector<1x16xi32> to vector<16xi32>
        %swap3A_509 = vector.shape_cast %shift_right_arithmetic3A_503 : vector<16xi32> to vector<1x16xi32>
        tpu.vector_store %arg7[%swap3A_505, %swap3A_506], %swap3A_509 {strides = array<i32>} : memref<2x128xi32, #tpu.memory_space<vmem>>, vector<1x16xi32>,
        %and3A_510 = arith.constant 65535 : i32
        %and3A_511 = vector.broadcast %and3A_510 : i32 to vector<16xi32>
        %and3A_512 = arith.andi %get3A_500, %and3A_511 : vector<16xi32>
        %swap3A_513 = arith.constant 1 : i32
        %swap3A_514 = arith.index_cast %swap3A_513 : i32 to index
        %swap3A_515 = arith.constant 0 : index
        %swap3A_516 = tpu.vector_load %arg8[%swap3A_514, %swap3A_515] {strides = array<i32>} : memref<2x128xi32, #tpu.memory_space<vmem>>, vector<1x16xi32>,
        %swap3A_517 = vector.shape_cast %swap3A_516 : vector<1x16xi32> to vector<16xi32>
        %swap3A_518 = vector.shape_cast %and3A_512 : vector<16xi32> to vector<1x16xi32>
        tpu.vector_store %arg8[%swap3A_514, %swap3A_515], %swap3A_518 {strides = array<i32>} : memref<2x128xi32, #tpu.memory_space<vmem>>, vector<1x16xi32>,
        %get3A_519 = arith.index_cast %add3A_496 : i32 to index
        %get3A_520 = arith.constant 16 : index
        %get3A_521 = tpu.vector_load %arg6[%get3A_519, %get3A_520] {strides = array<i32>} : memref<80x128xi32, #tpu.memory_space<vmem>>, vector<1x16xi32>,
        %get3A_522 = vector.shape_cast %get3A_521 : vector<1x16xi32> to vector<16xi32>
        %shift_right_arithmetic3A_523 = arith.constant 16 : i32
        %shift_right_arithmetic3A_524 = vector.broadcast %shift_right_arithmetic3A_523 : i32 to vector<16xi32>
        %shift_right_arithmetic3A_525 = arith.shrsi %get3A_522, %shift_right_arithmetic3A_524 : vector<16xi32>
        %swap3A_526 = arith.constant 1 : i32
        %swap3A_527 = arith.index_cast %swap3A_526 : i32 to index
        %swap3A_528 = arith.constant 16 : index
        %swap3A_529 = tpu.vector_load %arg7[%swap3A_527, %swap3A_528] {strides = array<i32>} : memref<2x128xi32, #tpu.memory_space<vmem>>, vector<1x16xi32>,
        %swap3A_530 = vector.shape_cast %swap3A_529 : vector<1x16xi32> to vector<16xi32>
        %swap3A_531 = vector.shape_cast %shift_right_arithmetic3A_525 : vector<16xi32> to vector<1x16xi32>
        tpu.vector_store %arg7[%swap3A_527, %swap3A_528], %swap3A_531 {strides = array<i32>} : memref<2x128xi32, #tpu.memory_space<vmem>>, vector<1x16xi32>,
        %and3A_532 = arith.constant 65535 : i32
        %and3A_533 = vector.broadcast %and3A_532 : i32 to vector<16xi32>
        %and3A_534 = arith.andi %get3A_522, %and3A_533 : vector<16xi32>
        %swap3A_535 = arith.constant 1 : i32
        %swap3A_536 = arith.index_cast %swap3A_535 : i32 to index
        %swap3A_537 = arith.constant 16 : index
        %swap3A_538 = tpu.vector_load %arg8[%swap3A_536, %swap3A_537] {strides = array<i32>} : memref<2x128xi32, #tpu.memory_space<vmem>>, vector<1x16xi32>,
        %swap3A_539 = vector.shape_cast %swap3A_538 : vector<1x16xi32> to vector<16xi32>
        %swap3A_540 = vector.shape_cast %and3A_534 : vector<16xi32> to vector<1x16xi32>
        tpu.vector_store %arg8[%swap3A_536, %swap3A_537], %swap3A_540 {strides = array<i32>} : memref<2x128xi32, #tpu.memory_space<vmem>>, vector<1x16xi32>,
        %get3A_541 = arith.index_cast %add3A_496 : i32 to index
        %get3A_542 = arith.constant 32 : index
        %get3A_543 = tpu.vector_load %arg6[%get3A_541, %get3A_542] {strides = array<i32>} : memref<80x128xi32, #tpu.memory_space<vmem>>, vector<1x16xi32>,
        %get3A_544 = vector.shape_cast %get3A_543 : vector<1x16xi32> to vector<16xi32>
        %shift_right_arithmetic3A_545 = arith.constant 16 : i32
        %shift_right_arithmetic3A_546 = vector.broadcast %shift_right_arithmetic3A_545 : i32 to vector<16xi32>
        %shift_right_arithmetic3A_547 = arith.shrsi %get3A_544, %shift_right_arithmetic3A_546 : vector<16xi32>
        %swap3A_548 = arith.constant 1 : i32
        %swap3A_549 = arith.index_cast %swap3A_548 : i32 to index
        %swap3A_550 = arith.constant 32 : index
        %swap3A_551 = tpu.vector_load %arg7[%swap3A_549, %swap3A_550] {strides = array<i32>} : memref<2x128xi32, #tpu.memory_space<vmem>>, vector<1x16xi32>,
        %swap3A_552 = vector.shape_cast %swap3A_551 : vector<1x16xi32> to vector<16xi32>
        %swap3A_553 = vector.shape_cast %shift_right_arithmetic3A_547 : vector<16xi32> to vector<1x16xi32>
        tpu.vector_store %arg7[%swap3A_549, %swap3A_550], %swap3A_553 {strides = array<i32>} : memref<2x128xi32, #tpu.memory_space<vmem>>, vector<1x16xi32>,
        %and3A_554 = arith.constant 65535 : i32
        %and3A_555 = vector.broadcast %and3A_554 : i32 to vector<16xi32>
        %and3A_556 = arith.andi %get3A_544, %and3A_555 : vector<16xi32>
        %swap3A_557 = arith.constant 1 : i32
        %swap3A_558 = arith.index_cast %swap3A_557 : i32 to index
        %swap3A_559 = arith.constant 32 : index
        %swap3A_560 = tpu.vector_load %arg8[%swap3A_558, %swap3A_559] {strides = array<i32>} : memref<2x128xi32, #tpu.memory_space<vmem>>, vector<1x16xi32>,
        %swap3A_561 = vector.shape_cast %swap3A_560 : vector<1x16xi32> to vector<16xi32>
        %swap3A_562 = vector.shape_cast %and3A_556 : vector<16xi32> to vector<1x16xi32>
        tpu.vector_store %arg8[%swap3A_558, %swap3A_559], %swap3A_562 {strides = array<i32>} : memref<2x128xi32, #tpu.memory_space<vmem>>, vector<1x16xi32>,
        %get3A_563 = arith.index_cast %add3A_496 : i32 to index
        %get3A_564 = arith.constant 48 : index
        %get3A_565 = tpu.vector_load %arg6[%get3A_563, %get3A_564] {strides = array<i32>} : memref<80x128xi32, #tpu.memory_space<vmem>>, vector<1x16xi32>,
        %get3A_566 = vector.shape_cast %get3A_565 : vector<1x16xi32> to vector<16xi32>
        %shift_right_arithmetic3A_567 = arith.constant 16 : i32
        %shift_right_arithmetic3A_568 = vector.broadcast %shift_right_arithmetic3A_567 : i32 to vector<16xi32>
        %shift_right_arithmetic3A_569 = arith.shrsi %get3A_566, %shift_right_arithmetic3A_568 : vector<16xi32>
        %swap3A_570 = arith.constant 1 : i32
        %swap3A_571 = arith.index_cast %swap3A_570 : i32 to index
        %swap3A_572 = arith.constant 48 : index
        %swap3A_573 = tpu.vector_load %arg7[%swap3A_571, %swap3A_572] {strides = array<i32>} : memref<2x128xi32, #tpu.memory_space<vmem>>, vector<1x16xi32>,
        %swap3A_574 = vector.shape_cast %swap3A_573 : vector<1x16xi32> to vector<16xi32>
        %swap3A_575 = vector.shape_cast %shift_right_arithmetic3A_569 : vector<16xi32> to vector<1x16xi32>
        tpu.vector_store %arg7[%swap3A_571, %swap3A_572], %swap3A_575 {strides = array<i32>} : memref<2x128xi32, #tpu.memory_space<vmem>>, vector<1x16xi32>,
        %and3A_576 = arith.constant 65535 : i32
        %and3A_577 = vector.broadcast %and3A_576 : i32 to vector<16xi32>
        %and3A_578 = arith.andi %get3A_566, %and3A_577 : vector<16xi32>
        %swap3A_579 = arith.constant 1 : i32
        %swap3A_580 = arith.index_cast %swap3A_579 : i32 to index
        %swap3A_581 = arith.constant 48 : index
        %swap3A_582 = tpu.vector_load %arg8[%swap3A_580, %swap3A_581] {strides = array<i32>} : memref<2x128xi32, #tpu.memory_space<vmem>>, vector<1x16xi32>,
        %swap3A_583 = vector.shape_cast %swap3A_582 : vector<1x16xi32> to vector<16xi32>
        %swap3A_584 = vector.shape_cast %and3A_578 : vector<16xi32> to vector<1x16xi32>
        tpu.vector_store %arg8[%swap3A_580, %swap3A_581], %swap3A_584 {strides = array<i32>} : memref<2x128xi32, #tpu.memory_space<vmem>>, vector<1x16xi32>,
        %get3A_585 = arith.index_cast %add3A_496 : i32 to index
        %get3A_586 = arith.constant 64 : index
        %get3A_587 = tpu.vector_load %arg6[%get3A_585, %get3A_586] {strides = array<i32>} : memref<80x128xi32, #tpu.memory_space<vmem>>, vector<1x16xi32>,
        %get3A_588 = vector.shape_cast %get3A_587 : vector<1x16xi32> to vector<16xi32>
        %shift_right_arithmetic3A_589 = arith.constant 16 : i32
        %shift_right_arithmetic3A_590 = vector.broadcast %shift_right_arithmetic3A_589 : i32 to vector<16xi32>
        %shift_right_arithmetic3A_591 = arith.shrsi %get3A_588, %shift_right_arithmetic3A_590 : vector<16xi32>
        %swap3A_592 = arith.constant 1 : i32
        %swap3A_593 = arith.index_cast %swap3A_592 : i32 to index
        %swap3A_594 = arith.constant 64 : index
        %swap3A_595 = tpu.vector_load %arg7[%swap3A_593, %swap3A_594] {strides = array<i32>} : memref<2x128xi32, #tpu.memory_space<vmem>>, vector<1x16xi32>,
        %swap3A_596 = vector.shape_cast %swap3A_595 : vector<1x16xi32> to vector<16xi32>
        %swap3A_597 = vector.shape_cast %shift_right_arithmetic3A_591 : vector<16xi32> to vector<1x16xi32>
        tpu.vector_store %arg7[%swap3A_593, %swap3A_594], %swap3A_597 {strides = array<i32>} : memref<2x128xi32, #tpu.memory_space<vmem>>, vector<1x16xi32>,
        %and3A_598 = arith.constant 65535 : i32
        %and3A_599 = vector.broadcast %and3A_598 : i32 to vector<16xi32>
        %and3A_600 = arith.andi %get3A_588, %and3A_599 : vector<16xi32>
        %swap3A_601 = arith.constant 1 : i32
        %swap3A_602 = arith.index_cast %swap3A_601 : i32 to index
        %swap3A_603 = arith.constant 64 : index
        %swap3A_604 = tpu.vector_load %arg8[%swap3A_602, %swap3A_603] {strides = array<i32>} : memref<2x128xi32, #tpu.memory_space<vmem>>, vector<1x16xi32>,
        %swap3A_605 = vector.shape_cast %swap3A_604 : vector<1x16xi32> to vector<16xi32>
        %swap3A_606 = vector.shape_cast %and3A_600 : vector<16xi32> to vector<1x16xi32>
        tpu.vector_store %arg8[%swap3A_602, %swap3A_603], %swap3A_606 {strides = array<i32>} : memref<2x128xi32, #tpu.memory_space<vmem>>, vector<1x16xi32>,
        %get3A_607 = arith.index_cast %add3A_496 : i32 to index
        %get3A_608 = arith.constant 80 : index
        %get3A_609 = tpu.vector_load %arg6[%get3A_607, %get3A_608] {strides = array<i32>} : memref<80x128xi32, #tpu.memory_space<vmem>>, vector<1x16xi32>,
        %get3A_610 = vector.shape_cast %get3A_609 : vector<1x16xi32> to vector<16xi32>
        %shift_right_arithmetic3A_611 = arith.constant 16 : i32
        %shift_right_arithmetic3A_612 = vector.broadcast %shift_right_arithmetic3A_611 : i32 to vector<16xi32>
        %shift_right_arithmetic3A_613 = arith.shrsi %get3A_610, %shift_right_arithmetic3A_612 : vector<16xi32>
        %swap3A_614 = arith.constant 1 : i32
        %swap3A_615 = arith.index_cast %swap3A_614 : i32 to index
        %swap3A_616 = arith.constant 80 : index
        %swap3A_617 = tpu.vector_load %arg7[%swap3A_615, %swap3A_616] {strides = array<i32>} : memref<2x128xi32, #tpu.memory_space<vmem>>, vector<1x16xi32>,
        %swap3A_618 = vector.shape_cast %swap3A_617 : vector<1x16xi32> to vector<16xi32>
        %swap3A_619 = vector.shape_cast %shift_right_arithmetic3A_613 : vector<16xi32> to vector<1x16xi32>
        tpu.vector_store %arg7[%swap3A_615, %swap3A_616], %swap3A_619 {strides = array<i32>} : memref<2x128xi32, #tpu.memory_space<vmem>>, vector<1x16xi32>,
        %and3A_620 = arith.constant 65535 : i32
        %and3A_621 = vector.broadcast %and3A_620 : i32 to vector<16xi32>
        %and3A_622 = arith.andi %get3A_610, %and3A_621 : vector<16xi32>
        %swap3A_623 = arith.constant 1 : i32
        %swap3A_624 = arith.index_cast %swap3A_623 : i32 to index
        %swap3A_625 = arith.constant 80 : index
        %swap3A_626 = tpu.vector_load %arg8[%swap3A_624, %swap3A_625] {strides = array<i32>} : memref<2x128xi32, #tpu.memory_space<vmem>>, vector<1x16xi32>,
        %swap3A_627 = vector.shape_cast %swap3A_626 : vector<1x16xi32> to vector<16xi32>
        %swap3A_628 = vector.shape_cast %and3A_622 : vector<16xi32> to vector<1x16xi32>
        tpu.vector_store %arg8[%swap3A_624, %swap3A_625], %swap3A_628 {strides = array<i32>} : memref<2x128xi32, #tpu.memory_space<vmem>>, vector<1x16xi32>,
        %get3A_629 = arith.index_cast %add3A_496 : i32 to index
        %get3A_630 = arith.constant 96 : index
        %get3A_631 = tpu.vector_load %arg6[%get3A_629, %get3A_630] {strides = array<i32>} : memref<80x128xi32, #tpu.memory_space<vmem>>, vector<1x16xi32>,
        %get3A_632 = vector.shape_cast %get3A_631 : vector<1x16xi32> to vector<16xi32>
        %shift_right_arithmetic3A_633 = arith.constant 16 : i32
        %shift_right_arithmetic3A_634 = vector.broadcast %shift_right_arithmetic3A_633 : i32 to vector<16xi32>
        %shift_right_arithmetic3A_635 = arith.shrsi %get3A_632, %shift_right_arithmetic3A_634 : vector<16xi32>
        %swap3A_636 = arith.constant 1 : i32
        %swap3A_637 = arith.index_cast %swap3A_636 : i32 to index
        %swap3A_638 = arith.constant 96 : index
        %swap3A_639 = tpu.vector_load %arg7[%swap3A_637, %swap3A_638] {strides = array<i32>} : memref<2x128xi32, #tpu.memory_space<vmem>>, vector<1x16xi32>,
        %swap3A_640 = vector.shape_cast %swap3A_639 : vector<1x16xi32> to vector<16xi32>
        %swap3A_641 = vector.shape_cast %shift_right_arithmetic3A_635 : vector<16xi32> to vector<1x16xi32>
        tpu.vector_store %arg7[%swap3A_637, %swap3A_638], %swap3A_641 {strides = array<i32>} : memref<2x128xi32, #tpu.memory_space<vmem>>, vector<1x16xi32>,
        %and3A_642 = arith.constant 65535 : i32
        %and3A_643 = vector.broadcast %and3A_642 : i32 to vector<16xi32>
        %and3A_644 = arith.andi %get3A_632, %and3A_643 : vector<16xi32>
        %swap3A_645 = arith.constant 1 : i32
        %swap3A_646 = arith.index_cast %swap3A_645 : i32 to index
        %swap3A_647 = arith.constant 96 : index
        %swap3A_648 = tpu.vector_load %arg8[%swap3A_646, %swap3A_647] {strides = array<i32>} : memref<2x128xi32, #tpu.memory_space<vmem>>, vector<1x16xi32>,
        %swap3A_649 = vector.shape_cast %swap3A_648 : vector<1x16xi32> to vector<16xi32>
        %swap3A_650 = vector.shape_cast %and3A_644 : vector<16xi32> to vector<1x16xi32>
        tpu.vector_store %arg8[%swap3A_646, %swap3A_647], %swap3A_650 {strides = array<i32>} : memref<2x128xi32, #tpu.memory_space<vmem>>, vector<1x16xi32>,
        %get3A_651 = arith.index_cast %add3A_496 : i32 to index
        %get3A_652 = arith.constant 112 : index
        %get3A_653 = tpu.vector_load %arg6[%get3A_651, %get3A_652] {strides = array<i32>} : memref<80x128xi32, #tpu.memory_space<vmem>>, vector<1x16xi32>,
        %get3A_654 = vector.shape_cast %get3A_653 : vector<1x16xi32> to vector<16xi32>
        %shift_right_arithmetic3A_655 = arith.constant 16 : i32
        %shift_right_arithmetic3A_656 = vector.broadcast %shift_right_arithmetic3A_655 : i32 to vector<16xi32>
        %shift_right_arithmetic3A_657 = arith.shrsi %get3A_654, %shift_right_arithmetic3A_656 : vector<16xi32>
        %swap3A_658 = arith.constant 1 : i32
        %swap3A_659 = arith.index_cast %swap3A_658 : i32 to index
        %swap3A_660 = arith.constant 112 : index
        %swap3A_661 = tpu.vector_load %arg7[%swap3A_659, %swap3A_660] {strides = array<i32>} : memref<2x128xi32, #tpu.memory_space<vmem>>, vector<1x16xi32>,
        %swap3A_662 = vector.shape_cast %swap3A_661 : vector<1x16xi32> to vector<16xi32>
        %swap3A_663 = vector.shape_cast %shift_right_arithmetic3A_657 : vector<16xi32> to vector<1x16xi32>
        tpu.vector_store %arg7[%swap3A_659, %swap3A_660], %swap3A_663 {strides = array<i32>} : memref<2x128xi32, #tpu.memory_space<vmem>>, vector<1x16xi32>,
        %and3A_664 = arith.constant 65535 : i32
        %and3A_665 = vector.broadcast %and3A_664 : i32 to vector<16xi32>
        %and3A_666 = arith.andi %get3A_654, %and3A_665 : vector<16xi32>
        %swap3A_667 = arith.constant 1 : i32
        %swap3A_668 = arith.index_cast %swap3A_667 : i32 to index
        %swap3A_669 = arith.constant 112 : index
        %swap3A_670 = tpu.vector_load %arg8[%swap3A_668, %swap3A_669] {strides = array<i32>} : memref<2x128xi32, #tpu.memory_space<vmem>>, vector<1x16xi32>,
        %swap3A_671 = vector.shape_cast %swap3A_670 : vector<1x16xi32> to vector<16xi32>
        %swap3A_672 = vector.shape_cast %and3A_666 : vector<16xi32> to vector<1x16xi32>
        tpu.vector_store %arg8[%swap3A_668, %swap3A_669], %swap3A_672 {strides = array<i32>} : memref<2x128xi32, #tpu.memory_space<vmem>>, vector<1x16xi32>,
        %dma_start3A_673 = arith.constant 1 : i32
        %dma_start3A_674 = arith.constant 1 : i32
        %dma_start3A_675 = arith.constant 0 : i32
        %dma_start3A_676 = arith.constant 0 : i32
        %dma_start3A_677 = tpu.memref_slice %arg9[%dma_start3A_674, %dma_start3A_675, %dma_start3A_676] : memref<2x128x128xf32, #tpu.memory_space<vmem>> -> memref<1x128x128xf32, #tpu.memory_space<vmem>>
        %dma_start3A_678 = tpu.memref_squeeze %dma_start3A_677 : memref<1x128x128xf32, #tpu.memory_space<vmem>> -> memref<128x128xf32, #tpu.memory_space<vmem>>
        %dma_start3A_679 = arith.constant 0 : i32
        %dma_start3A_680 = tpu.memref_slice %arg7[%dma_start3A_673, %dma_start3A_679] : memref<2x128xi32, #tpu.memory_space<vmem>> -> memref<1x128xi32, #tpu.memory_space<vmem>>
        %dma_start3A_681 = tpu.memref_squeeze %dma_start3A_680 : memref<1x128xi32, #tpu.memory_space<vmem>> -> memref<128xi32, #tpu.memory_space<vmem>>
        %dma_start3A_682 = arith.constant 0 : i32
        %dma_start3A_683 = arith.constant 0 : i32
        %dma_start3A_684 = tpu.memref_slice %arg2[%dma_start3A_682, %dma_start3A_683] : memref<10112x128xf32, #tpu.memory_space<hbm>> -> memref<10112x128xf32, #tpu.memory_space<hbm>>
        tpu.enqueue_indirect_dma source(%dma_start3A_684 : memref<10112x128xf32, #tpu.memory_space<hbm>>) target(%dma_start3A_678 : memref<128x128xf32, #tpu.memory_space<vmem>>) offsets(%dma_start3A_681 : memref<128xi32, #tpu.memory_space<vmem>>) semaphore(%arg12 : memref<!tpu.dma_semaphore, #tpu.memory_space<semaphore_mem>>)
      } else {
      }
    }
    %scan3A_394 = arith.constant 40 : i32
    %dma_wait3A = arith.constant 0 : i32
    %dma_wait3A_395 = arith.constant 0 : i32
    %dma_wait3A_396 = arith.constant 0 : i32
    %dma_wait3A_397 = arith.constant 0 : i32
    %dma_wait3A_398 = tpu.memref_slice %arg9[%dma_wait3A, %dma_wait3A_396, %dma_wait3A_397] : memref<2x128x128xf32, #tpu.memory_space<vmem>> -> memref<1x128x128xf32, #tpu.memory_space<vmem>>
    %dma_wait3A_399 = tpu.memref_squeeze %dma_wait3A_398 : memref<1x128x128xf32, #tpu.memory_space<vmem>> -> memref<128x128xf32, #tpu.memory_space<vmem>>
    %dma_wait3A_400 = arith.constant 0 : i32
    %dma_wait3A_401 = tpu.memref_slice %arg8[%dma_wait3A_395, %dma_wait3A_400] : memref<2x128xi32, #tpu.memory_space<vmem>> -> memref<1x128xi32, #tpu.memory_space<vmem>>
    %dma_wait3A_402 = tpu.memref_squeeze %dma_wait3A_401 : memref<1x128xi32, #tpu.memory_space<vmem>> -> memref<128xi32, #tpu.memory_space<vmem>>
    %dma_wait3A_403 = arith.constant 0 : i32
    %dma_wait3A_404 = arith.constant 0 : i32
    %dma_wait3A_405 = tpu.memref_slice %arg10[%dma_wait3A_403, %dma_wait3A_404] : memref<10112x128xf32, #tpu.memory_space<vmem_shared>> -> memref<10112x128xf32, #tpu.memory_space<vmem_shared>>
    tpu.wait_indirect_dma semaphore(%arg13 : memref<!tpu.dma_semaphore, #tpu.memory_space<semaphore_mem>>) src(%dma_wait3A_399 : memref<128x128xf32, #tpu.memory_space<vmem>>) dst(%dma_wait3A_405 : memref<10112x128xf32, #tpu.memory_space<vmem_shared>>)
    %dma_wait3A_406 = arith.constant 1 : i32
    %dma_wait3A_407 = arith.constant 1 : i32
    %dma_wait3A_408 = arith.constant 0 : i32
    %dma_wait3A_409 = arith.constant 0 : i32
    %dma_wait3A_410 = tpu.memref_slice %arg9[%dma_wait3A_406, %dma_wait3A_408, %dma_wait3A_409] : memref<2x128x128xf32, #tpu.memory_space<vmem>> -> memref<1x128x128xf32, #tpu.memory_space<vmem>>
    %dma_wait3A_411 = tpu.memref_squeeze %dma_wait3A_410 : memref<1x128x128xf32, #tpu.memory_space<vmem>> -> memref<128x128xf32, #tpu.memory_space<vmem>>
    %dma_wait3A_412 = arith.constant 0 : i32
    %dma_wait3A_413 = tpu.memref_slice %arg8[%dma_wait3A_407, %dma_wait3A_412] : memref<2x128xi32, #tpu.memory_space<vmem>> -> memref<1x128xi32, #tpu.memory_space<vmem>>
    %dma_wait3A_414 = tpu.memref_squeeze %dma_wait3A_413 : memref<1x128xi32, #tpu.memory_space<vmem>> -> memref<128xi32, #tpu.memory_space<vmem>>
    %dma_wait3A_415 = arith.constant 0 : i32
    %dma_wait3A_416 = arith.constant 0 : i32
    %dma_wait3A_417 = tpu.memref_slice %arg10[%dma_wait3A_415, %dma_wait3A_416] : memref<10112x128xf32, #tpu.memory_space<vmem_shared>> -> memref<10112x128xf32, #tpu.memory_space<vmem_shared>>
    tpu.wait_indirect_dma semaphore(%arg14 : memref<!tpu.dma_semaphore, #tpu.memory_space<semaphore_mem>>) src(%dma_wait3A_411 : memref<128x128xf32, #tpu.memory_space<vmem>>) dst(%dma_wait3A_417 : memref<10112x128xf32, #tpu.memory_space<vmem_shared>>)
    %barrier3A_418 = arith.constant 0 : index
    tpu.barrier barrier_id(%barrier3A_418)
    "tpu.region"() ({
      %run_scoped3A = tpu.sem_alloc : memref<!tpu.dma_semaphore, #tpu.memory_space<semaphore_mem>>
      %dma_start3A_419 = arith.constant 0 : i32
      %dma_start3A_420 = tpu.memref_slice %arg5[%arg0, %mul3A_2, %dma_start3A_419] : memref<2x10112x128xf32, #tpu.memory_space<hbm>> -> memref<1x632x128xf32, #tpu.memory_space<hbm>>
      %dma_start3A_421 = tpu.memref_squeeze %dma_start3A_420 : memref<1x632x128xf32, #tpu.memory_space<hbm>> -> memref<632x128xf32, #tpu.memory_space<hbm>>
      %dma_start3A_422 = arith.constant 0 : i32
      %dma_start3A_423 = tpu.memref_slice %arg10[%mul3A_2, %dma_start3A_422] : memref<10112x128xf32, #tpu.memory_space<vmem_shared>> -> memref<632x128xf32, #tpu.memory_space<vmem_shared>>
      tpu.enqueue_dma source(%dma_start3A_423 : memref<632x128xf32, #tpu.memory_space<vmem_shared>>) target(%dma_start3A_421 : memref<632x128xf32, #tpu.memory_space<hbm>>) target_semaphore(%run_scoped3A : memref<!tpu.dma_semaphore, #tpu.memory_space<semaphore_mem>>)
      %dma_wait3A_424 = arith.constant 0 : i32
      %dma_wait3A_425 = tpu.memref_slice %arg5[%arg0, %mul3A_2, %dma_wait3A_424] : memref<2x10112x128xf32, #tpu.memory_space<hbm>> -> memref<1x632x128xf32, #tpu.memory_space<hbm>>
      %dma_wait3A_426 = tpu.memref_squeeze %dma_wait3A_425 : memref<1x632x128xf32, #tpu.memory_space<hbm>> -> memref<632x128xf32, #tpu.memory_space<hbm>>
      %dma_wait3A_427 = arith.constant 0 : i32
      %dma_wait3A_428 = tpu.memref_slice %arg10[%mul3A_2, %dma_wait3A_427] : memref<10112x128xf32, #tpu.memory_space<vmem_shared>> -> memref<632x128xf32, #tpu.memory_space<vmem_shared>>
      tpu.wait_dma2 semaphore(%run_scoped3A : memref<!tpu.dma_semaphore, #tpu.memory_space<semaphore_mem>>) src(%dma_wait3A_428 : memref<632x128xf32, #tpu.memory_space<vmem_shared>>) dst(%dma_wait3A_426 : memref<632x128xf32, #tpu.memory_space<hbm>>)
      tpu.yield
    }) : () -> ()
    return
  }
}

module attributes {stable_mosaic.version = 14 : i64} {
  func.func @gcn_pre(%arg0: i32, %arg1: memref<5056x128xf32, #tpu.memory_space<vmem>>, %arg2: memref<128x128xf32, #tpu.memory_space<vmem>>, %arg3: memref<5056x2xf32, #tpu.memory_space<vmem>>, %arg4: memref<5056x1xf32, #tpu.memory_space<vmem>>, %arg5: memref<5056x128xf32, #tpu.memory_space<vmem>>, %arg6: memref<5056x128xf32, #tpu.memory_space<vmem>>) attributes {dimension_semantics = [#tpu.dimension_semantics<arbitrary>], iteration_bounds = array<i64: 2>, scalar_prefetch = 0 : i64, scratch_operands = 0 : i64, tpu.core_type = #tpu.core_type<tc>, window_params = [{transform_indices = @transform_0, window_bounds = array<i64: 5056, 128>}, {pipeline_mode = #tpu.pipeline_mode<synchronous>, transform_indices = @transform_1, window_bounds = array<i64: 128, 128>}, {transform_indices = @transform_2, window_bounds = array<i64: 5056, 2>}, {transform_indices = @transform_3, window_bounds = array<i64: 5056, 1>}, {transform_indices = @transform_4, window_bounds = array<i64: 5056, 128>}, {transform_indices = @transform_5, window_bounds = array<i64: 5056, 128>}]} {
    %get3A = arith.constant 0 : index
    %get3A_0 = arith.constant 0 : index
    %get3A_1 = vector.load %arg3[%get3A, %get3A_0] : memref<5056x2xf32, #tpu.memory_space<vmem>>, vector<5056x2xf32>
    %slice3A = vector.extract_strided_slice %get3A_1 {offsets = [0, 0], sizes = [5056, 1], strides = [1, 1]} : vector<5056x2xf32> to vector<5056x1xf32>
    %squeeze3A = vector.shape_cast %slice3A : vector<5056x1xf32> to vector<5056xf32>
    %slice3A_2 = vector.extract_strided_slice %get3A_1 {offsets = [0, 1], sizes = [5056, 1], strides = [1, 1]} : vector<5056x2xf32> to vector<5056x1xf32>
    %squeeze3A_3 = vector.shape_cast %slice3A_2 : vector<5056x1xf32> to vector<5056xf32>
    %add3A = arith.addf %squeeze3A, %squeeze3A_3 : vector<5056xf32>
    %add3A_4 = arith.constant 1.000000e+00 : f32
    %add3A_5 = vector.broadcast %add3A_4 : f32 to vector<5056xf32>
    %add3A_6 = arith.addf %add3A, %add3A_5 : vector<5056xf32>
    %iota3A = tpu.iota {dimensions = array<i32: 0>} : vector<5056x1xi32>
    %mul3A = arith.constant 5056 : i32
    %mul3A_7 = arith.muli %arg0, %mul3A : i32
    %add3A_8 = vector.broadcast %mul3A_7 : i32 to vector<5056x1xi32>
    %add3A_9 = arith.addi %iota3A, %add3A_8 : vector<5056x1xi32>
    %lt3A = arith.constant 10000 : i32
    %lt3A_10 = vector.broadcast %lt3A : i32 to vector<5056x1xi32>
    %lt3A_11 = arith.cmpi slt, %add3A_9, %lt3A_10 : vector<5056x1xi32>
    %rsqrt3A = math.rsqrt %add3A_6 : vector<5056xf32>
    %broadcast_in_dim3A = vector.shape_cast %rsqrt3A : vector<5056xf32> to vector<5056x1xf32>
    %jit3A = arith.constant 0.000000e+00 : f32
    %broadcast_in_dim3A_12 = vector.broadcast %jit3A : f32 to vector<5056x1xf32>
    %select_n3A = arith.select %lt3A_11, %broadcast_in_dim3A, %broadcast_in_dim3A_12 : vector<5056x1xi1>, vector<5056x1xf32>
    %get3A_13 = arith.constant 0 : index
    %get3A_14 = arith.constant 0 : index
    %get3A_15 = vector.load %arg1[%get3A_13, %get3A_14] : memref<5056x128xf32, #tpu.memory_space<vmem>>, vector<5056x128xf32>
    %get3A_16 = arith.constant 0 : index
    %get3A_17 = arith.constant 0 : index
    %get3A_18 = vector.load %arg2[%get3A_16, %get3A_17] : memref<128x128xf32, #tpu.memory_space<vmem>>, vector<128x128xf32>
    %dot_general3A = arith.constant dense<0.000000e+00> : vector<5056x128xf32>
    %dot_general3A_19 = tpu.matmul %get3A_15, %get3A_18, %dot_general3A {dimension_numbers = #tpu.dot_dimension_numbers<[1], [0], [0], [1], [0, 0, 1, 1], [], []>, transpose_lhs_hint = false} : vector<5056x128xf32>, vector<128x128xf32>, vector<5056x128xf32> -> vector<5056x128xf32>
    %swap3A = arith.constant 0 : index
    %swap3A_20 = arith.constant 0 : index
    %swap3A_21 = vector.load %arg5[%swap3A, %swap3A_20] : memref<5056x128xf32, #tpu.memory_space<vmem>>, vector<5056x128xf32>
    tpu.vector_store %arg5[%swap3A, %swap3A_20], %dot_general3A_19 {strides = array<i32>} : memref<5056x128xf32, #tpu.memory_space<vmem>>, vector<5056x128xf32>,
    %mul3A_22 = vector.broadcast %select_n3A : vector<5056x1xf32> to vector<5056x128xf32>
    %mul3A_23 = arith.mulf %dot_general3A_19, %mul3A_22 : vector<5056x128xf32>
    %jit3A_24 = arith.constant 0.000000e+00 : f32
    %broadcast_in_dim3A_25 = vector.shape_cast %lt3A_11 : vector<5056x1xi1> to vector<5056x1xi1>
    %broadcast_in_dim3A_26 = vector.broadcast %broadcast_in_dim3A_25 : vector<5056x1xi1> to vector<5056x128xi1>
    %broadcast_in_dim3A_27 = vector.broadcast %jit3A_24 : f32 to vector<5056x128xf32>
    %select_n3A_28 = arith.select %broadcast_in_dim3A_26, %mul3A_23, %broadcast_in_dim3A_27 : vector<5056x128xi1>, vector<5056x128xf32>
    %swap3A_29 = arith.constant 0 : index
    %swap3A_30 = arith.constant 0 : index
    %swap3A_31 = vector.load %arg6[%swap3A_29, %swap3A_30] : memref<5056x128xf32, #tpu.memory_space<vmem>>, vector<5056x128xf32>
    tpu.vector_store %arg6[%swap3A_29, %swap3A_30], %select_n3A_28 {strides = array<i32>} : memref<5056x128xf32, #tpu.memory_space<vmem>>, vector<5056x128xf32>,
    %swap3A_32 = arith.constant 0 : index
    %swap3A_33 = arith.constant 0 : index
    %swap3A_34 = vector.load %arg4[%swap3A_32, %swap3A_33] : memref<5056x1xf32, #tpu.memory_space<vmem>>, vector<5056x1xf32>
    tpu.vector_store %arg4[%swap3A_32, %swap3A_33], %select_n3A {strides = array<i32>} : memref<5056x1xf32, #tpu.memory_space<vmem>>, vector<5056x1xf32>,
    return
  }
  func.func @transform_0(%arg0: i32) -> (i32, i32) {
    %c0_i32 = arith.constant 0 : i32
    %c0_i32_0 = arith.constant 0 : i32
    return %arg0, %c0_i32 : i32, i32
  }
  func.func @transform_1(%arg0: i32) -> (i32, i32) {
    %c0_i32 = arith.constant 0 : i32
    %c0_i32_0 = arith.constant 0 : i32
    %c0_i32_1 = arith.constant 0 : i32
    return %c0_i32, %c0_i32_0 : i32, i32
  }
  func.func @transform_2(%arg0: i32) -> (i32, i32) {
    %c0_i32 = arith.constant 0 : i32
    %c0_i32_0 = arith.constant 0 : i32
    return %arg0, %c0_i32 : i32, i32
  }
  func.func @transform_3(%arg0: i32) -> (i32, i32) {
    %c0_i32 = arith.constant 0 : i32
    %c0_i32_0 = arith.constant 0 : i32
    return %arg0, %c0_i32 : i32, i32
  }
  func.func @transform_4(%arg0: i32) -> (i32, i32) {
    %c0_i32 = arith.constant 0 : i32
    %c0_i32_0 = arith.constant 0 : i32
    return %arg0, %c0_i32 : i32, i32
  }
  func.func @transform_5(%arg0: i32) -> (i32, i32) {
    %c0_i32 = arith.constant 0 : i32
    %c0_i32_0 = arith.constant 0 : i32
    return %arg0, %c0_i32 : i32, i32
  }
}

module attributes {stable_mosaic.version = 14 : i64} {
  func.func @_mid_body(%arg0: i32, %arg1: memref<2x5056x128xf32, #tpu.memory_space<vmem>>, %arg2: memref<5056x128xf32, #tpu.memory_space<vmem>>, %arg3: memref<5056x1xf32, #tpu.memory_space<vmem>>, %arg4: memref<1x128xf32, #tpu.memory_space<vmem>>, %arg5: memref<128x128xf32, #tpu.memory_space<vmem>>, %arg6: memref<5056x128xf32, #tpu.memory_space<vmem>>, %arg7: memref<5056x128xf32, #tpu.memory_space<vmem>>) attributes {dimension_semantics = [#tpu.dimension_semantics<arbitrary>], iteration_bounds = array<i64: 2>, scalar_prefetch = 0 : i64, scratch_operands = 0 : i64, tpu.core_type = #tpu.core_type<tc>, window_params = [{transform_indices = @transform_0, window_bounds = array<i64: 2, 5056, 128>}, {transform_indices = @transform_1, window_bounds = array<i64: 5056, 128>}, {transform_indices = @transform_2, window_bounds = array<i64: 5056, 1>}, {pipeline_mode = #tpu.pipeline_mode<synchronous>, transform_indices = @transform_3, window_bounds = array<i64: 1, 128>}, {pipeline_mode = #tpu.pipeline_mode<synchronous>, transform_indices = @transform_4, window_bounds = array<i64: 128, 128>}, {transform_indices = @transform_5, window_bounds = array<i64: 5056, 128>}, {transform_indices = @transform_6, window_bounds = array<i64: 5056, 128>}]} {
    %get3A = arith.constant 0 : index
    %get3A_0 = arith.constant 0 : index
    %get3A_1 = arith.constant 0 : index
    %get3A_2 = vector.load %arg1[%get3A, %get3A_0, %get3A_1] : memref<2x5056x128xf32, #tpu.memory_space<vmem>>, vector<1x5056x128xf32>
    %get3A_3 = vector.shape_cast %get3A_2 : vector<1x5056x128xf32> to vector<5056x128xf32>
    %get3A_4 = arith.constant 1 : index
    %get3A_5 = arith.constant 0 : index
    %get3A_6 = arith.constant 0 : index
    %get3A_7 = vector.load %arg1[%get3A_4, %get3A_5, %get3A_6] : memref<2x5056x128xf32, #tpu.memory_space<vmem>>, vector<1x5056x128xf32>
    %get3A_8 = vector.shape_cast %get3A_7 : vector<1x5056x128xf32> to vector<5056x128xf32>
    %add3A = arith.addf %get3A_3, %get3A_8 : vector<5056x128xf32>
    %get3A_9 = arith.constant 0 : index
    %get3A_10 = arith.constant 0 : index
    %get3A_11 = vector.load %arg3[%get3A_9, %get3A_10] : memref<5056x1xf32, #tpu.memory_space<vmem>>, vector<5056x1xf32>
    %iota3A = tpu.iota {dimensions = array<i32: 0>} : vector<5056x1xi32>
    %mul3A = arith.constant 5056 : i32
    %mul3A_12 = arith.muli %arg0, %mul3A : i32
    %add3A_13 = vector.broadcast %mul3A_12 : i32 to vector<5056x1xi32>
    %add3A_14 = arith.addi %iota3A, %add3A_13 : vector<5056x1xi32>
    %lt3A = arith.constant 10000 : i32
    %lt3A_15 = vector.broadcast %lt3A : i32 to vector<5056x1xi32>
    %lt3A_16 = arith.cmpi slt, %add3A_14, %lt3A_15 : vector<5056x1xi32>
    %get3A_17 = arith.constant 0 : index
    %get3A_18 = arith.constant 0 : index
    %get3A_19 = vector.load %arg2[%get3A_17, %get3A_18] : memref<5056x128xf32, #tpu.memory_space<vmem>>, vector<5056x128xf32>
    %mul3A_20 = vector.broadcast %get3A_11 : vector<5056x1xf32> to vector<5056x128xf32>
    %mul3A_21 = arith.mulf %mul3A_20, %get3A_19 : vector<5056x128xf32>
    %add3A_22 = arith.addf %add3A, %mul3A_21 : vector<5056x128xf32>
    %mul3A_23 = vector.broadcast %get3A_11 : vector<5056x1xf32> to vector<5056x128xf32>
    %mul3A_24 = arith.mulf %mul3A_23, %add3A_22 : vector<5056x128xf32>
    %get3A_25 = arith.constant 0 : index
    %get3A_26 = arith.constant 0 : index
    %get3A_27 = vector.load %arg4[%get3A_25, %get3A_26] : memref<1x128xf32, #tpu.memory_space<vmem>>, vector<1x128xf32>
    %add3A_28 = vector.broadcast %get3A_27 : vector<1x128xf32> to vector<5056x128xf32>
    %add3A_29 = arith.addf %mul3A_24, %add3A_28 : vector<5056x128xf32>
    %max3A = arith.constant 0.000000e+00 : f32
    %max3A_30 = vector.broadcast %max3A : f32 to vector<5056x128xf32>
    %max3A_31 = arith.maximumf %add3A_29, %max3A_30 : vector<5056x128xf32>
    %jit3A = arith.constant 0.000000e+00 : f32
    %broadcast_in_dim3A = vector.shape_cast %lt3A_16 : vector<5056x1xi1> to vector<5056x1xi1>
    %broadcast_in_dim3A_32 = vector.broadcast %broadcast_in_dim3A : vector<5056x1xi1> to vector<5056x128xi1>
    %broadcast_in_dim3A_33 = vector.broadcast %jit3A : f32 to vector<5056x128xf32>
    %select_n3A = arith.select %broadcast_in_dim3A_32, %max3A_31, %broadcast_in_dim3A_33 : vector<5056x128xi1>, vector<5056x128xf32>
    %get3A_34 = arith.constant 0 : index
    %get3A_35 = arith.constant 0 : index
    %get3A_36 = vector.load %arg5[%get3A_34, %get3A_35] : memref<128x128xf32, #tpu.memory_space<vmem>>, vector<128x128xf32>
    %dot_general3A = arith.constant dense<0.000000e+00> : vector<5056x128xf32>
    %dot_general3A_37 = tpu.matmul %select_n3A, %get3A_36, %dot_general3A {dimension_numbers = #tpu.dot_dimension_numbers<[1], [0], [0], [1], [0, 0, 1, 1], [], []>, transpose_lhs_hint = false} : vector<5056x128xf32>, vector<128x128xf32>, vector<5056x128xf32> -> vector<5056x128xf32>
    %swap3A = arith.constant 0 : index
    %swap3A_38 = arith.constant 0 : index
    %swap3A_39 = vector.load %arg6[%swap3A, %swap3A_38] : memref<5056x128xf32, #tpu.memory_space<vmem>>, vector<5056x128xf32>
    tpu.vector_store %arg6[%swap3A, %swap3A_38], %dot_general3A_37 {strides = array<i32>} : memref<5056x128xf32, #tpu.memory_space<vmem>>, vector<5056x128xf32>,
    %mul3A_40 = vector.broadcast %get3A_11 : vector<5056x1xf32> to vector<5056x128xf32>
    %mul3A_41 = arith.mulf %dot_general3A_37, %mul3A_40 : vector<5056x128xf32>
    %jit3A_42 = arith.constant 0.000000e+00 : f32
    %broadcast_in_dim3A_43 = vector.shape_cast %lt3A_16 : vector<5056x1xi1> to vector<5056x1xi1>
    %broadcast_in_dim3A_44 = vector.broadcast %broadcast_in_dim3A_43 : vector<5056x1xi1> to vector<5056x128xi1>
    %broadcast_in_dim3A_45 = vector.broadcast %jit3A_42 : f32 to vector<5056x128xf32>
    %select_n3A_46 = arith.select %broadcast_in_dim3A_44, %mul3A_41, %broadcast_in_dim3A_45 : vector<5056x128xi1>, vector<5056x128xf32>
    %swap3A_47 = arith.constant 0 : index
    %swap3A_48 = arith.constant 0 : index
    %swap3A_49 = vector.load %arg7[%swap3A_47, %swap3A_48] : memref<5056x128xf32, #tpu.memory_space<vmem>>, vector<5056x128xf32>
    tpu.vector_store %arg7[%swap3A_47, %swap3A_48], %select_n3A_46 {strides = array<i32>} : memref<5056x128xf32, #tpu.memory_space<vmem>>, vector<5056x128xf32>,
    return
  }
  func.func @transform_0(%arg0: i32) -> (i32, i32, i32) {
    %c0_i32 = arith.constant 0 : i32
    %c0_i32_0 = arith.constant 0 : i32
    %c0_i32_1 = arith.constant 0 : i32
    return %c0_i32, %arg0, %c0_i32_0 : i32, i32, i32
  }
  func.func @transform_1(%arg0: i32) -> (i32, i32) {
    %c0_i32 = arith.constant 0 : i32
    %c0_i32_0 = arith.constant 0 : i32
    return %arg0, %c0_i32 : i32, i32
  }
  func.func @transform_2(%arg0: i32) -> (i32, i32) {
    %c0_i32 = arith.constant 0 : i32
    %c0_i32_0 = arith.constant 0 : i32
    return %arg0, %c0_i32 : i32, i32
  }
  func.func @transform_3(%arg0: i32) -> (i32, i32) {
    %c0_i32 = arith.constant 0 : i32
    %c0_i32_0 = arith.constant 0 : i32
    %c0_i32_1 = arith.constant 0 : i32
    return %c0_i32, %c0_i32_0 : i32, i32
  }
  func.func @transform_4(%arg0: i32) -> (i32, i32) {
    %c0_i32 = arith.constant 0 : i32
    %c0_i32_0 = arith.constant 0 : i32
    %c0_i32_1 = arith.constant 0 : i32
    return %c0_i32, %c0_i32_0 : i32, i32
  }
  func.func @transform_5(%arg0: i32) -> (i32, i32) {
    %c0_i32 = arith.constant 0 : i32
    %c0_i32_0 = arith.constant 0 : i32
    return %arg0, %c0_i32 : i32, i32
  }
  func.func @transform_6(%arg0: i32) -> (i32, i32) {
    %c0_i32 = arith.constant 0 : i32
    %c0_i32_0 = arith.constant 0 : i32
    return %arg0, %c0_i32 : i32, i32
  }
}

module attributes {stable_mosaic.version = 14 : i64} {
  func.func @_post_body(%arg0: i32, %arg1: memref<2x5056x128xf32, #tpu.memory_space<vmem>>, %arg2: memref<5056x128xf32, #tpu.memory_space<vmem>>, %arg3: memref<5056x1xf32, #tpu.memory_space<vmem>>, %arg4: memref<1x128xf32, #tpu.memory_space<vmem>>, %arg5: memref<5056x128xf32, #tpu.memory_space<vmem>>) attributes {dimension_semantics = [#tpu.dimension_semantics<arbitrary>], iteration_bounds = array<i64: 2>, scalar_prefetch = 0 : i64, scratch_operands = 0 : i64, tpu.core_type = #tpu.core_type<tc>, window_params = [{transform_indices = @transform_0, window_bounds = array<i64: 2, 5056, 128>}, {transform_indices = @transform_1, window_bounds = array<i64: 5056, 128>}, {transform_indices = @transform_2, window_bounds = array<i64: 5056, 1>}, {pipeline_mode = #tpu.pipeline_mode<synchronous>, transform_indices = @transform_3, window_bounds = array<i64: 1, 128>}, {transform_indices = @transform_4, window_bounds = array<i64: 5056, 128>}]} {
    %get3A = arith.constant 0 : index
    %get3A_0 = arith.constant 0 : index
    %get3A_1 = arith.constant 0 : index
    %get3A_2 = vector.load %arg1[%get3A, %get3A_0, %get3A_1] : memref<2x5056x128xf32, #tpu.memory_space<vmem>>, vector<1x5056x128xf32>
    %get3A_3 = vector.shape_cast %get3A_2 : vector<1x5056x128xf32> to vector<5056x128xf32>
    %get3A_4 = arith.constant 1 : index
    %get3A_5 = arith.constant 0 : index
    %get3A_6 = arith.constant 0 : index
    %get3A_7 = vector.load %arg1[%get3A_4, %get3A_5, %get3A_6] : memref<2x5056x128xf32, #tpu.memory_space<vmem>>, vector<1x5056x128xf32>
    %get3A_8 = vector.shape_cast %get3A_7 : vector<1x5056x128xf32> to vector<5056x128xf32>
    %add3A = arith.addf %get3A_3, %get3A_8 : vector<5056x128xf32>
    %get3A_9 = arith.constant 0 : index
    %get3A_10 = arith.constant 0 : index
    %get3A_11 = vector.load %arg3[%get3A_9, %get3A_10] : memref<5056x1xf32, #tpu.memory_space<vmem>>, vector<5056x1xf32>
    %get3A_12 = arith.constant 0 : index
    %get3A_13 = arith.constant 0 : index
    %get3A_14 = vector.load %arg2[%get3A_12, %get3A_13] : memref<5056x128xf32, #tpu.memory_space<vmem>>, vector<5056x128xf32>
    %mul3A = vector.broadcast %get3A_11 : vector<5056x1xf32> to vector<5056x128xf32>
    %mul3A_15 = arith.mulf %mul3A, %get3A_14 : vector<5056x128xf32>
    %add3A_16 = arith.addf %add3A, %mul3A_15 : vector<5056x128xf32>
    %mul3A_17 = vector.broadcast %get3A_11 : vector<5056x1xf32> to vector<5056x128xf32>
    %mul3A_18 = arith.mulf %mul3A_17, %add3A_16 : vector<5056x128xf32>
    %get3A_19 = arith.constant 0 : index
    %get3A_20 = arith.constant 0 : index
    %get3A_21 = vector.load %arg4[%get3A_19, %get3A_20] : memref<1x128xf32, #tpu.memory_space<vmem>>, vector<1x128xf32>
    %add3A_22 = vector.broadcast %get3A_21 : vector<1x128xf32> to vector<5056x128xf32>
    %add3A_23 = arith.addf %mul3A_18, %add3A_22 : vector<5056x128xf32>
    %swap3A = arith.constant 0 : index
    %swap3A_24 = arith.constant 0 : index
    %swap3A_25 = vector.load %arg5[%swap3A, %swap3A_24] : memref<5056x128xf32, #tpu.memory_space<vmem>>, vector<5056x128xf32>
    tpu.vector_store %arg5[%swap3A, %swap3A_24], %add3A_23 {strides = array<i32>} : memref<5056x128xf32, #tpu.memory_space<vmem>>, vector<5056x128xf32>,
    return
  }
  func.func @transform_0(%arg0: i32) -> (i32, i32, i32) {
    %c0_i32 = arith.constant 0 : i32
    %c0_i32_0 = arith.constant 0 : i32
    %c0_i32_1 = arith.constant 0 : i32
    return %c0_i32, %arg0, %c0_i32_0 : i32, i32, i32
  }
  func.func @transform_1(%arg0: i32) -> (i32, i32) {
    %c0_i32 = arith.constant 0 : i32
    %c0_i32_0 = arith.constant 0 : i32
    return %arg0, %c0_i32 : i32, i32
  }
  func.func @transform_2(%arg0: i32) -> (i32, i32) {
    %c0_i32 = arith.constant 0 : i32
    %c0_i32_0 = arith.constant 0 : i32
    return %arg0, %c0_i32 : i32, i32
  }
  func.func @transform_3(%arg0: i32) -> (i32, i32) {
    %c0_i32 = arith.constant 0 : i32
    %c0_i32_0 = arith.constant 0 : i32
    %c0_i32_1 = arith.constant 0 : i32
    return %c0_i32, %c0_i32_0 : i32, i32
  }
  func.func @transform_4(%arg0: i32) -> (i32, i32) {
    %c0_i32 = arith.constant 0 : i32
    %c0_i32_0 = arith.constant 0 : i32
    return %arg0, %c0_i32 : i32, i32
  }
}

</mosaic_0001>

<sc_bundles>
// kernel: kernel.12.cloned.1.call-start
scs
__scs_entry_jumppad:
0x0: {  	(pc) =	sbr.rel $0x88, $3  }
0x1: {  	(tag) =	ssettag $0x0;
	lr =	simm.s32 $0x1  }
0x2: {  	[smem:$0x3F99] =	sst lr;
	_ =	strace $0xD0000000  }
0x3: {  	_ = 	snop  }
0x4: {  	_ = 	snop  }
0x5: {  	_ = 	snop  }
0x6: {  	_ = 	snop  }
0x7: {  	_ = 	snop  }
__scs_overlays_trampoline_lowered:
0x8: {  	[smem:$0x3FA8] =	sst s0  }
0x9: {  	[smem:$0x3FA9] =	sst s1  }
0xa: {  	[smem:$0x3FAA] =	sst s2  }
0xb: {  	[smem:$0x3FAB] =	sst s3  }
0xc: {  	[smem:$0x3FAC] =	sst s4  }
0xd: {  	[smem:$0x3FAD] =	sst s5  }
0xe: {  	[smem:$0x3FAE] =	sst s6  }
0xf: {  	[smem:$0x3FAF] =	sst s7  }
0x10: {  	[smem:$0x3FB0] =	sst s8  }
0x11: {  	[smem:$0x3FB1] =	sst s9;
	s0 =	simm.s32 @!p0 $0x0  }
0x12: {  	s1 =	sld [smem:$0x3F97];
	s0 =	simm.s32 @p0 $0x1  }
0x13: {  	[smem:$0x3FB2] =	sst s0;
	s0 =	simm.s32 @!p1 $0x0  }
0x14: {  	s2 =	sld [smem:$0x3F96];
	s0 =	simm.s32 @p1 $0x1  }
0x15: {  	[smem:$0x3FB3] =	sst s0;
	s0 =	simm.s32 @!p2 $0x0  }
0x16: {  	s3 =	sld [smem:$0x3FDB];
	s0 =	simm.s32 @p2 $0x1  }
0x17: {  	s4 =	simm.s32 $0x1BF5;
	[smem:$0x3FB5] =	sst s0  }
0x18: {  	s0 =	sld [smem:$0x3F98];
	_ =	swait.ge [sflag:s4], $0x0  }
0x19: {  	s7 =	sld [smem:$0x3F99]  }
0x1a: {  	s8 =	sadd.s32 $0xFFFFE003, lr  }
0x1b: {  	s9 =	sadd.s32 $0xFFFFFEF7, lr;
	s5 =	simm.s32 $0xFFFFFFFF;
	p2 =	slt.u32 s8, $0xFFFFF086  }
0x1c: {  	p1 =	slt.u32 s9, $0xF7A;
	s5 =	simm.s32 @!p2 $0x0  }
0x1d: {  	s5 =	simm.s32 @p1 $0x1;
	p0 =	seq.s32 s7, s2  }
0x1e: {  	s7 =	smul.u32 @!p0 $0xF7A, s2;
	p2 =	seq.s32 @!p0 s5, $0x0  }
0x1f: {  	s9 =	smul.u32 $0xF7A, s1;
	s8 =	simm.s32 @!p0 $0x1BF5;
	p2 =	por !p2, p0  }
0x20: {  	[sflag:s8] =	ssyncset.s32 @!p0 $0xFFFFF086;
	s6 =	sadd.s32 @!p0 s3, s7;
	s7 =	simm.s32 @!p0 $0x108  }
0x21: {  	s3 =	sadd.s32 s3, s9;
	s6 =	sadd.s32 @!p0 $0x88, s6;
	s7 =	simm.s32 @p2 $0x1082  }
0x22: {  	[simem:s7], [sflag:s8] =	dma.local @!p0 [hbm:s6], $0xF7A  }
0x23: {  	s9 =	sor.u32 $0xD0000000, s2;
	s6 =	simm.s32 $0x108;
	_ =	swait.ge @!p0 [sflag:s8], $0x0  }
0x24: {  	s3 =	sadd.s32 $0x88, s3;
	s6 =	simm.s32 @!p1 $0x1082;
	[sflag:s4] =	ssyncset.s32 $0xFFFFF086  }
0x25: {  	[simem:s6], [sflag:s4] =	dma.local [hbm:s3], $0xF7A  }
0x26: {  	[smem:$0x3F99] =	sst s1;
	(tag) =	ssettag s2;
	_ =	strace s9  }
0x27: {  	s1 =	sld [smem:$0x3FA9]  }
0x28: {  	s2 =	sld [smem:$0x3FAA]  }
0x29: {  	s4 =	sld [smem:$0x3FAC]  }
0x2a: {  	p0 =	seq.s32 s5, $0x0;
	s5 =	sld [smem:$0x3FAD]  }
0x2b: {  	s6 =	sld [smem:$0x3FAE]  }
0x2c: {  	s7 =	sld [smem:$0x3FAF]  }
0x2d: {  	s3 =	simm.s32 $0x108;
	s8 =	sld [smem:$0x3FB0]  }
0x2e: {  	s3 =	simm.s32 @!p0 $0x1082;
	s9 =	sld [smem:$0x3FB1]  }
0x2f: {  	lr =	sadd.s32 s0, s3;
	s0 =	sld [smem:$0x3FA8]  }
0x30: {  	s3 =	sld [smem:$0x3FAB]  }
0x31: {  	[smem:$0x3FB4] =	sst s10  }
0x32: {  	s10 =	sld [smem:$0x3FB2];
	_ =	sdelay $0x3  }
0x33: {  	p0 =	seq.s32 s10, $0x1;
	s10 =	sld [smem:$0x3FB4];
	_ =	sdelay $0x3  }
0x34: {  	[smem:$0x3FB4] =	sst s10  }
0x35: {  	s10 =	sld [smem:$0x3FB3];
	_ =	sdelay $0x3  }
0x36: {  	p1 =	seq.s32 s10, $0x1;
	s10 =	sld [smem:$0x3FB4];
	_ =	sdelay $0x3  }
0x37: {  	[smem:$0x3FB4] =	sst s10  }
0x38: {  	s10 =	sld [smem:$0x3FB5]  }
0x39: {  	_ = 	snop;
	(pc) =	sbr.ind lr, $3  }
0x3a: {  	_ = 	snop  }
0x3b: {  	_ = 	snop  }
0x3c: {  	p2 =	seq.s32 s10, $0x1;
	s10 =	sld [smem:$0x3FB4]  }
0x3d: {  	_ =	shalt  }
0x3e: {  	_ =	shalt  }
0x3f: {  	_ =	shalt  }
0x40: {  	_ =	shalt  }
0x41: {  	_ =	shalt  }
0x42: {  	_ =	shalt  }
0x43: {  	_ =	shalt  }
0x44: {  	_ =	shalt  }
0x45: {  	_ =	shalt  }
0x46: {  	_ =	shalt  }
0x47: {  	_ =	shalt  }
0x48: {  	_ =	shalt  }
0x49: {  	_ =	shalt  }
0x4a: {  	_ =	shalt  }
0x4b: {  	_ =	shalt  }
0x4c: {  	_ =	shalt  }
0x4d: {  	_ =	shalt  }
0x4e: {  	_ =	shalt  }
0x4f: {  	_ =	shalt  }
0x50: {  	_ =	shalt  }
0x51: {  	_ =	shalt  }
0x52: {  	_ =	shalt  }
0x53: {  	_ =	shalt  }
0x54: {  	_ =	shalt  }
0x55: {  	_ =	shalt  }
0x56: {  	_ =	shalt  }
0x57: {  	_ =	shalt  }
0x58: {  	_ =	shalt  }
0x59: {  	_ =	shalt  }
0x5a: {  	_ =	shalt  }
0x5b: {  	_ =	shalt  }
0x5c: {  	_ =	shalt  }
0x5d: {  	_ =	shalt  }
0x5e: {  	_ =	shalt  }
0x5f: {  	_ =	shalt  }
0x60: {  	_ =	shalt  }
0x61: {  	_ =	shalt  }
0x62: {  	_ =	shalt  }
0x63: {  	_ =	shalt  }
0x64: {  	_ =	shalt  }
0x65: {  	_ =	shalt  }
0x66: {  	_ =	shalt  }
0x67: {  	_ =	shalt  }
0x68: {  	_ =	shalt  }
0x69: {  	_ =	shalt  }
0x6a: {  	_ =	shalt  }
0x6b: {  	_ =	shalt  }
0x6c: {  	_ =	shalt  }
0x6d: {  	_ =	shalt  }
0x6e: {  	_ =	shalt  }
0x6f: {  	_ =	shalt  }
0x70: {  	_ =	shalt  }
0x71: {  	_ =	shalt  }
0x72: {  	_ =	shalt  }
0x73: {  	_ =	shalt  }
0x74: {  	_ =	shalt  }
0x75: {  	_ =	shalt  }
0x76: {  	_ =	shalt  }
0x77: {  	_ =	shalt  }
0x78: {  	_ =	shalt  }
0x79: {  	_ =	shalt  }
0x7a: {  	_ =	shalt  }
0x7b: {  	_ =	shalt  }
0x7c: {  	_ =	shalt  }
0x7d: {  	_ =	shalt  }
0x7e: {  	_ =	shalt  }
0x7f: {  	_ =	shalt  }
0x80: {  	_ =	shalt  }
0x81: {  	_ =	shalt  }
0x82: {  	_ =	shalt  }
0x83: {  	_ =	shalt  }
0x84: {  	_ =	shalt  }
0x85: {  	_ =	shalt  }
0x86: {  	_ =	shalt  }
0x87: {  	_ =	shalt  }
.Lfunc_end0:
.L_simem_size_0:
called_computation.1_lowered:
.L_overlay_start_0:
0x88: {  	s2 =	sld [smem:$0x3FD9]  }
0x89: {  	s3 =	sld [smem:$0x3FFE];
	_ =	sdelay $0x1  }
0x8a: {  	s1 =	srdreg.scid  }
0x8b: {  	s0 =	sand.u32 $0x1, s1  }
0x8c: {  	s17 =	sshll.u32 s0, $0xA;
	s2 =	sadd.s32 s3, s2  }
0x8d: {  	s2 =	sadd.s32 s2, s17  }
0x8e: {  	[smem:$0x3FC0] =	sst s2  }
0x8f: {  	_ = 	snop  }
0x90: {  	s2 =	sld [smem:$0x3FD0];
	(tm) =	ssettm $0x1  }
0x91: {  	s18 =	sld [smem:$0x3FFB];
	_ =	sdelay $0x3  }
0x92: {  	_ =	strace s18  }
0x93: {  	s3 =	sld [smem:$0x3FFC];
	_ =	sdelay $0x3  }
0x94: {  	_ =	strace s3  }
0x95: {  	s3 =	sld [smem:$0x3FFD];
	_ =	sdelay $0x3  }
0x96: {  	_ =	strace s3  }
0x97: {  	_ =	strace $0x8FFFFFFF  }
0x98: {  	s19 =	sld [smem:$0x3FDB];
	_ =	sdelay $0x1  }
0x99: {  	s4 =	simm.s32 $_scs_section_size  }
0x9a: {  	s5 =	simm.s32 $_size__tile_overlayer_lowered;
	s6 =	simm.s32 $_tile_overlayer_lowered  }
0x9b: {  	s22 =	simm.s32 $0x1BFF;
	s21 =	sshll.u32 s6, $0x1;
	s3 =	sadd.s32 s4, s19  }
0x9c: {  	s7 =	simm.s32 $0x0;
	s20 =	sshll.u32 s5, $0x1;
	s5 =	sadd.s32 s21, s3  }
0x9d: {  	[timem:s7], [sflag:s22] =	dma.local [hbm:s5], s20  }
0x9e: {  	_ =	swait.ge [sflag:s22], s20  }
0x9f: {  	s4 =	ssub.s32 $0x0, s20;
	[sflag:s22] =	ssyncset.done $0x0  }
0xa0: {  	[sflag:s22] =	ssyncadd.s32 s4;
	_ =	sdelay $0x1  }
0xa1: {  	s23 =	simm.s32 $0x1B8B  }
0xa2: {  	_ =	swait.ge [sflag:s23], $0x1  }
0xa3: {  	[sflag:s23] =	ssyncset.done $0x0  }
0xa4: {  	s25 =	simm.s32 $0x1B8E;
	s24 =	sld [smem:$0x3FFE];
	[sflag:s23] =	ssyncadd.s32 $0xFFFFFFFF  }
0xa5: {  	s26 =	simm.s32 $execute0_lowered;
	[smem:$0x3FD2] =	sst s25  }
0xa6: {  	s5 =	sshll.u32 s26, $0x1;
	_ =	strace $0x80000049;
	[dreg:$0x1] =	wrdreg $0xFFFFFFFF  }
0xa7: {  	s28 =	simm.s32 $_size_execute0_lowered;
	s3 =	sadd.s32 s3, s5;
	[dreg:$0x0] =	wrdreg $0x0  }
0xa8: {  	s5 =	sshll.u32 s28, $0x1;
	[dreg:$0x2] =	wrdreg s3  }
0xa9: {  	[dreg:$0x3] =	wrdreg s5  }
0xaa: {  	[dreg:$0x4] =	wrdreg $0xC0  }
0xab: {  	_ =	task [dreg:s7], $0x5FFFF  }
0xac: {  	[dreg:$0x1] =	wrdreg $0xFFFFFFFF  }
0xad: {  	[dreg:$0x0] =	wrdreg $0x60  }
0xae: {  	[dreg:$0x2] =	wrdreg s24  }
0xaf: {  	[dreg:$0x3] =	wrdreg s2  }
0xb0: {  	[dreg:$0x4] =	wrdreg $0xAA000  }
0xb1: {  	[dreg:$0x5] =	wrdreg $0x9  }
0xb2: {  	_ =	task.clear_ibuf [dreg:s7], $0x6FFFF;
	_ =	strace $0x90000049  }
0xb3: {  	s29 =	simm.s32 $0x9;
	_ =	strace $0x8000004B  }
0xb4: {  	_ =	swait.ge [sflag:s29], $0x1  }
0xb5: {  	[sflag:s29] =	ssyncadd.s32 $0xFFFFFFFF  }
0xb6: {  	_ =	strace $0x9000004B  }
0xb7: {  	_ =	sfence  }
0xb8: {  	s30 =	sld [smem:$0x0];
	_ =	sdelay $0x2  }
0xb9: {  	s31 =	sshll.u32 s1, $0xD;
	s1 =	sshrl.u32 s1, $0x2  }
0xba: {  	s3 =	sand.u32 $0x4000, s31;
	s1 =	sadd.s32 s1, s30  }
0xbb: {  	s0 =	sor.u32 s3, s0;
	s1 =	sshll.u32 s1, $0x11  }
0xbc: {  	s0 =	sor.u32 s1, s0  }
0xbd: {  	s0 =	sadd.s32 $0x8F2B, s0  }
0xbe: {  	[sflag:s0] =	ssyncadd.remote.s32 $0x1  }
0xbf: {  	_ =	sfence.sel $0xFFFF  }
0xc0: {  	[dreg:$0x0] =	wrdreg $0xFFFFFFFF;
	(pc) =	sbr.abs _section_cstart, $3  }
0xc1: {  	[dreg:$0x1] =	wrdreg $0xFFFFFFFF  }
0xc2: {  	_ =	task.clear_ibuf [dreg:s7], $0x2FFFF;
	_ =	strace $0x9FFFFFFF  }
0xc3: {  	(tm) =	ssettm $0x7FFFFFFF  }
tec
execute0_lowered:
.L_overlay_start_1:
0x0: {  	(tag) =	ssettag $0x1  }
0x1: {  	s6 =	rddreg [dreg:$0x0]  }
0x2: {  	s2 =	rddreg [dreg:$0x1]  }
0x3: {  	s3 =	rddreg [dreg:$0x2];
	s4 =	srdreg.scid  }
0x4: {  	s0 =	rddreg [dreg:$0x3];
	s1 =	stileid.u32  }
0x5: {  	s13 =	simm.s32 $0x2800;
	s14 =	simm.s32 $0x2A00;
	s15 =	simm.s32 $0x2880  }
0x6: {  	s16 =	simm.s32 $0x6A00;
	s17 =	simm.s32 $0x1;
	s18 =	simm.s32 $0x2900  }
0x7: {  	s19 =	simm.s32 $0x3;
	s20 =	simm.s32 $0x2;
	s21 =	simm.s32 $0x2980  }
0x8: {  	s22 =	simm.s32 $0x4;
	s23 =	simm.s32 $0x0;
	s9 =	smul.u32 $0x13C00, s1  }
0x9: {  	s7 =	sand.u32 $0x1, s4;
	s4 =	simm.s32 $0x0;
	s29 =	smul.u32 $0x4F000, s1  }
0xa: {  	s5 =	sshll.u32 s1, $0x1;
	s31 =	sshll.u32 s1, $0x6;
	s8 =	smul.u32 $0x13C000, s7  }
0xb: {  	[smem:$0x7FF] =	sst s4;
	s5 =	sor.u32 s7, s5;
	s7 =	ssub.s32 $0x2, s7  }
0xc: {  	_ =	strace $0x8000004A;
	s10 =	smul.u32 $0x500, s5;
	s5 =	sadd.s32 $0xDC00, s6  }
0xd: {  	s30 =	sshrl.u32 s7, $0x1;
	s8 =	sadd.s32 s9, s8;
	s9 =	sshrl.u32 s29, $0x2  }
0xe: {  	s11 =	ssub.s32 s7, s30;
	s10 =	sadd.s32 s10, s6;
	s8 =	sshrl.u32 s8, $0x3  }
0xf: {  	s12 =	sadd.s32 s9, s3;
	s9 =	simm.s32 $0x5;
	s8 =	sadd.s32 s8, s6  }
0x10: {  	s6 =	sadd.s32 $0x3C00, s10;
	s10 =	sor.u32 $0x1C05, s31;
	s7 =	sadd.s32 $0x35400, s8  }
0x11: {  	s8 =	smax.u32 s11, $0x1;
	s11 =	sshrl.u32 s12, $0x3;
	s12 =	simm.s32 $0x80  }
.LBB2_1:
0x12: {  	[tilespmem:s4], [sflag:$0x5] =	stream.linear.gather [hbm4b:s6+s4], $0x2800, $0x38;
	[tilespmem:$0x1E600] =	vst v63  }
0x13: {  	_ =	swait.ge [sflag:s9], $0x2800  }
0x14: {  	[sflag:s9] =	ssyncset.done $0x0  }
0x15: {  	[sflag:s9] =	ssyncadd.s32 $0xFFFFD800  }
0x16: {  	[spmem:s11], [sflag:s10] =	dma.local [hbm:s2], $0x2780  }
0x17: {  	_ =	swait.ge [sflag:s9], $0x2780  }
0x18: {  	[sflag:s9] =	ssyncset.done $0x0  }
0x19: {  	[sflag:s9] =	ssyncadd.s32 $0xFFFFD880  }
0x1a: {  	[bflag:$0x0] =	sbarrier.arrive $0xFFFF  }
0x1b: {  	v0 =	vld [tilespmem:$0x0];
	_ =	sdelay $0x1  }
0x1c: {  	v1 =	vld [tilespmem:$0x10];
	_ =	sdelay $0x1  }
0x1d: {  	v2 =	vld [tilespmem:$0x20]  }
0x1e: {  	v3 =	vshra.s32 v0, $0x10  }
0x1f: {  	v0 =	vand.u32 $0xFFFF, v0;
	[tilespmem:$0x2800] =	vst v3;
	v3 =	vld [tilespmem:$0x30]  }
0x20: {  	[tilespmem:$0x2900] =	vst v0;
	v0 =	vshra.s32 v1, $0x10  }
0x21: {  	[tilespmem:$0x2810] =	vst v0;
	v0 =	vand.u32 $0xFFFF, v1;
	v1 =	vld [tilespmem:$0x40]  }
0x22: {  	[tilespmem:$0x2910] =	vst v0;
	v0 =	vshra.s32 v2, $0x10  }
0x23: {  	[tilespmem:$0x2820] =	vst v0;
	v0 =	vand.u32 $0xFFFF, v2;
	v2 =	vld [tilespmem:$0x50]  }
0x24: {  	[tilespmem:$0x2920] =	vst v0;
	v0 =	vshra.s32 v3, $0x10  }
0x25: {  	[tilespmem:$0x2830] =	vst v0;
	v0 =	vand.u32 $0xFFFF, v3;
	v3 =	vld [tilespmem:$0x60]  }
0x26: {  	[tilespmem:$0x2930] =	vst v0;
	v0 =	vshra.s32 v1, $0x10  }
0x27: {  	[tilespmem:$0x2840] =	vst v0;
	v0 =	vand.u32 $0xFFFF, v1;
	v1 =	vld [tilespmem:$0x70]  }
0x28: {  	[tilespmem:$0x2940] =	vst v0;
	v0 =	vshra.s32 v2, $0x10  }
0x29: {  	[tilespmem:$0x2850] =	vst v0;
	v0 =	vand.u32 $0xFFFF, v2  }
0x2a: {  	[tilespmem:$0x2950] =	vst v0;
	v0 =	vshra.s32 v3, $0x10  }
0x2b: {  	[tilespmem:$0x2860] =	vst v0;
	v0 =	vand.u32 $0xFFFF, v3  }
0x2c: {  	[tilespmem:$0x2960] =	vst v0;
	v0 =	vshra.s32 v1, $0x10  }
0x2d: {  	[tilespmem:$0x2870] =	vst v0;
	v0 =	vand.u32 $0xFFFF, v1  }
0x2e: {  	[tilespmem:$0x2970] =	vst v0  }
0x2f: {  	[tilespmem:s14], [sflag:$0x1] =	stream.indirect.gather [hbm4b:s5+s12], $0x80, s13, s12, $0xb8;
	[tilespmem:$0x1E600] =	vst v63  }
0x30: {  	v0 =	vld [tilespmem:$0x80];
	_ =	sdelay $0x1  }
0x31: {  	v1 =	vld [tilespmem:$0x90];
	_ =	sdelay $0x1  }
0x32: {  	v2 =	vld [tilespmem:$0xA0]  }
0x33: {  	v3 =	vshra.s32 v0, $0x10  }
0x34: {  	v0 =	vand.u32 $0xFFFF, v0;
	[tilespmem:$0x2880] =	vst v3;
	v3 =	vld [tilespmem:$0xB0]  }
0x35: {  	[tilespmem:$0x2980] =	vst v0;
	v0 =	vshra.s32 v1, $0x10  }
0x36: {  	[tilespmem:$0x2890] =	vst v0;
	v0 =	vand.u32 $0xFFFF, v1;
	v1 =	vld [tilespmem:$0xC0]  }
0x37: {  	[tilespmem:$0x2990] =	vst v0;
	v0 =	vshra.s32 v2, $0x10  }
0x38: {  	[tilespmem:$0x28A0] =	vst v0;
	v0 =	vand.u32 $0xFFFF, v2;
	v2 =	vld [tilespmem:$0xD0]  }
0x39: {  	[tilespmem:$0x29A0] =	vst v0;
	v0 =	vshra.s32 v3, $0x10  }
0x3a: {  	[tilespmem:$0x28B0] =	vst v0;
	v0 =	vand.u32 $0xFFFF, v3;
	v3 =	vld [tilespmem:$0xE0]  }
0x3b: {  	[tilespmem:$0x29B0] =	vst v0;
	v0 =	vshra.s32 v1, $0x10  }
0x3c: {  	[tilespmem:$0x28C0] =	vst v0;
	v0 =	vand.u32 $0xFFFF, v1;
	v1 =	vld [tilespmem:$0xF0]  }
0x3d: {  	[tilespmem:$0x29C0] =	vst v0;
	v0 =	vshra.s32 v2, $0x10  }
0x3e: {  	[tilespmem:$0x28D0] =	vst v0;
	v0 =	vand.u32 $0xFFFF, v2  }
0x3f: {  	[tilespmem:$0x29D0] =	vst v0;
	v0 =	vshra.s32 v3, $0x10  }
0x40: {  	[tilespmem:$0x28E0] =	vst v0;
	v0 =	vand.u32 $0xFFFF, v3  }
0x41: {  	[tilespmem:$0x29E0] =	vst v0;
	v0 =	vshra.s32 v1, $0x10  }
0x42: {  	[tilespmem:$0x28F0] =	vst v0;
	v0 =	vand.u32 $0xFFFF, v1  }
0x43: {  	[tilespmem:$0x29F0] =	vst v0  }
0x44: {  	[tilespmem:s16], [sflag:$0x2] =	stream.indirect.gather [hbm4b:s5+s12], $0x80, s15, s12, $0xb8;
	[tilespmem:$0x1E600] =	vst v63  }
0x45: {  	_ =	swait.ge [sflag:s17], $0x4000  }
0x46: {  	[sflag:s17] =	ssyncset.done $0x0  }
0x47: {  	[sflag:s17] =	ssyncadd.s32 $0xFFFFC000  }
0x48: {  	[spmem:s3] =	stream.indirect.scatter.add.f32 [tilespmem:s14], [sflag:$0x3], $0x80, s18, s12, $0xb8;
	[tilespmem:$0x1E600] =	vst v63  }
0x49: {  	_ =	swait.ge [sflag:s19], $0x4000  }
0x4a: {  	[sflag:s19] =	ssyncset.done $0x0  }
0x4b: {  	s24 =	simm.s32 $0x1F0;
	[sflag:s19] =	ssyncadd.s32 $0xFFFFC000  }
0x4c: {  	v0 =	vld [tilespmem:s24+$0xFFFFFF10];
	_ =	sdelay $0x4  }
0x4d: {  	v1 =	vshra.s32 v0, $0x10  }
0x4e: {  	v0 =	vand.u32 $0xFFFF, v0;
	[tilespmem:$0x2800] =	vst v1  }
0x4f: {  	[tilespmem:$0x2900] =	vst v0  }
0x50: {  	v0 =	vld [tilespmem:s24+$0xFFFFFF20];
	_ =	sdelay $0x4  }
0x51: {  	v1 =	vshra.s32 v0, $0x10  }
0x52: {  	v0 =	vand.u32 $0xFFFF, v0;
	[tilespmem:$0x2810] =	vst v1  }
0x53: {  	[tilespmem:$0x2910] =	vst v0  }
0x54: {  	v0 =	vld [tilespmem:s24+$0xFFFFFF30];
	_ =	sdelay $0x4  }
0x55: {  	v1 =	vshra.s32 v0, $0x10  }
0x56: {  	v0 =	vand.u32 $0xFFFF, v0;
	[tilespmem:$0x2820] =	vst v1  }
0x57: {  	[tilespmem:$0x2920] =	vst v0  }
0x58: {  	v0 =	vld [tilespmem:s24+$0xFFFFFF40];
	_ =	sdelay $0x4  }
0x59: {  	v1 =	vshra.s32 v0, $0x10  }
0x5a: {  	v0 =	vand.u32 $0xFFFF, v0;
	[tilespmem:$0x2830] =	vst v1  }
0x5b: {  	[tilespmem:$0x2930] =	vst v0  }
0x5c: {  	v0 =	vld [tilespmem:s24+$0xFFFFFF50];
	_ =	sdelay $0x4  }
0x5d: {  	v1 =	vshra.s32 v0, $0x10  }
0x5e: {  	v0 =	vand.u32 $0xFFFF, v0;
	[tilespmem:$0x2840] =	vst v1  }
0x5f: {  	[tilespmem:$0x2940] =	vst v0  }
0x60: {  	v0 =	vld [tilespmem:s24+$0xFFFFFF60];
	_ =	sdelay $0x4  }
0x61: {  	v1 =	vshra.s32 v0, $0x10  }
0x62: {  	v0 =	vand.u32 $0xFFFF, v0;
	[tilespmem:$0x2850] =	vst v1  }
0x63: {  	[tilespmem:$0x2950] =	vst v0  }
0x64: {  	v0 =	vld [tilespmem:s24+$0xFFFFFF70];
	_ =	sdelay $0x4  }
0x65: {  	v1 =	vshra.s32 v0, $0x10  }
0x66: {  	v0 =	vand.u32 $0xFFFF, v0;
	[tilespmem:$0x2860] =	vst v1  }
0x67: {  	[tilespmem:$0x2960] =	vst v0  }
0x68: {  	v0 =	vld [tilespmem:s24+$0xFFFFFF80];
	_ =	sdelay $0x4  }
0x69: {  	v1 =	vshra.s32 v0, $0x10  }
0x6a: {  	v0 =	vand.u32 $0xFFFF, v0;
	[tilespmem:$0x2870] =	vst v1  }
0x6b: {  	[tilespmem:$0x2970] =	vst v0  }
0x6c: {  	[tilespmem:s14], [sflag:$0x1] =	stream.indirect.gather [hbm4b:s5+s12], $0x80, s13, s12, $0xb8;
	[tilespmem:$0x1E600] =	vst v63  }
0x6d: {  	_ =	swait.ge [sflag:s20], $0x4000  }
0x6e: {  	[sflag:s20] =	ssyncset.done $0x0  }
0x6f: {  	[sflag:s20] =	ssyncadd.s32 $0xFFFFC000  }
0x70: {  	[spmem:s3] =	stream.indirect.scatter.add.f32 [tilespmem:s16], [sflag:$0x4], $0x80, s21, s12, $0xb8;
	[tilespmem:$0x1E600] =	vst v63  }
0x71: {  	_ =	swait.ge [sflag:s22], $0x4000  }
0x72: {  	[sflag:s22] =	ssyncset.done $0x0  }
0x73: {  	[sflag:s22] =	ssyncadd.s32 $0xFFFFC000  }
0x74: {  	v0 =	vld [tilespmem:s24+$0xFFFFFF90];
	_ =	sdelay $0x4  }
0x75: {  	v1 =	vshra.s32 v0, $0x10  }
0x76: {  	v0 =	vand.u32 $0xFFFF, v0;
	[tilespmem:$0x2880] =	vst v1  }
0x77: {  	[tilespmem:$0x2980] =	vst v0  }
0x78: {  	v0 =	vld [tilespmem:s24+$0xFFFFFFA0];
	_ =	sdelay $0x4  }
0x79: {  	v1 =	vshra.s32 v0, $0x10  }
0x7a: {  	v0 =	vand.u32 $0xFFFF, v0;
	[tilespmem:$0x2890] =	vst v1  }
0x7b: {  	[tilespmem:$0x2990] =	vst v0  }
0x7c: {  	v0 =	vld [tilespmem:s24+$0xFFFFFFB0];
	_ =	sdelay $0x4  }
0x7d: {  	v1 =	vshra.s32 v0, $0x10  }
0x7e: {  	v0 =	vand.u32 $0xFFFF, v0;
	[tilespmem:$0x28A0] =	vst v1  }
0x7f: {  	[tilespmem:$0x29A0] =	vst v0  }
0x80: {  	v0 =	vld [tilespmem:s24+$0xFFFFFFC0];
	_ =	sdelay $0x4  }
0x81: {  	v1 =	vshra.s32 v0, $0x10  }
0x82: {  	v0 =	vand.u32 $0xFFFF, v0;
	[tilespmem:$0x28B0] =	vst v1  }
0x83: {  	[tilespmem:$0x29B0] =	vst v0  }
0x84: {  	v0 =	vld [tilespmem:s24+$0xFFFFFFD0];
	_ =	sdelay $0x4  }
0x85: {  	v1 =	vshra.s32 v0, $0x10  }
0x86: {  	v0 =	vand.u32 $0xFFFF, v0;
	[tilespmem:$0x28C0] =	vst v1  }
0x87: {  	[tilespmem:$0x29C0] =	vst v0  }
0x88: {  	v0 =	vld [tilespmem:s24+$0xFFFFFFE0];
	_ =	sdelay $0x4  }
0x89: {  	v1 =	vshra.s32 v0, $0x10  }
0x8a: {  	v0 =	vand.u32 $0xFFFF, v0;
	[tilespmem:$0x28D0] =	vst v1  }
0x8b: {  	[tilespmem:$0x29D0] =	vst v0  }
0x8c: {  	s25 =	simm.s32 $0xBC0;
	v0 =	vld [tilespmem:s24+$0xFFFFFFF0]  }
.LBB2_2:
0x8d: {  	_ =	sdelay $0x2  }
0x8e: {  	p0 =	sne.s32 s25, $0x9FC0;
	s26 =	smov.u32 s25;
	s25 =	sadd.s32 $0x400, s25  }
0x8f: {  	v1 =	vshra.s32 v0, $0x10;
	v0 =	vand.u32 $0xFFFF, v0  }
0x90: {  	[tilespmem:$0x28E0] =	vst v1  }
0x91: {  	[tilespmem:$0x29E0] =	vst v0  }
0x92: {  	v0 =	vld [tilespmem:s24+$0x0];
	_ =	sdelay $0x4  }
0x93: {  	v1 =	vshra.s32 v0, $0x10;
	v0 =	vand.u32 $0xFFFF, v0  }
0x94: {  	[tilespmem:$0x28F0] =	vst v1  }
0x95: {  	[tilespmem:$0x29F0] =	vst v0  }
0x96: {  	[tilespmem:s16], [sflag:$0x2] =	stream.indirect.gather [hbm4b:s5+s12], $0x80, s15, s12, $0xb8;
	[tilespmem:$0x1E600] =	vst v63  }
0x97: {  	_ =	swait.ge [sflag:s17], $0x4000  }
0x98: {  	[sflag:s17] =	ssyncset.done $0x0  }
0x99: {  	[sflag:s17] =	ssyncadd.s32 $0xFFFFC000  }
0x9a: {  	[spmem:s3] =	stream.indirect.scatter.add.f32 [tilespmem:s14], [sflag:$0x3], $0x80, s18, s12, $0xb8;
	[tilespmem:$0x1E600] =	vst v63  }
0x9b: {  	_ =	swait.ge [sflag:s19], $0x4000  }
0x9c: {  	[sflag:s19] =	ssyncset.done $0x0  }
0x9d: {  	s24 =	sshra.s32 s26, $0x2;
	[sflag:s19] =	ssyncadd.s32 $0xFFFFC000  }
0x9e: {  	v0 =	vld [tilespmem:s24+$0xFFFFFF10];
	_ =	sdelay $0x4  }
0x9f: {  	v1 =	vshra.s32 v0, $0x10;
	v0 =	vand.u32 $0xFFFF, v0  }
0xa0: {  	[tilespmem:$0x2800] =	vst v1  }
0xa1: {  	[tilespmem:$0x2900] =	vst v0  }
0xa2: {  	v0 =	vld [tilespmem:s24+$0xFFFFFF20];
	_ =	sdelay $0x4  }
0xa3: {  	v1 =	vshra.s32 v0, $0x10;
	v0 =	vand.u32 $0xFFFF, v0  }
0xa4: {  	[tilespmem:$0x2810] =	vst v1  }
0xa5: {  	[tilespmem:$0x2910] =	vst v0  }
0xa6: {  	v0 =	vld [tilespmem:s24+$0xFFFFFF30];
	_ =	sdelay $0x4  }
0xa7: {  	v1 =	vshra.s32 v0, $0x10;
	v0 =	vand.u32 $0xFFFF, v0  }
0xa8: {  	[tilespmem:$0x2820] =	vst v1  }
0xa9: {  	[tilespmem:$0x2920] =	vst v0  }
0xaa: {  	v0 =	vld [tilespmem:s24+$0xFFFFFF40];
	_ =	sdelay $0x4  }
0xab: {  	v1 =	vshra.s32 v0, $0x10;
	v0 =	vand.u32 $0xFFFF, v0  }
0xac: {  	[tilespmem:$0x2830] =	vst v1  }
0xad: {  	[tilespmem:$0x2930] =	vst v0  }
0xae: {  	v0 =	vld [tilespmem:s24+$0xFFFFFF50];
	_ =	sdelay $0x4  }
0xaf: {  	v1 =	vshra.s32 v0, $0x10;
	v0 =	vand.u32 $0xFFFF, v0  }
0xb0: {  	[tilespmem:$0x2840] =	vst v1  }
0xb1: {  	[tilespmem:$0x2940] =	vst v0  }
0xb2: {  	v0 =	vld [tilespmem:s24+$0xFFFFFF60];
	_ =	sdelay $0x4  }
0xb3: {  	v1 =	vshra.s32 v0, $0x10;
	v0 =	vand.u32 $0xFFFF, v0  }
0xb4: {  	[tilespmem:$0x2850] =	vst v1  }
0xb5: {  	[tilespmem:$0x2950] =	vst v0  }
0xb6: {  	v0 =	vld [tilespmem:s24+$0xFFFFFF70];
	_ =	sdelay $0x4  }
0xb7: {  	v1 =	vshra.s32 v0, $0x10;
	v0 =	vand.u32 $0xFFFF, v0  }
0xb8: {  	[tilespmem:$0x2860] =	vst v1  }
0xb9: {  	[tilespmem:$0x2960] =	vst v0  }
0xba: {  	v0 =	vld [tilespmem:s24+$0xFFFFFF80];
	_ =	sdelay $0x4  }
0xbb: {  	v1 =	vshra.s32 v0, $0x10;
	v0 =	vand.u32 $0xFFFF, v0  }
0xbc: {  	[tilespmem:$0x2870] =	vst v1  }
0xbd: {  	[tilespmem:$0x2970] =	vst v0  }
0xbe: {  	[tilespmem:s14], [sflag:$0x1] =	stream.indirect.gather [hbm4b:s5+s12], $0x80, s13, s12, $0xb8;
	[tilespmem:$0x1E600] =	vst v63  }
0xbf: {  	_ =	swait.ge [sflag:s20], $0x4000  }
0xc0: {  	[sflag:s20] =	ssyncset.done $0x0  }
0xc1: {  	[sflag:s20] =	ssyncadd.s32 $0xFFFFC000  }
0xc2: {  	[spmem:s3] =	stream.indirect.scatter.add.f32 [tilespmem:s16], [sflag:$0x4], $0x80, s21, s12, $0xb8;
	[tilespmem:$0x1E600] =	vst v63  }
0xc3: {  	_ =	swait.ge [sflag:s22], $0x4000  }
0xc4: {  	[sflag:s22] =	ssyncset.done $0x0  }
0xc5: {  	[sflag:s22] =	ssyncadd.s32 $0xFFFFC000  }
0xc6: {  	v0 =	vld [tilespmem:s24+$0xFFFFFF90];
	_ =	sdelay $0x4  }
0xc7: {  	v1 =	vshra.s32 v0, $0x10;
	v0 =	vand.u32 $0xFFFF, v0  }
0xc8: {  	[tilespmem:$0x2880] =	vst v1  }
0xc9: {  	[tilespmem:$0x2980] =	vst v0  }
0xca: {  	v0 =	vld [tilespmem:s24+$0xFFFFFFA0];
	_ =	sdelay $0x4  }
0xcb: {  	v1 =	vshra.s32 v0, $0x10;
	v0 =	vand.u32 $0xFFFF, v0  }
0xcc: {  	[tilespmem:$0x2890] =	vst v1  }
0xcd: {  	[tilespmem:$0x2990] =	vst v0  }
0xce: {  	v0 =	vld [tilespmem:s24+$0xFFFFFFB0];
	_ =	sdelay $0x4  }
0xcf: {  	v1 =	vshra.s32 v0, $0x10;
	v0 =	vand.u32 $0xFFFF, v0  }
0xd0: {  	[tilespmem:$0x28A0] =	vst v1  }
0xd1: {  	[tilespmem:$0x29A0] =	vst v0  }
0xd2: {  	v0 =	vld [tilespmem:s24+$0xFFFFFFC0];
	_ =	sdelay $0x4  }
0xd3: {  	v1 =	vshra.s32 v0, $0x10;
	v0 =	vand.u32 $0xFFFF, v0  }
0xd4: {  	[tilespmem:$0x28B0] =	vst v1  }
0xd5: {  	[tilespmem:$0x29B0] =	vst v0  }
0xd6: {  	v0 =	vld [tilespmem:s24+$0xFFFFFFD0];
	_ =	sdelay $0x4  }
0xd7: {  	v1 =	vshra.s32 v0, $0x10;
	v0 =	vand.u32 $0xFFFF, v0  }
0xd8: {  	[tilespmem:$0x28C0] =	vst v1  }
0xd9: {  	[tilespmem:$0x29C0] =	vst v0  }
0xda: {  	v0 =	vld [tilespmem:s24+$0xFFFFFFE0];
	_ =	sdelay $0x3  }
.Ltmp0:
0xdb: {  	(pc) =	sbr.rel @p0 .LBB2_2-.Ltmp0, $4  }
0xdc: {  	v1 =	vshra.s32 v0, $0x10;
	v0 =	vand.u32 $0xFFFF, v0  }
0xdd: {  	[tilespmem:$0x28D0] =	vst v1  }
0xde: {  	[tilespmem:$0x29D0] =	vst v0  }
0xdf: {  	v0 =	vld [tilespmem:s24+$0xFFFFFFF0]  }
0xe0: {  	_ =	sdelay $0x3  }
0xe1: {  	v1 =	vshra.s32 v0, $0x10  }
0xe2: {  	v62 =	vand.u32 $0xFFFF, v0;
	[tilespmem:$0x28E0] =	vst v1  }
0xe3: {  	[tilespmem:$0x29E0] =	vst v62  }
0xe4: {  	v0 =	vld [tilespmem:s24+$0x0];
	_ =	sdelay $0x4  }
0xe5: {  	v63 =	vshra.s32 v0, $0x10  }
0xe6: {  	v0 =	vand.u32 $0xFFFF, v0;
	[tilespmem:$0x28F0] =	vst v63  }
0xe7: {  	[tilespmem:$0x29F0] =	vst v0  }
0xe8: {  	[tilespmem:s16], [sflag:$0x2] =	stream.indirect.gather [hbm4b:s5+s12], $0x80, s15, s12, $0xb8;
	[tilespmem:$0x1E600] =	vst v63  }
0xe9: {  	_ =	swait.ge [sflag:s17], $0x4000  }
0xea: {  	[sflag:s17] =	ssyncset.done $0x0  }
0xeb: {  	[sflag:s17] =	ssyncadd.s32 $0xFFFFC000  }
0xec: {  	[spmem:s3] =	stream.indirect.scatter.add.f32 [tilespmem:s14], [sflag:$0x3], $0x80, s18, s12, $0xb8;
	[tilespmem:$0x1E600] =	vst v63  }
0xed: {  	_ =	swait.ge [sflag:s20], $0x4000  }
0xee: {  	[sflag:s20] =	ssyncset.done $0x0  }
0xef: {  	[sflag:s20] =	ssyncadd.s32 $0xFFFFC000  }
0xf0: {  	[spmem:s3] =	stream.indirect.scatter.add.f32 [tilespmem:s16], [sflag:$0x4], $0x80, s21, s12, $0xb8;
	[tilespmem:$0x1E600] =	vst v63  }
0xf1: {  	_ =	swait.ge [sflag:s19], $0x4000  }
0xf2: {  	[sflag:s19] =	ssyncset.done $0x0  }
0xf3: {  	[sflag:s19] =	ssyncadd.s32 $0xFFFFC000  }
0xf4: {  	_ =	swait.ge [sflag:s22], $0x4000  }
0xf5: {  	s23 =	sadd.s32 $0x1, s23;
	[sflag:s22] =	ssyncset.done $0x0  }
0xf6: {  	p0 =	sne.s32 s23, s8;
	[sflag:s22] =	ssyncadd.s32 $0xFFFFC000  }
.Ltmp1:
0xf7: {  	[bflag:$0x0] =	sbarrier.arrive $0xFFFF;
	(pc) =	sbr.rel @p0 .LBB2_1-.Ltmp1, $4  }
0xf8: {  	[hbm:s7], [sflag:s10] =	dma.local [spmem:s11], $0x2780  }
0xf9: {  	_ =	swait.ge [sflag:s9], $0x2780  }
0xfa: {  	[sflag:s9] =	ssyncset.done $0x0  }
0xfb: {  	[sflag:s9] =	ssyncadd.s32 $0xFFFFD880  }
0xfc: {  	_ =	sfence.sel $0x180000  }
0xfd: {  	[bflag:$0x0] =	sbarrier.arrive $0xFFFF  }
0xfe: {  	p0 =	sne.s32 s1, $0x0;
	_ =	strace $0x9000004A  }
0xff: {  	s0 =	sadd.s32 @!p0 $0x100000, s0;
	[bflag:$0x2] =	sbarrier.arrive $0xFFFF  }
0x100: {  	[sflag:s0] =	ssyncadd.tile.s32 @!p0 $0x1;
	_ =	shalt  }
.Lfunc_end2:
_tile_overlayer_lowered:
.L_overlay_start_2:
0x101: {  	(tag) =	ssettag $0x2  }
0x102: {  	s0 =	rddreg [dreg:$0x0];
	s2 =	stileid.u32  }
0x103: {  	s1 =	rddreg [dreg:$0x1];
	p0 =	sne.s32 s2, $0x0  }
0x104: {  	s3 =	rddreg [dreg:$0x2];
	[bflag:$0x3] =	sbarrier.arrive $0xFFFF;
	s2 =	simm.s32 @!p0 $0x1C05  }
0x105: {  	[timem:s3], [sflag:s2] =	dma.local @!p0 [hbm:s0], s1  }
0x106: {  	s0 =	simm.s32 @!p0 $0x5  }
0x107: {  	_ =	swait.ge @!p0 [sflag:s0], s1  }
0x108: {  	s1 =	ssub.s32 @!p0 $0x0, s1;
	[sflag:s0] =	ssyncset.done @!p0 $0x0  }
0x109: {  	[sflag:s0] =	ssyncadd.s32 @!p0 s1  }
0x10a: {  	[bflag:$0x3] =	sbarrier.arrive $0xFFFF  }
0x10b: {  	_ =	shalt  }

// kernel: kernel.15.cloned.1.call-start
scs
__scs_entry_jumppad:
0x0: {  	(pc) =	sbr.rel $0x88, $3  }
0x1: {  	(tag) =	ssettag $0x0;
	lr =	simm.s32 $0x1  }
0x2: {  	[smem:$0x3F99] =	sst lr;
	_ =	strace $0xD0000000  }
0x3: {  	_ = 	snop  }
0x4: {  	_ = 	snop  }
0x5: {  	_ = 	snop  }
0x6: {  	_ = 	snop  }
0x7: {  	_ = 	snop  }
__scs_overlays_trampoline_lowered:
0x8: {  	[smem:$0x3FA8] =	sst s0  }
0x9: {  	[smem:$0x3FA9] =	sst s1  }
0xa: {  	[smem:$0x3FAA] =	sst s2  }
0xb: {  	[smem:$0x3FAB] =	sst s3  }
0xc: {  	[smem:$0x3FAC] =	sst s4  }
0xd: {  	[smem:$0x3FAD] =	sst s5  }
0xe: {  	[smem:$0x3FAE] =	sst s6  }
0xf: {  	[smem:$0x3FAF] =	sst s7  }
0x10: {  	[smem:$0x3FB0] =	sst s8  }
0x11: {  	[smem:$0x3FB1] =	sst s9;
	s0 =	simm.s32 @!p0 $0x0  }
0x12: {  	s1 =	sld [smem:$0x3F97];
	s0 =	simm.s32 @p0 $0x1  }
0x13: {  	[smem:$0x3FB2] =	sst s0;
	s0 =	simm.s32 @!p1 $0x0  }
0x14: {  	s2 =	sld [smem:$0x3F96];
	s0 =	simm.s32 @p1 $0x1  }
0x15: {  	[smem:$0x3FB3] =	sst s0;
	s0 =	simm.s32 @!p2 $0x0  }
0x16: {  	s3 =	sld [smem:$0x3FDB];
	s0 =	simm.s32 @p2 $0x1  }
0x17: {  	s4 =	simm.s32 $0x1BF5;
	[smem:$0x3FB5] =	sst s0  }
0x18: {  	s0 =	sld [smem:$0x3F98];
	_ =	swait.ge [sflag:s4], $0x0  }
0x19: {  	s7 =	sld [smem:$0x3F99]  }
0x1a: {  	s8 =	sadd.s32 $0xFFFFE003, lr  }
0x1b: {  	s9 =	sadd.s32 $0xFFFFFEF7, lr;
	s5 =	simm.s32 $0xFFFFFFFF;
	p2 =	slt.u32 s8, $0xFFFFF086  }
0x1c: {  	p1 =	slt.u32 s9, $0xF7A;
	s5 =	simm.s32 @!p2 $0x0  }
0x1d: {  	s5 =	simm.s32 @p1 $0x1;
	p0 =	seq.s32 s7, s2  }
0x1e: {  	s7 =	smul.u32 @!p0 $0xF7A, s2;
	p2 =	seq.s32 @!p0 s5, $0x0  }
0x1f: {  	s9 =	smul.u32 $0xF7A, s1;
	s8 =	simm.s32 @!p0 $0x1BF5;
	p2 =	por !p2, p0  }
0x20: {  	[sflag:s8] =	ssyncset.s32 @!p0 $0xFFFFF086;
	s6 =	sadd.s32 @!p0 s3, s7;
	s7 =	simm.s32 @!p0 $0x108  }
0x21: {  	s3 =	sadd.s32 s3, s9;
	s6 =	sadd.s32 @!p0 $0x88, s6;
	s7 =	simm.s32 @p2 $0x1082  }
0x22: {  	[simem:s7], [sflag:s8] =	dma.local @!p0 [hbm:s6], $0xF7A  }
0x23: {  	s9 =	sor.u32 $0xD0000000, s2;
	s6 =	simm.s32 $0x108;
	_ =	swait.ge @!p0 [sflag:s8], $0x0  }
0x24: {  	s3 =	sadd.s32 $0x88, s3;
	s6 =	simm.s32 @!p1 $0x1082;
	[sflag:s4] =	ssyncset.s32 $0xFFFFF086  }
0x25: {  	[simem:s6], [sflag:s4] =	dma.local [hbm:s3], $0xF7A  }
0x26: {  	[smem:$0x3F99] =	sst s1;
	(tag) =	ssettag s2;
	_ =	strace s9  }
0x27: {  	s1 =	sld [smem:$0x3FA9]  }
0x28: {  	s2 =	sld [smem:$0x3FAA]  }
0x29: {  	s4 =	sld [smem:$0x3FAC]  }
0x2a: {  	p0 =	seq.s32 s5, $0x0;
	s5 =	sld [smem:$0x3FAD]  }
0x2b: {  	s6 =	sld [smem:$0x3FAE]  }
0x2c: {  	s7 =	sld [smem:$0x3FAF]  }
0x2d: {  	s3 =	simm.s32 $0x108;
	s8 =	sld [smem:$0x3FB0]  }
0x2e: {  	s3 =	simm.s32 @!p0 $0x1082;
	s9 =	sld [smem:$0x3FB1]  }
0x2f: {  	lr =	sadd.s32 s0, s3;
	s0 =	sld [smem:$0x3FA8]  }
0x30: {  	s3 =	sld [smem:$0x3FAB]  }
0x31: {  	[smem:$0x3FB4] =	sst s10  }
0x32: {  	s10 =	sld [smem:$0x3FB2];
	_ =	sdelay $0x3  }
0x33: {  	p0 =	seq.s32 s10, $0x1;
	s10 =	sld [smem:$0x3FB4];
	_ =	sdelay $0x3  }
0x34: {  	[smem:$0x3FB4] =	sst s10  }
0x35: {  	s10 =	sld [smem:$0x3FB3];
	_ =	sdelay $0x3  }
0x36: {  	p1 =	seq.s32 s10, $0x1;
	s10 =	sld [smem:$0x3FB4];
	_ =	sdelay $0x3  }
0x37: {  	[smem:$0x3FB4] =	sst s10  }
0x38: {  	s10 =	sld [smem:$0x3FB5]  }
0x39: {  	_ = 	snop;
	(pc) =	sbr.ind lr, $3  }
0x3a: {  	_ = 	snop  }
0x3b: {  	_ = 	snop  }
0x3c: {  	p2 =	seq.s32 s10, $0x1;
	s10 =	sld [smem:$0x3FB4]  }
0x3d: {  	_ =	shalt  }
0x3e: {  	_ =	shalt  }
0x3f: {  	_ =	shalt  }
0x40: {  	_ =	shalt  }
0x41: {  	_ =	shalt  }
0x42: {  	_ =	shalt  }
0x43: {  	_ =	shalt  }
0x44: {  	_ =	shalt  }
0x45: {  	_ =	shalt  }
0x46: {  	_ =	shalt  }
0x47: {  	_ =	shalt  }
0x48: {  	_ =	shalt  }
0x49: {  	_ =	shalt  }
0x4a: {  	_ =	shalt  }
0x4b: {  	_ =	shalt  }
0x4c: {  	_ =	shalt  }
0x4d: {  	_ =	shalt  }
0x4e: {  	_ =	shalt  }
0x4f: {  	_ =	shalt  }
0x50: {  	_ =	shalt  }
0x51: {  	_ =	shalt  }
0x52: {  	_ =	shalt  }
0x53: {  	_ =	shalt  }
0x54: {  	_ =	shalt  }
0x55: {  	_ =	shalt  }
0x56: {  	_ =	shalt  }
0x57: {  	_ =	shalt  }
0x58: {  	_ =	shalt  }
0x59: {  	_ =	shalt  }
0x5a: {  	_ =	shalt  }
0x5b: {  	_ =	shalt  }
0x5c: {  	_ =	shalt  }
0x5d: {  	_ =	shalt  }
0x5e: {  	_ =	shalt  }
0x5f: {  	_ =	shalt  }
0x60: {  	_ =	shalt  }
0x61: {  	_ =	shalt  }
0x62: {  	_ =	shalt  }
0x63: {  	_ =	shalt  }
0x64: {  	_ =	shalt  }
0x65: {  	_ =	shalt  }
0x66: {  	_ =	shalt  }
0x67: {  	_ =	shalt  }
0x68: {  	_ =	shalt  }
0x69: {  	_ =	shalt  }
0x6a: {  	_ =	shalt  }
0x6b: {  	_ =	shalt  }
0x6c: {  	_ =	shalt  }
0x6d: {  	_ =	shalt  }
0x6e: {  	_ =	shalt  }
0x6f: {  	_ =	shalt  }
0x70: {  	_ =	shalt  }
0x71: {  	_ =	shalt  }
0x72: {  	_ =	shalt  }
0x73: {  	_ =	shalt  }
0x74: {  	_ =	shalt  }
0x75: {  	_ =	shalt  }
0x76: {  	_ =	shalt  }
0x77: {  	_ =	shalt  }
0x78: {  	_ =	shalt  }
0x79: {  	_ =	shalt  }
0x7a: {  	_ =	shalt  }
0x7b: {  	_ =	shalt  }
0x7c: {  	_ =	shalt  }
0x7d: {  	_ =	shalt  }
0x7e: {  	_ =	shalt  }
0x7f: {  	_ =	shalt  }
0x80: {  	_ =	shalt  }
0x81: {  	_ =	shalt  }
0x82: {  	_ =	shalt  }
0x83: {  	_ =	shalt  }
0x84: {  	_ =	shalt  }
0x85: {  	_ =	shalt  }
0x86: {  	_ =	shalt  }
0x87: {  	_ =	shalt  }
.Lfunc_end0:
.L_simem_size_0:
called_computation.2_lowered:
.L_overlay_start_0:
0x88: {  	s2 =	sld [smem:$0x3FD9]  }
0x89: {  	s3 =	sld [smem:$0x3FFE];
	_ =	sdelay $0x1  }
0x8a: {  	s1 =	srdreg.scid  }
0x8b: {  	s0 =	sand.u32 $0x1, s1  }
0x8c: {  	s17 =	sshll.u32 s0, $0xA;
	s2 =	sadd.s32 s3, s2  }
0x8d: {  	s2 =	sadd.s32 s2, s17  }
0x8e: {  	[smem:$0x3FC0] =	sst s2  }
0x8f: {  	_ = 	snop  }
0x90: {  	s2 =	sld [smem:$0x3FD0];
	(tm) =	ssettm $0x1  }
0x91: {  	s18 =	sld [smem:$0x3FFB];
	_ =	sdelay $0x3  }
0x92: {  	_ =	strace s18  }
0x93: {  	s3 =	sld [smem:$0x3FFC];
	_ =	sdelay $0x3  }
0x94: {  	_ =	strace s3  }
0x95: {  	s3 =	sld [smem:$0x3FFD];
	_ =	sdelay $0x3  }
0x96: {  	_ =	strace s3  }
0x97: {  	_ =	strace $0x8FFFFFFF  }
0x98: {  	s19 =	sld [smem:$0x3FDB];
	_ =	sdelay $0x1  }
0x99: {  	s4 =	simm.s32 $_scs_section_size  }
0x9a: {  	s5 =	simm.s32 $_size__tile_overlayer_lowered;
	s6 =	simm.s32 $_tile_overlayer_lowered  }
0x9b: {  	s22 =	simm.s32 $0x1BFF;
	s21 =	sshll.u32 s6, $0x1;
	s3 =	sadd.s32 s4, s19  }
0x9c: {  	s7 =	simm.s32 $0x0;
	s20 =	sshll.u32 s5, $0x1;
	s5 =	sadd.s32 s21, s3  }
0x9d: {  	[timem:s7], [sflag:s22] =	dma.local [hbm:s5], s20  }
0x9e: {  	_ =	swait.ge [sflag:s22], s20  }
0x9f: {  	s4 =	ssub.s32 $0x0, s20;
	[sflag:s22] =	ssyncset.done $0x0  }
0xa0: {  	[sflag:s22] =	ssyncadd.s32 s4;
	_ =	sdelay $0x1  }
0xa1: {  	s23 =	simm.s32 $0x1B8B  }
0xa2: {  	_ =	swait.ge [sflag:s23], $0x1  }
0xa3: {  	[sflag:s23] =	ssyncset.done $0x0  }
0xa4: {  	s25 =	simm.s32 $0x1B8E;
	s24 =	sld [smem:$0x3FFE];
	[sflag:s23] =	ssyncadd.s32 $0xFFFFFFFF  }
0xa5: {  	s26 =	simm.s32 $execute0_lowered;
	[smem:$0x3FD2] =	sst s25  }
0xa6: {  	s5 =	sshll.u32 s26, $0x1;
	_ =	strace $0x8000004C;
	[dreg:$0x1] =	wrdreg $0xFFFFFFFF  }
0xa7: {  	s28 =	simm.s32 $_size_execute0_lowered;
	s3 =	sadd.s32 s3, s5;
	[dreg:$0x0] =	wrdreg $0x0  }
0xa8: {  	s5 =	sshll.u32 s28, $0x1;
	[dreg:$0x2] =	wrdreg s3  }
0xa9: {  	[dreg:$0x3] =	wrdreg s5  }
0xaa: {  	[dreg:$0x4] =	wrdreg $0xC0  }
0xab: {  	_ =	task [dreg:s7], $0x5FFFF  }
0xac: {  	[dreg:$0x1] =	wrdreg $0xFFFFFFFF  }
0xad: {  	[dreg:$0x0] =	wrdreg $0x60  }
0xae: {  	[dreg:$0x2] =	wrdreg s24  }
0xaf: {  	[dreg:$0x3] =	wrdreg s2  }
0xb0: {  	[dreg:$0x4] =	wrdreg $0xAA000  }
0xb1: {  	[dreg:$0x5] =	wrdreg $0x9  }
0xb2: {  	_ =	task.clear_ibuf [dreg:s7], $0x6FFFF;
	_ =	strace $0x9000004C  }
0xb3: {  	s29 =	simm.s32 $0x9;
	_ =	strace $0x8000004E  }
0xb4: {  	_ =	swait.ge [sflag:s29], $0x1  }
0xb5: {  	[sflag:s29] =	ssyncadd.s32 $0xFFFFFFFF  }
0xb6: {  	_ =	strace $0x9000004E  }
0xb7: {  	_ =	sfence  }
0xb8: {  	s30 =	sld [smem:$0x0];
	_ =	sdelay $0x2  }
0xb9: {  	s31 =	sshll.u32 s1, $0xD;
	s1 =	sshrl.u32 s1, $0x2  }
0xba: {  	s3 =	sand.u32 $0x4000, s31;
	s1 =	sadd.s32 s1, s30  }
0xbb: {  	s0 =	sor.u32 s3, s0;
	s1 =	sshll.u32 s1, $0x11  }
0xbc: {  	s0 =	sor.u32 s1, s0  }
0xbd: {  	s0 =	sadd.s32 $0x8F2B, s0  }
0xbe: {  	[sflag:s0] =	ssyncadd.remote.s32 $0x1  }
0xbf: {  	_ =	sfence.sel $0xFFFF  }
0xc0: {  	[dreg:$0x0] =	wrdreg $0xFFFFFFFF;
	(pc) =	sbr.abs _section_cstart, $3  }
0xc1: {  	[dreg:$0x1] =	wrdreg $0xFFFFFFFF  }
0xc2: {  	_ =	task.clear_ibuf [dreg:s7], $0x2FFFF;
	_ =	strace $0x9FFFFFFF  }
0xc3: {  	(tm) =	ssettm $0x7FFFFFFF  }
tec
execute0_lowered:
.L_overlay_start_1:
0x0: {  	(tag) =	ssettag $0x1  }
0x1: {  	s6 =	rddreg [dreg:$0x0]  }
0x2: {  	s2 =	rddreg [dreg:$0x1]  }
0x3: {  	s3 =	rddreg [dreg:$0x2];
	s4 =	srdreg.scid  }
0x4: {  	s0 =	rddreg [dreg:$0x3];
	s1 =	stileid.u32  }
0x5: {  	s13 =	simm.s32 $0x2800;
	s14 =	simm.s32 $0x2A00;
	s15 =	simm.s32 $0x2880  }
0x6: {  	s16 =	simm.s32 $0x6A00;
	s17 =	simm.s32 $0x1;
	s18 =	simm.s32 $0x2900  }
0x7: {  	s19 =	simm.s32 $0x3;
	s20 =	simm.s32 $0x2;
	s21 =	simm.s32 $0x2980  }
0x8: {  	s22 =	simm.s32 $0x4;
	s23 =	simm.s32 $0x0;
	s9 =	smul.u32 $0x13C00, s1  }
0x9: {  	s7 =	sand.u32 $0x1, s4;
	s4 =	simm.s32 $0x0;
	s29 =	smul.u32 $0x4F000, s1  }
0xa: {  	s5 =	sshll.u32 s1, $0x1;
	s31 =	sshll.u32 s1, $0x6;
	s8 =	smul.u32 $0x13C000, s7  }
0xb: {  	[smem:$0x7FF] =	sst s4;
	s5 =	sor.u32 s7, s5;
	s7 =	ssub.s32 $0x2, s7  }
0xc: {  	_ =	strace $0x8000004D;
	s10 =	smul.u32 $0x500, s5;
	s5 =	sadd.s32 $0xDC00, s6  }
0xd: {  	s30 =	sshrl.u32 s7, $0x1;
	s8 =	sadd.s32 s9, s8;
	s9 =	sshrl.u32 s29, $0x2  }
0xe: {  	s11 =	ssub.s32 s7, s30;
	s10 =	sadd.s32 s10, s6;
	s8 =	sshrl.u32 s8, $0x3  }
0xf: {  	s12 =	sadd.s32 s9, s3;
	s9 =	simm.s32 $0x5;
	s8 =	sadd.s32 s8, s6  }
0x10: {  	s6 =	sadd.s32 $0x3C00, s10;
	s10 =	sor.u32 $0x1C05, s31;
	s7 =	sadd.s32 $0x35400, s8  }
0x11: {  	s8 =	smax.u32 s11, $0x1;
	s11 =	sshrl.u32 s12, $0x3;
	s12 =	simm.s32 $0x80  }
.LBB2_1:
0x12: {  	[tilespmem:s4], [sflag:$0x5] =	stream.linear.gather [hbm4b:s6+s4], $0x2800, $0x38;
	[tilespmem:$0x1E600] =	vst v63  }
0x13: {  	_ =	swait.ge [sflag:s9], $0x2800  }
0x14: {  	[sflag:s9] =	ssyncset.done $0x0  }
0x15: {  	[sflag:s9] =	ssyncadd.s32 $0xFFFFD800  }
0x16: {  	[spmem:s11], [sflag:s10] =	dma.local [hbm:s2], $0x2780  }
0x17: {  	_ =	swait.ge [sflag:s9], $0x2780  }
0x18: {  	[sflag:s9] =	ssyncset.done $0x0  }
0x19: {  	[sflag:s9] =	ssyncadd.s32 $0xFFFFD880  }
0x1a: {  	[bflag:$0x0] =	sbarrier.arrive $0xFFFF  }
0x1b: {  	v0 =	vld [tilespmem:$0x0];
	_ =	sdelay $0x1  }
0x1c: {  	v1 =	vld [tilespmem:$0x10];
	_ =	sdelay $0x1  }
0x1d: {  	v2 =	vld [tilespmem:$0x20]  }
0x1e: {  	v3 =	vshra.s32 v0, $0x10  }
0x1f: {  	v0 =	vand.u32 $0xFFFF, v0;
	[tilespmem:$0x2800] =	vst v3;
	v3 =	vld [tilespmem:$0x30]  }
0x20: {  	[tilespmem:$0x2900] =	vst v0;
	v0 =	vshra.s32 v1, $0x10  }
0x21: {  	[tilespmem:$0x2810] =	vst v0;
	v0 =	vand.u32 $0xFFFF, v1;
	v1 =	vld [tilespmem:$0x40]  }
0x22: {  	[tilespmem:$0x2910] =	vst v0;
	v0 =	vshra.s32 v2, $0x10  }
0x23: {  	[tilespmem:$0x2820] =	vst v0;
	v0 =	vand.u32 $0xFFFF, v2;
	v2 =	vld [tilespmem:$0x50]  }
0x24: {  	[tilespmem:$0x2920] =	vst v0;
	v0 =	vshra.s32 v3, $0x10  }
0x25: {  	[tilespmem:$0x2830] =	vst v0;
	v0 =	vand.u32 $0xFFFF, v3;
	v3 =	vld [tilespmem:$0x60]  }
0x26: {  	[tilespmem:$0x2930] =	vst v0;
	v0 =	vshra.s32 v1, $0x10  }
0x27: {  	[tilespmem:$0x2840] =	vst v0;
	v0 =	vand.u32 $0xFFFF, v1;
	v1 =	vld [tilespmem:$0x70]  }
0x28: {  	[tilespmem:$0x2940] =	vst v0;
	v0 =	vshra.s32 v2, $0x10  }
0x29: {  	[tilespmem:$0x2850] =	vst v0;
	v0 =	vand.u32 $0xFFFF, v2  }
0x2a: {  	[tilespmem:$0x2950] =	vst v0;
	v0 =	vshra.s32 v3, $0x10  }
0x2b: {  	[tilespmem:$0x2860] =	vst v0;
	v0 =	vand.u32 $0xFFFF, v3  }
0x2c: {  	[tilespmem:$0x2960] =	vst v0;
	v0 =	vshra.s32 v1, $0x10  }
0x2d: {  	[tilespmem:$0x2870] =	vst v0;
	v0 =	vand.u32 $0xFFFF, v1  }
0x2e: {  	[tilespmem:$0x2970] =	vst v0  }
0x2f: {  	[tilespmem:s14], [sflag:$0x1] =	stream.indirect.gather [hbm4b:s5+s12], $0x80, s13, s12, $0xb8;
	[tilespmem:$0x1E600] =	vst v63  }
0x30: {  	v0 =	vld [tilespmem:$0x80];
	_ =	sdelay $0x1  }
0x31: {  	v1 =	vld [tilespmem:$0x90];
	_ =	sdelay $0x1  }
0x32: {  	v2 =	vld [tilespmem:$0xA0]  }
0x33: {  	v3 =	vshra.s32 v0, $0x10  }
0x34: {  	v0 =	vand.u32 $0xFFFF, v0;
	[tilespmem:$0x2880] =	vst v3;
	v3 =	vld [tilespmem:$0xB0]  }
0x35: {  	[tilespmem:$0x2980] =	vst v0;
	v0 =	vshra.s32 v1, $0x10  }
0x36: {  	[tilespmem:$0x2890] =	vst v0;
	v0 =	vand.u32 $0xFFFF, v1;
	v1 =	vld [tilespmem:$0xC0]  }
0x37: {  	[tilespmem:$0x2990] =	vst v0;
	v0 =	vshra.s32 v2, $0x10  }
0x38: {  	[tilespmem:$0x28A0] =	vst v0;
	v0 =	vand.u32 $0xFFFF, v2;
	v2 =	vld [tilespmem:$0xD0]  }
0x39: {  	[tilespmem:$0x29A0] =	vst v0;
	v0 =	vshra.s32 v3, $0x10  }
0x3a: {  	[tilespmem:$0x28B0] =	vst v0;
	v0 =	vand.u32 $0xFFFF, v3;
	v3 =	vld [tilespmem:$0xE0]  }
0x3b: {  	[tilespmem:$0x29B0] =	vst v0;
	v0 =	vshra.s32 v1, $0x10  }
0x3c: {  	[tilespmem:$0x28C0] =	vst v0;
	v0 =	vand.u32 $0xFFFF, v1;
	v1 =	vld [tilespmem:$0xF0]  }
0x3d: {  	[tilespmem:$0x29C0] =	vst v0;
	v0 =	vshra.s32 v2, $0x10  }
0x3e: {  	[tilespmem:$0x28D0] =	vst v0;
	v0 =	vand.u32 $0xFFFF, v2  }
0x3f: {  	[tilespmem:$0x29D0] =	vst v0;
	v0 =	vshra.s32 v3, $0x10  }
0x40: {  	[tilespmem:$0x28E0] =	vst v0;
	v0 =	vand.u32 $0xFFFF, v3  }
0x41: {  	[tilespmem:$0x29E0] =	vst v0;
	v0 =	vshra.s32 v1, $0x10  }
0x42: {  	[tilespmem:$0x28F0] =	vst v0;
	v0 =	vand.u32 $0xFFFF, v1  }
0x43: {  	[tilespmem:$0x29F0] =	vst v0  }
0x44: {  	[tilespmem:s16], [sflag:$0x2] =	stream.indirect.gather [hbm4b:s5+s12], $0x80, s15, s12, $0xb8;
	[tilespmem:$0x1E600] =	vst v63  }
0x45: {  	_ =	swait.ge [sflag:s17], $0x4000  }
0x46: {  	[sflag:s17] =	ssyncset.done $0x0  }
0x47: {  	[sflag:s17] =	ssyncadd.s32 $0xFFFFC000  }
0x48: {  	[spmem:s3] =	stream.indirect.scatter.add.f32 [tilespmem:s14], [sflag:$0x3], $0x80, s18, s12, $0xb8;
	[tilespmem:$0x1E600] =	vst v63  }
0x49: {  	_ =	swait.ge [sflag:s19], $0x4000  }
0x4a: {  	[sflag:s19] =	ssyncset.done $0x0  }
0x4b: {  	s24 =	simm.s32 $0x1F0;
	[sflag:s19] =	ssyncadd.s32 $0xFFFFC000  }
0x4c: {  	v0 =	vld [tilespmem:s24+$0xFFFFFF10];
	_ =	sdelay $0x4  }
0x4d: {  	v1 =	vshra.s32 v0, $0x10  }
0x4e: {  	v0 =	vand.u32 $0xFFFF, v0;
	[tilespmem:$0x2800] =	vst v1  }
0x4f: {  	[tilespmem:$0x2900] =	vst v0  }
0x50: {  	v0 =	vld [tilespmem:s24+$0xFFFFFF20];
	_ =	sdelay $0x4  }
0x51: {  	v1 =	vshra.s32 v0, $0x10  }
0x52: {  	v0 =	vand.u32 $0xFFFF, v0;
	[tilespmem:$0x2810] =	vst v1  }
0x53: {  	[tilespmem:$0x2910] =	vst v0  }
0x54: {  	v0 =	vld [tilespmem:s24+$0xFFFFFF30];
	_ =	sdelay $0x4  }
0x55: {  	v1 =	vshra.s32 v0, $0x10  }
0x56: {  	v0 =	vand.u32 $0xFFFF, v0;
	[tilespmem:$0x2820] =	vst v1  }
0x57: {  	[tilespmem:$0x2920] =	vst v0  }
0x58: {  	v0 =	vld [tilespmem:s24+$0xFFFFFF40];
	_ =	sdelay $0x4  }
0x59: {  	v1 =	vshra.s32 v0, $0x10  }
0x5a: {  	v0 =	vand.u32 $0xFFFF, v0;
	[tilespmem:$0x2830] =	vst v1  }
0x5b: {  	[tilespmem:$0x2930] =	vst v0  }
0x5c: {  	v0 =	vld [tilespmem:s24+$0xFFFFFF50];
	_ =	sdelay $0x4  }
0x5d: {  	v1 =	vshra.s32 v0, $0x10  }
0x5e: {  	v0 =	vand.u32 $0xFFFF, v0;
	[tilespmem:$0x2840] =	vst v1  }
0x5f: {  	[tilespmem:$0x2940] =	vst v0  }
0x60: {  	v0 =	vld [tilespmem:s24+$0xFFFFFF60];
	_ =	sdelay $0x4  }
0x61: {  	v1 =	vshra.s32 v0, $0x10  }
0x62: {  	v0 =	vand.u32 $0xFFFF, v0;
	[tilespmem:$0x2850] =	vst v1  }
0x63: {  	[tilespmem:$0x2950] =	vst v0  }
0x64: {  	v0 =	vld [tilespmem:s24+$0xFFFFFF70];
	_ =	sdelay $0x4  }
0x65: {  	v1 =	vshra.s32 v0, $0x10  }
0x66: {  	v0 =	vand.u32 $0xFFFF, v0;
	[tilespmem:$0x2860] =	vst v1  }
0x67: {  	[tilespmem:$0x2960] =	vst v0  }
0x68: {  	v0 =	vld [tilespmem:s24+$0xFFFFFF80];
	_ =	sdelay $0x4  }
0x69: {  	v1 =	vshra.s32 v0, $0x10  }
0x6a: {  	v0 =	vand.u32 $0xFFFF, v0;
	[tilespmem:$0x2870] =	vst v1  }
0x6b: {  	[tilespmem:$0x2970] =	vst v0  }
0x6c: {  	[tilespmem:s14], [sflag:$0x1] =	stream.indirect.gather [hbm4b:s5+s12], $0x80, s13, s12, $0xb8;
	[tilespmem:$0x1E600] =	vst v63  }
0x6d: {  	_ =	swait.ge [sflag:s20], $0x4000  }
0x6e: {  	[sflag:s20] =	ssyncset.done $0x0  }
0x6f: {  	[sflag:s20] =	ssyncadd.s32 $0xFFFFC000  }
0x70: {  	[spmem:s3] =	stream.indirect.scatter.add.f32 [tilespmem:s16], [sflag:$0x4], $0x80, s21, s12, $0xb8;
	[tilespmem:$0x1E600] =	vst v63  }
0x71: {  	_ =	swait.ge [sflag:s22], $0x4000  }
0x72: {  	[sflag:s22] =	ssyncset.done $0x0  }
0x73: {  	[sflag:s22] =	ssyncadd.s32 $0xFFFFC000  }
0x74: {  	v0 =	vld [tilespmem:s24+$0xFFFFFF90];
	_ =	sdelay $0x4  }
0x75: {  	v1 =	vshra.s32 v0, $0x10  }
0x76: {  	v0 =	vand.u32 $0xFFFF, v0;
	[tilespmem:$0x2880] =	vst v1  }
0x77: {  	[tilespmem:$0x2980] =	vst v0  }
0x78: {  	v0 =	vld [tilespmem:s24+$0xFFFFFFA0];
	_ =	sdelay $0x4  }
0x79: {  	v1 =	vshra.s32 v0, $0x10  }
0x7a: {  	v0 =	vand.u32 $0xFFFF, v0;
	[tilespmem:$0x2890] =	vst v1  }
0x7b: {  	[tilespmem:$0x2990] =	vst v0  }
0x7c: {  	v0 =	vld [tilespmem:s24+$0xFFFFFFB0];
	_ =	sdelay $0x4  }
0x7d: {  	v1 =	vshra.s32 v0, $0x10  }
0x7e: {  	v0 =	vand.u32 $0xFFFF, v0;
	[tilespmem:$0x28A0] =	vst v1  }
0x7f: {  	[tilespmem:$0x29A0] =	vst v0  }
0x80: {  	v0 =	vld [tilespmem:s24+$0xFFFFFFC0];
	_ =	sdelay $0x4  }
0x81: {  	v1 =	vshra.s32 v0, $0x10  }
0x82: {  	v0 =	vand.u32 $0xFFFF, v0;
	[tilespmem:$0x28B0] =	vst v1  }
0x83: {  	[tilespmem:$0x29B0] =	vst v0  }
0x84: {  	v0 =	vld [tilespmem:s24+$0xFFFFFFD0];
	_ =	sdelay $0x4  }
0x85: {  	v1 =	vshra.s32 v0, $0x10  }
0x86: {  	v0 =	vand.u32 $0xFFFF, v0;
	[tilespmem:$0x28C0] =	vst v1  }
0x87: {  	[tilespmem:$0x29C0] =	vst v0  }
0x88: {  	v0 =	vld [tilespmem:s24+$0xFFFFFFE0];
	_ =	sdelay $0x4  }
0x89: {  	v1 =	vshra.s32 v0, $0x10  }
0x8a: {  	v0 =	vand.u32 $0xFFFF, v0;
	[tilespmem:$0x28D0] =	vst v1  }
0x8b: {  	[tilespmem:$0x29D0] =	vst v0  }
0x8c: {  	s25 =	simm.s32 $0xBC0;
	v0 =	vld [tilespmem:s24+$0xFFFFFFF0]  }
.LBB2_2:
0x8d: {  	_ =	sdelay $0x2  }
0x8e: {  	p0 =	sne.s32 s25, $0x9FC0;
	s26 =	smov.u32 s25;
	s25 =	sadd.s32 $0x400, s25  }
0x8f: {  	v1 =	vshra.s32 v0, $0x10;
	v0 =	vand.u32 $0xFFFF, v0  }
0x90: {  	[tilespmem:$0x28E0] =	vst v1  }
0x91: {  	[tilespmem:$0x29E0] =	vst v0  }
0x92: {  	v0 =	vld [tilespmem:s24+$0x0];
	_ =	sdelay $0x4  }
0x93: {  	v1 =	vshra.s32 v0, $0x10;
	v0 =	vand.u32 $0xFFFF, v0  }
0x94: {  	[tilespmem:$0x28F0] =	vst v1  }
0x95: {  	[tilespmem:$0x29F0] =	vst v0  }
0x96: {  	[tilespmem:s16], [sflag:$0x2] =	stream.indirect.gather [hbm4b:s5+s12], $0x80, s15, s12, $0xb8;
	[tilespmem:$0x1E600] =	vst v63  }
0x97: {  	_ =	swait.ge [sflag:s17], $0x4000  }
0x98: {  	[sflag:s17] =	ssyncset.done $0x0  }
0x99: {  	[sflag:s17] =	ssyncadd.s32 $0xFFFFC000  }
0x9a: {  	[spmem:s3] =	stream.indirect.scatter.add.f32 [tilespmem:s14], [sflag:$0x3], $0x80, s18, s12, $0xb8;
	[tilespmem:$0x1E600] =	vst v63  }
0x9b: {  	_ =	swait.ge [sflag:s19], $0x4000  }
0x9c: {  	[sflag:s19] =	ssyncset.done $0x0  }
0x9d: {  	s24 =	sshra.s32 s26, $0x2;
	[sflag:s19] =	ssyncadd.s32 $0xFFFFC000  }
0x9e: {  	v0 =	vld [tilespmem:s24+$0xFFFFFF10];
	_ =	sdelay $0x4  }
0x9f: {  	v1 =	vshra.s32 v0, $0x10;
	v0 =	vand.u32 $0xFFFF, v0  }
0xa0: {  	[tilespmem:$0x2800] =	vst v1  }
0xa1: {  	[tilespmem:$0x2900] =	vst v0  }
0xa2: {  	v0 =	vld [tilespmem:s24+$0xFFFFFF20];
	_ =	sdelay $0x4  }
0xa3: {  	v1 =	vshra.s32 v0, $0x10;
	v0 =	vand.u32 $0xFFFF, v0  }
0xa4: {  	[tilespmem:$0x2810] =	vst v1  }
0xa5: {  	[tilespmem:$0x2910] =	vst v0  }
0xa6: {  	v0 =	vld [tilespmem:s24+$0xFFFFFF30];
	_ =	sdelay $0x4  }
0xa7: {  	v1 =	vshra.s32 v0, $0x10;
	v0 =	vand.u32 $0xFFFF, v0  }
0xa8: {  	[tilespmem:$0x2820] =	vst v1  }
0xa9: {  	[tilespmem:$0x2920] =	vst v0  }
0xaa: {  	v0 =	vld [tilespmem:s24+$0xFFFFFF40];
	_ =	sdelay $0x4  }
0xab: {  	v1 =	vshra.s32 v0, $0x10;
	v0 =	vand.u32 $0xFFFF, v0  }
0xac: {  	[tilespmem:$0x2830] =	vst v1  }
0xad: {  	[tilespmem:$0x2930] =	vst v0  }
0xae: {  	v0 =	vld [tilespmem:s24+$0xFFFFFF50];
	_ =	sdelay $0x4  }
0xaf: {  	v1 =	vshra.s32 v0, $0x10;
	v0 =	vand.u32 $0xFFFF, v0  }
0xb0: {  	[tilespmem:$0x2840] =	vst v1  }
0xb1: {  	[tilespmem:$0x2940] =	vst v0  }
0xb2: {  	v0 =	vld [tilespmem:s24+$0xFFFFFF60];
	_ =	sdelay $0x4  }
0xb3: {  	v1 =	vshra.s32 v0, $0x10;
	v0 =	vand.u32 $0xFFFF, v0  }
0xb4: {  	[tilespmem:$0x2850] =	vst v1  }
0xb5: {  	[tilespmem:$0x2950] =	vst v0  }
0xb6: {  	v0 =	vld [tilespmem:s24+$0xFFFFFF70];
	_ =	sdelay $0x4  }
0xb7: {  	v1 =	vshra.s32 v0, $0x10;
	v0 =	vand.u32 $0xFFFF, v0  }
0xb8: {  	[tilespmem:$0x2860] =	vst v1  }
0xb9: {  	[tilespmem:$0x2960] =	vst v0  }
0xba: {  	v0 =	vld [tilespmem:s24+$0xFFFFFF80];
	_ =	sdelay $0x4  }
0xbb: {  	v1 =	vshra.s32 v0, $0x10;
	v0 =	vand.u32 $0xFFFF, v0  }
0xbc: {  	[tilespmem:$0x2870] =	vst v1  }
0xbd: {  	[tilespmem:$0x2970] =	vst v0  }
0xbe: {  	[tilespmem:s14], [sflag:$0x1] =	stream.indirect.gather [hbm4b:s5+s12], $0x80, s13, s12, $0xb8;
	[tilespmem:$0x1E600] =	vst v63  }
0xbf: {  	_ =	swait.ge [sflag:s20], $0x4000  }
0xc0: {  	[sflag:s20] =	ssyncset.done $0x0  }
0xc1: {  	[sflag:s20] =	ssyncadd.s32 $0xFFFFC000  }
0xc2: {  	[spmem:s3] =	stream.indirect.scatter.add.f32 [tilespmem:s16], [sflag:$0x4], $0x80, s21, s12, $0xb8;
	[tilespmem:$0x1E600] =	vst v63  }
0xc3: {  	_ =	swait.ge [sflag:s22], $0x4000  }
0xc4: {  	[sflag:s22] =	ssyncset.done $0x0  }
0xc5: {  	[sflag:s22] =	ssyncadd.s32 $0xFFFFC000  }
0xc6: {  	v0 =	vld [tilespmem:s24+$0xFFFFFF90];
	_ =	sdelay $0x4  }
0xc7: {  	v1 =	vshra.s32 v0, $0x10;
	v0 =	vand.u32 $0xFFFF, v0  }
0xc8: {  	[tilespmem:$0x2880] =	vst v1  }
0xc9: {  	[tilespmem:$0x2980] =	vst v0  }
0xca: {  	v0 =	vld [tilespmem:s24+$0xFFFFFFA0];
	_ =	sdelay $0x4  }
0xcb: {  	v1 =	vshra.s32 v0, $0x10;
	v0 =	vand.u32 $0xFFFF, v0  }
0xcc: {  	[tilespmem:$0x2890] =	vst v1  }
0xcd: {  	[tilespmem:$0x2990] =	vst v0  }
0xce: {  	v0 =	vld [tilespmem:s24+$0xFFFFFFB0];
	_ =	sdelay $0x4  }
0xcf: {  	v1 =	vshra.s32 v0, $0x10;
	v0 =	vand.u32 $0xFFFF, v0  }
0xd0: {  	[tilespmem:$0x28A0] =	vst v1  }
0xd1: {  	[tilespmem:$0x29A0] =	vst v0  }
0xd2: {  	v0 =	vld [tilespmem:s24+$0xFFFFFFC0];
	_ =	sdelay $0x4  }
0xd3: {  	v1 =	vshra.s32 v0, $0x10;
	v0 =	vand.u32 $0xFFFF, v0  }
0xd4: {  	[tilespmem:$0x28B0] =	vst v1  }
0xd5: {  	[tilespmem:$0x29B0] =	vst v0  }
0xd6: {  	v0 =	vld [tilespmem:s24+$0xFFFFFFD0];
	_ =	sdelay $0x4  }
0xd7: {  	v1 =	vshra.s32 v0, $0x10;
	v0 =	vand.u32 $0xFFFF, v0  }
0xd8: {  	[tilespmem:$0x28C0] =	vst v1  }
0xd9: {  	[tilespmem:$0x29C0] =	vst v0  }
0xda: {  	v0 =	vld [tilespmem:s24+$0xFFFFFFE0];
	_ =	sdelay $0x3  }
.Ltmp0:
0xdb: {  	(pc) =	sbr.rel @p0 .LBB2_2-.Ltmp0, $4  }
0xdc: {  	v1 =	vshra.s32 v0, $0x10;
	v0 =	vand.u32 $0xFFFF, v0  }
0xdd: {  	[tilespmem:$0x28D0] =	vst v1  }
0xde: {  	[tilespmem:$0x29D0] =	vst v0  }
0xdf: {  	v0 =	vld [tilespmem:s24+$0xFFFFFFF0]  }
0xe0: {  	_ =	sdelay $0x3  }
0xe1: {  	v1 =	vshra.s32 v0, $0x10  }
0xe2: {  	v62 =	vand.u32 $0xFFFF, v0;
	[tilespmem:$0x28E0] =	vst v1  }
0xe3: {  	[tilespmem:$0x29E0] =	vst v62  }
0xe4: {  	v0 =	vld [tilespmem:s24+$0x0];
	_ =	sdelay $0x4  }
0xe5: {  	v63 =	vshra.s32 v0, $0x10  }
0xe6: {  	v0 =	vand.u32 $0xFFFF, v0;
	[tilespmem:$0x28F0] =	vst v63  }
0xe7: {  	[tilespmem:$0x29F0] =	vst v0  }
0xe8: {  	[tilespmem:s16], [sflag:$0x2] =	stream.indirect.gather [hbm4b:s5+s12], $0x80, s15, s12, $0xb8;
	[tilespmem:$0x1E600] =	vst v63  }
0xe9: {  	_ =	swait.ge [sflag:s17], $0x4000  }
0xea: {  	[sflag:s17] =	ssyncset.done $0x0  }
0xeb: {  	[sflag:s17] =	ssyncadd.s32 $0xFFFFC000  }
0xec: {  	[spmem:s3] =	stream.indirect.scatter.add.f32 [tilespmem:s14], [sflag:$0x3], $0x80, s18, s12, $0xb8;
	[tilespmem:$0x1E600] =	vst v63  }
0xed: {  	_ =	swait.ge [sflag:s20], $0x4000  }
0xee: {  	[sflag:s20] =	ssyncset.done $0x0  }
0xef: {  	[sflag:s20] =	ssyncadd.s32 $0xFFFFC000  }
0xf0: {  	[spmem:s3] =	stream.indirect.scatter.add.f32 [tilespmem:s16], [sflag:$0x4], $0x80, s21, s12, $0xb8;
	[tilespmem:$0x1E600] =	vst v63  }
0xf1: {  	_ =	swait.ge [sflag:s19], $0x4000  }
0xf2: {  	[sflag:s19] =	ssyncset.done $0x0  }
0xf3: {  	[sflag:s19] =	ssyncadd.s32 $0xFFFFC000  }
0xf4: {  	_ =	swait.ge [sflag:s22], $0x4000  }
0xf5: {  	s23 =	sadd.s32 $0x1, s23;
	[sflag:s22] =	ssyncset.done $0x0  }
0xf6: {  	p0 =	sne.s32 s23, s8;
	[sflag:s22] =	ssyncadd.s32 $0xFFFFC000  }
.Ltmp1:
0xf7: {  	[bflag:$0x0] =	sbarrier.arrive $0xFFFF;
	(pc) =	sbr.rel @p0 .LBB2_1-.Ltmp1, $4  }
0xf8: {  	[hbm:s7], [sflag:s10] =	dma.local [spmem:s11], $0x2780  }
0xf9: {  	_ =	swait.ge [sflag:s9], $0x2780  }
0xfa: {  	[sflag:s9] =	ssyncset.done $0x0  }
0xfb: {  	[sflag:s9] =	ssyncadd.s32 $0xFFFFD880  }
0xfc: {  	_ =	sfence.sel $0x180000  }
0xfd: {  	[bflag:$0x0] =	sbarrier.arrive $0xFFFF  }
0xfe: {  	p0 =	sne.s32 s1, $0x0;
	_ =	strace $0x9000004D  }
0xff: {  	s0 =	sadd.s32 @!p0 $0x100000, s0;
	[bflag:$0x2] =	sbarrier.arrive $0xFFFF  }
0x100: {  	[sflag:s0] =	ssyncadd.tile.s32 @!p0 $0x1;
	_ =	shalt  }
.Lfunc_end2:
_tile_overlayer_lowered:
.L_overlay_start_2:
0x101: {  	(tag) =	ssettag $0x2  }
0x102: {  	s0 =	rddreg [dreg:$0x0];
	s2 =	stileid.u32  }
0x103: {  	s1 =	rddreg [dreg:$0x1];
	p0 =	sne.s32 s2, $0x0  }
0x104: {  	s3 =	rddreg [dreg:$0x2];
	[bflag:$0x3] =	sbarrier.arrive $0xFFFF;
	s2 =	simm.s32 @!p0 $0x1C05  }
0x105: {  	[timem:s3], [sflag:s2] =	dma.local @!p0 [hbm:s0], s1  }
0x106: {  	s0 =	simm.s32 @!p0 $0x5  }
0x107: {  	_ =	swait.ge @!p0 [sflag:s0], s1  }
0x108: {  	s1 =	ssub.s32 @!p0 $0x0, s1;
	[sflag:s0] =	ssyncset.done @!p0 $0x0  }
0x109: {  	[sflag:s0] =	ssyncadd.s32 @!p0 s1  }
0x10a: {  	[bflag:$0x3] =	sbarrier.arrive $0xFFFF  }
0x10b: {  	_ =	shalt  }

// kernel: kernel.18.cloned.1.call-start
scs
__scs_entry_jumppad:
0x0: {  	(pc) =	sbr.rel $0x88, $3  }
0x1: {  	(tag) =	ssettag $0x0;
	lr =	simm.s32 $0x1  }
0x2: {  	[smem:$0x3F99] =	sst lr;
	_ =	strace $0xD0000000  }
0x3: {  	_ = 	snop  }
0x4: {  	_ = 	snop  }
0x5: {  	_ = 	snop  }
0x6: {  	_ = 	snop  }
0x7: {  	_ = 	snop  }
__scs_overlays_trampoline_lowered:
0x8: {  	[smem:$0x3FA8] =	sst s0  }
0x9: {  	[smem:$0x3FA9] =	sst s1  }
0xa: {  	[smem:$0x3FAA] =	sst s2  }
0xb: {  	[smem:$0x3FAB] =	sst s3  }
0xc: {  	[smem:$0x3FAC] =	sst s4  }
0xd: {  	[smem:$0x3FAD] =	sst s5  }
0xe: {  	[smem:$0x3FAE] =	sst s6  }
0xf: {  	[smem:$0x3FAF] =	sst s7  }
0x10: {  	[smem:$0x3FB0] =	sst s8  }
0x11: {  	[smem:$0x3FB1] =	sst s9;
	s0 =	simm.s32 @!p0 $0x0  }
0x12: {  	s1 =	sld [smem:$0x3F97];
	s0 =	simm.s32 @p0 $0x1  }
0x13: {  	[smem:$0x3FB2] =	sst s0;
	s0 =	simm.s32 @!p1 $0x0  }
0x14: {  	s2 =	sld [smem:$0x3F96];
	s0 =	simm.s32 @p1 $0x1  }
0x15: {  	[smem:$0x3FB3] =	sst s0;
	s0 =	simm.s32 @!p2 $0x0  }
0x16: {  	s3 =	sld [smem:$0x3FDB];
	s0 =	simm.s32 @p2 $0x1  }
0x17: {  	s4 =	simm.s32 $0x1BF5;
	[smem:$0x3FB5] =	sst s0  }
0x18: {  	s0 =	sld [smem:$0x3F98];
	_ =	swait.ge [sflag:s4], $0x0  }
0x19: {  	s7 =	sld [smem:$0x3F99]  }
0x1a: {  	s8 =	sadd.s32 $0xFFFFE003, lr  }
0x1b: {  	s9 =	sadd.s32 $0xFFFFFEF7, lr;
	s5 =	simm.s32 $0xFFFFFFFF;
	p2 =	slt.u32 s8, $0xFFFFF086  }
0x1c: {  	p1 =	slt.u32 s9, $0xF7A;
	s5 =	simm.s32 @!p2 $0x0  }
0x1d: {  	s5 =	simm.s32 @p1 $0x1;
	p0 =	seq.s32 s7, s2  }
0x1e: {  	s7 =	smul.u32 @!p0 $0xF7A, s2;
	p2 =	seq.s32 @!p0 s5, $0x0  }
0x1f: {  	s9 =	smul.u32 $0xF7A, s1;
	s8 =	simm.s32 @!p0 $0x1BF5;
	p2 =	por !p2, p0  }
0x20: {  	[sflag:s8] =	ssyncset.s32 @!p0 $0xFFFFF086;
	s6 =	sadd.s32 @!p0 s3, s7;
	s7 =	simm.s32 @!p0 $0x108  }
0x21: {  	s3 =	sadd.s32 s3, s9;
	s6 =	sadd.s32 @!p0 $0x88, s6;
	s7 =	simm.s32 @p2 $0x1082  }
0x22: {  	[simem:s7], [sflag:s8] =	dma.local @!p0 [hbm:s6], $0xF7A  }
0x23: {  	s9 =	sor.u32 $0xD0000000, s2;
	s6 =	simm.s32 $0x108;
	_ =	swait.ge @!p0 [sflag:s8], $0x0  }
0x24: {  	s3 =	sadd.s32 $0x88, s3;
	s6 =	simm.s32 @!p1 $0x1082;
	[sflag:s4] =	ssyncset.s32 $0xFFFFF086  }
0x25: {  	[simem:s6], [sflag:s4] =	dma.local [hbm:s3], $0xF7A  }
0x26: {  	[smem:$0x3F99] =	sst s1;
	(tag) =	ssettag s2;
	_ =	strace s9  }
0x27: {  	s1 =	sld [smem:$0x3FA9]  }
0x28: {  	s2 =	sld [smem:$0x3FAA]  }
0x29: {  	s4 =	sld [smem:$0x3FAC]  }
0x2a: {  	p0 =	seq.s32 s5, $0x0;
	s5 =	sld [smem:$0x3FAD]  }
0x2b: {  	s6 =	sld [smem:$0x3FAE]  }
0x2c: {  	s7 =	sld [smem:$0x3FAF]  }
0x2d: {  	s3 =	simm.s32 $0x108;
	s8 =	sld [smem:$0x3FB0]  }
0x2e: {  	s3 =	simm.s32 @!p0 $0x1082;
	s9 =	sld [smem:$0x3FB1]  }
0x2f: {  	lr =	sadd.s32 s0, s3;
	s0 =	sld [smem:$0x3FA8]  }
0x30: {  	s3 =	sld [smem:$0x3FAB]  }
0x31: {  	[smem:$0x3FB4] =	sst s10  }
0x32: {  	s10 =	sld [smem:$0x3FB2];
	_ =	sdelay $0x3  }
0x33: {  	p0 =	seq.s32 s10, $0x1;
	s10 =	sld [smem:$0x3FB4];
	_ =	sdelay $0x3  }
0x34: {  	[smem:$0x3FB4] =	sst s10  }
0x35: {  	s10 =	sld [smem:$0x3FB3];
	_ =	sdelay $0x3  }
0x36: {  	p1 =	seq.s32 s10, $0x1;
	s10 =	sld [smem:$0x3FB4];
	_ =	sdelay $0x3  }
0x37: {  	[smem:$0x3FB4] =	sst s10  }
0x38: {  	s10 =	sld [smem:$0x3FB5]  }
0x39: {  	_ = 	snop;
	(pc) =	sbr.ind lr, $3  }
0x3a: {  	_ = 	snop  }
0x3b: {  	_ = 	snop  }
0x3c: {  	p2 =	seq.s32 s10, $0x1;
	s10 =	sld [smem:$0x3FB4]  }
0x3d: {  	_ =	shalt  }
0x3e: {  	_ =	shalt  }
0x3f: {  	_ =	shalt  }
0x40: {  	_ =	shalt  }
0x41: {  	_ =	shalt  }
0x42: {  	_ =	shalt  }
0x43: {  	_ =	shalt  }
0x44: {  	_ =	shalt  }
0x45: {  	_ =	shalt  }
0x46: {  	_ =	shalt  }
0x47: {  	_ =	shalt  }
0x48: {  	_ =	shalt  }
0x49: {  	_ =	shalt  }
0x4a: {  	_ =	shalt  }
0x4b: {  	_ =	shalt  }
0x4c: {  	_ =	shalt  }
0x4d: {  	_ =	shalt  }
0x4e: {  	_ =	shalt  }
0x4f: {  	_ =	shalt  }
0x50: {  	_ =	shalt  }
0x51: {  	_ =	shalt  }
0x52: {  	_ =	shalt  }
0x53: {  	_ =	shalt  }
0x54: {  	_ =	shalt  }
0x55: {  	_ =	shalt  }
0x56: {  	_ =	shalt  }
0x57: {  	_ =	shalt  }
0x58: {  	_ =	shalt  }
0x59: {  	_ =	shalt  }
0x5a: {  	_ =	shalt  }
0x5b: {  	_ =	shalt  }
0x5c: {  	_ =	shalt  }
0x5d: {  	_ =	shalt  }
0x5e: {  	_ =	shalt  }
0x5f: {  	_ =	shalt  }
0x60: {  	_ =	shalt  }
0x61: {  	_ =	shalt  }
0x62: {  	_ =	shalt  }
0x63: {  	_ =	shalt  }
0x64: {  	_ =	shalt  }
0x65: {  	_ =	shalt  }
0x66: {  	_ =	shalt  }
0x67: {  	_ =	shalt  }
0x68: {  	_ =	shalt  }
0x69: {  	_ =	shalt  }
0x6a: {  	_ =	shalt  }
0x6b: {  	_ =	shalt  }
0x6c: {  	_ =	shalt  }
0x6d: {  	_ =	shalt  }
0x6e: {  	_ =	shalt  }
0x6f: {  	_ =	shalt  }
0x70: {  	_ =	shalt  }
0x71: {  	_ =	shalt  }
0x72: {  	_ =	shalt  }
0x73: {  	_ =	shalt  }
0x74: {  	_ =	shalt  }
0x75: {  	_ =	shalt  }
0x76: {  	_ =	shalt  }
0x77: {  	_ =	shalt  }
0x78: {  	_ =	shalt  }
0x79: {  	_ =	shalt  }
0x7a: {  	_ =	shalt  }
0x7b: {  	_ =	shalt  }
0x7c: {  	_ =	shalt  }
0x7d: {  	_ =	shalt  }
0x7e: {  	_ =	shalt  }
0x7f: {  	_ =	shalt  }
0x80: {  	_ =	shalt  }
0x81: {  	_ =	shalt  }
0x82: {  	_ =	shalt  }
0x83: {  	_ =	shalt  }
0x84: {  	_ =	shalt  }
0x85: {  	_ =	shalt  }
0x86: {  	_ =	shalt  }
0x87: {  	_ =	shalt  }
.Lfunc_end0:
.L_simem_size_0:
called_computation.3_lowered:
.L_overlay_start_0:
0x88: {  	s2 =	sld [smem:$0x3FD9]  }
0x89: {  	s3 =	sld [smem:$0x3FFE];
	_ =	sdelay $0x1  }
0x8a: {  	s1 =	srdreg.scid  }
0x8b: {  	s0 =	sand.u32 $0x1, s1  }
0x8c: {  	s17 =	sshll.u32 s0, $0xA;
	s2 =	sadd.s32 s3, s2  }
0x8d: {  	s2 =	sadd.s32 s2, s17  }
0x8e: {  	[smem:$0x3FC0] =	sst s2  }
0x8f: {  	_ = 	snop  }
0x90: {  	s2 =	sld [smem:$0x3FD0];
	(tm) =	ssettm $0x1  }
0x91: {  	s18 =	sld [smem:$0x3FFB];
	_ =	sdelay $0x3  }
0x92: {  	_ =	strace s18  }
0x93: {  	s3 =	sld [smem:$0x3FFC];
	_ =	sdelay $0x3  }
0x94: {  	_ =	strace s3  }
0x95: {  	s3 =	sld [smem:$0x3FFD];
	_ =	sdelay $0x3  }
0x96: {  	_ =	strace s3  }
0x97: {  	_ =	strace $0x8FFFFFFF  }
0x98: {  	s19 =	sld [smem:$0x3FDB];
	_ =	sdelay $0x1  }
0x99: {  	s4 =	simm.s32 $_scs_section_size  }
0x9a: {  	s5 =	simm.s32 $_size__tile_overlayer_lowered;
	s6 =	simm.s32 $_tile_overlayer_lowered  }
0x9b: {  	s22 =	simm.s32 $0x1BFF;
	s21 =	sshll.u32 s6, $0x1;
	s3 =	sadd.s32 s4, s19  }
0x9c: {  	s7 =	simm.s32 $0x0;
	s20 =	sshll.u32 s5, $0x1;
	s5 =	sadd.s32 s21, s3  }
0x9d: {  	[timem:s7], [sflag:s22] =	dma.local [hbm:s5], s20  }
0x9e: {  	_ =	swait.ge [sflag:s22], s20  }
0x9f: {  	s4 =	ssub.s32 $0x0, s20;
	[sflag:s22] =	ssyncset.done $0x0  }
0xa0: {  	[sflag:s22] =	ssyncadd.s32 s4;
	_ =	sdelay $0x1  }
0xa1: {  	s23 =	simm.s32 $0x1B8B  }
0xa2: {  	_ =	swait.ge [sflag:s23], $0x1  }
0xa3: {  	[sflag:s23] =	ssyncset.done $0x0  }
0xa4: {  	s25 =	simm.s32 $0x1B8E;
	s24 =	sld [smem:$0x3FFE];
	[sflag:s23] =	ssyncadd.s32 $0xFFFFFFFF  }
0xa5: {  	s26 =	simm.s32 $execute0_lowered;
	[smem:$0x3FD2] =	sst s25  }
0xa6: {  	s5 =	sshll.u32 s26, $0x1;
	_ =	strace $0x8000004F;
	[dreg:$0x1] =	wrdreg $0xFFFFFFFF  }
0xa7: {  	s28 =	simm.s32 $_size_execute0_lowered;
	s3 =	sadd.s32 s3, s5;
	[dreg:$0x0] =	wrdreg $0x0  }
0xa8: {  	s5 =	sshll.u32 s28, $0x1;
	[dreg:$0x2] =	wrdreg s3  }
0xa9: {  	[dreg:$0x3] =	wrdreg s5  }
0xaa: {  	[dreg:$0x4] =	wrdreg $0xC0  }
0xab: {  	_ =	task [dreg:s7], $0x5FFFF  }
0xac: {  	[dreg:$0x1] =	wrdreg $0xFFFFFFFF  }
0xad: {  	[dreg:$0x0] =	wrdreg $0x60  }
0xae: {  	[dreg:$0x2] =	wrdreg s24  }
0xaf: {  	[dreg:$0x3] =	wrdreg s2  }
0xb0: {  	[dreg:$0x4] =	wrdreg $0xAA000  }
0xb1: {  	[dreg:$0x5] =	wrdreg $0x9  }
0xb2: {  	_ =	task.clear_ibuf [dreg:s7], $0x6FFFF;
	_ =	strace $0x9000004F  }
0xb3: {  	s29 =	simm.s32 $0x9;
	_ =	strace $0x80000051  }
0xb4: {  	_ =	swait.ge [sflag:s29], $0x1  }
0xb5: {  	[sflag:s29] =	ssyncadd.s32 $0xFFFFFFFF  }
0xb6: {  	_ =	strace $0x90000051  }
0xb7: {  	_ =	sfence  }
0xb8: {  	s30 =	sld [smem:$0x0];
	_ =	sdelay $0x2  }
0xb9: {  	s31 =	sshll.u32 s1, $0xD;
	s1 =	sshrl.u32 s1, $0x2  }
0xba: {  	s3 =	sand.u32 $0x4000, s31;
	s1 =	sadd.s32 s1, s30  }
0xbb: {  	s0 =	sor.u32 s3, s0;
	s1 =	sshll.u32 s1, $0x11  }
0xbc: {  	s0 =	sor.u32 s1, s0  }
0xbd: {  	s0 =	sadd.s32 $0x8F2B, s0  }
0xbe: {  	[sflag:s0] =	ssyncadd.remote.s32 $0x1  }
0xbf: {  	_ =	sfence.sel $0xFFFF  }
0xc0: {  	[dreg:$0x0] =	wrdreg $0xFFFFFFFF;
	(pc) =	sbr.abs _section_cstart, $3  }
0xc1: {  	[dreg:$0x1] =	wrdreg $0xFFFFFFFF  }
0xc2: {  	_ =	task.clear_ibuf [dreg:s7], $0x2FFFF;
	_ =	strace $0x9FFFFFFF  }
0xc3: {  	(tm) =	ssettm $0x7FFFFFFF  }
tec
execute0_lowered:
.L_overlay_start_1:
0x0: {  	(tag) =	ssettag $0x1  }
0x1: {  	s6 =	rddreg [dreg:$0x0]  }
0x2: {  	s2 =	rddreg [dreg:$0x1]  }
0x3: {  	s3 =	rddreg [dreg:$0x2];
	s4 =	srdreg.scid  }
0x4: {  	s0 =	rddreg [dreg:$0x3];
	s1 =	stileid.u32  }
0x5: {  	s13 =	simm.s32 $0x2800;
	s14 =	simm.s32 $0x2A00;
	s15 =	simm.s32 $0x2880  }
0x6: {  	s16 =	simm.s32 $0x6A00;
	s17 =	simm.s32 $0x1;
	s18 =	simm.s32 $0x2900  }
0x7: {  	s19 =	simm.s32 $0x3;
	s20 =	simm.s32 $0x2;
	s21 =	simm.s32 $0x2980  }
0x8: {  	s22 =	simm.s32 $0x4;
	s23 =	simm.s32 $0x0;
	s9 =	smul.u32 $0x13C00, s1  }
0x9: {  	s7 =	sand.u32 $0x1, s4;
	s4 =	simm.s32 $0x0;
	s29 =	smul.u32 $0x4F000, s1  }
0xa: {  	s5 =	sshll.u32 s1, $0x1;
	s31 =	sshll.u32 s1, $0x6;
	s8 =	smul.u32 $0x13C000, s7  }
0xb: {  	[smem:$0x7FF] =	sst s4;
	s5 =	sor.u32 s7, s5;
	s7 =	ssub.s32 $0x2, s7  }
0xc: {  	_ =	strace $0x80000050;
	s10 =	smul.u32 $0x500, s5;
	s5 =	sadd.s32 $0xDC00, s6  }
0xd: {  	s30 =	sshrl.u32 s7, $0x1;
	s8 =	sadd.s32 s9, s8;
	s9 =	sshrl.u32 s29, $0x2  }
0xe: {  	s11 =	ssub.s32 s7, s30;
	s10 =	sadd.s32 s10, s6;
	s8 =	sshrl.u32 s8, $0x3  }
0xf: {  	s12 =	sadd.s32 s9, s3;
	s9 =	simm.s32 $0x5;
	s8 =	sadd.s32 s8, s6  }
0x10: {  	s6 =	sadd.s32 $0x3C00, s10;
	s10 =	sor.u32 $0x1C05, s31;
	s7 =	sadd.s32 $0x35400, s8  }
0x11: {  	s8 =	smax.u32 s11, $0x1;
	s11 =	sshrl.u32 s12, $0x3;
	s12 =	simm.s32 $0x80  }
.LBB2_1:
0x12: {  	[tilespmem:s4], [sflag:$0x5] =	stream.linear.gather [hbm4b:s6+s4], $0x2800, $0x38;
	[tilespmem:$0x1E600] =	vst v63  }
0x13: {  	_ =	swait.ge [sflag:s9], $0x2800  }
0x14: {  	[sflag:s9] =	ssyncset.done $0x0  }
0x15: {  	[sflag:s9] =	ssyncadd.s32 $0xFFFFD800  }
0x16: {  	[spmem:s11], [sflag:s10] =	dma.local [hbm:s2], $0x2780  }
0x17: {  	_ =	swait.ge [sflag:s9], $0x2780  }
0x18: {  	[sflag:s9] =	ssyncset.done $0x0  }
0x19: {  	[sflag:s9] =	ssyncadd.s32 $0xFFFFD880  }
0x1a: {  	[bflag:$0x0] =	sbarrier.arrive $0xFFFF  }
0x1b: {  	v0 =	vld [tilespmem:$0x0];
	_ =	sdelay $0x1  }
0x1c: {  	v1 =	vld [tilespmem:$0x10];
	_ =	sdelay $0x1  }
0x1d: {  	v2 =	vld [tilespmem:$0x20]  }
0x1e: {  	v3 =	vshra.s32 v0, $0x10  }
0x1f: {  	v0 =	vand.u32 $0xFFFF, v0;
	[tilespmem:$0x2800] =	vst v3;
	v3 =	vld [tilespmem:$0x30]  }
0x20: {  	[tilespmem:$0x2900] =	vst v0;
	v0 =	vshra.s32 v1, $0x10  }
0x21: {  	[tilespmem:$0x2810] =	vst v0;
	v0 =	vand.u32 $0xFFFF, v1;
	v1 =	vld [tilespmem:$0x40]  }
0x22: {  	[tilespmem:$0x2910] =	vst v0;
	v0 =	vshra.s32 v2, $0x10  }
0x23: {  	[tilespmem:$0x2820] =	vst v0;
	v0 =	vand.u32 $0xFFFF, v2;
	v2 =	vld [tilespmem:$0x50]  }
0x24: {  	[tilespmem:$0x2920] =	vst v0;
	v0 =	vshra.s32 v3, $0x10  }
0x25: {  	[tilespmem:$0x2830] =	vst v0;
	v0 =	vand.u32 $0xFFFF, v3;
	v3 =	vld [tilespmem:$0x60]  }
0x26: {  	[tilespmem:$0x2930] =	vst v0;
	v0 =	vshra.s32 v1, $0x10  }
0x27: {  	[tilespmem:$0x2840] =	vst v0;
	v0 =	vand.u32 $0xFFFF, v1;
	v1 =	vld [tilespmem:$0x70]  }
0x28: {  	[tilespmem:$0x2940] =	vst v0;
	v0 =	vshra.s32 v2, $0x10  }
0x29: {  	[tilespmem:$0x2850] =	vst v0;
	v0 =	vand.u32 $0xFFFF, v2  }
0x2a: {  	[tilespmem:$0x2950] =	vst v0;
	v0 =	vshra.s32 v3, $0x10  }
0x2b: {  	[tilespmem:$0x2860] =	vst v0;
	v0 =	vand.u32 $0xFFFF, v3  }
0x2c: {  	[tilespmem:$0x2960] =	vst v0;
	v0 =	vshra.s32 v1, $0x10  }
0x2d: {  	[tilespmem:$0x2870] =	vst v0;
	v0 =	vand.u32 $0xFFFF, v1  }
0x2e: {  	[tilespmem:$0x2970] =	vst v0  }
0x2f: {  	[tilespmem:s14], [sflag:$0x1] =	stream.indirect.gather [hbm4b:s5+s12], $0x80, s13, s12, $0xb8;
	[tilespmem:$0x1E600] =	vst v63  }
0x30: {  	v0 =	vld [tilespmem:$0x80];
	_ =	sdelay $0x1  }
0x31: {  	v1 =	vld [tilespmem:$0x90];
	_ =	sdelay $0x1  }
0x32: {  	v2 =	vld [tilespmem:$0xA0]  }
0x33: {  	v3 =	vshra.s32 v0, $0x10  }
0x34: {  	v0 =	vand.u32 $0xFFFF, v0;
	[tilespmem:$0x2880] =	vst v3;
	v3 =	vld [tilespmem:$0xB0]  }
0x35: {  	[tilespmem:$0x2980] =	vst v0;
	v0 =	vshra.s32 v1, $0x10  }
0x36: {  	[tilespmem:$0x2890] =	vst v0;
	v0 =	vand.u32 $0xFFFF, v1;
	v1 =	vld [tilespmem:$0xC0]  }
0x37: {  	[tilespmem:$0x2990] =	vst v0;
	v0 =	vshra.s32 v2, $0x10  }
0x38: {  	[tilespmem:$0x28A0] =	vst v0;
	v0 =	vand.u32 $0xFFFF, v2;
	v2 =	vld [tilespmem:$0xD0]  }
0x39: {  	[tilespmem:$0x29A0] =	vst v0;
	v0 =	vshra.s32 v3, $0x10  }
0x3a: {  	[tilespmem:$0x28B0] =	vst v0;
	v0 =	vand.u32 $0xFFFF, v3;
	v3 =	vld [tilespmem:$0xE0]  }
0x3b: {  	[tilespmem:$0x29B0] =	vst v0;
	v0 =	vshra.s32 v1, $0x10  }
0x3c: {  	[tilespmem:$0x28C0] =	vst v0;
	v0 =	vand.u32 $0xFFFF, v1;
	v1 =	vld [tilespmem:$0xF0]  }
0x3d: {  	[tilespmem:$0x29C0] =	vst v0;
	v0 =	vshra.s32 v2, $0x10  }
0x3e: {  	[tilespmem:$0x28D0] =	vst v0;
	v0 =	vand.u32 $0xFFFF, v2  }
0x3f: {  	[tilespmem:$0x29D0] =	vst v0;
	v0 =	vshra.s32 v3, $0x10  }
0x40: {  	[tilespmem:$0x28E0] =	vst v0;
	v0 =	vand.u32 $0xFFFF, v3  }
0x41: {  	[tilespmem:$0x29E0] =	vst v0;
	v0 =	vshra.s32 v1, $0x10  }
0x42: {  	[tilespmem:$0x28F0] =	vst v0;
	v0 =	vand.u32 $0xFFFF, v1  }
0x43: {  	[tilespmem:$0x29F0] =	vst v0  }
0x44: {  	[tilespmem:s16], [sflag:$0x2] =	stream.indirect.gather [hbm4b:s5+s12], $0x80, s15, s12, $0xb8;
	[tilespmem:$0x1E600] =	vst v63  }
0x45: {  	_ =	swait.ge [sflag:s17], $0x4000  }
0x46: {  	[sflag:s17] =	ssyncset.done $0x0  }
0x47: {  	[sflag:s17] =	ssyncadd.s32 $0xFFFFC000  }
0x48: {  	[spmem:s3] =	stream.indirect.scatter.add.f32 [tilespmem:s14], [sflag:$0x3], $0x80, s18, s12, $0xb8;
	[tilespmem:$0x1E600] =	vst v63  }
0x49: {  	_ =	swait.ge [sflag:s19], $0x4000  }
0x4a: {  	[sflag:s19] =	ssyncset.done $0x0  }
0x4b: {  	s24 =	simm.s32 $0x1F0;
	[sflag:s19] =	ssyncadd.s32 $0xFFFFC000  }
0x4c: {  	v0 =	vld [tilespmem:s24+$0xFFFFFF10];
	_ =	sdelay $0x4  }
0x4d: {  	v1 =	vshra.s32 v0, $0x10  }
0x4e: {  	v0 =	vand.u32 $0xFFFF, v0;
	[tilespmem:$0x2800] =	vst v1  }
0x4f: {  	[tilespmem:$0x2900] =	vst v0  }
0x50: {  	v0 =	vld [tilespmem:s24+$0xFFFFFF20];
	_ =	sdelay $0x4  }
0x51: {  	v1 =	vshra.s32 v0, $0x10  }
0x52: {  	v0 =	vand.u32 $0xFFFF, v0;
	[tilespmem:$0x2810] =	vst v1  }
0x53: {  	[tilespmem:$0x2910] =	vst v0  }
0x54: {  	v0 =	vld [tilespmem:s24+$0xFFFFFF30];
	_ =	sdelay $0x4  }
0x55: {  	v1 =	vshra.s32 v0, $0x10  }
0x56: {  	v0 =	vand.u32 $0xFFFF, v0;
	[tilespmem:$0x2820] =	vst v1  }
0x57: {  	[tilespmem:$0x2920] =	vst v0  }
0x58: {  	v0 =	vld [tilespmem:s24+$0xFFFFFF40];
	_ =	sdelay $0x4  }
0x59: {  	v1 =	vshra.s32 v0, $0x10  }
0x5a: {  	v0 =	vand.u32 $0xFFFF, v0;
	[tilespmem:$0x2830] =	vst v1  }
0x5b: {  	[tilespmem:$0x2930] =	vst v0  }
0x5c: {  	v0 =	vld [tilespmem:s24+$0xFFFFFF50];
	_ =	sdelay $0x4  }
0x5d: {  	v1 =	vshra.s32 v0, $0x10  }
0x5e: {  	v0 =	vand.u32 $0xFFFF, v0;
	[tilespmem:$0x2840] =	vst v1  }
0x5f: {  	[tilespmem:$0x2940] =	vst v0  }
0x60: {  	v0 =	vld [tilespmem:s24+$0xFFFFFF60];
	_ =	sdelay $0x4  }
0x61: {  	v1 =	vshra.s32 v0, $0x10  }
0x62: {  	v0 =	vand.u32 $0xFFFF, v0;
	[tilespmem:$0x2850] =	vst v1  }
0x63: {  	[tilespmem:$0x2950] =	vst v0  }
0x64: {  	v0 =	vld [tilespmem:s24+$0xFFFFFF70];
	_ =	sdelay $0x4  }
0x65: {  	v1 =	vshra.s32 v0, $0x10  }
0x66: {  	v0 =	vand.u32 $0xFFFF, v0;
	[tilespmem:$0x2860] =	vst v1  }
0x67: {  	[tilespmem:$0x2960] =	vst v0  }
0x68: {  	v0 =	vld [tilespmem:s24+$0xFFFFFF80];
	_ =	sdelay $0x4  }
0x69: {  	v1 =	vshra.s32 v0, $0x10  }
0x6a: {  	v0 =	vand.u32 $0xFFFF, v0;
	[tilespmem:$0x2870] =	vst v1  }
0x6b: {  	[tilespmem:$0x2970] =	vst v0  }
0x6c: {  	[tilespmem:s14], [sflag:$0x1] =	stream.indirect.gather [hbm4b:s5+s12], $0x80, s13, s12, $0xb8;
	[tilespmem:$0x1E600] =	vst v63  }
0x6d: {  	_ =	swait.ge [sflag:s20], $0x4000  }
0x6e: {  	[sflag:s20] =	ssyncset.done $0x0  }
0x6f: {  	[sflag:s20] =	ssyncadd.s32 $0xFFFFC000  }
0x70: {  	[spmem:s3] =	stream.indirect.scatter.add.f32 [tilespmem:s16], [sflag:$0x4], $0x80, s21, s12, $0xb8;
	[tilespmem:$0x1E600] =	vst v63  }
0x71: {  	_ =	swait.ge [sflag:s22], $0x4000  }
0x72: {  	[sflag:s22] =	ssyncset.done $0x0  }
0x73: {  	[sflag:s22] =	ssyncadd.s32 $0xFFFFC000  }
0x74: {  	v0 =	vld [tilespmem:s24+$0xFFFFFF90];
	_ =	sdelay $0x4  }
0x75: {  	v1 =	vshra.s32 v0, $0x10  }
0x76: {  	v0 =	vand.u32 $0xFFFF, v0;
	[tilespmem:$0x2880] =	vst v1  }
0x77: {  	[tilespmem:$0x2980] =	vst v0  }
0x78: {  	v0 =	vld [tilespmem:s24+$0xFFFFFFA0];
	_ =	sdelay $0x4  }
0x79: {  	v1 =	vshra.s32 v0, $0x10  }
0x7a: {  	v0 =	vand.u32 $0xFFFF, v0;
	[tilespmem:$0x2890] =	vst v1  }
0x7b: {  	[tilespmem:$0x2990] =	vst v0  }
0x7c: {  	v0 =	vld [tilespmem:s24+$0xFFFFFFB0];
	_ =	sdelay $0x4  }
0x7d: {  	v1 =	vshra.s32 v0, $0x10  }
0x7e: {  	v0 =	vand.u32 $0xFFFF, v0;
	[tilespmem:$0x28A0] =	vst v1  }
0x7f: {  	[tilespmem:$0x29A0] =	vst v0  }
0x80: {  	v0 =	vld [tilespmem:s24+$0xFFFFFFC0];
	_ =	sdelay $0x4  }
0x81: {  	v1 =	vshra.s32 v0, $0x10  }
0x82: {  	v0 =	vand.u32 $0xFFFF, v0;
	[tilespmem:$0x28B0] =	vst v1  }
0x83: {  	[tilespmem:$0x29B0] =	vst v0  }
0x84: {  	v0 =	vld [tilespmem:s24+$0xFFFFFFD0];
	_ =	sdelay $0x4  }
0x85: {  	v1 =	vshra.s32 v0, $0x10  }
0x86: {  	v0 =	vand.u32 $0xFFFF, v0;
	[tilespmem:$0x28C0] =	vst v1  }
0x87: {  	[tilespmem:$0x29C0] =	vst v0  }
0x88: {  	v0 =	vld [tilespmem:s24+$0xFFFFFFE0];
	_ =	sdelay $0x4  }
0x89: {  	v1 =	vshra.s32 v0, $0x10  }
0x8a: {  	v0 =	vand.u32 $0xFFFF, v0;
	[tilespmem:$0x28D0] =	vst v1  }
0x8b: {  	[tilespmem:$0x29D0] =	vst v0  }
0x8c: {  	s25 =	simm.s32 $0xBC0;
	v0 =	vld [tilespmem:s24+$0xFFFFFFF0]  }
.LBB2_2:
0x8d: {  	_ =	sdelay $0x2  }
0x8e: {  	p0 =	sne.s32 s25, $0x9FC0;
	s26 =	smov.u32 s25;
	s25 =	sadd.s32 $0x400, s25  }
0x8f: {  	v1 =	vshra.s32 v0, $0x10;
	v0 =	vand.u32 $0xFFFF, v0  }
0x90: {  	[tilespmem:$0x28E0] =	vst v1  }
0x91: {  	[tilespmem:$0x29E0] =	vst v0  }
0x92: {  	v0 =	vld [tilespmem:s24+$0x0];
	_ =	sdelay $0x4  }
0x93: {  	v1 =	vshra.s32 v0, $0x10;
	v0 =	vand.u32 $0xFFFF, v0  }
0x94: {  	[tilespmem:$0x28F0] =	vst v1  }
0x95: {  	[tilespmem:$0x29F0] =	vst v0  }
0x96: {  	[tilespmem:s16], [sflag:$0x2] =	stream.indirect.gather [hbm4b:s5+s12], $0x80, s15, s12, $0xb8;
	[tilespmem:$0x1E600] =	vst v63  }
0x97: {  	_ =	swait.ge [sflag:s17], $0x4000  }
0x98: {  	[sflag:s17] =	ssyncset.done $0x0  }
0x99: {  	[sflag:s17] =	ssyncadd.s32 $0xFFFFC000  }
0x9a: {  	[spmem:s3] =	stream.indirect.scatter.add.f32 [tilespmem:s14], [sflag:$0x3], $0x80, s18, s12, $0xb8;
	[tilespmem:$0x1E600] =	vst v63  }
0x9b: {  	_ =	swait.ge [sflag:s19], $0x4000  }
0x9c: {  	[sflag:s19] =	ssyncset.done $0x0  }
0x9d: {  	s24 =	sshra.s32 s26, $0x2;
	[sflag:s19] =	ssyncadd.s32 $0xFFFFC000  }
0x9e: {  	v0 =	vld [tilespmem:s24+$0xFFFFFF10];
	_ =	sdelay $0x4  }
0x9f: {  	v1 =	vshra.s32 v0, $0x10;
	v0 =	vand.u32 $0xFFFF, v0  }
0xa0: {  	[tilespmem:$0x2800] =	vst v1  }
0xa1: {  	[tilespmem:$0x2900] =	vst v0  }
0xa2: {  	v0 =	vld [tilespmem:s24+$0xFFFFFF20];
	_ =	sdelay $0x4  }
0xa3: {  	v1 =	vshra.s32 v0, $0x10;
	v0 =	vand.u32 $0xFFFF, v0  }
0xa4: {  	[tilespmem:$0x2810] =	vst v1  }
0xa5: {  	[tilespmem:$0x2910] =	vst v0  }
0xa6: {  	v0 =	vld [tilespmem:s24+$0xFFFFFF30];
	_ =	sdelay $0x4  }
0xa7: {  	v1 =	vshra.s32 v0, $0x10;
	v0 =	vand.u32 $0xFFFF, v0  }
0xa8: {  	[tilespmem:$0x2820] =	vst v1  }
0xa9: {  	[tilespmem:$0x2920] =	vst v0  }
0xaa: {  	v0 =	vld [tilespmem:s24+$0xFFFFFF40];
	_ =	sdelay $0x4  }
0xab: {  	v1 =	vshra.s32 v0, $0x10;
	v0 =	vand.u32 $0xFFFF, v0  }
0xac: {  	[tilespmem:$0x2830] =	vst v1  }
0xad: {  	[tilespmem:$0x2930] =	vst v0  }
0xae: {  	v0 =	vld [tilespmem:s24+$0xFFFFFF50];
	_ =	sdelay $0x4  }
0xaf: {  	v1 =	vshra.s32 v0, $0x10;
	v0 =	vand.u32 $0xFFFF, v0  }
0xb0: {  	[tilespmem:$0x2840] =	vst v1  }
0xb1: {  	[tilespmem:$0x2940] =	vst v0  }
0xb2: {  	v0 =	vld [tilespmem:s24+$0xFFFFFF60];
	_ =	sdelay $0x4  }
0xb3: {  	v1 =	vshra.s32 v0, $0x10;
	v0 =	vand.u32 $0xFFFF, v0  }
0xb4: {  	[tilespmem:$0x2850] =	vst v1  }
0xb5: {  	[tilespmem:$0x2950] =	vst v0  }
0xb6: {  	v0 =	vld [tilespmem:s24+$0xFFFFFF70];
	_ =	sdelay $0x4  }
0xb7: {  	v1 =	vshra.s32 v0, $0x10;
	v0 =	vand.u32 $0xFFFF, v0  }
0xb8: {  	[tilespmem:$0x2860] =	vst v1  }
0xb9: {  	[tilespmem:$0x2960] =	vst v0  }
0xba: {  	v0 =	vld [tilespmem:s24+$0xFFFFFF80];
	_ =	sdelay $0x4  }
0xbb: {  	v1 =	vshra.s32 v0, $0x10;
	v0 =	vand.u32 $0xFFFF, v0  }
0xbc: {  	[tilespmem:$0x2870] =	vst v1  }
0xbd: {  	[tilespmem:$0x2970] =	vst v0  }
0xbe: {  	[tilespmem:s14], [sflag:$0x1] =	stream.indirect.gather [hbm4b:s5+s12], $0x80, s13, s12, $0xb8;
	[tilespmem:$0x1E600] =	vst v63  }
0xbf: {  	_ =	swait.ge [sflag:s20], $0x4000  }
0xc0: {  	[sflag:s20] =	ssyncset.done $0x0  }
0xc1: {  	[sflag:s20] =	ssyncadd.s32 $0xFFFFC000  }
0xc2: {  	[spmem:s3] =	stream.indirect.scatter.add.f32 [tilespmem:s16], [sflag:$0x4], $0x80, s21, s12, $0xb8;
	[tilespmem:$0x1E600] =	vst v63  }
0xc3: {  	_ =	swait.ge [sflag:s22], $0x4000  }
0xc4: {  	[sflag:s22] =	ssyncset.done $0x0  }
0xc5: {  	[sflag:s22] =	ssyncadd.s32 $0xFFFFC000  }
0xc6: {  	v0 =	vld [tilespmem:s24+$0xFFFFFF90];
	_ =	sdelay $0x4  }
0xc7: {  	v1 =	vshra.s32 v0, $0x10;
	v0 =	vand.u32 $0xFFFF, v0  }
0xc8: {  	[tilespmem:$0x2880] =	vst v1  }
0xc9: {  	[tilespmem:$0x2980] =	vst v0  }
0xca: {  	v0 =	vld [tilespmem:s24+$0xFFFFFFA0];
	_ =	sdelay $0x4  }
0xcb: {  	v1 =	vshra.s32 v0, $0x10;
	v0 =	vand.u32 $0xFFFF, v0  }
0xcc: {  	[tilespmem:$0x2890] =	vst v1  }
0xcd: {  	[tilespmem:$0x2990] =	vst v0  }
0xce: {  	v0 =	vld [tilespmem:s24+$0xFFFFFFB0];
	_ =	sdelay $0x4  }
0xcf: {  	v1 =	vshra.s32 v0, $0x10;
	v0 =	vand.u32 $0xFFFF, v0  }
0xd0: {  	[tilespmem:$0x28A0] =	vst v1  }
0xd1: {  	[tilespmem:$0x29A0] =	vst v0  }
0xd2: {  	v0 =	vld [tilespmem:s24+$0xFFFFFFC0];
	_ =	sdelay $0x4  }
0xd3: {  	v1 =	vshra.s32 v0, $0x10;
	v0 =	vand.u32 $0xFFFF, v0  }
0xd4: {  	[tilespmem:$0x28B0] =	vst v1  }
0xd5: {  	[tilespmem:$0x29B0] =	vst v0  }
0xd6: {  	v0 =	vld [tilespmem:s24+$0xFFFFFFD0];
	_ =	sdelay $0x4  }
0xd7: {  	v1 =	vshra.s32 v0, $0x10;
	v0 =	vand.u32 $0xFFFF, v0  }
0xd8: {  	[tilespmem:$0x28C0] =	vst v1  }
0xd9: {  	[tilespmem:$0x29C0] =	vst v0  }
0xda: {  	v0 =	vld [tilespmem:s24+$0xFFFFFFE0];
	_ =	sdelay $0x3  }
.Ltmp0:
0xdb: {  	(pc) =	sbr.rel @p0 .LBB2_2-.Ltmp0, $4  }
0xdc: {  	v1 =	vshra.s32 v0, $0x10;
	v0 =	vand.u32 $0xFFFF, v0  }
0xdd: {  	[tilespmem:$0x28D0] =	vst v1  }
0xde: {  	[tilespmem:$0x29D0] =	vst v0  }
0xdf: {  	v0 =	vld [tilespmem:s24+$0xFFFFFFF0]  }
0xe0: {  	_ =	sdelay $0x3  }
0xe1: {  	v1 =	vshra.s32 v0, $0x10  }
0xe2: {  	v62 =	vand.u32 $0xFFFF, v0;
	[tilespmem:$0x28E0] =	vst v1  }
0xe3: {  	[tilespmem:$0x29E0] =	vst v62  }
0xe4: {  	v0 =	vld [tilespmem:s24+$0x0];
	_ =	sdelay $0x4  }
0xe5: {  	v63 =	vshra.s32 v0, $0x10  }
0xe6: {  	v0 =	vand.u32 $0xFFFF, v0;
	[tilespmem:$0x28F0] =	vst v63  }
0xe7: {  	[tilespmem:$0x29F0] =	vst v0  }
0xe8: {  	[tilespmem:s16], [sflag:$0x2] =	stream.indirect.gather [hbm4b:s5+s12], $0x80, s15, s12, $0xb8;
	[tilespmem:$0x1E600] =	vst v63  }
0xe9: {  	_ =	swait.ge [sflag:s17], $0x4000  }
0xea: {  	[sflag:s17] =	ssyncset.done $0x0  }
0xeb: {  	[sflag:s17] =	ssyncadd.s32 $0xFFFFC000  }
0xec: {  	[spmem:s3] =	stream.indirect.scatter.add.f32 [tilespmem:s14], [sflag:$0x3], $0x80, s18, s12, $0xb8;
	[tilespmem:$0x1E600] =	vst v63  }
0xed: {  	_ =	swait.ge [sflag:s20], $0x4000  }
0xee: {  	[sflag:s20] =	ssyncset.done $0x0  }
0xef: {  	[sflag:s20] =	ssyncadd.s32 $0xFFFFC000  }
0xf0: {  	[spmem:s3] =	stream.indirect.scatter.add.f32 [tilespmem:s16], [sflag:$0x4], $0x80, s21, s12, $0xb8;
	[tilespmem:$0x1E600] =	vst v63  }
0xf1: {  	_ =	swait.ge [sflag:s19], $0x4000  }
0xf2: {  	[sflag:s19] =	ssyncset.done $0x0  }
0xf3: {  	[sflag:s19] =	ssyncadd.s32 $0xFFFFC000  }
0xf4: {  	_ =	swait.ge [sflag:s22], $0x4000  }
0xf5: {  	s23 =	sadd.s32 $0x1, s23;
	[sflag:s22] =	ssyncset.done $0x0  }
0xf6: {  	p0 =	sne.s32 s23, s8;
	[sflag:s22] =	ssyncadd.s32 $0xFFFFC000  }
.Ltmp1:
0xf7: {  	[bflag:$0x0] =	sbarrier.arrive $0xFFFF;
	(pc) =	sbr.rel @p0 .LBB2_1-.Ltmp1, $4  }
0xf8: {  	[hbm:s7], [sflag:s10] =	dma.local [spmem:s11], $0x2780  }
0xf9: {  	_ =	swait.ge [sflag:s9], $0x2780  }
0xfa: {  	[sflag:s9] =	ssyncset.done $0x0  }
0xfb: {  	[sflag:s9] =	ssyncadd.s32 $0xFFFFD880  }
0xfc: {  	_ =	sfence.sel $0x180000  }
0xfd: {  	[bflag:$0x0] =	sbarrier.arrive $0xFFFF  }
0xfe: {  	p0 =	sne.s32 s1, $0x0;
	_ =	strace $0x90000050  }
0xff: {  	s0 =	sadd.s32 @!p0 $0x100000, s0;
	[bflag:$0x2] =	sbarrier.arrive $0xFFFF  }
0x100: {  	[sflag:s0] =	ssyncadd.tile.s32 @!p0 $0x1;
	_ =	shalt  }
.Lfunc_end2:
_tile_overlayer_lowered:
.L_overlay_start_2:
0x101: {  	(tag) =	ssettag $0x2  }
0x102: {  	s0 =	rddreg [dreg:$0x0];
	s2 =	stileid.u32  }
0x103: {  	s1 =	rddreg [dreg:$0x1];
	p0 =	sne.s32 s2, $0x0  }
0x104: {  	s3 =	rddreg [dreg:$0x2];
	[bflag:$0x3] =	sbarrier.arrive $0xFFFF;
	s2 =	simm.s32 @!p0 $0x1C05  }
0x105: {  	[timem:s3], [sflag:s2] =	dma.local @!p0 [hbm:s0], s1  }
0x106: {  	s0 =	simm.s32 @!p0 $0x5  }
0x107: {  	_ =	swait.ge @!p0 [sflag:s0], s1  }
0x108: {  	s1 =	ssub.s32 @!p0 $0x0, s1;
	[sflag:s0] =	ssyncset.done @!p0 $0x0  }
0x109: {  	[sflag:s0] =	ssyncadd.s32 @!p0 s1  }
0x10a: {  	[bflag:$0x3] =	sbarrier.arrive $0xFFFF  }
0x10b: {  	_ =	shalt  }

// kernel: kernel.9.cloned.1.call-start
scs
__scs_entry_jumppad:
0x0: {  	(pc) =	sbr.rel $0x88, $3  }
0x1: {  	(tag) =	ssettag $0x0;
	lr =	simm.s32 $0x1  }
0x2: {  	[smem:$0x3F99] =	sst lr;
	_ =	strace $0xD0000000  }
0x3: {  	_ = 	snop  }
0x4: {  	_ = 	snop  }
0x5: {  	_ = 	snop  }
0x6: {  	_ = 	snop  }
0x7: {  	_ = 	snop  }
__scs_overlays_trampoline_lowered:
0x8: {  	[smem:$0x3FA8] =	sst s0  }
0x9: {  	[smem:$0x3FA9] =	sst s1  }
0xa: {  	[smem:$0x3FAA] =	sst s2  }
0xb: {  	[smem:$0x3FAB] =	sst s3  }
0xc: {  	[smem:$0x3FAC] =	sst s4  }
0xd: {  	[smem:$0x3FAD] =	sst s5  }
0xe: {  	[smem:$0x3FAE] =	sst s6  }
0xf: {  	[smem:$0x3FAF] =	sst s7  }
0x10: {  	[smem:$0x3FB0] =	sst s8  }
0x11: {  	[smem:$0x3FB1] =	sst s9;
	s0 =	simm.s32 @!p0 $0x0  }
0x12: {  	s1 =	sld [smem:$0x3F97];
	s0 =	simm.s32 @p0 $0x1  }
0x13: {  	[smem:$0x3FB2] =	sst s0;
	s0 =	simm.s32 @!p1 $0x0  }
0x14: {  	s2 =	sld [smem:$0x3F96];
	s0 =	simm.s32 @p1 $0x1  }
0x15: {  	[smem:$0x3FB3] =	sst s0;
	s0 =	simm.s32 @!p2 $0x0  }
0x16: {  	s3 =	sld [smem:$0x3FDB];
	s0 =	simm.s32 @p2 $0x1  }
0x17: {  	s4 =	simm.s32 $0x1BF5;
	[smem:$0x3FB5] =	sst s0  }
0x18: {  	s0 =	sld [smem:$0x3F98];
	_ =	swait.ge [sflag:s4], $0x0  }
0x19: {  	s7 =	sld [smem:$0x3F99]  }
0x1a: {  	s8 =	sadd.s32 $0xFFFFE003, lr  }
0x1b: {  	s9 =	sadd.s32 $0xFFFFFEF7, lr;
	s5 =	simm.s32 $0xFFFFFFFF;
	p2 =	slt.u32 s8, $0xFFFFF086  }
0x1c: {  	p1 =	slt.u32 s9, $0xF7A;
	s5 =	simm.s32 @!p2 $0x0  }
0x1d: {  	s5 =	simm.s32 @p1 $0x1;
	p0 =	seq.s32 s7, s2  }
0x1e: {  	s7 =	smul.u32 @!p0 $0xF7A, s2;
	p2 =	seq.s32 @!p0 s5, $0x0  }
0x1f: {  	s9 =	smul.u32 $0xF7A, s1;
	s8 =	simm.s32 @!p0 $0x1BF5;
	p2 =	por !p2, p0  }
0x20: {  	[sflag:s8] =	ssyncset.s32 @!p0 $0xFFFFF086;
	s6 =	sadd.s32 @!p0 s3, s7;
	s7 =	simm.s32 @!p0 $0x108  }
0x21: {  	s3 =	sadd.s32 s3, s9;
	s6 =	sadd.s32 @!p0 $0x88, s6;
	s7 =	simm.s32 @p2 $0x1082  }
0x22: {  	[simem:s7], [sflag:s8] =	dma.local @!p0 [hbm:s6], $0xF7A  }
0x23: {  	s9 =	sor.u32 $0xD0000000, s2;
	s6 =	simm.s32 $0x108;
	_ =	swait.ge @!p0 [sflag:s8], $0x0  }
0x24: {  	s3 =	sadd.s32 $0x88, s3;
	s6 =	simm.s32 @!p1 $0x1082;
	[sflag:s4] =	ssyncset.s32 $0xFFFFF086  }
0x25: {  	[simem:s6], [sflag:s4] =	dma.local [hbm:s3], $0xF7A  }
0x26: {  	[smem:$0x3F99] =	sst s1;
	(tag) =	ssettag s2;
	_ =	strace s9  }
0x27: {  	s1 =	sld [smem:$0x3FA9]  }
0x28: {  	s2 =	sld [smem:$0x3FAA]  }
0x29: {  	s4 =	sld [smem:$0x3FAC]  }
0x2a: {  	p0 =	seq.s32 s5, $0x0;
	s5 =	sld [smem:$0x3FAD]  }
0x2b: {  	s6 =	sld [smem:$0x3FAE]  }
0x2c: {  	s7 =	sld [smem:$0x3FAF]  }
0x2d: {  	s3 =	simm.s32 $0x108;
	s8 =	sld [smem:$0x3FB0]  }
0x2e: {  	s3 =	simm.s32 @!p0 $0x1082;
	s9 =	sld [smem:$0x3FB1]  }
0x2f: {  	lr =	sadd.s32 s0, s3;
	s0 =	sld [smem:$0x3FA8]  }
0x30: {  	s3 =	sld [smem:$0x3FAB]  }
0x31: {  	[smem:$0x3FB4] =	sst s10  }
0x32: {  	s10 =	sld [smem:$0x3FB2];
	_ =	sdelay $0x3  }
0x33: {  	p0 =	seq.s32 s10, $0x1;
	s10 =	sld [smem:$0x3FB4];
	_ =	sdelay $0x3  }
0x34: {  	[smem:$0x3FB4] =	sst s10  }
0x35: {  	s10 =	sld [smem:$0x3FB3];
	_ =	sdelay $0x3  }
0x36: {  	p1 =	seq.s32 s10, $0x1;
	s10 =	sld [smem:$0x3FB4];
	_ =	sdelay $0x3  }
0x37: {  	[smem:$0x3FB4] =	sst s10  }
0x38: {  	s10 =	sld [smem:$0x3FB5]  }
0x39: {  	_ = 	snop;
	(pc) =	sbr.ind lr, $3  }
0x3a: {  	_ = 	snop  }
0x3b: {  	_ = 	snop  }
0x3c: {  	p2 =	seq.s32 s10, $0x1;
	s10 =	sld [smem:$0x3FB4]  }
0x3d: {  	_ =	shalt  }
0x3e: {  	_ =	shalt  }
0x3f: {  	_ =	shalt  }
0x40: {  	_ =	shalt  }
0x41: {  	_ =	shalt  }
0x42: {  	_ =	shalt  }
0x43: {  	_ =	shalt  }
0x44: {  	_ =	shalt  }
0x45: {  	_ =	shalt  }
0x46: {  	_ =	shalt  }
0x47: {  	_ =	shalt  }
0x48: {  	_ =	shalt  }
0x49: {  	_ =	shalt  }
0x4a: {  	_ =	shalt  }
0x4b: {  	_ =	shalt  }
0x4c: {  	_ =	shalt  }
0x4d: {  	_ =	shalt  }
0x4e: {  	_ =	shalt  }
0x4f: {  	_ =	shalt  }
0x50: {  	_ =	shalt  }
0x51: {  	_ =	shalt  }
0x52: {  	_ =	shalt  }
0x53: {  	_ =	shalt  }
0x54: {  	_ =	shalt  }
0x55: {  	_ =	shalt  }
0x56: {  	_ =	shalt  }
0x57: {  	_ =	shalt  }
0x58: {  	_ =	shalt  }
0x59: {  	_ =	shalt  }
0x5a: {  	_ =	shalt  }
0x5b: {  	_ =	shalt  }
0x5c: {  	_ =	shalt  }
0x5d: {  	_ =	shalt  }
0x5e: {  	_ =	shalt  }
0x5f: {  	_ =	shalt  }
0x60: {  	_ =	shalt  }
0x61: {  	_ =	shalt  }
0x62: {  	_ =	shalt  }
0x63: {  	_ =	shalt  }
0x64: {  	_ =	shalt  }
0x65: {  	_ =	shalt  }
0x66: {  	_ =	shalt  }
0x67: {  	_ =	shalt  }
0x68: {  	_ =	shalt  }
0x69: {  	_ =	shalt  }
0x6a: {  	_ =	shalt  }
0x6b: {  	_ =	shalt  }
0x6c: {  	_ =	shalt  }
0x6d: {  	_ =	shalt  }
0x6e: {  	_ =	shalt  }
0x6f: {  	_ =	shalt  }
0x70: {  	_ =	shalt  }
0x71: {  	_ =	shalt  }
0x72: {  	_ =	shalt  }
0x73: {  	_ =	shalt  }
0x74: {  	_ =	shalt  }
0x75: {  	_ =	shalt  }
0x76: {  	_ =	shalt  }
0x77: {  	_ =	shalt  }
0x78: {  	_ =	shalt  }
0x79: {  	_ =	shalt  }
0x7a: {  	_ =	shalt  }
0x7b: {  	_ =	shalt  }
0x7c: {  	_ =	shalt  }
0x7d: {  	_ =	shalt  }
0x7e: {  	_ =	shalt  }
0x7f: {  	_ =	shalt  }
0x80: {  	_ =	shalt  }
0x81: {  	_ =	shalt  }
0x82: {  	_ =	shalt  }
0x83: {  	_ =	shalt  }
0x84: {  	_ =	shalt  }
0x85: {  	_ =	shalt  }
0x86: {  	_ =	shalt  }
0x87: {  	_ =	shalt  }
.Lfunc_end0:
.L_simem_size_0:
called_computation_lowered:
.L_overlay_start_0:
0x88: {  	s2 =	sld [smem:$0x3FD9]  }
0x89: {  	s3 =	sld [smem:$0x3FFE];
	_ =	sdelay $0x1  }
0x8a: {  	s1 =	srdreg.scid  }
0x8b: {  	s0 =	sand.u32 $0x1, s1  }
0x8c: {  	s17 =	sshll.u32 s0, $0xA;
	s2 =	sadd.s32 s3, s2  }
0x8d: {  	s2 =	sadd.s32 s2, s17  }
0x8e: {  	[smem:$0x3FC0] =	sst s2  }
0x8f: {  	_ = 	snop  }
0x90: {  	s2 =	sld [smem:$0x3FD0];
	(tm) =	ssettm $0x1  }
0x91: {  	s18 =	sld [smem:$0x3FFB];
	_ =	sdelay $0x3  }
0x92: {  	_ =	strace s18  }
0x93: {  	s3 =	sld [smem:$0x3FFC];
	_ =	sdelay $0x3  }
0x94: {  	_ =	strace s3  }
0x95: {  	s3 =	sld [smem:$0x3FFD];
	_ =	sdelay $0x3  }
0x96: {  	_ =	strace s3  }
0x97: {  	_ =	strace $0x8FFFFFFF  }
0x98: {  	s19 =	sld [smem:$0x3FDB];
	_ =	sdelay $0x1  }
0x99: {  	s4 =	simm.s32 $_scs_section_size  }
0x9a: {  	s5 =	simm.s32 $_size__tile_overlayer_lowered;
	s6 =	simm.s32 $_tile_overlayer_lowered  }
0x9b: {  	s22 =	simm.s32 $0x1BFF;
	s21 =	sshll.u32 s6, $0x1;
	s3 =	sadd.s32 s4, s19  }
0x9c: {  	s7 =	simm.s32 $0x0;
	s20 =	sshll.u32 s5, $0x1;
	s5 =	sadd.s32 s21, s3  }
0x9d: {  	[timem:s7], [sflag:s22] =	dma.local [hbm:s5], s20  }
0x9e: {  	_ =	swait.ge [sflag:s22], s20  }
0x9f: {  	s4 =	ssub.s32 $0x0, s20;
	[sflag:s22] =	ssyncset.done $0x0  }
0xa0: {  	[sflag:s22] =	ssyncadd.s32 s4;
	_ =	sdelay $0x1  }
0xa1: {  	s23 =	simm.s32 $0x1B8B  }
0xa2: {  	_ =	swait.ge [sflag:s23], $0x1  }
0xa3: {  	[sflag:s23] =	ssyncset.done $0x0  }
0xa4: {  	s25 =	simm.s32 $0x1B8E;
	s24 =	sld [smem:$0x3FFE];
	[sflag:s23] =	ssyncadd.s32 $0xFFFFFFFF  }
0xa5: {  	s26 =	simm.s32 $execute0_lowered;
	[smem:$0x3FD2] =	sst s25  }
0xa6: {  	s5 =	sshll.u32 s26, $0x1;
	_ =	strace $0x80000046;
	[dreg:$0x1] =	wrdreg $0xFFFFFFFF  }
0xa7: {  	s28 =	simm.s32 $_size_execute0_lowered;
	s3 =	sadd.s32 s3, s5;
	[dreg:$0x0] =	wrdreg $0x0  }
0xa8: {  	s5 =	sshll.u32 s28, $0x1;
	[dreg:$0x2] =	wrdreg s3  }
0xa9: {  	[dreg:$0x3] =	wrdreg s5  }
0xaa: {  	[dreg:$0x4] =	wrdreg $0xC0  }
0xab: {  	_ =	task [dreg:s7], $0x5FFFF  }
0xac: {  	[dreg:$0x1] =	wrdreg $0xFFFFFFFF  }
0xad: {  	[dreg:$0x0] =	wrdreg $0x60  }
0xae: {  	[dreg:$0x2] =	wrdreg s2  }
0xaf: {  	[dreg:$0x3] =	wrdreg s24  }
0xb0: {  	[dreg:$0x4] =	wrdreg $0x29000  }
0xb1: {  	[dreg:$0x5] =	wrdreg $0x9  }
0xb2: {  	_ =	task.clear_ibuf [dreg:s7], $0x6FFFF;
	_ =	strace $0x90000046  }
0xb3: {  	s29 =	simm.s32 $0x9;
	_ =	strace $0x80000048  }
0xb4: {  	_ =	swait.ge [sflag:s29], $0x1  }
0xb5: {  	[sflag:s29] =	ssyncadd.s32 $0xFFFFFFFF  }
0xb6: {  	_ =	strace $0x90000048  }
0xb7: {  	_ =	sfence  }
0xb8: {  	s30 =	sld [smem:$0x0];
	_ =	sdelay $0x2  }
0xb9: {  	s31 =	sshll.u32 s1, $0xD;
	s1 =	sshrl.u32 s1, $0x2  }
0xba: {  	s3 =	sand.u32 $0x4000, s31;
	s1 =	sadd.s32 s1, s30  }
0xbb: {  	s0 =	sor.u32 s3, s0;
	s1 =	sshll.u32 s1, $0x11  }
0xbc: {  	s0 =	sor.u32 s1, s0  }
0xbd: {  	s0 =	sadd.s32 $0x8F2B, s0  }
0xbe: {  	[sflag:s0] =	ssyncadd.remote.s32 $0x1  }
0xbf: {  	_ =	sfence.sel $0xFFFF  }
0xc0: {  	[dreg:$0x0] =	wrdreg $0xFFFFFFFF;
	(pc) =	sbr.abs _section_cstart, $3  }
0xc1: {  	[dreg:$0x1] =	wrdreg $0xFFFFFFFF  }
0xc2: {  	_ =	task.clear_ibuf [dreg:s7], $0x2FFFF;
	_ =	strace $0x9FFFFFFF  }
0xc3: {  	(tm) =	ssettm $0x7FFFFFFF  }
tec
execute0_lowered:
.L_overlay_start_1:
0x0: {  	(tag) =	ssettag $0x1  }
0x1: {  	s6 =	rddreg [dreg:$0x0]  }
0x2: {  	s5 =	rddreg [dreg:$0x1]  }
0x3: {  	s1 =	rddreg [dreg:$0x2]  }
0x4: {  	s0 =	rddreg [dreg:$0x3]  }
0x5: {  	s3 =	simm.s32 $0x0;
	s7 =	srdreg.scid;
	s2 =	stileid.u32  }
0x6: {  	s12 =	simm.s32 $0x2880;
	s13 =	simm.s32 $0x80;
	s14 =	simm.s32 $0x2800  }
0x7: {  	s17 =	simm.s32 $0x0;
	[smem:$0x7FF] =	sst s3;
	s4 =	sadd.s32 $0x3000, s5  }
0x8: {  	s7 =	sand.u32 $0x1, s7;
	s8 =	sshll.u32 s2, $0x1;
	s15 =	smul.u32 $0x5, s2  }
0x9: {  	s5 =	sadd.s32 $0x3600, s5;
	s11 =	smul.u32 $0xA00, s2;
	s31 =	sshll.u32 s2, $0x6  }
0xa: {  	_ =	strace $0x80000047;
	s9 =	ssub.s32 $0x2, s7;
	s8 =	sor.u32 s7, s8  }
0xb: {  	p0 =	seq.s32 s7, $0x1;
	s10 =	sshrl.u32 s9, $0x1;
	s8 =	smul.u32 $0x500, s8  }
.Ltmp0:
0xc: {  	s29 =	smin.u32 s15, $0x4A;
	s30 =	sshrl.u32 s11, $0x2;
	(pc) =	sbr.rel .LBB2_1-.Ltmp0, $4  }
0xd: {  	s11 =	simm.s32 $0x2;
	s9 =	ssub.s32 s9, s10;
	s16 =	sadd.s32 $0x5, s29  }
0xe: {  	s10 =	smul.u32 $0x280, s2;
	s6 =	sadd.s32 s6, s8;
	s7 =	smax.u32 s9, $0x1  }
0xf: {  	s8 =	ssub.s32 s16, s15;
	s9 =	sadd.s32 s30, s1;
	p1 =	sge.u32 s15, s16  }
0x10: {  	v0 =	vimm.f32 $1.000000000e+00;
	v1 =	vimm.f32 $0.0e+00;
	p2 =	slt.u32 s15, s16;
	s15 =	simm.s32 $0x1;
	s16 =	sor.u32 $0x1C02, s31  }
.LBB2_17:
0x11: {  	[sflag:s11] =	ssyncset.done $0x0  }
0x12: {  	[sflag:s11] =	ssyncadd.s32 $0xFFFFFFF0  }
.LBB2_18:
0x13: {  	s17 =	sadd.s32 $0x1, s17  }
0x14: {  	p3 =	sne.s32 s17, s7  }
.Ltmp1:
0x15: {  	_ = 	snop;
	(pc) =	sbr.rel @!p3 .LBB2_19-.Ltmp1, $1  }
0x16: {  	_ =	sdelay $0x3  }
.LBB2_1:
0x17: {  	[tilespmem:$0x2800] =	vst v0  }
0x18: {  	[tilespmem:$0x2880] =	vst v1  }
0x19: {  	[tilespmem:$0x2810] =	vst v0  }
0x1a: {  	[tilespmem:$0x2890] =	vst v1  }
0x1b: {  	[tilespmem:$0x2820] =	vst v0  }
0x1c: {  	[tilespmem:$0x28A0] =	vst v1  }
0x1d: {  	[tilespmem:$0x2830] =	vst v0  }
0x1e: {  	[tilespmem:$0x28B0] =	vst v1  }
0x1f: {  	[tilespmem:$0x2840] =	vst v0  }
0x20: {  	[tilespmem:$0x28C0] =	vst v1  }
0x21: {  	[tilespmem:$0x2850] =	vst v0  }
0x22: {  	[tilespmem:$0x28D0] =	vst v1  }
0x23: {  	[tilespmem:$0x2860] =	vst v0  }
0x24: {  	[tilespmem:$0x28E0] =	vst v1  }
0x25: {  	[tilespmem:$0x2870] =	vst v0  }
.Ltmp2:
0x26: {  	[tilespmem:$0x28F0] =	vst v1;
	(pc) =	sbr.rel @p1 .LBB2_5-.Ltmp2, $4  }
0x27: {  	[tilespmem:s3], [sflag:$0x2] =	stream.linear.gather [hbm4b:s6+s3], $0x2800, $0x38;
	[tilespmem:$0x2B78] =	vst v63  }
0x28: {  	_ =	swait.ge [sflag:s11], $0x2800  }
0x29: {  	[sflag:s11] =	ssyncset.done $0x0  }
0x2a: {  	[sflag:s11] =	ssyncadd.s32 $0xFFFFD800  }
0x2b: {  	p3 =	sne.s32 s8, $0x1  }
.Ltmp3:
0x2c: {  	_ = 	snop;
	(pc) =	sbr.rel @!p3 .LBB2_4-.Ltmp3, $4  }
0x2d: {  	_ = 	snop  }
0x2e: {  	[spmem:s9] =	stream.linear.scatter [tilespmem:s12], [sflag:$0x2], $0x80, $0x38;
	[tilespmem:$0x2B78] =	vst v63  }
0x2f: {  	_ =	swait.ge [sflag:s11], $0x80  }
0x30: {  	s18 =	sadd.s32 $0xFFFFFFFF, s8;
	s19 =	smov.u32 s9;
	[sflag:s11] =	ssyncset.done $0x0  }
.LBB2_3:
0x31: {  	p3 =	sne.s32 s18, $0x1;
	[sflag:s11] =	ssyncadd.s32 $0xFFFFFF80;
	s19 =	sadd.s32 $0x80, s19  }
.Ltmp4:
0x32: {  	s18 =	sadd.s32 $0xFFFFFFFF, s18;
	(pc) =	sbr.rel @p3 .LBB2_3-.Ltmp4, $4  }
0x33: {  	_ = 	snop  }
0x34: {  	[spmem:s19] =	stream.linear.scatter [tilespmem:s12], [sflag:$0x2], $0x80, $0x38;
	[tilespmem:$0x2B78] =	vst v63  }
0x35: {  	_ =	swait.ge [sflag:s11], $0x80  }
0x36: {  	[sflag:s11] =	ssyncset.done $0x0  }
.LBB2_4:
0x37: {  	[sflag:s11] =	ssyncadd.s32 $0xFFFFFF80  }
.LBB2_5:
0x38: {  	[bflag:$0x0] =	sbarrier.arrive $0xFFFF;
	s18 =	simm.s32 $0x0  }
.LBB2_6:
0x39: {  	p3 =	sne.s32 s18, $0x9E00  }
.Ltmp5:
0x3a: {  	_ = 	snop;
	(pc) =	sbr.rel @p3 .LBB2_6-.Ltmp5, $3  }
0x3b: {  	_ =	sdelay $0x1  }
0x3c: {  	s19 =	sshra.s32 s18, $0x2;
	s18 =	sadd.s32 $0x200, s18  }
0x3d: {  	[spmem:s1] =	stream.indirect.scatter.add.f32 [tilespmem:s14], [sflag:$0x1], $0x1, s19, s13, $0xb8;
	[tilespmem:$0x2B78] =	vst v63  }
0x3e: {  	_ =	swait.ge [sflag:s15], $0x80  }
0x3f: {  	s18 =	simm.s32 $0x4F;
	[sflag:s15] =	ssyncset.done $0x0  }
.LBB2_8:
0x40: {  	p3 =	sne.s32 s18, $0x1;
	s18 =	sadd.s32 $0xFFFFFFFF, s18;
	[sflag:s15] =	ssyncadd.s32 $0xFFFFFF80  }
.Ltmp6:
0x41: {  	(pc) =	sbr.rel @p3 .LBB2_8-.Ltmp6, $3  }
0x42: {  	_ =	sdelay $0x1  }
0x43: {  	_ =	swait.ge [sflag:s15], $0x80  }
0x44: {  	[sflag:s15] =	ssyncset.done $0x0  }
.Ltmp7:
0x45: {  	(pc) =	sbr.rel @!p0 .LBB2_10-.Ltmp7, $3  }
0x46: {  	_ = 	snop  }
0x47: {  	[sflag:s15] =	ssyncadd.s32 $0xFFFFFF80  }
0x48: {  	[bflag:$0x0] =	sbarrier.arrive $0xFFFF;
	_ =	sdelay $0x1  }
.Ltmp8:
0x49: {  	(pc) =	sbr.rel @!p2 .LBB2_18-.Ltmp8, $1  }
0x4a: {  	_ =	sdelay $0x3  }
0x4b: {  	p3 =	sne.s32 s8, $0x1  }
.Ltmp9:
0x4c: {  	_ = 	snop;
	(pc) =	sbr.rel @!p3 .LBB2_17-.Ltmp9, $4  }
0x4d: {  	s18 =	sshrl.u32 s10, $0x3  }
0x4e: {  	s19 =	sshrl.u32 s9, $0x3;
	s20 =	smov.u32 s9;
	s18 =	sadd.s32 s5, s18  }
0x4f: {  	[hbm:s18], [sflag:s16] =	dma.local [spmem:s19], $0x10  }
0x50: {  	s18 =	sadd.s32 $0xFFFFFFFF, s8;
	s19 =	sadd.s32 $0x80, s10;
	_ =	swait.ge [sflag:s11], $0x10  }
.LBB2_16:
0x51: {  	s21 =	sshrl.u32 s19, $0x3;
	[sflag:s11] =	ssyncset.done $0x0  }
0x52: {  	s20 =	sadd.s32 $0x80, s20;
	p3 =	sne.s32 s18, $0x1;
	s21 =	sadd.s32 s5, s21  }
.Ltmp10:
0x53: {  	s22 =	sshrl.u32 s20, $0x3;
	[sflag:s11] =	ssyncadd.s32 $0xFFFFFFF0;
	(pc) =	sbr.rel @p3 .LBB2_16-.Ltmp10, $3  }
0x54: {  	[hbm:s21], [sflag:s16] =	dma.local [spmem:s22], $0x10  }
0x55: {  	s18 =	sadd.s32 $0xFFFFFFFF, s18;
	_ =	sdelay $0x1  }
0x56: {  	s19 =	sadd.s32 $0x80, s19;
	_ =	swait.ge [sflag:s11], $0x10  }
.Ltmp11:
0x57: {  	_ = 	snop;
	(pc) =	sbr.rel .LBB2_17-.Ltmp11, $1  }
0x58: {  	_ =	sdelay $0x3  }
.LBB2_10:
.Ltmp12:
0x59: {  	(pc) =	sbr.rel @!p2 .LBB2_18-.Ltmp12, $1  }
0x5a: {  	_ =	sdelay $0x3  }
0x5b: {  	p3 =	seq.s32 s8, $0x1  }
.Ltmp13:
0x5c: {  	_ = 	snop;
	(pc) =	sbr.rel @p3 .LBB2_13-.Ltmp13, $4  }
0x5d: {  	s18 =	sshrl.u32 s10, $0x3  }
0x5e: {  	s19 =	sshrl.u32 s9, $0x3;
	s20 =	smov.u32 s9;
	s18 =	sadd.s32 s4, s18  }
0x5f: {  	[hbm:s18], [sflag:s16] =	dma.local [spmem:s19], $0x10  }
0x60: {  	s18 =	sadd.s32 $0xFFFFFFFF, s8;
	s19 =	sadd.s32 $0x80, s10;
	_ =	swait.ge [sflag:s11], $0x10  }
.LBB2_12:
0x61: {  	s21 =	sshrl.u32 s19, $0x3;
	[sflag:s11] =	ssyncset.done $0x0  }
0x62: {  	s20 =	sadd.s32 $0x80, s20;
	p3 =	seq.s32 s18, $0x1;
	s21 =	sadd.s32 s4, s21  }
.Ltmp14:
0x63: {  	s22 =	sshrl.u32 s20, $0x3;
	[sflag:s11] =	ssyncadd.s32 $0xFFFFFFF0;
	(pc) =	sbr.rel @!p3 .LBB2_12-.Ltmp14, $3  }
0x64: {  	[hbm:s21], [sflag:s16] =	dma.local [spmem:s22], $0x10  }
0x65: {  	s18 =	sadd.s32 $0xFFFFFFFF, s18;
	_ =	sdelay $0x1  }
0x66: {  	s19 =	sadd.s32 $0x80, s19;
	_ =	swait.ge [sflag:s11], $0x10  }
.LBB2_13:
.Ltmp15:
0x67: {  	(pc) =	sbr.rel .LBB2_18-.Ltmp15, $3  }
0x68: {  	_ =	sdelay $0x1  }
0x69: {  	[sflag:s11] =	ssyncset.done $0x0  }
0x6a: {  	[sflag:s11] =	ssyncadd.s32 $0xFFFFFFF0  }
.LBB2_19:
0x6b: {  	_ =	sfence.sel $0x180000  }
0x6c: {  	[bflag:$0x0] =	sbarrier.arrive $0xFFFF  }
0x6d: {  	p0 =	sne.s32 s2, $0x0;
	_ =	strace $0x90000047  }
0x6e: {  	s0 =	sadd.s32 @!p0 $0x100000, s0;
	[bflag:$0x2] =	sbarrier.arrive $0xFFFF  }
0x6f: {  	[sflag:s0] =	ssyncadd.tile.s32 @!p0 $0x1;
	_ =	shalt  }
.Lfunc_end2:
_tile_overlayer_lowered:
.L_overlay_start_2:
0x70: {  	(tag) =	ssettag $0x2  }
0x71: {  	s0 =	rddreg [dreg:$0x0];
	s2 =	stileid.u32  }
0x72: {  	s1 =	rddreg [dreg:$0x1];
	p0 =	sne.s32 s2, $0x0  }
0x73: {  	s3 =	rddreg [dreg:$0x2];
	[bflag:$0x3] =	sbarrier.arrive $0xFFFF;
	s2 =	simm.s32 @!p0 $0x1C02  }
0x74: {  	[timem:s3], [sflag:s2] =	dma.local @!p0 [hbm:s0], s1  }
0x75: {  	s0 =	simm.s32 @!p0 $0x2  }
0x76: {  	_ =	swait.ge @!p0 [sflag:s0], s1  }
0x77: {  	s1 =	ssub.s32 @!p0 $0x0, s1;
	[sflag:s0] =	ssyncset.done @!p0 $0x0  }
0x78: {  	[sflag:s0] =	ssyncadd.s32 @!p0 s1  }
0x79: {  	[bflag:$0x3] =	sbarrier.arrive $0xFFFF  }
0x7a: {  	_ =	shalt  }

</sc_bundles>
